<compile_context>
chip_gen: v7x
topology: tpu7x:2x2x1
jax: 0.10.2.dev20260603
libtpu: 0.0.44.dev20260713+nightly
codegen_flags: <defaults>
</compile_context>

<pallas_src>
import functools

import jax
import jax.numpy as jnp
from jax import lax
from jax.experimental import pallas as pl
from jax.experimental.pallas import tpu as pltpu
from jax.experimental.pallas import tpu_sc as plsc

_B = 16384
_TB = 2048
_NT = _B // _TB
_NW = 32
_BW = _B // _NW
_EPS = 1e-5

_D_CH, _D_NCH = 32, 16
_C_CH, _C_NCH = 128, 4

_f32 = jnp.float32
_bf16 = jnp.bfloat16


def _pad_cols(arr, cp):
    r, c = arr.shape
    rb = min(r, 2048)
    grid = (r + rb - 1) // rb

    def body(in_ref, out_ref):
        out_ref[:, 0:c] = in_ref[...]
        out_ref[:, c:cp] = jnp.zeros((rb, cp - c), arr.dtype)

    return pl.pallas_call(
        body,
        grid=(grid,),
        in_specs=[pl.BlockSpec((rb, c), lambda i: (i, 0))],
        out_specs=pl.BlockSpec((rb, cp), lambda i: (i, 0)),
        out_shape=jax.ShapeDtypeStruct((r, cp), arr.dtype),
        compiler_params=_SEQ,
    )(arr)


def _transpose_pad(arr_t, cp):
    c, r = arr_t.shape
    rb = 512
    grid = (r + rb - 1) // rb

    def body(in_ref, out_ref):
        out_ref[:, 0:c] = in_ref[...].T
        out_ref[:, c:cp] = jnp.zeros((rb, cp - c), arr_t.dtype)

    return pl.pallas_call(
        body,
        grid=(grid,),
        in_specs=[pl.BlockSpec((c, rb), lambda i: (0, i))],
        out_specs=pl.BlockSpec((rb, cp), lambda i: (i, 0)),
        out_shape=jax.ShapeDtypeStruct((r, cp), arr_t.dtype),
        compiler_params=_SEQ,
    )(arr_t)


def _sc_phase(table, idxv, out, bufs, sems, nch, ch, base):
    handles = [None, None]
    handles[0] = pltpu.async_copy(table.at[idxv.at[0]], bufs[0], sems[0])
    for c in range(nch):
        cur = c % 2
        if c + 1 < nch:
            nxt = (c + 1) % 2
            handles[nxt] = pltpu.async_copy(
                table.at[idxv.at[c + 1]], bufs[nxt], sems[nxt])
        handles[cur].wait()
        pltpu.sync_copy(bufs[cur], out.at[pl.ds(base + c * ch, ch)])


@functools.cache
def _sc_mesh():
    return plsc.VectorSubcoreMesh(core_axis_name="c", subcore_axis_name="s")


def _sc_gather_cs(emb_city, emb_station, city3, station3):
    out_type = (
        jax.ShapeDtypeStruct((_B, 128), _f32),
        jax.ShapeDtypeStruct((_B, 128), _f32),
    )

    @functools.partial(
        pl.kernel,
        mesh=_sc_mesh(),
        out_type=out_type,
        scratch_types=[
            pltpu.VMEM((_C_NCH, _C_CH), jnp.int32),
            pltpu.VMEM((_C_CH, 128), _f32),
            pltpu.VMEM((_C_CH, 128), _f32),
            pltpu.SemaphoreType.DMA,
            pltpu.SemaphoreType.DMA,
        ],
    )
    def k(ec, es, ci, si, oc, osn, idx_c, bufA, bufB, semA, semB):
        wid = lax.axis_index("s") * 2 + lax.axis_index("c")
        base = wid * _BW
        pltpu.sync_copy(ci.at[wid], idx_c)
        _sc_phase(ec, idx_c, oc, (bufA, bufB), (semA, semB), _C_NCH, _C_CH,
                  base)
        pltpu.sync_copy(si.at[wid], idx_c)
        _sc_phase(es, idx_c, osn, (bufA, bufB), (semA, semB), _C_NCH, _C_CH,
                  base)

    return k(emb_city, emb_station, city3, station3)


_NCK = 4
_CB = _B // _NCK
_D_NCH_K = _CB // _NW // _D_CH


def _sc_gather_d(emb_district, district3k):
    @functools.partial(
        pl.kernel,
        mesh=_sc_mesh(),
        out_type=jax.ShapeDtypeStruct((_CB, 1024), _f32),
        scratch_types=[
            pltpu.VMEM((_D_NCH_K, _D_CH), jnp.int32),
            pltpu.VMEM((_D_CH, 1024), _f32),
            pltpu.VMEM((_D_CH, 1024), _f32),
            pltpu.SemaphoreType.DMA,
            pltpu.SemaphoreType.DMA,
        ],
    )
    def k(ed, di, od, idx_d, bufA, bufB, semA, semB):
        wid = lax.axis_index("s") * 2 + lax.axis_index("c")
        base = wid * (_CB // _NW)
        pltpu.sync_copy(di.at[wid], idx_d)
        _sc_phase(ed, idx_d, od, (bufA, bufB), (semA, semB), _D_NCH_K, _D_CH,
                  base)

    return k(emb_district, district3k)


def _row_spec(n, dtype=None):
    del dtype
    return pl.BlockSpec((_TB, n), lambda i: (i, 0))


def _const_spec(shape):
    nd = len(shape)
    return pl.BlockSpec(shape, lambda i, _nd=nd: (0,) * _nd)


_SEQ = pltpu.CompilerParams(dimension_semantics=("arbitrary",))


_TB1 = 1024
_NT1 = _CB // _TB1


def _p1(gd_k, gc, gs, pref3, emb_pref, wd, wc, ws, wp, b1a, a1, kblk, h1prev):
    def body(gd_ref, gc_ref, gs_ref, pref_ref, ep_ref, wd_ref, wc_ref,
             ws_ref, wp_ref, b_ref, a_ref, *rest):
        h_ref, s_ref, ss_ref = rest[-3:]
        i = pl.program_id(0)
        y = jnp.dot(gd_ref[...].astype(_bf16), wd_ref[...],
                    preferred_element_type=_f32)
        y += jnp.dot(gc_ref[...].astype(_bf16), wc_ref[...],
                     preferred_element_type=_f32)
        y += jnp.dot(gs_ref[...].astype(_bf16), ws_ref[...],
                     preferred_element_type=_f32)
        idx = pref_ref[0, :, :]
        oht = (idx == lax.broadcasted_iota(jnp.int32, (48, _TB1), 0)
               ).astype(_bf16)
        ep = lax.dot_general(oht, ep_ref[...], (((0,), (0,)), ((), ())),
                             preferred_element_type=_f32)
        y += jnp.dot(ep.astype(_bf16), wp_ref[...], preferred_element_type=_f32)
        y += b_ref[...]
        a = a_ref[0, 0]
        h = jnp.where(y >= 0, y, a * y)
        h_ref[...] = h.astype(_bf16)

        @pl.when(i == 0)
        def _():
            s_ref[...] = jnp.zeros_like(s_ref)
            ss_ref[...] = jnp.zeros_like(ss_ref)

        s_ref[...] += jnp.sum(h, axis=0)[None, :]
        ss_ref[...] += jnp.sum(h * h, axis=0)[None, :]

    in_specs = [
        pl.BlockSpec((_TB1, 1024), lambda i: (i, 0)),
        pl.BlockSpec((_TB1, 128), lambda i, k=kblk: (i + k * _NT1, 0)),
        pl.BlockSpec((_TB1, 128), lambda i, k=kblk: (i + k * _NT1, 0)),
        pl.BlockSpec((1, 1, _TB1), lambda i, k=kblk: (i + k * _NT1, 0, 0)),
        _const_spec((48, 10)),
        _const_spec((1024, 1000)), _const_spec((128, 1000)),
        _const_spec((128, 1000)), _const_spec((10, 1000)),
        _const_spec((1, 1000)), _const_spec((1, 1)),
    ]
    args = [gd_k, gc, gs, pref3, emb_pref, wd, wc, ws, wp, b1a, a1]
    aliases = {}
    if h1prev is not None:
        in_specs.append(pl.BlockSpec(memory_space=pl.ANY))
        args.append(h1prev)
        aliases = {11: 0}
    return pl.pallas_call(
        body,
        grid=(_NT1,),
        in_specs=in_specs,
        out_specs=[pl.BlockSpec((_TB1, 1000), lambda i, k=kblk: (i + k * _NT1, 0)),
                   _const_spec((1, 1000)), _const_spec((1, 1000))],
        out_shape=[
            jax.ShapeDtypeStruct((_B, 1000), _bf16),
            jax.ShapeDtypeStruct((1, 1000), _f32),
            jax.ShapeDtypeStruct((1, 1000), _f32),
        ],
        input_output_aliases=aliases,
        compiler_params=_SEQ,
    )(*args)


def _bn_coefs(s, ss, g, be):
    m = s * (1.0 / _B)
    v = ss * (1.0 / _B) - m * m
    scale = g * lax.rsqrt(v + _EPS)
    shift = be - m * scale
    return scale, shift


def _p2(h1, s1, ss1, x, g1, be1, w1bt, b1b, a2):
    def body(h_ref, s_ref, ss_ref, x_ref, g_ref, be_ref, w_ref, b_ref, a_ref,
             h2_ref, s2_ref, ss2_ref, m_ref, sv_ref):
        i = pl.program_id(0)
        scale, shift = _bn_coefs(jnp.sum(s_ref[...], axis=0, keepdims=True),
                                 jnp.sum(ss_ref[...], axis=0, keepdims=True),
                                 g_ref[...], be_ref[...])
        z = h_ref[...].astype(_f32) * scale + shift
        y = jnp.dot(z.astype(_bf16), w_ref[...], preferred_element_type=_f32)
        y += b_ref[...]
        a = a_ref[0, 0]
        h2 = jnp.where(y >= 0, y, a * y)
        h2_ref[...] = h2.astype(_bf16)

        @pl.when(i == 0)
        def _():
            s2_ref[...] = jnp.zeros_like(s2_ref)
            ss2_ref[...] = jnp.zeros_like(ss2_ref)
            m_ref[...] = jnp.zeros_like(m_ref)
            sv_ref[...] = jnp.zeros_like(sv_ref)

        s2_ref[...] += jnp.sum(h2, axis=0)[None, :]
        ss2_ref[...] += jnp.sum(h2 * h2, axis=0)[None, :]
        v = jnp.concatenate([x_ref[...], h2], axis=1)
        m_ref[...] += lax.dot_general(v, v, (((0,), (0,)), ((), ())),
                                      preferred_element_type=_f32)
        sv_ref[...] += jnp.sum(v, axis=0)[None, :]

    return pl.pallas_call(
        body,
        grid=(_NT,),
        in_specs=[
            _row_spec(1000),
            _const_spec((_NCK, 1000)), _const_spec((_NCK, 1000)),
            _row_spec(128),
            _const_spec((1, 1000)), _const_spec((1, 1000)),
            _const_spec((1000, 100)), _const_spec((1, 100)),
            _const_spec((1, 1)),
        ],
        out_specs=[_row_spec(100), _const_spec((1, 100)),
                   _const_spec((1, 100)), _const_spec((228, 228)),
                   _const_spec((1, 228))],
        out_shape=[
            jax.ShapeDtypeStruct((_B, 100), _bf16),
            jax.ShapeDtypeStruct((1, 100), _f32),
            jax.ShapeDtypeStruct((1, 100), _f32),
            jax.ShapeDtypeStruct((228, 228), _f32),
            jax.ShapeDtypeStruct((1, 228), _f32),
        ],
        compiler_params=_SEQ,
    )(h1, s1, ss1, x, g1, be1, w1bt, b1b, a2)


def _p34(h2, x, s2, ss2, m2, sv2, g2, be2, w2at_x, w2at_h, w2at_f, b2a,
         g3, be3, w2bt, b2b):
    def body(h_ref, x_ref, s_ref, ss_ref, m_ref, sv_ref, g2_ref, be2_ref,
             wx_ref, wh_ref, wf_ref, ba_ref, g3_ref, be3_ref, wb_ref, bb_ref,
             y4_ref, s4_ref, ss4_ref, sc3_ref, sh3_ref):
        i = pl.program_id(0)
        scale2, shift2 = _bn_coefs(s_ref[...], ss_ref[...],
                                   g2_ref[...], be2_ref[...])

        @pl.when(i == 0)
        def _():
            mu = sv_ref[...] * (1.0 / _B)
            cov = m_ref[...] * (1.0 / _B) - jnp.transpose(mu) * mu
            dvec = jnp.concatenate(
                [jnp.ones((1, 128), _f32), scale2], axis=1)
            covd = cov * dvec * jnp.transpose(dvec)
            wf = wf_ref[...]
            t = jnp.dot(covd, wf, preferred_element_type=_f32)
            v3 = jnp.sum(wf * t, axis=0, keepdims=True)
            mu_u = jnp.concatenate([mu[:, 0:128], be2_ref[...]], axis=1)
            m3 = jnp.dot(mu_u, wf, preferred_element_type=_f32) + ba_ref[...]
            sc3 = g3_ref[...] * lax.rsqrt(v3 + _EPS)
            sc3_ref[...] = sc3
            sh3_ref[...] = be3_ref[...] - m3 * sc3
            s4_ref[...] = jnp.zeros_like(s4_ref)
            ss4_ref[...] = jnp.zeros_like(ss4_ref)

        z = h_ref[...].astype(_f32) * scale2 + shift2
        y3 = jnp.dot(x_ref[...].astype(_bf16), wx_ref[...],
                     preferred_element_type=_f32)
        y3 += jnp.dot(z.astype(_bf16), wh_ref[...], preferred_element_type=_f32)
        y3 += ba_ref[...]
        r = jnp.maximum(y3 * sc3_ref[...] + sh3_ref[...], 0.0)
        y4 = jnp.dot(r.astype(_bf16), wb_ref[...], preferred_element_type=_f32)
        y4 += bb_ref[...]
        y4_ref[...] = y4.astype(_bf16)
        s4_ref[...] += jnp.sum(y4, axis=0)[None, :]
        ss4_ref[...] += jnp.sum(y4 * y4, axis=0)[None, :]

    return pl.pallas_call(
        body,
        grid=(_NT,),
        in_specs=[
            _row_spec(100), _row_spec(128),
            _const_spec((1, 100)), _const_spec((1, 100)),
            _const_spec((228, 228)), _const_spec((1, 228)),
            _const_spec((1, 100)), _const_spec((1, 100)),
            _const_spec((128, 1024)), _const_spec((100, 1024)),
            _const_spec((228, 1024)), _const_spec((1, 1024)),
            _const_spec((1, 1024)), _const_spec((1, 1024)),
            _const_spec((1024, 512)), _const_spec((1, 512)),
        ],
        out_specs=[_row_spec(512), _const_spec((1, 512)),
                   _const_spec((1, 512)), _const_spec((1, 1024)),
                   _const_spec((1, 1024))],
        out_shape=[
            jax.ShapeDtypeStruct((_B, 512), _bf16),
            jax.ShapeDtypeStruct((1, 512), _f32),
            jax.ShapeDtypeStruct((1, 512), _f32),
            jax.ShapeDtypeStruct((1, 1024), _f32),
            jax.ShapeDtypeStruct((1, 1024), _f32),
        ],
        compiler_params=_SEQ,
    )(h2, x, s2, ss2, m2, sv2, g2, be2, w2at_x, w2at_h, w2at_f, b2a,
      g3, be3, w2bt, b2b)


def _p3(h2, x, s2, ss2, g2, be2, w2at_x, w2at_h, b2a):
    def body(h_ref, x_ref, s_ref, ss_ref, g_ref, be_ref, wx_ref, wh_ref,
             b_ref, y3_ref, s3_ref, ss3_ref):
        i = pl.program_id(0)
        scale, shift = _bn_coefs(s_ref[...], ss_ref[...], g_ref[...], be_ref[...])
        z = h_ref[...].astype(_f32) * scale + shift
        y = jnp.dot(x_ref[...].astype(_bf16), wx_ref[...],
                    preferred_element_type=_f32)
        y += jnp.dot(z.astype(_bf16), wh_ref[...], preferred_element_type=_f32)
        y += b_ref[...]
        y3_ref[...] = y.astype(_bf16)

        @pl.when(i == 0)
        def _():
            s3_ref[...] = jnp.zeros_like(s3_ref)
            ss3_ref[...] = jnp.zeros_like(ss3_ref)

        s3_ref[...] += jnp.sum(y, axis=0)[None, :]
        ss3_ref[...] += jnp.sum(y * y, axis=0)[None, :]

    return pl.pallas_call(
        body,
        grid=(_NT,),
        in_specs=[
            _row_spec(100), _row_spec(128),
            _const_spec((1, 100)), _const_spec((1, 100)),
            _const_spec((1, 100)), _const_spec((1, 100)),
            _const_spec((128, 1024)), _const_spec((100, 1024)),
            _const_spec((1, 1024)),
        ],
        out_specs=[_row_spec(1024), _const_spec((1, 1024)),
                   _const_spec((1, 1024))],
        out_shape=[
            jax.ShapeDtypeStruct((_B, 1024), _bf16),
            jax.ShapeDtypeStruct((1, 1024), _f32),
            jax.ShapeDtypeStruct((1, 1024), _f32),
        ],
        compiler_params=_SEQ,
    )(h2, x, s2, ss2, g2, be2, w2at_x, w2at_h, b2a)


def _p4(y3, s3, ss3, g3, be3, w2bt, b2b):
    def body(y3_ref, s_ref, ss_ref, g_ref, be_ref, w_ref, b_ref,
             y4_ref, s4_ref, ss4_ref):
        i = pl.program_id(0)
        scale, shift = _bn_coefs(s_ref[...], ss_ref[...], g_ref[...], be_ref[...])
        r = jnp.maximum(y3_ref[...].astype(_f32) * scale + shift, 0.0)
        y = jnp.dot(r.astype(_bf16), w_ref[...], preferred_element_type=_f32)
        y += b_ref[...]
        y4_ref[...] = y.astype(_bf16)

        @pl.when(i == 0)
        def _():
            s4_ref[...] = jnp.zeros_like(s4_ref)
            ss4_ref[...] = jnp.zeros_like(ss4_ref)

        s4_ref[...] += jnp.sum(y, axis=0)[None, :]
        ss4_ref[...] += jnp.sum(y * y, axis=0)[None, :]

    return pl.pallas_call(
        body,
        grid=(_NT,),
        in_specs=[
            _row_spec(1024),
            _const_spec((1, 1024)), _const_spec((1, 1024)),
            _const_spec((1, 1024)), _const_spec((1, 1024)),
            _const_spec((1024, 512)), _const_spec((1, 512)),
        ],
        out_specs=[_row_spec(512), _const_spec((1, 512)),
                   _const_spec((1, 512))],
        out_shape=[
            jax.ShapeDtypeStruct((_B, 512), _bf16),
            jax.ShapeDtypeStruct((1, 512), _f32),
            jax.ShapeDtypeStruct((1, 512), _f32),
        ],
        compiler_params=_SEQ,
    )(y3, s3, ss3, g3, be3, w2bt, b2b)


def _p5(y4, s4, ss4, g4, be4, w2c, b2c):
    def body(y4_ref, s_ref, ss_ref, g_ref, be_ref, w_ref, b_ref, o_ref):
        scale, shift = _bn_coefs(s_ref[...], ss_ref[...], g_ref[...], be_ref[...])
        r = jnp.maximum(y4_ref[...].astype(_f32) * scale + shift, 0.0)
        o = jnp.sum(r * w_ref[...], axis=1, keepdims=True) + b_ref[0, 0]
        o_ref[...] = o

    return pl.pallas_call(
        body,
        grid=(_NT,),
        in_specs=[
            _row_spec(512),
            _const_spec((1, 512)), _const_spec((1, 512)),
            _const_spec((1, 512)), _const_spec((1, 512)),
            _const_spec((1, 512)), _const_spec((1, 1)),
        ],
        out_specs=[_row_spec(1)],
        out_shape=[jax.ShapeDtypeStruct((_B, 1), _f32)],
        compiler_params=_SEQ,
    )(y4, s4, ss4, g4, be4, w2c, b2c)[0]


def kernel(x, pref, city, district, station,
           emb_pref, emb_city, emb_district, emb_station,
           W1a, b1a, a1, g1, be1,
           W1b, b1b, a2, g2, be2,
           W2a, b2a, g3, be3,
           W2b, b2b, g4, be4,
           W2c, b2c):
    city3 = city.reshape(_NW, _C_NCH, _C_CH)
    station3 = station.reshape(_NW, _C_NCH, _C_CH)
    district4 = district.reshape(_NCK, _NW, _D_NCH_K, _D_CH)

    gc, gs = _sc_gather_cs(_pad_cols(emb_city, 128),
                           _pad_cols(emb_station, 128),
                           city3, station3)
    ed_p = _transpose_pad(emb_district.T, 1024)
    gds = [_sc_gather_d(ed_p, district4[k]) for k in range(_NCK)]

    wp = W1a[:, 0:10].T.astype(_bf16)
    wc = jnp.pad(W1a[:, 10:110].T, ((0, 28), (0, 0))).astype(_bf16)
    wd = jnp.pad(W1a[:, 110:1110].T, ((0, 24), (0, 0))).astype(_bf16)
    ws = jnp.pad(W1a[:, 1110:1210].T, ((0, 28), (0, 0))).astype(_bf16)
    pref3 = pref.reshape(_B // _TB1, 1, _TB1)
    ep16 = emb_pref.astype(_bf16)
    b1a2 = b1a.reshape(1, 1000)
    a12 = a1.reshape(1, 1)

    h1 = None
    sparts, ssparts = [], []
    for k in range(_NCK):
        h1, sk, ssk = _p1(gds[k], gc, gs, pref3, ep16, wd, wc, ws, wp,
                          b1a2, a12, k, h1)
        sparts.append(sk)
        ssparts.append(ssk)
    s1 = jnp.concatenate(sparts, axis=0)
    ss1 = jnp.concatenate(ssparts, axis=0)

    h2, s2, ss2, m2, sv2 = _p2(h1, s1, ss1, x, g1.reshape(1, 1000),
                               be1.reshape(1, 1000), W1b.T.astype(_bf16),
                               b1b.reshape(1, 100), a2.reshape(1, 1))

    w2at_f = W2a.T
    w2at = w2at_f.astype(_bf16)
    y4, s4, ss4, _, _ = _p34(h2, x, s2, ss2, m2, sv2, g2.reshape(1, 100),
                             be2.reshape(1, 100), w2at[0:128], w2at[128:228],
                             w2at_f, b2a.reshape(1, 1024),
                             g3.reshape(1, 1024), be3.reshape(1, 1024),
                             W2b.T.astype(_bf16), b2b.reshape(1, 512))

    return _p5(y4, s4, ss4, g4.reshape(1, 512), be4.reshape(1, 512),
               W2c.reshape(1, 512), b2c.reshape(1, 1))

# --- scband reference (transcript-rebuilt; emitter-appended) ---
"""Pipeline reference for scband-mlpmodel-29661044146361 (READ-ONLY COPY).

The authoritative reference and input builder live on the scoring server;
editing this copy changes nothing except your own understanding.
"""

import jax, jax.numpy as jnp
import numpy as np

B = 16384
INPUT_DIM = 128


def _prelu(x, a):
    return jnp.where(x >= 0, x, a * x)


def _bn(x, g, b, eps=1e-5):
    m = x.mean(axis=0)
    v = x.var(axis=0)
    return g * (x - m) / jnp.sqrt(v + eps) + b


def setup_inputs(seed: int = 0) -> dict:
    key = jax.random.key(seed)
    ks = jax.random.split(key, 32)
    d = {}
    d['x'] = jax.random.normal(ks[0], (B, INPUT_DIM), dtype=jnp.float32)
    d['pref'] = jax.random.randint(ks[1], (B,), 0, 48, dtype=jnp.int32)
    d['city'] = jax.random.randint(ks[2], (B,), 0, 619, dtype=jnp.int32)
    d['district'] = jax.random.randint(ks[3], (B,), 0, 15419, dtype=jnp.int32)
    d['station'] = jax.random.randint(ks[4], (B,), 0, 3833, dtype=jnp.int32)
    d['emb_pref'] = jax.random.normal(ks[5], (48, 10), dtype=jnp.float32)
    d['emb_city'] = jax.random.normal(ks[6], (619, 100), dtype=jnp.float32)
    d['emb_district'] = jax.random.normal(ks[7], (15419, 1000), dtype=jnp.float32)
    d['emb_station'] = jax.random.normal(ks[8], (3833, 100), dtype=jnp.float32)
    d['W1a'] = jax.random.normal(ks[9], (1000, 1210), dtype=jnp.float32) * 0.02
    d['b1a'] = jnp.zeros((1000,), dtype=jnp.float32)
    d['a1'] = jnp.array(0.25, dtype=jnp.float32)
    d['g1'] = jnp.ones((1000,), dtype=jnp.float32)
    d['be1'] = jnp.zeros((1000,), dtype=jnp.float32)
    d['W1b'] = jax.random.normal(ks[10], (100, 1000), dtype=jnp.float32) * 0.02
    d['b1b'] = jnp.zeros((100,), dtype=jnp.float32)
    d['a2'] = jnp.array(0.25, dtype=jnp.float32)
    d['g2'] = jnp.ones((100,), dtype=jnp.float32)
    d['be2'] = jnp.zeros((100,), dtype=jnp.float32)
    d['W2a'] = jax.random.normal(ks[11], (1024, INPUT_DIM + 100), dtype=jnp.float32) * 0.02
    d['b2a'] = jnp.zeros((1024,), dtype=jnp.float32)
    d['g3'] = jnp.ones((1024,), dtype=jnp.float32)
    d['be3'] = jnp.zeros((1024,), dtype=jnp.float32)
    d['W2b'] = jax.random.normal(ks[12], (512, 1024), dtype=jnp.float32) * 0.02
    d['b2b'] = jnp.zeros((512,), dtype=jnp.float32)
    d['g4'] = jnp.ones((512,), dtype=jnp.float32)
    d['be4'] = jnp.zeros((512,), dtype=jnp.float32)
    d['W2c'] = jax.random.normal(ks[13], (1, 512), dtype=jnp.float32) * 0.02
    d['b2c'] = jnp.zeros((1,), dtype=jnp.float32)
    return d


def reference(x, pref, city, district, station,
              emb_pref, emb_city, emb_district, emb_station,
              W1a, b1a, a1, g1, be1,
              W1b, b1b, a2, g2, be2,
              W2a, b2a, g3, be3,
              W2b, b2b, g4, be4,
              W2c, b2c):
    y1 = jnp.take(emb_pref, pref, axis=0)
    y2 = jnp.take(emb_city, city, axis=0)
    y3 = jnp.take(emb_district, district, axis=0)
    y4 = jnp.take(emb_station, station, axis=0)
    y = jnp.concatenate((y1, y2, y3, y4), axis=1)
    y = y @ W1a.T + b1a
    y = _prelu(y, a1)
    y = _bn(y, g1, be1)
    y = y @ W1b.T + b1b
    y = _prelu(y, a2)
    y = _bn(y, g2, be2)
    y = jnp.concatenate((x, y), axis=1)
    y = y @ W2a.T + b2a
    y = _bn(y, g3, be3)
    y = jax.nn.relu(y)
    y = y @ W2b.T + b2b
    y = _bn(y, g4, be4)
    y = jax.nn.relu(y)
    y = y @ W2c.T + b2c
    return y

if __name__ == "__main__":
    import jax
    _d = setup_inputs()
    print(jax.jit(kernel)(*tuple(_d.values())))

</pallas_src>

<mosaic_0001>
#map = affine_map<(d0, d1) -> (0, 0)>
#map1 = affine_map<(d0, d1) -> (0, 0, 0)>
module attributes {stable_mosaic.version = 14 : i64} {
  func.func @k(%arg0: i32, %arg1: i32, %arg2: memref<15419x1024xf32, #tpu.memory_space<hbm>>, %arg3: memref<32x4x32xi32, #tpu.memory_space<hbm>>, %arg4: memref<4096x1024xf32, #tpu.memory_space<hbm>>, %arg5: memref<4x32xi32, #tpu.memory_space<vmem>>, %arg6: memref<32x1024xf32, #tpu.memory_space<vmem>>, %arg7: memref<32x1024xf32, #tpu.memory_space<vmem>>, %arg8: memref<!tpu.dma_semaphore, #tpu.memory_space<semaphore_mem>>, %arg9: memref<!tpu.dma_semaphore, #tpu.memory_space<semaphore_mem>>) attributes {dimension_semantics = [#tpu.dimension_semantics<core_parallel>, #tpu.dimension_semantics<subcore_parallel>], iteration_bounds = array<i64: 2, 16>, scalar_prefetch = 0 : i64, scratch_operands = 5 : i64, tpu.core_type = #tpu.core_type<sc_vector_subcore>, window_params = [{transform_indices = #map}, {transform_indices = #map1}, {transform_indices = #map}]} {
    %mul3A = arith.constant 2 : i32
    %mul3A_0 = arith.muli %arg1, %mul3A : i32
    %add3A = arith.addi %mul3A_0, %arg0 : i32
    %mul3A_1 = arith.constant 128 : i32
    %mul3A_2 = arith.muli %add3A, %mul3A_1 : i32
    "tpu.region"() ({
      %run_scoped3A = tpu.sem_alloc : memref<!tpu.dma_semaphore, #tpu.memory_space<semaphore_mem>>
      %dma_start3A_65 = arith.constant 0 : i32
      %dma_start3A_66 = arith.constant 0 : i32
      %dma_start3A_67 = tpu.memref_slice %arg3[%add3A, %dma_start3A_65, %dma_start3A_66] : memref<32x4x32xi32, #tpu.memory_space<hbm>> -> memref<1x4x32xi32, #tpu.memory_space<hbm>>
      %dma_start3A_68 = tpu.memref_squeeze %dma_start3A_67 : memref<1x4x32xi32, #tpu.memory_space<hbm>> -> memref<4x32xi32, #tpu.memory_space<hbm>>
      %dma_start3A_69 = arith.constant 0 : i32
      %dma_start3A_70 = arith.constant 0 : i32
      %dma_start3A_71 = tpu.memref_slice %arg3[%add3A, %dma_start3A_69, %dma_start3A_70] : memref<32x4x32xi32, #tpu.memory_space<hbm>> -> memref<1x4x32xi32, #tpu.memory_space<hbm>>
      %dma_start3A_72 = tpu.memref_squeeze %dma_start3A_71 : memref<1x4x32xi32, #tpu.memory_space<hbm>> -> memref<4x32xi32, #tpu.memory_space<hbm>>
      tpu.enqueue_dma source(%dma_start3A_72 : memref<4x32xi32, #tpu.memory_space<hbm>>) target(%arg5 : memref<4x32xi32, #tpu.memory_space<vmem>>) target_semaphore(%run_scoped3A : memref<!tpu.dma_semaphore, #tpu.memory_space<semaphore_mem>>)
      %dma_wait3A_73 = arith.constant 0 : i32
      %dma_wait3A_74 = arith.constant 0 : i32
      %dma_wait3A_75 = tpu.memref_slice %arg3[%add3A, %dma_wait3A_73, %dma_wait3A_74] : memref<32x4x32xi32, #tpu.memory_space<hbm>> -> memref<1x4x32xi32, #tpu.memory_space<hbm>>
      %dma_wait3A_76 = tpu.memref_squeeze %dma_wait3A_75 : memref<1x4x32xi32, #tpu.memory_space<hbm>> -> memref<4x32xi32, #tpu.memory_space<hbm>>
      %dma_wait3A_77 = arith.constant 0 : i32
      %dma_wait3A_78 = arith.constant 0 : i32
      %dma_wait3A_79 = tpu.memref_slice %arg3[%add3A, %dma_wait3A_77, %dma_wait3A_78] : memref<32x4x32xi32, #tpu.memory_space<hbm>> -> memref<1x4x32xi32, #tpu.memory_space<hbm>>
      %dma_wait3A_80 = tpu.memref_squeeze %dma_wait3A_79 : memref<1x4x32xi32, #tpu.memory_space<hbm>> -> memref<4x32xi32, #tpu.memory_space<hbm>>
      tpu.wait_dma2 semaphore(%run_scoped3A : memref<!tpu.dma_semaphore, #tpu.memory_space<semaphore_mem>>) src(%dma_wait3A_80 : memref<4x32xi32, #tpu.memory_space<hbm>>) dst(%arg5 : memref<4x32xi32, #tpu.memory_space<vmem>>)
      tpu.yield
    }) : () -> ()
    %dma_start3A = arith.constant 0 : i32
    %dma_start3A_3 = arith.constant 0 : i32
    %dma_start3A_4 = tpu.memref_slice %arg5[%dma_start3A, %dma_start3A_3] : memref<4x32xi32, #tpu.memory_space<vmem>> -> memref<1x32xi32, #tpu.memory_space<vmem>>
    %dma_start3A_5 = tpu.memref_squeeze %dma_start3A_4 : memref<1x32xi32, #tpu.memory_space<vmem>> -> memref<32xi32, #tpu.memory_space<vmem>>
    %dma_start3A_6 = arith.constant 0 : i32
    %dma_start3A_7 = arith.constant 0 : i32
    %dma_start3A_8 = tpu.memref_slice %arg2[%dma_start3A_6, %dma_start3A_7] : memref<15419x1024xf32, #tpu.memory_space<hbm>> -> memref<15419x1024xf32, #tpu.memory_space<hbm>>
    tpu.enqueue_indirect_dma source(%dma_start3A_8 : memref<15419x1024xf32, #tpu.memory_space<hbm>>) target(%arg6 : memref<32x1024xf32, #tpu.memory_space<vmem>>) offsets(%dma_start3A_5 : memref<32xi32, #tpu.memory_space<vmem>>) semaphore(%arg8 : memref<!tpu.dma_semaphore, #tpu.memory_space<semaphore_mem>>)
    %dma_start3A_9 = arith.constant 1 : i32
    %dma_start3A_10 = arith.constant 0 : i32
    %dma_start3A_11 = tpu.memref_slice %arg5[%dma_start3A_9, %dma_start3A_10] : memref<4x32xi32, #tpu.memory_space<vmem>> -> memref<1x32xi32, #tpu.memory_space<vmem>>
    %dma_start3A_12 = tpu.memref_squeeze %dma_start3A_11 : memref<1x32xi32, #tpu.memory_space<vmem>> -> memref<32xi32, #tpu.memory_space<vmem>>
    %dma_start3A_13 = arith.constant 0 : i32
    %dma_start3A_14 = arith.constant 0 : i32
    %dma_start3A_15 = tpu.memref_slice %arg2[%dma_start3A_13, %dma_start3A_14] : memref<15419x1024xf32, #tpu.memory_space<hbm>> -> memref<15419x1024xf32, #tpu.memory_space<hbm>>
    tpu.enqueue_indirect_dma source(%dma_start3A_15 : memref<15419x1024xf32, #tpu.memory_space<hbm>>) target(%arg7 : memref<32x1024xf32, #tpu.memory_space<vmem>>) offsets(%dma_start3A_12 : memref<32xi32, #tpu.memory_space<vmem>>) semaphore(%arg9 : memref<!tpu.dma_semaphore, #tpu.memory_space<semaphore_mem>>)
    %dma_wait3A = arith.constant 0 : i32
    %dma_wait3A_16 = arith.constant 0 : i32
    %dma_wait3A_17 = tpu.memref_slice %arg5[%dma_wait3A, %dma_wait3A_16] : memref<4x32xi32, #tpu.memory_space<vmem>> -> memref<1x32xi32, #tpu.memory_space<vmem>>
    %dma_wait3A_18 = tpu.memref_squeeze %dma_wait3A_17 : memref<1x32xi32, #tpu.memory_space<vmem>> -> memref<32xi32, #tpu.memory_space<vmem>>
    %dma_wait3A_19 = arith.constant 0 : i32
    %dma_wait3A_20 = arith.constant 0 : i32
    %dma_wait3A_21 = tpu.memref_slice %arg2[%dma_wait3A_19, %dma_wait3A_20] : memref<15419x1024xf32, #tpu.memory_space<hbm>> -> memref<15419x1024xf32, #tpu.memory_space<hbm>>
    tpu.wait_indirect_dma semaphore(%arg8 : memref<!tpu.dma_semaphore, #tpu.memory_space<semaphore_mem>>) src(%dma_wait3A_21 : memref<15419x1024xf32, #tpu.memory_space<hbm>>) dst(%arg6 : memref<32x1024xf32, #tpu.memory_space<vmem>>)
    %add3A_22 = arith.constant 0 : i32
    %add3A_23 = arith.addi %mul3A_2, %add3A_22 : i32
    "tpu.region"() ({
      %run_scoped3A = tpu.sem_alloc : memref<!tpu.dma_semaphore, #tpu.memory_space<semaphore_mem>>
      %dma_start3A_65 = arith.constant 0 : i32
      %dma_start3A_66 = tpu.memref_slice %arg4[%add3A_23, %dma_start3A_65] : memref<4096x1024xf32, #tpu.memory_space<hbm>> -> memref<32x1024xf32, #tpu.memory_space<hbm>>
      %dma_start3A_67 = arith.constant 0 : i32
      %dma_start3A_68 = tpu.memref_slice %arg4[%add3A_23, %dma_start3A_67] : memref<4096x1024xf32, #tpu.memory_space<hbm>> -> memref<32x1024xf32, #tpu.memory_space<hbm>>
      tpu.enqueue_dma source(%arg6 : memref<32x1024xf32, #tpu.memory_space<vmem>>) target(%dma_start3A_68 : memref<32x1024xf32, #tpu.memory_space<hbm>>) target_semaphore(%run_scoped3A : memref<!tpu.dma_semaphore, #tpu.memory_space<semaphore_mem>>)
      %dma_wait3A_69 = arith.constant 0 : i32
      %dma_wait3A_70 = tpu.memref_slice %arg4[%add3A_23, %dma_wait3A_69] : memref<4096x1024xf32, #tpu.memory_space<hbm>> -> memref<32x1024xf32, #tpu.memory_space<hbm>>
      %dma_wait3A_71 = arith.constant 0 : i32
      %dma_wait3A_72 = tpu.memref_slice %arg4[%add3A_23, %dma_wait3A_71] : memref<4096x1024xf32, #tpu.memory_space<hbm>> -> memref<32x1024xf32, #tpu.memory_space<hbm>>
      tpu.wait_dma2 semaphore(%run_scoped3A : memref<!tpu.dma_semaphore, #tpu.memory_space<semaphore_mem>>) src(%arg6 : memref<32x1024xf32, #tpu.memory_space<vmem>>) dst(%dma_wait3A_72 : memref<32x1024xf32, #tpu.memory_space<hbm>>)
      tpu.yield
    }) : () -> ()
    %dma_start3A_24 = arith.constant 2 : i32
    %dma_start3A_25 = arith.constant 0 : i32
    %dma_start3A_26 = tpu.memref_slice %arg5[%dma_start3A_24, %dma_start3A_25] : memref<4x32xi32, #tpu.memory_space<vmem>> -> memref<1x32xi32, #tpu.memory_space<vmem>>
    %dma_start3A_27 = tpu.memref_squeeze %dma_start3A_26 : memref<1x32xi32, #tpu.memory_space<vmem>> -> memref<32xi32, #tpu.memory_space<vmem>>
    %dma_start3A_28 = arith.constant 0 : i32
    %dma_start3A_29 = arith.constant 0 : i32
    %dma_start3A_30 = tpu.memref_slice %arg2[%dma_start3A_28, %dma_start3A_29] : memref<15419x1024xf32, #tpu.memory_space<hbm>> -> memref<15419x1024xf32, #tpu.memory_space<hbm>>
    tpu.enqueue_indirect_dma source(%dma_start3A_30 : memref<15419x1024xf32, #tpu.memory_space<hbm>>) target(%arg6 : memref<32x1024xf32, #tpu.memory_space<vmem>>) offsets(%dma_start3A_27 : memref<32xi32, #tpu.memory_space<vmem>>) semaphore(%arg8 : memref<!tpu.dma_semaphore, #tpu.memory_space<semaphore_mem>>)
    %dma_wait3A_31 = arith.constant 1 : i32
    %dma_wait3A_32 = arith.constant 0 : i32
    %dma_wait3A_33 = tpu.memref_slice %arg5[%dma_wait3A_31, %dma_wait3A_32] : memref<4x32xi32, #tpu.memory_space<vmem>> -> memref<1x32xi32, #tpu.memory_space<vmem>>
    %dma_wait3A_34 = tpu.memref_squeeze %dma_wait3A_33 : memref<1x32xi32, #tpu.memory_space<vmem>> -> memref<32xi32, #tpu.memory_space<vmem>>
    %dma_wait3A_35 = arith.constant 0 : i32
    %dma_wait3A_36 = arith.constant 0 : i32
    %dma_wait3A_37 = tpu.memref_slice %arg2[%dma_wait3A_35, %dma_wait3A_36] : memref<15419x1024xf32, #tpu.memory_space<hbm>> -> memref<15419x1024xf32, #tpu.memory_space<hbm>>
    tpu.wait_indirect_dma semaphore(%arg9 : memref<!tpu.dma_semaphore, #tpu.memory_space<semaphore_mem>>) src(%dma_wait3A_37 : memref<15419x1024xf32, #tpu.memory_space<hbm>>) dst(%arg7 : memref<32x1024xf32, #tpu.memory_space<vmem>>)
    %add3A_38 = arith.constant 32 : i32
    %add3A_39 = arith.addi %mul3A_2, %add3A_38 : i32
    "tpu.region"() ({
      %run_scoped3A = tpu.sem_alloc : memref<!tpu.dma_semaphore, #tpu.memory_space<semaphore_mem>>
      %dma_start3A_65 = arith.constant 0 : i32
      %dma_start3A_66 = tpu.memref_slice %arg4[%add3A_39, %dma_start3A_65] : memref<4096x1024xf32, #tpu.memory_space<hbm>> -> memref<32x1024xf32, #tpu.memory_space<hbm>>
      %dma_start3A_67 = arith.constant 0 : i32
      %dma_start3A_68 = tpu.memref_slice %arg4[%add3A_39, %dma_start3A_67] : memref<4096x1024xf32, #tpu.memory_space<hbm>> -> memref<32x1024xf32, #tpu.memory_space<hbm>>
      tpu.enqueue_dma source(%arg7 : memref<32x1024xf32, #tpu.memory_space<vmem>>) target(%dma_start3A_68 : memref<32x1024xf32, #tpu.memory_space<hbm>>) target_semaphore(%run_scoped3A : memref<!tpu.dma_semaphore, #tpu.memory_space<semaphore_mem>>)
      %dma_wait3A_69 = arith.constant 0 : i32
      %dma_wait3A_70 = tpu.memref_slice %arg4[%add3A_39, %dma_wait3A_69] : memref<4096x1024xf32, #tpu.memory_space<hbm>> -> memref<32x1024xf32, #tpu.memory_space<hbm>>
      %dma_wait3A_71 = arith.constant 0 : i32
      %dma_wait3A_72 = tpu.memref_slice %arg4[%add3A_39, %dma_wait3A_71] : memref<4096x1024xf32, #tpu.memory_space<hbm>> -> memref<32x1024xf32, #tpu.memory_space<hbm>>
      tpu.wait_dma2 semaphore(%run_scoped3A : memref<!tpu.dma_semaphore, #tpu.memory_space<semaphore_mem>>) src(%arg7 : memref<32x1024xf32, #tpu.memory_space<vmem>>) dst(%dma_wait3A_72 : memref<32x1024xf32, #tpu.memory_space<hbm>>)
      tpu.yield
    }) : () -> ()
    %dma_start3A_40 = arith.constant 3 : i32
    %dma_start3A_41 = arith.constant 0 : i32
    %dma_start3A_42 = tpu.memref_slice %arg5[%dma_start3A_40, %dma_start3A_41] : memref<4x32xi32, #tpu.memory_space<vmem>> -> memref<1x32xi32, #tpu.memory_space<vmem>>
    %dma_start3A_43 = tpu.memref_squeeze %dma_start3A_42 : memref<1x32xi32, #tpu.memory_space<vmem>> -> memref<32xi32, #tpu.memory_space<vmem>>
    %dma_start3A_44 = arith.constant 0 : i32
    %dma_start3A_45 = arith.constant 0 : i32
    %dma_start3A_46 = tpu.memref_slice %arg2[%dma_start3A_44, %dma_start3A_45] : memref<15419x1024xf32, #tpu.memory_space<hbm>> -> memref<15419x1024xf32, #tpu.memory_space<hbm>>
    tpu.enqueue_indirect_dma source(%dma_start3A_46 : memref<15419x1024xf32, #tpu.memory_space<hbm>>) target(%arg7 : memref<32x1024xf32, #tpu.memory_space<vmem>>) offsets(%dma_start3A_43 : memref<32xi32, #tpu.memory_space<vmem>>) semaphore(%arg9 : memref<!tpu.dma_semaphore, #tpu.memory_space<semaphore_mem>>)
    %dma_wait3A_47 = arith.constant 2 : i32
    %dma_wait3A_48 = arith.constant 0 : i32
    %dma_wait3A_49 = tpu.memref_slice %arg5[%dma_wait3A_47, %dma_wait3A_48] : memref<4x32xi32, #tpu.memory_space<vmem>> -> memref<1x32xi32, #tpu.memory_space<vmem>>
    %dma_wait3A_50 = tpu.memref_squeeze %dma_wait3A_49 : memref<1x32xi32, #tpu.memory_space<vmem>> -> memref<32xi32, #tpu.memory_space<vmem>>
    %dma_wait3A_51 = arith.constant 0 : i32
    %dma_wait3A_52 = arith.constant 0 : i32
    %dma_wait3A_53 = tpu.memref_slice %arg2[%dma_wait3A_51, %dma_wait3A_52] : memref<15419x1024xf32, #tpu.memory_space<hbm>> -> memref<15419x1024xf32, #tpu.memory_space<hbm>>
    tpu.wait_indirect_dma semaphore(%arg8 : memref<!tpu.dma_semaphore, #tpu.memory_space<semaphore_mem>>) src(%dma_wait3A_53 : memref<15419x1024xf32, #tpu.memory_space<hbm>>) dst(%arg6 : memref<32x1024xf32, #tpu.memory_space<vmem>>)
    %add3A_54 = arith.constant 64 : i32
    %add3A_55 = arith.addi %mul3A_2, %add3A_54 : i32
    "tpu.region"() ({
      %run_scoped3A = tpu.sem_alloc : memref<!tpu.dma_semaphore, #tpu.memory_space<semaphore_mem>>
      %dma_start3A_65 = arith.constant 0 : i32
      %dma_start3A_66 = tpu.memref_slice %arg4[%add3A_55, %dma_start3A_65] : memref<4096x1024xf32, #tpu.memory_space<hbm>> -> memref<32x1024xf32, #tpu.memory_space<hbm>>
      %dma_start3A_67 = arith.constant 0 : i32
      %dma_start3A_68 = tpu.memref_slice %arg4[%add3A_55, %dma_start3A_67] : memref<4096x1024xf32, #tpu.memory_space<hbm>> -> memref<32x1024xf32, #tpu.memory_space<hbm>>
      tpu.enqueue_dma source(%arg6 : memref<32x1024xf32, #tpu.memory_space<vmem>>) target(%dma_start3A_68 : memref<32x1024xf32, #tpu.memory_space<hbm>>) target_semaphore(%run_scoped3A : memref<!tpu.dma_semaphore, #tpu.memory_space<semaphore_mem>>)
      %dma_wait3A_69 = arith.constant 0 : i32
      %dma_wait3A_70 = tpu.memref_slice %arg4[%add3A_55, %dma_wait3A_69] : memref<4096x1024xf32, #tpu.memory_space<hbm>> -> memref<32x1024xf32, #tpu.memory_space<hbm>>
      %dma_wait3A_71 = arith.constant 0 : i32
      %dma_wait3A_72 = tpu.memref_slice %arg4[%add3A_55, %dma_wait3A_71] : memref<4096x1024xf32, #tpu.memory_space<hbm>> -> memref<32x1024xf32, #tpu.memory_space<hbm>>
      tpu.wait_dma2 semaphore(%run_scoped3A : memref<!tpu.dma_semaphore, #tpu.memory_space<semaphore_mem>>) src(%arg6 : memref<32x1024xf32, #tpu.memory_space<vmem>>) dst(%dma_wait3A_72 : memref<32x1024xf32, #tpu.memory_space<hbm>>)
      tpu.yield
    }) : () -> ()
    %dma_wait3A_56 = arith.constant 3 : i32
    %dma_wait3A_57 = arith.constant 0 : i32
    %dma_wait3A_58 = tpu.memref_slice %arg5[%dma_wait3A_56, %dma_wait3A_57] : memref<4x32xi32, #tpu.memory_space<vmem>> -> memref<1x32xi32, #tpu.memory_space<vmem>>
    %dma_wait3A_59 = tpu.memref_squeeze %dma_wait3A_58 : memref<1x32xi32, #tpu.memory_space<vmem>> -> memref<32xi32, #tpu.memory_space<vmem>>
    %dma_wait3A_60 = arith.constant 0 : i32
    %dma_wait3A_61 = arith.constant 0 : i32
    %dma_wait3A_62 = tpu.memref_slice %arg2[%dma_wait3A_60, %dma_wait3A_61] : memref<15419x1024xf32, #tpu.memory_space<hbm>> -> memref<15419x1024xf32, #tpu.memory_space<hbm>>
    tpu.wait_indirect_dma semaphore(%arg9 : memref<!tpu.dma_semaphore, #tpu.memory_space<semaphore_mem>>) src(%dma_wait3A_62 : memref<15419x1024xf32, #tpu.memory_space<hbm>>) dst(%arg7 : memref<32x1024xf32, #tpu.memory_space<vmem>>)
    %add3A_63 = arith.constant 96 : i32
    %add3A_64 = arith.addi %mul3A_2, %add3A_63 : i32
    "tpu.region"() ({
      %run_scoped3A = tpu.sem_alloc : memref<!tpu.dma_semaphore, #tpu.memory_space<semaphore_mem>>
      %dma_start3A_65 = arith.constant 0 : i32
      %dma_start3A_66 = tpu.memref_slice %arg4[%add3A_64, %dma_start3A_65] : memref<4096x1024xf32, #tpu.memory_space<hbm>> -> memref<32x1024xf32, #tpu.memory_space<hbm>>
      %dma_start3A_67 = arith.constant 0 : i32
      %dma_start3A_68 = tpu.memref_slice %arg4[%add3A_64, %dma_start3A_67] : memref<4096x1024xf32, #tpu.memory_space<hbm>> -> memref<32x1024xf32, #tpu.memory_space<hbm>>
      tpu.enqueue_dma source(%arg7 : memref<32x1024xf32, #tpu.memory_space<vmem>>) target(%dma_start3A_68 : memref<32x1024xf32, #tpu.memory_space<hbm>>) target_semaphore(%run_scoped3A : memref<!tpu.dma_semaphore, #tpu.memory_space<semaphore_mem>>)
      %dma_wait3A_69 = arith.constant 0 : i32
      %dma_wait3A_70 = tpu.memref_slice %arg4[%add3A_64, %dma_wait3A_69] : memref<4096x1024xf32, #tpu.memory_space<hbm>> -> memref<32x1024xf32, #tpu.memory_space<hbm>>
      %dma_wait3A_71 = arith.constant 0 : i32
      %dma_wait3A_72 = tpu.memref_slice %arg4[%add3A_64, %dma_wait3A_71] : memref<4096x1024xf32, #tpu.memory_space<hbm>> -> memref<32x1024xf32, #tpu.memory_space<hbm>>
      tpu.wait_dma2 semaphore(%run_scoped3A : memref<!tpu.dma_semaphore, #tpu.memory_space<semaphore_mem>>) src(%arg7 : memref<32x1024xf32, #tpu.memory_space<vmem>>) dst(%dma_wait3A_72 : memref<32x1024xf32, #tpu.memory_space<hbm>>)
      tpu.yield
    }) : () -> ()
    return
  }
}

#map = affine_map<(d0, d1) -> (0, 0)>
#map1 = affine_map<(d0, d1) -> (0, 0, 0)>
module attributes {stable_mosaic.version = 14 : i64} {
  func.func @k(%arg0: i32, %arg1: i32, %arg2: memref<15419x1024xf32, #tpu.memory_space<hbm>>, %arg3: memref<32x4x32xi32, #tpu.memory_space<hbm>>, %arg4: memref<4096x1024xf32, #tpu.memory_space<hbm>>, %arg5: memref<4x32xi32, #tpu.memory_space<vmem>>, %arg6: memref<32x1024xf32, #tpu.memory_space<vmem>>, %arg7: memref<32x1024xf32, #tpu.memory_space<vmem>>, %arg8: memref<!tpu.dma_semaphore, #tpu.memory_space<semaphore_mem>>, %arg9: memref<!tpu.dma_semaphore, #tpu.memory_space<semaphore_mem>>) attributes {dimension_semantics = [#tpu.dimension_semantics<core_parallel>, #tpu.dimension_semantics<subcore_parallel>], iteration_bounds = array<i64: 2, 16>, scalar_prefetch = 0 : i64, scratch_operands = 5 : i64, tpu.core_type = #tpu.core_type<sc_vector_subcore>, window_params = [{transform_indices = #map}, {transform_indices = #map1}, {transform_indices = #map}]} {
    %mul3A = arith.constant 2 : i32
    %mul3A_0 = arith.muli %arg1, %mul3A : i32
    %add3A = arith.addi %mul3A_0, %arg0 : i32
    %mul3A_1 = arith.constant 128 : i32
    %mul3A_2 = arith.muli %add3A, %mul3A_1 : i32
    "tpu.region"() ({
      %run_scoped3A = tpu.sem_alloc : memref<!tpu.dma_semaphore, #tpu.memory_space<semaphore_mem>>
      %dma_start3A_65 = arith.constant 0 : i32
      %dma_start3A_66 = arith.constant 0 : i32
      %dma_start3A_67 = tpu.memref_slice %arg3[%add3A, %dma_start3A_65, %dma_start3A_66] : memref<32x4x32xi32, #tpu.memory_space<hbm>> -> memref<1x4x32xi32, #tpu.memory_space<hbm>>
      %dma_start3A_68 = tpu.memref_squeeze %dma_start3A_67 : memref<1x4x32xi32, #tpu.memory_space<hbm>> -> memref<4x32xi32, #tpu.memory_space<hbm>>
      %dma_start3A_69 = arith.constant 0 : i32
      %dma_start3A_70 = arith.constant 0 : i32
      %dma_start3A_71 = tpu.memref_slice %arg3[%add3A, %dma_start3A_69, %dma_start3A_70] : memref<32x4x32xi32, #tpu.memory_space<hbm>> -> memref<1x4x32xi32, #tpu.memory_space<hbm>>
      %dma_start3A_72 = tpu.memref_squeeze %dma_start3A_71 : memref<1x4x32xi32, #tpu.memory_space<hbm>> -> memref<4x32xi32, #tpu.memory_space<hbm>>
      tpu.enqueue_dma source(%dma_start3A_72 : memref<4x32xi32, #tpu.memory_space<hbm>>) target(%arg5 : memref<4x32xi32, #tpu.memory_space<vmem>>) target_semaphore(%run_scoped3A : memref<!tpu.dma_semaphore, #tpu.memory_space<semaphore_mem>>)
      %dma_wait3A_73 = arith.constant 0 : i32
      %dma_wait3A_74 = arith.constant 0 : i32
      %dma_wait3A_75 = tpu.memref_slice %arg3[%add3A, %dma_wait3A_73, %dma_wait3A_74] : memref<32x4x32xi32, #tpu.memory_space<hbm>> -> memref<1x4x32xi32, #tpu.memory_space<hbm>>
      %dma_wait3A_76 = tpu.memref_squeeze %dma_wait3A_75 : memref<1x4x32xi32, #tpu.memory_space<hbm>> -> memref<4x32xi32, #tpu.memory_space<hbm>>
      %dma_wait3A_77 = arith.constant 0 : i32
      %dma_wait3A_78 = arith.constant 0 : i32
      %dma_wait3A_79 = tpu.memref_slice %arg3[%add3A, %dma_wait3A_77, %dma_wait3A_78] : memref<32x4x32xi32, #tpu.memory_space<hbm>> -> memref<1x4x32xi32, #tpu.memory_space<hbm>>
      %dma_wait3A_80 = tpu.memref_squeeze %dma_wait3A_79 : memref<1x4x32xi32, #tpu.memory_space<hbm>> -> memref<4x32xi32, #tpu.memory_space<hbm>>
      tpu.wait_dma2 semaphore(%run_scoped3A : memref<!tpu.dma_semaphore, #tpu.memory_space<semaphore_mem>>) src(%dma_wait3A_80 : memref<4x32xi32, #tpu.memory_space<hbm>>) dst(%arg5 : memref<4x32xi32, #tpu.memory_space<vmem>>)
      tpu.yield
    }) : () -> ()
    %dma_start3A = arith.constant 0 : i32
    %dma_start3A_3 = arith.constant 0 : i32
    %dma_start3A_4 = tpu.memref_slice %arg5[%dma_start3A, %dma_start3A_3] : memref<4x32xi32, #tpu.memory_space<vmem>> -> memref<1x32xi32, #tpu.memory_space<vmem>>
    %dma_start3A_5 = tpu.memref_squeeze %dma_start3A_4 : memref<1x32xi32, #tpu.memory_space<vmem>> -> memref<32xi32, #tpu.memory_space<vmem>>
    %dma_start3A_6 = arith.constant 0 : i32
    %dma_start3A_7 = arith.constant 0 : i32
    %dma_start3A_8 = tpu.memref_slice %arg2[%dma_start3A_6, %dma_start3A_7] : memref<15419x1024xf32, #tpu.memory_space<hbm>> -> memref<15419x1024xf32, #tpu.memory_space<hbm>>
    tpu.enqueue_indirect_dma source(%dma_start3A_8 : memref<15419x1024xf32, #tpu.memory_space<hbm>>) target(%arg6 : memref<32x1024xf32, #tpu.memory_space<vmem>>) offsets(%dma_start3A_5 : memref<32xi32, #tpu.memory_space<vmem>>) semaphore(%arg8 : memref<!tpu.dma_semaphore, #tpu.memory_space<semaphore_mem>>)
    %dma_start3A_9 = arith.constant 1 : i32
    %dma_start3A_10 = arith.constant 0 : i32
    %dma_start3A_11 = tpu.memref_slice %arg5[%dma_start3A_9, %dma_start3A_10] : memref<4x32xi32, #tpu.memory_space<vmem>> -> memref<1x32xi32, #tpu.memory_space<vmem>>
    %dma_start3A_12 = tpu.memref_squeeze %dma_start3A_11 : memref<1x32xi32, #tpu.memory_space<vmem>> -> memref<32xi32, #tpu.memory_space<vmem>>
    %dma_start3A_13 = arith.constant 0 : i32
    %dma_start3A_14 = arith.constant 0 : i32
    %dma_start3A_15 = tpu.memref_slice %arg2[%dma_start3A_13, %dma_start3A_14] : memref<15419x1024xf32, #tpu.memory_space<hbm>> -> memref<15419x1024xf32, #tpu.memory_space<hbm>>
    tpu.enqueue_indirect_dma source(%dma_start3A_15 : memref<15419x1024xf32, #tpu.memory_space<hbm>>) target(%arg7 : memref<32x1024xf32, #tpu.memory_space<vmem>>) offsets(%dma_start3A_12 : memref<32xi32, #tpu.memory_space<vmem>>) semaphore(%arg9 : memref<!tpu.dma_semaphore, #tpu.memory_space<semaphore_mem>>)
    %dma_wait3A = arith.constant 0 : i32
    %dma_wait3A_16 = arith.constant 0 : i32
    %dma_wait3A_17 = tpu.memref_slice %arg5[%dma_wait3A, %dma_wait3A_16] : memref<4x32xi32, #tpu.memory_space<vmem>> -> memref<1x32xi32, #tpu.memory_space<vmem>>
    %dma_wait3A_18 = tpu.memref_squeeze %dma_wait3A_17 : memref<1x32xi32, #tpu.memory_space<vmem>> -> memref<32xi32, #tpu.memory_space<vmem>>
    %dma_wait3A_19 = arith.constant 0 : i32
    %dma_wait3A_20 = arith.constant 0 : i32
    %dma_wait3A_21 = tpu.memref_slice %arg2[%dma_wait3A_19, %dma_wait3A_20] : memref<15419x1024xf32, #tpu.memory_space<hbm>> -> memref<15419x1024xf32, #tpu.memory_space<hbm>>
    tpu.wait_indirect_dma semaphore(%arg8 : memref<!tpu.dma_semaphore, #tpu.memory_space<semaphore_mem>>) src(%dma_wait3A_21 : memref<15419x1024xf32, #tpu.memory_space<hbm>>) dst(%arg6 : memref<32x1024xf32, #tpu.memory_space<vmem>>)
    %add3A_22 = arith.constant 0 : i32
    %add3A_23 = arith.addi %mul3A_2, %add3A_22 : i32
    "tpu.region"() ({
      %run_scoped3A = tpu.sem_alloc : memref<!tpu.dma_semaphore, #tpu.memory_space<semaphore_mem>>
      %dma_start3A_65 = arith.constant 0 : i32
      %dma_start3A_66 = tpu.memref_slice %arg4[%add3A_23, %dma_start3A_65] : memref<4096x1024xf32, #tpu.memory_space<hbm>> -> memref<32x1024xf32, #tpu.memory_space<hbm>>
      %dma_start3A_67 = arith.constant 0 : i32
      %dma_start3A_68 = tpu.memref_slice %arg4[%add3A_23, %dma_start3A_67] : memref<4096x1024xf32, #tpu.memory_space<hbm>> -> memref<32x1024xf32, #tpu.memory_space<hbm>>
      tpu.enqueue_dma source(%arg6 : memref<32x1024xf32, #tpu.memory_space<vmem>>) target(%dma_start3A_68 : memref<32x1024xf32, #tpu.memory_space<hbm>>) target_semaphore(%run_scoped3A : memref<!tpu.dma_semaphore, #tpu.memory_space<semaphore_mem>>)
      %dma_wait3A_69 = arith.constant 0 : i32
      %dma_wait3A_70 = tpu.memref_slice %arg4[%add3A_23, %dma_wait3A_69] : memref<4096x1024xf32, #tpu.memory_space<hbm>> -> memref<32x1024xf32, #tpu.memory_space<hbm>>
      %dma_wait3A_71 = arith.constant 0 : i32
      %dma_wait3A_72 = tpu.memref_slice %arg4[%add3A_23, %dma_wait3A_71] : memref<4096x1024xf32, #tpu.memory_space<hbm>> -> memref<32x1024xf32, #tpu.memory_space<hbm>>
      tpu.wait_dma2 semaphore(%run_scoped3A : memref<!tpu.dma_semaphore, #tpu.memory_space<semaphore_mem>>) src(%arg6 : memref<32x1024xf32, #tpu.memory_space<vmem>>) dst(%dma_wait3A_72 : memref<32x1024xf32, #tpu.memory_space<hbm>>)
      tpu.yield
    }) : () -> ()
    %dma_start3A_24 = arith.constant 2 : i32
    %dma_start3A_25 = arith.constant 0 : i32
    %dma_start3A_26 = tpu.memref_slice %arg5[%dma_start3A_24, %dma_start3A_25] : memref<4x32xi32, #tpu.memory_space<vmem>> -> memref<1x32xi32, #tpu.memory_space<vmem>>
    %dma_start3A_27 = tpu.memref_squeeze %dma_start3A_26 : memref<1x32xi32, #tpu.memory_space<vmem>> -> memref<32xi32, #tpu.memory_space<vmem>>
    %dma_start3A_28 = arith.constant 0 : i32
    %dma_start3A_29 = arith.constant 0 : i32
    %dma_start3A_30 = tpu.memref_slice %arg2[%dma_start3A_28, %dma_start3A_29] : memref<15419x1024xf32, #tpu.memory_space<hbm>> -> memref<15419x1024xf32, #tpu.memory_space<hbm>>
    tpu.enqueue_indirect_dma source(%dma_start3A_30 : memref<15419x1024xf32, #tpu.memory_space<hbm>>) target(%arg6 : memref<32x1024xf32, #tpu.memory_space<vmem>>) offsets(%dma_start3A_27 : memref<32xi32, #tpu.memory_space<vmem>>) semaphore(%arg8 : memref<!tpu.dma_semaphore, #tpu.memory_space<semaphore_mem>>)
    %dma_wait3A_31 = arith.constant 1 : i32
    %dma_wait3A_32 = arith.constant 0 : i32
    %dma_wait3A_33 = tpu.memref_slice %arg5[%dma_wait3A_31, %dma_wait3A_32] : memref<4x32xi32, #tpu.memory_space<vmem>> -> memref<1x32xi32, #tpu.memory_space<vmem>>
    %dma_wait3A_34 = tpu.memref_squeeze %dma_wait3A_33 : memref<1x32xi32, #tpu.memory_space<vmem>> -> memref<32xi32, #tpu.memory_space<vmem>>
    %dma_wait3A_35 = arith.constant 0 : i32
    %dma_wait3A_36 = arith.constant 0 : i32
    %dma_wait3A_37 = tpu.memref_slice %arg2[%dma_wait3A_35, %dma_wait3A_36] : memref<15419x1024xf32, #tpu.memory_space<hbm>> -> memref<15419x1024xf32, #tpu.memory_space<hbm>>
    tpu.wait_indirect_dma semaphore(%arg9 : memref<!tpu.dma_semaphore, #tpu.memory_space<semaphore_mem>>) src(%dma_wait3A_37 : memref<15419x1024xf32, #tpu.memory_space<hbm>>) dst(%arg7 : memref<32x1024xf32, #tpu.memory_space<vmem>>)
    %add3A_38 = arith.constant 32 : i32
    %add3A_39 = arith.addi %mul3A_2, %add3A_38 : i32
    "tpu.region"() ({
      %run_scoped3A = tpu.sem_alloc : memref<!tpu.dma_semaphore, #tpu.memory_space<semaphore_mem>>
      %dma_start3A_65 = arith.constant 0 : i32
      %dma_start3A_66 = tpu.memref_slice %arg4[%add3A_39, %dma_start3A_65] : memref<4096x1024xf32, #tpu.memory_space<hbm>> -> memref<32x1024xf32, #tpu.memory_space<hbm>>
      %dma_start3A_67 = arith.constant 0 : i32
      %dma_start3A_68 = tpu.memref_slice %arg4[%add3A_39, %dma_start3A_67] : memref<4096x1024xf32, #tpu.memory_space<hbm>> -> memref<32x1024xf32, #tpu.memory_space<hbm>>
      tpu.enqueue_dma source(%arg7 : memref<32x1024xf32, #tpu.memory_space<vmem>>) target(%dma_start3A_68 : memref<32x1024xf32, #tpu.memory_space<hbm>>) target_semaphore(%run_scoped3A : memref<!tpu.dma_semaphore, #tpu.memory_space<semaphore_mem>>)
      %dma_wait3A_69 = arith.constant 0 : i32
      %dma_wait3A_70 = tpu.memref_slice %arg4[%add3A_39, %dma_wait3A_69] : memref<4096x1024xf32, #tpu.memory_space<hbm>> -> memref<32x1024xf32, #tpu.memory_space<hbm>>
      %dma_wait3A_71 = arith.constant 0 : i32
      %dma_wait3A_72 = tpu.memref_slice %arg4[%add3A_39, %dma_wait3A_71] : memref<4096x1024xf32, #tpu.memory_space<hbm>> -> memref<32x1024xf32, #tpu.memory_space<hbm>>
      tpu.wait_dma2 semaphore(%run_scoped3A : memref<!tpu.dma_semaphore, #tpu.memory_space<semaphore_mem>>) src(%arg7 : memref<32x1024xf32, #tpu.memory_space<vmem>>) dst(%dma_wait3A_72 : memref<32x1024xf32, #tpu.memory_space<hbm>>)
      tpu.yield
    }) : () -> ()
    %dma_start3A_40 = arith.constant 3 : i32
    %dma_start3A_41 = arith.constant 0 : i32
    %dma_start3A_42 = tpu.memref_slice %arg5[%dma_start3A_40, %dma_start3A_41] : memref<4x32xi32, #tpu.memory_space<vmem>> -> memref<1x32xi32, #tpu.memory_space<vmem>>
    %dma_start3A_43 = tpu.memref_squeeze %dma_start3A_42 : memref<1x32xi32, #tpu.memory_space<vmem>> -> memref<32xi32, #tpu.memory_space<vmem>>
    %dma_start3A_44 = arith.constant 0 : i32
    %dma_start3A_45 = arith.constant 0 : i32
    %dma_start3A_46 = tpu.memref_slice %arg2[%dma_start3A_44, %dma_start3A_45] : memref<15419x1024xf32, #tpu.memory_space<hbm>> -> memref<15419x1024xf32, #tpu.memory_space<hbm>>
    tpu.enqueue_indirect_dma source(%dma_start3A_46 : memref<15419x1024xf32, #tpu.memory_space<hbm>>) target(%arg7 : memref<32x1024xf32, #tpu.memory_space<vmem>>) offsets(%dma_start3A_43 : memref<32xi32, #tpu.memory_space<vmem>>) semaphore(%arg9 : memref<!tpu.dma_semaphore, #tpu.memory_space<semaphore_mem>>)
    %dma_wait3A_47 = arith.constant 2 : i32
    %dma_wait3A_48 = arith.constant 0 : i32
    %dma_wait3A_49 = tpu.memref_slice %arg5[%dma_wait3A_47, %dma_wait3A_48] : memref<4x32xi32, #tpu.memory_space<vmem>> -> memref<1x32xi32, #tpu.memory_space<vmem>>
    %dma_wait3A_50 = tpu.memref_squeeze %dma_wait3A_49 : memref<1x32xi32, #tpu.memory_space<vmem>> -> memref<32xi32, #tpu.memory_space<vmem>>
    %dma_wait3A_51 = arith.constant 0 : i32
    %dma_wait3A_52 = arith.constant 0 : i32
    %dma_wait3A_53 = tpu.memref_slice %arg2[%dma_wait3A_51, %dma_wait3A_52] : memref<15419x1024xf32, #tpu.memory_space<hbm>> -> memref<15419x1024xf32, #tpu.memory_space<hbm>>
    tpu.wait_indirect_dma semaphore(%arg8 : memref<!tpu.dma_semaphore, #tpu.memory_space<semaphore_mem>>) src(%dma_wait3A_53 : memref<15419x1024xf32, #tpu.memory_space<hbm>>) dst(%arg6 : memref<32x1024xf32, #tpu.memory_space<vmem>>)
    %add3A_54 = arith.constant 64 : i32
    %add3A_55 = arith.addi %mul3A_2, %add3A_54 : i32
    "tpu.region"() ({
      %run_scoped3A = tpu.sem_alloc : memref<!tpu.dma_semaphore, #tpu.memory_space<semaphore_mem>>
      %dma_start3A_65 = arith.constant 0 : i32
      %dma_start3A_66 = tpu.memref_slice %arg4[%add3A_55, %dma_start3A_65] : memref<4096x1024xf32, #tpu.memory_space<hbm>> -> memref<32x1024xf32, #tpu.memory_space<hbm>>
      %dma_start3A_67 = arith.constant 0 : i32
      %dma_start3A_68 = tpu.memref_slice %arg4[%add3A_55, %dma_start3A_67] : memref<4096x1024xf32, #tpu.memory_space<hbm>> -> memref<32x1024xf32, #tpu.memory_space<hbm>>
      tpu.enqueue_dma source(%arg6 : memref<32x1024xf32, #tpu.memory_space<vmem>>) target(%dma_start3A_68 : memref<32x1024xf32, #tpu.memory_space<hbm>>) target_semaphore(%run_scoped3A : memref<!tpu.dma_semaphore, #tpu.memory_space<semaphore_mem>>)
      %dma_wait3A_69 = arith.constant 0 : i32
      %dma_wait3A_70 = tpu.memref_slice %arg4[%add3A_55, %dma_wait3A_69] : memref<4096x1024xf32, #tpu.memory_space<hbm>> -> memref<32x1024xf32, #tpu.memory_space<hbm>>
      %dma_wait3A_71 = arith.constant 0 : i32
      %dma_wait3A_72 = tpu.memref_slice %arg4[%add3A_55, %dma_wait3A_71] : memref<4096x1024xf32, #tpu.memory_space<hbm>> -> memref<32x1024xf32, #tpu.memory_space<hbm>>
      tpu.wait_dma2 semaphore(%run_scoped3A : memref<!tpu.dma_semaphore, #tpu.memory_space<semaphore_mem>>) src(%arg6 : memref<32x1024xf32, #tpu.memory_space<vmem>>) dst(%dma_wait3A_72 : memref<32x1024xf32, #tpu.memory_space<hbm>>)
      tpu.yield
    }) : () -> ()
    %dma_wait3A_56 = arith.constant 3 : i32
    %dma_wait3A_57 = arith.constant 0 : i32
    %dma_wait3A_58 = tpu.memref_slice %arg5[%dma_wait3A_56, %dma_wait3A_57] : memref<4x32xi32, #tpu.memory_space<vmem>> -> memref<1x32xi32, #tpu.memory_space<vmem>>
    %dma_wait3A_59 = tpu.memref_squeeze %dma_wait3A_58 : memref<1x32xi32, #tpu.memory_space<vmem>> -> memref<32xi32, #tpu.memory_space<vmem>>
    %dma_wait3A_60 = arith.constant 0 : i32
    %dma_wait3A_61 = arith.constant 0 : i32
    %dma_wait3A_62 = tpu.memref_slice %arg2[%dma_wait3A_60, %dma_wait3A_61] : memref<15419x1024xf32, #tpu.memory_space<hbm>> -> memref<15419x1024xf32, #tpu.memory_space<hbm>>
    tpu.wait_indirect_dma semaphore(%arg9 : memref<!tpu.dma_semaphore, #tpu.memory_space<semaphore_mem>>) src(%dma_wait3A_62 : memref<15419x1024xf32, #tpu.memory_space<hbm>>) dst(%arg7 : memref<32x1024xf32, #tpu.memory_space<vmem>>)
    %add3A_63 = arith.constant 96 : i32
    %add3A_64 = arith.addi %mul3A_2, %add3A_63 : i32
    "tpu.region"() ({
      %run_scoped3A = tpu.sem_alloc : memref<!tpu.dma_semaphore, #tpu.memory_space<semaphore_mem>>
      %dma_start3A_65 = arith.constant 0 : i32
      %dma_start3A_66 = tpu.memref_slice %arg4[%add3A_64, %dma_start3A_65] : memref<4096x1024xf32, #tpu.memory_space<hbm>> -> memref<32x1024xf32, #tpu.memory_space<hbm>>
      %dma_start3A_67 = arith.constant 0 : i32
      %dma_start3A_68 = tpu.memref_slice %arg4[%add3A_64, %dma_start3A_67] : memref<4096x1024xf32, #tpu.memory_space<hbm>> -> memref<32x1024xf32, #tpu.memory_space<hbm>>
      tpu.enqueue_dma source(%arg7 : memref<32x1024xf32, #tpu.memory_space<vmem>>) target(%dma_start3A_68 : memref<32x1024xf32, #tpu.memory_space<hbm>>) target_semaphore(%run_scoped3A : memref<!tpu.dma_semaphore, #tpu.memory_space<semaphore_mem>>)
      %dma_wait3A_69 = arith.constant 0 : i32
      %dma_wait3A_70 = tpu.memref_slice %arg4[%add3A_64, %dma_wait3A_69] : memref<4096x1024xf32, #tpu.memory_space<hbm>> -> memref<32x1024xf32, #tpu.memory_space<hbm>>
      %dma_wait3A_71 = arith.constant 0 : i32
      %dma_wait3A_72 = tpu.memref_slice %arg4[%add3A_64, %dma_wait3A_71] : memref<4096x1024xf32, #tpu.memory_space<hbm>> -> memref<32x1024xf32, #tpu.memory_space<hbm>>
      tpu.wait_dma2 semaphore(%run_scoped3A : memref<!tpu.dma_semaphore, #tpu.memory_space<semaphore_mem>>) src(%arg7 : memref<32x1024xf32, #tpu.memory_space<vmem>>) dst(%dma_wait3A_72 : memref<32x1024xf32, #tpu.memory_space<hbm>>)
      tpu.yield
    }) : () -> ()
    return
  }
}

#map = affine_map<(d0, d1) -> (0, 0)>
#map1 = affine_map<(d0, d1) -> (0, 0, 0)>
module attributes {stable_mosaic.version = 14 : i64} {
  func.func @k(%arg0: i32, %arg1: i32, %arg2: memref<15419x1024xf32, #tpu.memory_space<hbm>>, %arg3: memref<32x4x32xi32, #tpu.memory_space<hbm>>, %arg4: memref<4096x1024xf32, #tpu.memory_space<hbm>>, %arg5: memref<4x32xi32, #tpu.memory_space<vmem>>, %arg6: memref<32x1024xf32, #tpu.memory_space<vmem>>, %arg7: memref<32x1024xf32, #tpu.memory_space<vmem>>, %arg8: memref<!tpu.dma_semaphore, #tpu.memory_space<semaphore_mem>>, %arg9: memref<!tpu.dma_semaphore, #tpu.memory_space<semaphore_mem>>) attributes {dimension_semantics = [#tpu.dimension_semantics<core_parallel>, #tpu.dimension_semantics<subcore_parallel>], iteration_bounds = array<i64: 2, 16>, scalar_prefetch = 0 : i64, scratch_operands = 5 : i64, tpu.core_type = #tpu.core_type<sc_vector_subcore>, window_params = [{transform_indices = #map}, {transform_indices = #map1}, {transform_indices = #map}]} {
    %mul3A = arith.constant 2 : i32
    %mul3A_0 = arith.muli %arg1, %mul3A : i32
    %add3A = arith.addi %mul3A_0, %arg0 : i32
    %mul3A_1 = arith.constant 128 : i32
    %mul3A_2 = arith.muli %add3A, %mul3A_1 : i32
    "tpu.region"() ({
      %run_scoped3A = tpu.sem_alloc : memref<!tpu.dma_semaphore, #tpu.memory_space<semaphore_mem>>
      %dma_start3A_65 = arith.constant 0 : i32
      %dma_start3A_66 = arith.constant 0 : i32
      %dma_start3A_67 = tpu.memref_slice %arg3[%add3A, %dma_start3A_65, %dma_start3A_66] : memref<32x4x32xi32, #tpu.memory_space<hbm>> -> memref<1x4x32xi32, #tpu.memory_space<hbm>>
      %dma_start3A_68 = tpu.memref_squeeze %dma_start3A_67 : memref<1x4x32xi32, #tpu.memory_space<hbm>> -> memref<4x32xi32, #tpu.memory_space<hbm>>
      %dma_start3A_69 = arith.constant 0 : i32
      %dma_start3A_70 = arith.constant 0 : i32
      %dma_start3A_71 = tpu.memref_slice %arg3[%add3A, %dma_start3A_69, %dma_start3A_70] : memref<32x4x32xi32, #tpu.memory_space<hbm>> -> memref<1x4x32xi32, #tpu.memory_space<hbm>>
      %dma_start3A_72 = tpu.memref_squeeze %dma_start3A_71 : memref<1x4x32xi32, #tpu.memory_space<hbm>> -> memref<4x32xi32, #tpu.memory_space<hbm>>
      tpu.enqueue_dma source(%dma_start3A_72 : memref<4x32xi32, #tpu.memory_space<hbm>>) target(%arg5 : memref<4x32xi32, #tpu.memory_space<vmem>>) target_semaphore(%run_scoped3A : memref<!tpu.dma_semaphore, #tpu.memory_space<semaphore_mem>>)
      %dma_wait3A_73 = arith.constant 0 : i32
      %dma_wait3A_74 = arith.constant 0 : i32
      %dma_wait3A_75 = tpu.memref_slice %arg3[%add3A, %dma_wait3A_73, %dma_wait3A_74] : memref<32x4x32xi32, #tpu.memory_space<hbm>> -> memref<1x4x32xi32, #tpu.memory_space<hbm>>
      %dma_wait3A_76 = tpu.memref_squeeze %dma_wait3A_75 : memref<1x4x32xi32, #tpu.memory_space<hbm>> -> memref<4x32xi32, #tpu.memory_space<hbm>>
      %dma_wait3A_77 = arith.constant 0 : i32
      %dma_wait3A_78 = arith.constant 0 : i32
      %dma_wait3A_79 = tpu.memref_slice %arg3[%add3A, %dma_wait3A_77, %dma_wait3A_78] : memref<32x4x32xi32, #tpu.memory_space<hbm>> -> memref<1x4x32xi32, #tpu.memory_space<hbm>>
      %dma_wait3A_80 = tpu.memref_squeeze %dma_wait3A_79 : memref<1x4x32xi32, #tpu.memory_space<hbm>> -> memref<4x32xi32, #tpu.memory_space<hbm>>
      tpu.wait_dma2 semaphore(%run_scoped3A : memref<!tpu.dma_semaphore, #tpu.memory_space<semaphore_mem>>) src(%dma_wait3A_80 : memref<4x32xi32, #tpu.memory_space<hbm>>) dst(%arg5 : memref<4x32xi32, #tpu.memory_space<vmem>>)
      tpu.yield
    }) : () -> ()
    %dma_start3A = arith.constant 0 : i32
    %dma_start3A_3 = arith.constant 0 : i32
    %dma_start3A_4 = tpu.memref_slice %arg5[%dma_start3A, %dma_start3A_3] : memref<4x32xi32, #tpu.memory_space<vmem>> -> memref<1x32xi32, #tpu.memory_space<vmem>>
    %dma_start3A_5 = tpu.memref_squeeze %dma_start3A_4 : memref<1x32xi32, #tpu.memory_space<vmem>> -> memref<32xi32, #tpu.memory_space<vmem>>
    %dma_start3A_6 = arith.constant 0 : i32
    %dma_start3A_7 = arith.constant 0 : i32
    %dma_start3A_8 = tpu.memref_slice %arg2[%dma_start3A_6, %dma_start3A_7] : memref<15419x1024xf32, #tpu.memory_space<hbm>> -> memref<15419x1024xf32, #tpu.memory_space<hbm>>
    tpu.enqueue_indirect_dma source(%dma_start3A_8 : memref<15419x1024xf32, #tpu.memory_space<hbm>>) target(%arg6 : memref<32x1024xf32, #tpu.memory_space<vmem>>) offsets(%dma_start3A_5 : memref<32xi32, #tpu.memory_space<vmem>>) semaphore(%arg8 : memref<!tpu.dma_semaphore, #tpu.memory_space<semaphore_mem>>)
    %dma_start3A_9 = arith.constant 1 : i32
    %dma_start3A_10 = arith.constant 0 : i32
    %dma_start3A_11 = tpu.memref_slice %arg5[%dma_start3A_9, %dma_start3A_10] : memref<4x32xi32, #tpu.memory_space<vmem>> -> memref<1x32xi32, #tpu.memory_space<vmem>>
    %dma_start3A_12 = tpu.memref_squeeze %dma_start3A_11 : memref<1x32xi32, #tpu.memory_space<vmem>> -> memref<32xi32, #tpu.memory_space<vmem>>
    %dma_start3A_13 = arith.constant 0 : i32
    %dma_start3A_14 = arith.constant 0 : i32
    %dma_start3A_15 = tpu.memref_slice %arg2[%dma_start3A_13, %dma_start3A_14] : memref<15419x1024xf32, #tpu.memory_space<hbm>> -> memref<15419x1024xf32, #tpu.memory_space<hbm>>
    tpu.enqueue_indirect_dma source(%dma_start3A_15 : memref<15419x1024xf32, #tpu.memory_space<hbm>>) target(%arg7 : memref<32x1024xf32, #tpu.memory_space<vmem>>) offsets(%dma_start3A_12 : memref<32xi32, #tpu.memory_space<vmem>>) semaphore(%arg9 : memref<!tpu.dma_semaphore, #tpu.memory_space<semaphore_mem>>)
    %dma_wait3A = arith.constant 0 : i32
    %dma_wait3A_16 = arith.constant 0 : i32
    %dma_wait3A_17 = tpu.memref_slice %arg5[%dma_wait3A, %dma_wait3A_16] : memref<4x32xi32, #tpu.memory_space<vmem>> -> memref<1x32xi32, #tpu.memory_space<vmem>>
    %dma_wait3A_18 = tpu.memref_squeeze %dma_wait3A_17 : memref<1x32xi32, #tpu.memory_space<vmem>> -> memref<32xi32, #tpu.memory_space<vmem>>
    %dma_wait3A_19 = arith.constant 0 : i32
    %dma_wait3A_20 = arith.constant 0 : i32
    %dma_wait3A_21 = tpu.memref_slice %arg2[%dma_wait3A_19, %dma_wait3A_20] : memref<15419x1024xf32, #tpu.memory_space<hbm>> -> memref<15419x1024xf32, #tpu.memory_space<hbm>>
    tpu.wait_indirect_dma semaphore(%arg8 : memref<!tpu.dma_semaphore, #tpu.memory_space<semaphore_mem>>) src(%dma_wait3A_21 : memref<15419x1024xf32, #tpu.memory_space<hbm>>) dst(%arg6 : memref<32x1024xf32, #tpu.memory_space<vmem>>)
    %add3A_22 = arith.constant 0 : i32
    %add3A_23 = arith.addi %mul3A_2, %add3A_22 : i32
    "tpu.region"() ({
      %run_scoped3A = tpu.sem_alloc : memref<!tpu.dma_semaphore, #tpu.memory_space<semaphore_mem>>
      %dma_start3A_65 = arith.constant 0 : i32
      %dma_start3A_66 = tpu.memref_slice %arg4[%add3A_23, %dma_start3A_65] : memref<4096x1024xf32, #tpu.memory_space<hbm>> -> memref<32x1024xf32, #tpu.memory_space<hbm>>
      %dma_start3A_67 = arith.constant 0 : i32
      %dma_start3A_68 = tpu.memref_slice %arg4[%add3A_23, %dma_start3A_67] : memref<4096x1024xf32, #tpu.memory_space<hbm>> -> memref<32x1024xf32, #tpu.memory_space<hbm>>
      tpu.enqueue_dma source(%arg6 : memref<32x1024xf32, #tpu.memory_space<vmem>>) target(%dma_start3A_68 : memref<32x1024xf32, #tpu.memory_space<hbm>>) target_semaphore(%run_scoped3A : memref<!tpu.dma_semaphore, #tpu.memory_space<semaphore_mem>>)
      %dma_wait3A_69 = arith.constant 0 : i32
      %dma_wait3A_70 = tpu.memref_slice %arg4[%add3A_23, %dma_wait3A_69] : memref<4096x1024xf32, #tpu.memory_space<hbm>> -> memref<32x1024xf32, #tpu.memory_space<hbm>>
      %dma_wait3A_71 = arith.constant 0 : i32
      %dma_wait3A_72 = tpu.memref_slice %arg4[%add3A_23, %dma_wait3A_71] : memref<4096x1024xf32, #tpu.memory_space<hbm>> -> memref<32x1024xf32, #tpu.memory_space<hbm>>
      tpu.wait_dma2 semaphore(%run_scoped3A : memref<!tpu.dma_semaphore, #tpu.memory_space<semaphore_mem>>) src(%arg6 : memref<32x1024xf32, #tpu.memory_space<vmem>>) dst(%dma_wait3A_72 : memref<32x1024xf32, #tpu.memory_space<hbm>>)
      tpu.yield
    }) : () -> ()
    %dma_start3A_24 = arith.constant 2 : i32
    %dma_start3A_25 = arith.constant 0 : i32
    %dma_start3A_26 = tpu.memref_slice %arg5[%dma_start3A_24, %dma_start3A_25] : memref<4x32xi32, #tpu.memory_space<vmem>> -> memref<1x32xi32, #tpu.memory_space<vmem>>
    %dma_start3A_27 = tpu.memref_squeeze %dma_start3A_26 : memref<1x32xi32, #tpu.memory_space<vmem>> -> memref<32xi32, #tpu.memory_space<vmem>>
    %dma_start3A_28 = arith.constant 0 : i32
    %dma_start3A_29 = arith.constant 0 : i32
    %dma_start3A_30 = tpu.memref_slice %arg2[%dma_start3A_28, %dma_start3A_29] : memref<15419x1024xf32, #tpu.memory_space<hbm>> -> memref<15419x1024xf32, #tpu.memory_space<hbm>>
    tpu.enqueue_indirect_dma source(%dma_start3A_30 : memref<15419x1024xf32, #tpu.memory_space<hbm>>) target(%arg6 : memref<32x1024xf32, #tpu.memory_space<vmem>>) offsets(%dma_start3A_27 : memref<32xi32, #tpu.memory_space<vmem>>) semaphore(%arg8 : memref<!tpu.dma_semaphore, #tpu.memory_space<semaphore_mem>>)
    %dma_wait3A_31 = arith.constant 1 : i32
    %dma_wait3A_32 = arith.constant 0 : i32
    %dma_wait3A_33 = tpu.memref_slice %arg5[%dma_wait3A_31, %dma_wait3A_32] : memref<4x32xi32, #tpu.memory_space<vmem>> -> memref<1x32xi32, #tpu.memory_space<vmem>>
    %dma_wait3A_34 = tpu.memref_squeeze %dma_wait3A_33 : memref<1x32xi32, #tpu.memory_space<vmem>> -> memref<32xi32, #tpu.memory_space<vmem>>
    %dma_wait3A_35 = arith.constant 0 : i32
    %dma_wait3A_36 = arith.constant 0 : i32
    %dma_wait3A_37 = tpu.memref_slice %arg2[%dma_wait3A_35, %dma_wait3A_36] : memref<15419x1024xf32, #tpu.memory_space<hbm>> -> memref<15419x1024xf32, #tpu.memory_space<hbm>>
    tpu.wait_indirect_dma semaphore(%arg9 : memref<!tpu.dma_semaphore, #tpu.memory_space<semaphore_mem>>) src(%dma_wait3A_37 : memref<15419x1024xf32, #tpu.memory_space<hbm>>) dst(%arg7 : memref<32x1024xf32, #tpu.memory_space<vmem>>)
    %add3A_38 = arith.constant 32 : i32
    %add3A_39 = arith.addi %mul3A_2, %add3A_38 : i32
    "tpu.region"() ({
      %run_scoped3A = tpu.sem_alloc : memref<!tpu.dma_semaphore, #tpu.memory_space<semaphore_mem>>
      %dma_start3A_65 = arith.constant 0 : i32
      %dma_start3A_66 = tpu.memref_slice %arg4[%add3A_39, %dma_start3A_65] : memref<4096x1024xf32, #tpu.memory_space<hbm>> -> memref<32x1024xf32, #tpu.memory_space<hbm>>
      %dma_start3A_67 = arith.constant 0 : i32
      %dma_start3A_68 = tpu.memref_slice %arg4[%add3A_39, %dma_start3A_67] : memref<4096x1024xf32, #tpu.memory_space<hbm>> -> memref<32x1024xf32, #tpu.memory_space<hbm>>
      tpu.enqueue_dma source(%arg7 : memref<32x1024xf32, #tpu.memory_space<vmem>>) target(%dma_start3A_68 : memref<32x1024xf32, #tpu.memory_space<hbm>>) target_semaphore(%run_scoped3A : memref<!tpu.dma_semaphore, #tpu.memory_space<semaphore_mem>>)
      %dma_wait3A_69 = arith.constant 0 : i32
      %dma_wait3A_70 = tpu.memref_slice %arg4[%add3A_39, %dma_wait3A_69] : memref<4096x1024xf32, #tpu.memory_space<hbm>> -> memref<32x1024xf32, #tpu.memory_space<hbm>>
      %dma_wait3A_71 = arith.constant 0 : i32
      %dma_wait3A_72 = tpu.memref_slice %arg4[%add3A_39, %dma_wait3A_71] : memref<4096x1024xf32, #tpu.memory_space<hbm>> -> memref<32x1024xf32, #tpu.memory_space<hbm>>
      tpu.wait_dma2 semaphore(%run_scoped3A : memref<!tpu.dma_semaphore, #tpu.memory_space<semaphore_mem>>) src(%arg7 : memref<32x1024xf32, #tpu.memory_space<vmem>>) dst(%dma_wait3A_72 : memref<32x1024xf32, #tpu.memory_space<hbm>>)
      tpu.yield
    }) : () -> ()
    %dma_start3A_40 = arith.constant 3 : i32
    %dma_start3A_41 = arith.constant 0 : i32
    %dma_start3A_42 = tpu.memref_slice %arg5[%dma_start3A_40, %dma_start3A_41] : memref<4x32xi32, #tpu.memory_space<vmem>> -> memref<1x32xi32, #tpu.memory_space<vmem>>
    %dma_start3A_43 = tpu.memref_squeeze %dma_start3A_42 : memref<1x32xi32, #tpu.memory_space<vmem>> -> memref<32xi32, #tpu.memory_space<vmem>>
    %dma_start3A_44 = arith.constant 0 : i32
    %dma_start3A_45 = arith.constant 0 : i32
    %dma_start3A_46 = tpu.memref_slice %arg2[%dma_start3A_44, %dma_start3A_45] : memref<15419x1024xf32, #tpu.memory_space<hbm>> -> memref<15419x1024xf32, #tpu.memory_space<hbm>>
    tpu.enqueue_indirect_dma source(%dma_start3A_46 : memref<15419x1024xf32, #tpu.memory_space<hbm>>) target(%arg7 : memref<32x1024xf32, #tpu.memory_space<vmem>>) offsets(%dma_start3A_43 : memref<32xi32, #tpu.memory_space<vmem>>) semaphore(%arg9 : memref<!tpu.dma_semaphore, #tpu.memory_space<semaphore_mem>>)
    %dma_wait3A_47 = arith.constant 2 : i32
    %dma_wait3A_48 = arith.constant 0 : i32
    %dma_wait3A_49 = tpu.memref_slice %arg5[%dma_wait3A_47, %dma_wait3A_48] : memref<4x32xi32, #tpu.memory_space<vmem>> -> memref<1x32xi32, #tpu.memory_space<vmem>>
    %dma_wait3A_50 = tpu.memref_squeeze %dma_wait3A_49 : memref<1x32xi32, #tpu.memory_space<vmem>> -> memref<32xi32, #tpu.memory_space<vmem>>
    %dma_wait3A_51 = arith.constant 0 : i32
    %dma_wait3A_52 = arith.constant 0 : i32
    %dma_wait3A_53 = tpu.memref_slice %arg2[%dma_wait3A_51, %dma_wait3A_52] : memref<15419x1024xf32, #tpu.memory_space<hbm>> -> memref<15419x1024xf32, #tpu.memory_space<hbm>>
    tpu.wait_indirect_dma semaphore(%arg8 : memref<!tpu.dma_semaphore, #tpu.memory_space<semaphore_mem>>) src(%dma_wait3A_53 : memref<15419x1024xf32, #tpu.memory_space<hbm>>) dst(%arg6 : memref<32x1024xf32, #tpu.memory_space<vmem>>)
    %add3A_54 = arith.constant 64 : i32
    %add3A_55 = arith.addi %mul3A_2, %add3A_54 : i32
    "tpu.region"() ({
      %run_scoped3A = tpu.sem_alloc : memref<!tpu.dma_semaphore, #tpu.memory_space<semaphore_mem>>
      %dma_start3A_65 = arith.constant 0 : i32
      %dma_start3A_66 = tpu.memref_slice %arg4[%add3A_55, %dma_start3A_65] : memref<4096x1024xf32, #tpu.memory_space<hbm>> -> memref<32x1024xf32, #tpu.memory_space<hbm>>
      %dma_start3A_67 = arith.constant 0 : i32
      %dma_start3A_68 = tpu.memref_slice %arg4[%add3A_55, %dma_start3A_67] : memref<4096x1024xf32, #tpu.memory_space<hbm>> -> memref<32x1024xf32, #tpu.memory_space<hbm>>
      tpu.enqueue_dma source(%arg6 : memref<32x1024xf32, #tpu.memory_space<vmem>>) target(%dma_start3A_68 : memref<32x1024xf32, #tpu.memory_space<hbm>>) target_semaphore(%run_scoped3A : memref<!tpu.dma_semaphore, #tpu.memory_space<semaphore_mem>>)
      %dma_wait3A_69 = arith.constant 0 : i32
      %dma_wait3A_70 = tpu.memref_slice %arg4[%add3A_55, %dma_wait3A_69] : memref<4096x1024xf32, #tpu.memory_space<hbm>> -> memref<32x1024xf32, #tpu.memory_space<hbm>>
      %dma_wait3A_71 = arith.constant 0 : i32
      %dma_wait3A_72 = tpu.memref_slice %arg4[%add3A_55, %dma_wait3A_71] : memref<4096x1024xf32, #tpu.memory_space<hbm>> -> memref<32x1024xf32, #tpu.memory_space<hbm>>
      tpu.wait_dma2 semaphore(%run_scoped3A : memref<!tpu.dma_semaphore, #tpu.memory_space<semaphore_mem>>) src(%arg6 : memref<32x1024xf32, #tpu.memory_space<vmem>>) dst(%dma_wait3A_72 : memref<32x1024xf32, #tpu.memory_space<hbm>>)
      tpu.yield
    }) : () -> ()
    %dma_wait3A_56 = arith.constant 3 : i32
    %dma_wait3A_57 = arith.constant 0 : i32
    %dma_wait3A_58 = tpu.memref_slice %arg5[%dma_wait3A_56, %dma_wait3A_57] : memref<4x32xi32, #tpu.memory_space<vmem>> -> memref<1x32xi32, #tpu.memory_space<vmem>>
    %dma_wait3A_59 = tpu.memref_squeeze %dma_wait3A_58 : memref<1x32xi32, #tpu.memory_space<vmem>> -> memref<32xi32, #tpu.memory_space<vmem>>
    %dma_wait3A_60 = arith.constant 0 : i32
    %dma_wait3A_61 = arith.constant 0 : i32
    %dma_wait3A_62 = tpu.memref_slice %arg2[%dma_wait3A_60, %dma_wait3A_61] : memref<15419x1024xf32, #tpu.memory_space<hbm>> -> memref<15419x1024xf32, #tpu.memory_space<hbm>>
    tpu.wait_indirect_dma semaphore(%arg9 : memref<!tpu.dma_semaphore, #tpu.memory_space<semaphore_mem>>) src(%dma_wait3A_62 : memref<15419x1024xf32, #tpu.memory_space<hbm>>) dst(%arg7 : memref<32x1024xf32, #tpu.memory_space<vmem>>)
    %add3A_63 = arith.constant 96 : i32
    %add3A_64 = arith.addi %mul3A_2, %add3A_63 : i32
    "tpu.region"() ({
      %run_scoped3A = tpu.sem_alloc : memref<!tpu.dma_semaphore, #tpu.memory_space<semaphore_mem>>
      %dma_start3A_65 = arith.constant 0 : i32
      %dma_start3A_66 = tpu.memref_slice %arg4[%add3A_64, %dma_start3A_65] : memref<4096x1024xf32, #tpu.memory_space<hbm>> -> memref<32x1024xf32, #tpu.memory_space<hbm>>
      %dma_start3A_67 = arith.constant 0 : i32
      %dma_start3A_68 = tpu.memref_slice %arg4[%add3A_64, %dma_start3A_67] : memref<4096x1024xf32, #tpu.memory_space<hbm>> -> memref<32x1024xf32, #tpu.memory_space<hbm>>
      tpu.enqueue_dma source(%arg7 : memref<32x1024xf32, #tpu.memory_space<vmem>>) target(%dma_start3A_68 : memref<32x1024xf32, #tpu.memory_space<hbm>>) target_semaphore(%run_scoped3A : memref<!tpu.dma_semaphore, #tpu.memory_space<semaphore_mem>>)
      %dma_wait3A_69 = arith.constant 0 : i32
      %dma_wait3A_70 = tpu.memref_slice %arg4[%add3A_64, %dma_wait3A_69] : memref<4096x1024xf32, #tpu.memory_space<hbm>> -> memref<32x1024xf32, #tpu.memory_space<hbm>>
      %dma_wait3A_71 = arith.constant 0 : i32
      %dma_wait3A_72 = tpu.memref_slice %arg4[%add3A_64, %dma_wait3A_71] : memref<4096x1024xf32, #tpu.memory_space<hbm>> -> memref<32x1024xf32, #tpu.memory_space<hbm>>
      tpu.wait_dma2 semaphore(%run_scoped3A : memref<!tpu.dma_semaphore, #tpu.memory_space<semaphore_mem>>) src(%arg7 : memref<32x1024xf32, #tpu.memory_space<vmem>>) dst(%dma_wait3A_72 : memref<32x1024xf32, #tpu.memory_space<hbm>>)
      tpu.yield
    }) : () -> ()
    return
  }
}

#map = affine_map<(d0, d1) -> (0, 0)>
#map1 = affine_map<(d0, d1) -> (0, 0, 0)>
module attributes {stable_mosaic.version = 14 : i64} {
  func.func @k(%arg0: i32, %arg1: i32, %arg2: memref<619x128xf32, #tpu.memory_space<hbm>>, %arg3: memref<3833x128xf32, #tpu.memory_space<hbm>>, %arg4: memref<32x4x128xi32, #tpu.memory_space<hbm>>, %arg5: memref<32x4x128xi32, #tpu.memory_space<hbm>>, %arg6: memref<16384x128xf32, #tpu.memory_space<hbm>>, %arg7: memref<16384x128xf32, #tpu.memory_space<hbm>>, %arg8: memref<4x128xi32, #tpu.memory_space<vmem>>, %arg9: memref<128x128xf32, #tpu.memory_space<vmem>>, %arg10: memref<128x128xf32, #tpu.memory_space<vmem>>, %arg11: memref<!tpu.dma_semaphore, #tpu.memory_space<semaphore_mem>>, %arg12: memref<!tpu.dma_semaphore, #tpu.memory_space<semaphore_mem>>) attributes {dimension_semantics = [#tpu.dimension_semantics<core_parallel>, #tpu.dimension_semantics<subcore_parallel>], iteration_bounds = array<i64: 2, 16>, scalar_prefetch = 0 : i64, scratch_operands = 5 : i64, tpu.core_type = #tpu.core_type<sc_vector_subcore>, window_params = [{transform_indices = #map}, {transform_indices = #map}, {transform_indices = #map1}, {transform_indices = #map1}, {transform_indices = #map}, {transform_indices = #map}]} {
    %mul3A = arith.constant 2 : i32
    %mul3A_0 = arith.muli %arg1, %mul3A : i32
    %add3A = arith.addi %mul3A_0, %arg0 : i32
    %mul3A_1 = arith.constant 512 : i32
    %mul3A_2 = arith.muli %add3A, %mul3A_1 : i32
    "tpu.region"() ({
      %run_scoped3A = tpu.sem_alloc : memref<!tpu.dma_semaphore, #tpu.memory_space<semaphore_mem>>
      %dma_start3A_129 = arith.constant 0 : i32
      %dma_start3A_130 = arith.constant 0 : i32
      %dma_start3A_131 = tpu.memref_slice %arg4[%add3A, %dma_start3A_129, %dma_start3A_130] : memref<32x4x128xi32, #tpu.memory_space<hbm>> -> memref<1x4x128xi32, #tpu.memory_space<hbm>>
      %dma_start3A_132 = tpu.memref_squeeze %dma_start3A_131 : memref<1x4x128xi32, #tpu.memory_space<hbm>> -> memref<4x128xi32, #tpu.memory_space<hbm>>
      %dma_start3A_133 = arith.constant 0 : i32
      %dma_start3A_134 = arith.constant 0 : i32
      %dma_start3A_135 = tpu.memref_slice %arg4[%add3A, %dma_start3A_133, %dma_start3A_134] : memref<32x4x128xi32, #tpu.memory_space<hbm>> -> memref<1x4x128xi32, #tpu.memory_space<hbm>>
      %dma_start3A_136 = tpu.memref_squeeze %dma_start3A_135 : memref<1x4x128xi32, #tpu.memory_space<hbm>> -> memref<4x128xi32, #tpu.memory_space<hbm>>
      tpu.enqueue_dma source(%dma_start3A_136 : memref<4x128xi32, #tpu.memory_space<hbm>>) target(%arg8 : memref<4x128xi32, #tpu.memory_space<vmem>>) target_semaphore(%run_scoped3A : memref<!tpu.dma_semaphore, #tpu.memory_space<semaphore_mem>>)
      %dma_wait3A_137 = arith.constant 0 : i32
      %dma_wait3A_138 = arith.constant 0 : i32
      %dma_wait3A_139 = tpu.memref_slice %arg4[%add3A, %dma_wait3A_137, %dma_wait3A_138] : memref<32x4x128xi32, #tpu.memory_space<hbm>> -> memref<1x4x128xi32, #tpu.memory_space<hbm>>
      %dma_wait3A_140 = tpu.memref_squeeze %dma_wait3A_139 : memref<1x4x128xi32, #tpu.memory_space<hbm>> -> memref<4x128xi32, #tpu.memory_space<hbm>>
      %dma_wait3A_141 = arith.constant 0 : i32
      %dma_wait3A_142 = arith.constant 0 : i32
      %dma_wait3A_143 = tpu.memref_slice %arg4[%add3A, %dma_wait3A_141, %dma_wait3A_142] : memref<32x4x128xi32, #tpu.memory_space<hbm>> -> memref<1x4x128xi32, #tpu.memory_space<hbm>>
      %dma_wait3A_144 = tpu.memref_squeeze %dma_wait3A_143 : memref<1x4x128xi32, #tpu.memory_space<hbm>> -> memref<4x128xi32, #tpu.memory_space<hbm>>
      tpu.wait_dma2 semaphore(%run_scoped3A : memref<!tpu.dma_semaphore, #tpu.memory_space<semaphore_mem>>) src(%dma_wait3A_144 : memref<4x128xi32, #tpu.memory_space<hbm>>) dst(%arg8 : memref<4x128xi32, #tpu.memory_space<vmem>>)
      tpu.yield
    }) : () -> ()
    %dma_start3A = arith.constant 0 : i32
    %dma_start3A_3 = arith.constant 0 : i32
    %dma_start3A_4 = tpu.memref_slice %arg8[%dma_start3A, %dma_start3A_3] : memref<4x128xi32, #tpu.memory_space<vmem>> -> memref<1x128xi32, #tpu.memory_space<vmem>>
    %dma_start3A_5 = tpu.memref_squeeze %dma_start3A_4 : memref<1x128xi32, #tpu.memory_space<vmem>> -> memref<128xi32, #tpu.memory_space<vmem>>
    %dma_start3A_6 = arith.constant 0 : i32
    %dma_start3A_7 = arith.constant 0 : i32
    %dma_start3A_8 = tpu.memref_slice %arg2[%dma_start3A_6, %dma_start3A_7] : memref<619x128xf32, #tpu.memory_space<hbm>> -> memref<619x128xf32, #tpu.memory_space<hbm>>
    tpu.enqueue_indirect_dma source(%dma_start3A_8 : memref<619x128xf32, #tpu.memory_space<hbm>>) target(%arg9 : memref<128x128xf32, #tpu.memory_space<vmem>>) offsets(%dma_start3A_5 : memref<128xi32, #tpu.memory_space<vmem>>) semaphore(%arg11 : memref<!tpu.dma_semaphore, #tpu.memory_space<semaphore_mem>>)
    %dma_start3A_9 = arith.constant 1 : i32
    %dma_start3A_10 = arith.constant 0 : i32
    %dma_start3A_11 = tpu.memref_slice %arg8[%dma_start3A_9, %dma_start3A_10] : memref<4x128xi32, #tpu.memory_space<vmem>> -> memref<1x128xi32, #tpu.memory_space<vmem>>
    %dma_start3A_12 = tpu.memref_squeeze %dma_start3A_11 : memref<1x128xi32, #tpu.memory_space<vmem>> -> memref<128xi32, #tpu.memory_space<vmem>>
    %dma_start3A_13 = arith.constant 0 : i32
    %dma_start3A_14 = arith.constant 0 : i32
    %dma_start3A_15 = tpu.memref_slice %arg2[%dma_start3A_13, %dma_start3A_14] : memref<619x128xf32, #tpu.memory_space<hbm>> -> memref<619x128xf32, #tpu.memory_space<hbm>>
    tpu.enqueue_indirect_dma source(%dma_start3A_15 : memref<619x128xf32, #tpu.memory_space<hbm>>) target(%arg10 : memref<128x128xf32, #tpu.memory_space<vmem>>) offsets(%dma_start3A_12 : memref<128xi32, #tpu.memory_space<vmem>>) semaphore(%arg12 : memref<!tpu.dma_semaphore, #tpu.memory_space<semaphore_mem>>)
    %dma_wait3A = arith.constant 0 : i32
    %dma_wait3A_16 = arith.constant 0 : i32
    %dma_wait3A_17 = tpu.memref_slice %arg8[%dma_wait3A, %dma_wait3A_16] : memref<4x128xi32, #tpu.memory_space<vmem>> -> memref<1x128xi32, #tpu.memory_space<vmem>>
    %dma_wait3A_18 = tpu.memref_squeeze %dma_wait3A_17 : memref<1x128xi32, #tpu.memory_space<vmem>> -> memref<128xi32, #tpu.memory_space<vmem>>
    %dma_wait3A_19 = arith.constant 0 : i32
    %dma_wait3A_20 = arith.constant 0 : i32
    %dma_wait3A_21 = tpu.memref_slice %arg2[%dma_wait3A_19, %dma_wait3A_20] : memref<619x128xf32, #tpu.memory_space<hbm>> -> memref<619x128xf32, #tpu.memory_space<hbm>>
    tpu.wait_indirect_dma semaphore(%arg11 : memref<!tpu.dma_semaphore, #tpu.memory_space<semaphore_mem>>) src(%dma_wait3A_21 : memref<619x128xf32, #tpu.memory_space<hbm>>) dst(%arg9 : memref<128x128xf32, #tpu.memory_space<vmem>>)
    %add3A_22 = arith.constant 0 : i32
    %add3A_23 = arith.addi %mul3A_2, %add3A_22 : i32
    "tpu.region"() ({
      %run_scoped3A = tpu.sem_alloc : memref<!tpu.dma_semaphore, #tpu.memory_space<semaphore_mem>>
      %dma_start3A_129 = arith.constant 0 : i32
      %dma_start3A_130 = tpu.memref_slice %arg6[%add3A_23, %dma_start3A_129] : memref<16384x128xf32, #tpu.memory_space<hbm>> -> memref<128x128xf32, #tpu.memory_space<hbm>>
      %dma_start3A_131 = arith.constant 0 : i32
      %dma_start3A_132 = tpu.memref_slice %arg6[%add3A_23, %dma_start3A_131] : memref<16384x128xf32, #tpu.memory_space<hbm>> -> memref<128x128xf32, #tpu.memory_space<hbm>>
      tpu.enqueue_dma source(%arg9 : memref<128x128xf32, #tpu.memory_space<vmem>>) target(%dma_start3A_132 : memref<128x128xf32, #tpu.memory_space<hbm>>) target_semaphore(%run_scoped3A : memref<!tpu.dma_semaphore, #tpu.memory_space<semaphore_mem>>)
      %dma_wait3A_133 = arith.constant 0 : i32
      %dma_wait3A_134 = tpu.memref_slice %arg6[%add3A_23, %dma_wait3A_133] : memref<16384x128xf32, #tpu.memory_space<hbm>> -> memref<128x128xf32, #tpu.memory_space<hbm>>
      %dma_wait3A_135 = arith.constant 0 : i32
      %dma_wait3A_136 = tpu.memref_slice %arg6[%add3A_23, %dma_wait3A_135] : memref<16384x128xf32, #tpu.memory_space<hbm>> -> memref<128x128xf32, #tpu.memory_space<hbm>>
      tpu.wait_dma2 semaphore(%run_scoped3A : memref<!tpu.dma_semaphore, #tpu.memory_space<semaphore_mem>>) src(%arg9 : memref<128x128xf32, #tpu.memory_space<vmem>>) dst(%dma_wait3A_136 : memref<128x128xf32, #tpu.memory_space<hbm>>)
      tpu.yield
    }) : () -> ()
    %dma_start3A_24 = arith.constant 2 : i32
    %dma_start3A_25 = arith.constant 0 : i32
    %dma_start3A_26 = tpu.memref_slice %arg8[%dma_start3A_24, %dma_start3A_25] : memref<4x128xi32, #tpu.memory_space<vmem>> -> memref<1x128xi32, #tpu.memory_space<vmem>>
    %dma_start3A_27 = tpu.memref_squeeze %dma_start3A_26 : memref<1x128xi32, #tpu.memory_space<vmem>> -> memref<128xi32, #tpu.memory_space<vmem>>
    %dma_start3A_28 = arith.constant 0 : i32
    %dma_start3A_29 = arith.constant 0 : i32
    %dma_start3A_30 = tpu.memref_slice %arg2[%dma_start3A_28, %dma_start3A_29] : memref<619x128xf32, #tpu.memory_space<hbm>> -> memref<619x128xf32, #tpu.memory_space<hbm>>
    tpu.enqueue_indirect_dma source(%dma_start3A_30 : memref<619x128xf32, #tpu.memory_space<hbm>>) target(%arg9 : memref<128x128xf32, #tpu.memory_space<vmem>>) offsets(%dma_start3A_27 : memref<128xi32, #tpu.memory_space<vmem>>) semaphore(%arg11 : memref<!tpu.dma_semaphore, #tpu.memory_space<semaphore_mem>>)
    %dma_wait3A_31 = arith.constant 1 : i32
    %dma_wait3A_32 = arith.constant 0 : i32
    %dma_wait3A_33 = tpu.memref_slice %arg8[%dma_wait3A_31, %dma_wait3A_32] : memref<4x128xi32, #tpu.memory_space<vmem>> -> memref<1x128xi32, #tpu.memory_space<vmem>>
    %dma_wait3A_34 = tpu.memref_squeeze %dma_wait3A_33 : memref<1x128xi32, #tpu.memory_space<vmem>> -> memref<128xi32, #tpu.memory_space<vmem>>
    %dma_wait3A_35 = arith.constant 0 : i32
    %dma_wait3A_36 = arith.constant 0 : i32
    %dma_wait3A_37 = tpu.memref_slice %arg2[%dma_wait3A_35, %dma_wait3A_36] : memref<619x128xf32, #tpu.memory_space<hbm>> -> memref<619x128xf32, #tpu.memory_space<hbm>>
    tpu.wait_indirect_dma semaphore(%arg12 : memref<!tpu.dma_semaphore, #tpu.memory_space<semaphore_mem>>) src(%dma_wait3A_37 : memref<619x128xf32, #tpu.memory_space<hbm>>) dst(%arg10 : memref<128x128xf32, #tpu.memory_space<vmem>>)
    %add3A_38 = arith.constant 128 : i32
    %add3A_39 = arith.addi %mul3A_2, %add3A_38 : i32
    "tpu.region"() ({
      %run_scoped3A = tpu.sem_alloc : memref<!tpu.dma_semaphore, #tpu.memory_space<semaphore_mem>>
      %dma_start3A_129 = arith.constant 0 : i32
      %dma_start3A_130 = tpu.memref_slice %arg6[%add3A_39, %dma_start3A_129] : memref<16384x128xf32, #tpu.memory_space<hbm>> -> memref<128x128xf32, #tpu.memory_space<hbm>>
      %dma_start3A_131 = arith.constant 0 : i32
      %dma_start3A_132 = tpu.memref_slice %arg6[%add3A_39, %dma_start3A_131] : memref<16384x128xf32, #tpu.memory_space<hbm>> -> memref<128x128xf32, #tpu.memory_space<hbm>>
      tpu.enqueue_dma source(%arg10 : memref<128x128xf32, #tpu.memory_space<vmem>>) target(%dma_start3A_132 : memref<128x128xf32, #tpu.memory_space<hbm>>) target_semaphore(%run_scoped3A : memref<!tpu.dma_semaphore, #tpu.memory_space<semaphore_mem>>)
      %dma_wait3A_133 = arith.constant 0 : i32
      %dma_wait3A_134 = tpu.memref_slice %arg6[%add3A_39, %dma_wait3A_133] : memref<16384x128xf32, #tpu.memory_space<hbm>> -> memref<128x128xf32, #tpu.memory_space<hbm>>
      %dma_wait3A_135 = arith.constant 0 : i32
      %dma_wait3A_136 = tpu.memref_slice %arg6[%add3A_39, %dma_wait3A_135] : memref<16384x128xf32, #tpu.memory_space<hbm>> -> memref<128x128xf32, #tpu.memory_space<hbm>>
      tpu.wait_dma2 semaphore(%run_scoped3A : memref<!tpu.dma_semaphore, #tpu.memory_space<semaphore_mem>>) src(%arg10 : memref<128x128xf32, #tpu.memory_space<vmem>>) dst(%dma_wait3A_136 : memref<128x128xf32, #tpu.memory_space<hbm>>)
      tpu.yield
    }) : () -> ()
    %dma_start3A_40 = arith.constant 3 : i32
    %dma_start3A_41 = arith.constant 0 : i32
    %dma_start3A_42 = tpu.memref_slice %arg8[%dma_start3A_40, %dma_start3A_41] : memref<4x128xi32, #tpu.memory_space<vmem>> -> memref<1x128xi32, #tpu.memory_space<vmem>>
    %dma_start3A_43 = tpu.memref_squeeze %dma_start3A_42 : memref<1x128xi32, #tpu.memory_space<vmem>> -> memref<128xi32, #tpu.memory_space<vmem>>
    %dma_start3A_44 = arith.constant 0 : i32
    %dma_start3A_45 = arith.constant 0 : i32
    %dma_start3A_46 = tpu.memref_slice %arg2[%dma_start3A_44, %dma_start3A_45] : memref<619x128xf32, #tpu.memory_space<hbm>> -> memref<619x128xf32, #tpu.memory_space<hbm>>
    tpu.enqueue_indirect_dma source(%dma_start3A_46 : memref<619x128xf32, #tpu.memory_space<hbm>>) target(%arg10 : memref<128x128xf32, #tpu.memory_space<vmem>>) offsets(%dma_start3A_43 : memref<128xi32, #tpu.memory_space<vmem>>) semaphore(%arg12 : memref<!tpu.dma_semaphore, #tpu.memory_space<semaphore_mem>>)
    %dma_wait3A_47 = arith.constant 2 : i32
    %dma_wait3A_48 = arith.constant 0 : i32
    %dma_wait3A_49 = tpu.memref_slice %arg8[%dma_wait3A_47, %dma_wait3A_48] : memref<4x128xi32, #tpu.memory_space<vmem>> -> memref<1x128xi32, #tpu.memory_space<vmem>>
    %dma_wait3A_50 = tpu.memref_squeeze %dma_wait3A_49 : memref<1x128xi32, #tpu.memory_space<vmem>> -> memref<128xi32, #tpu.memory_space<vmem>>
    %dma_wait3A_51 = arith.constant 0 : i32
    %dma_wait3A_52 = arith.constant 0 : i32
    %dma_wait3A_53 = tpu.memref_slice %arg2[%dma_wait3A_51, %dma_wait3A_52] : memref<619x128xf32, #tpu.memory_space<hbm>> -> memref<619x128xf32, #tpu.memory_space<hbm>>
    tpu.wait_indirect_dma semaphore(%arg11 : memref<!tpu.dma_semaphore, #tpu.memory_space<semaphore_mem>>) src(%dma_wait3A_53 : memref<619x128xf32, #tpu.memory_space<hbm>>) dst(%arg9 : memref<128x128xf32, #tpu.memory_space<vmem>>)
    %add3A_54 = arith.constant 256 : i32
    %add3A_55 = arith.addi %mul3A_2, %add3A_54 : i32
    "tpu.region"() ({
      %run_scoped3A = tpu.sem_alloc : memref<!tpu.dma_semaphore, #tpu.memory_space<semaphore_mem>>
      %dma_start3A_129 = arith.constant 0 : i32
      %dma_start3A_130 = tpu.memref_slice %arg6[%add3A_55, %dma_start3A_129] : memref<16384x128xf32, #tpu.memory_space<hbm>> -> memref<128x128xf32, #tpu.memory_space<hbm>>
      %dma_start3A_131 = arith.constant 0 : i32
      %dma_start3A_132 = tpu.memref_slice %arg6[%add3A_55, %dma_start3A_131] : memref<16384x128xf32, #tpu.memory_space<hbm>> -> memref<128x128xf32, #tpu.memory_space<hbm>>
      tpu.enqueue_dma source(%arg9 : memref<128x128xf32, #tpu.memory_space<vmem>>) target(%dma_start3A_132 : memref<128x128xf32, #tpu.memory_space<hbm>>) target_semaphore(%run_scoped3A : memref<!tpu.dma_semaphore, #tpu.memory_space<semaphore_mem>>)
      %dma_wait3A_133 = arith.constant 0 : i32
      %dma_wait3A_134 = tpu.memref_slice %arg6[%add3A_55, %dma_wait3A_133] : memref<16384x128xf32, #tpu.memory_space<hbm>> -> memref<128x128xf32, #tpu.memory_space<hbm>>
      %dma_wait3A_135 = arith.constant 0 : i32
      %dma_wait3A_136 = tpu.memref_slice %arg6[%add3A_55, %dma_wait3A_135] : memref<16384x128xf32, #tpu.memory_space<hbm>> -> memref<128x128xf32, #tpu.memory_space<hbm>>
      tpu.wait_dma2 semaphore(%run_scoped3A : memref<!tpu.dma_semaphore, #tpu.memory_space<semaphore_mem>>) src(%arg9 : memref<128x128xf32, #tpu.memory_space<vmem>>) dst(%dma_wait3A_136 : memref<128x128xf32, #tpu.memory_space<hbm>>)
      tpu.yield
    }) : () -> ()
    %dma_wait3A_56 = arith.constant 3 : i32
    %dma_wait3A_57 = arith.constant 0 : i32
    %dma_wait3A_58 = tpu.memref_slice %arg8[%dma_wait3A_56, %dma_wait3A_57] : memref<4x128xi32, #tpu.memory_space<vmem>> -> memref<1x128xi32, #tpu.memory_space<vmem>>
    %dma_wait3A_59 = tpu.memref_squeeze %dma_wait3A_58 : memref<1x128xi32, #tpu.memory_space<vmem>> -> memref<128xi32, #tpu.memory_space<vmem>>
    %dma_wait3A_60 = arith.constant 0 : i32
    %dma_wait3A_61 = arith.constant 0 : i32
    %dma_wait3A_62 = tpu.memref_slice %arg2[%dma_wait3A_60, %dma_wait3A_61] : memref<619x128xf32, #tpu.memory_space<hbm>> -> memref<619x128xf32, #tpu.memory_space<hbm>>
    tpu.wait_indirect_dma semaphore(%arg12 : memref<!tpu.dma_semaphore, #tpu.memory_space<semaphore_mem>>) src(%dma_wait3A_62 : memref<619x128xf32, #tpu.memory_space<hbm>>) dst(%arg10 : memref<128x128xf32, #tpu.memory_space<vmem>>)
    %add3A_63 = arith.constant 384 : i32
    %add3A_64 = arith.addi %mul3A_2, %add3A_63 : i32
    "tpu.region"() ({
      %run_scoped3A = tpu.sem_alloc : memref<!tpu.dma_semaphore, #tpu.memory_space<semaphore_mem>>
      %dma_start3A_129 = arith.constant 0 : i32
      %dma_start3A_130 = tpu.memref_slice %arg6[%add3A_64, %dma_start3A_129] : memref<16384x128xf32, #tpu.memory_space<hbm>> -> memref<128x128xf32, #tpu.memory_space<hbm>>
      %dma_start3A_131 = arith.constant 0 : i32
      %dma_start3A_132 = tpu.memref_slice %arg6[%add3A_64, %dma_start3A_131] : memref<16384x128xf32, #tpu.memory_space<hbm>> -> memref<128x128xf32, #tpu.memory_space<hbm>>
      tpu.enqueue_dma source(%arg10 : memref<128x128xf32, #tpu.memory_space<vmem>>) target(%dma_start3A_132 : memref<128x128xf32, #tpu.memory_space<hbm>>) target_semaphore(%run_scoped3A : memref<!tpu.dma_semaphore, #tpu.memory_space<semaphore_mem>>)
      %dma_wait3A_133 = arith.constant 0 : i32
      %dma_wait3A_134 = tpu.memref_slice %arg6[%add3A_64, %dma_wait3A_133] : memref<16384x128xf32, #tpu.memory_space<hbm>> -> memref<128x128xf32, #tpu.memory_space<hbm>>
      %dma_wait3A_135 = arith.constant 0 : i32
      %dma_wait3A_136 = tpu.memref_slice %arg6[%add3A_64, %dma_wait3A_135] : memref<16384x128xf32, #tpu.memory_space<hbm>> -> memref<128x128xf32, #tpu.memory_space<hbm>>
      tpu.wait_dma2 semaphore(%run_scoped3A : memref<!tpu.dma_semaphore, #tpu.memory_space<semaphore_mem>>) src(%arg10 : memref<128x128xf32, #tpu.memory_space<vmem>>) dst(%dma_wait3A_136 : memref<128x128xf32, #tpu.memory_space<hbm>>)
      tpu.yield
    }) : () -> ()
    "tpu.region"() ({
      %run_scoped3A = tpu.sem_alloc : memref<!tpu.dma_semaphore, #tpu.memory_space<semaphore_mem>>
      %dma_start3A_129 = arith.constant 0 : i32
      %dma_start3A_130 = arith.constant 0 : i32
      %dma_start3A_131 = tpu.memref_slice %arg5[%add3A, %dma_start3A_129, %dma_start3A_130] : memref<32x4x128xi32, #tpu.memory_space<hbm>> -> memref<1x4x128xi32, #tpu.memory_space<hbm>>
      %dma_start3A_132 = tpu.memref_squeeze %dma_start3A_131 : memref<1x4x128xi32, #tpu.memory_space<hbm>> -> memref<4x128xi32, #tpu.memory_space<hbm>>
      %dma_start3A_133 = arith.constant 0 : i32
      %dma_start3A_134 = arith.constant 0 : i32
      %dma_start3A_135 = tpu.memref_slice %arg5[%add3A, %dma_start3A_133, %dma_start3A_134] : memref<32x4x128xi32, #tpu.memory_space<hbm>> -> memref<1x4x128xi32, #tpu.memory_space<hbm>>
      %dma_start3A_136 = tpu.memref_squeeze %dma_start3A_135 : memref<1x4x128xi32, #tpu.memory_space<hbm>> -> memref<4x128xi32, #tpu.memory_space<hbm>>
      tpu.enqueue_dma source(%dma_start3A_136 : memref<4x128xi32, #tpu.memory_space<hbm>>) target(%arg8 : memref<4x128xi32, #tpu.memory_space<vmem>>) target_semaphore(%run_scoped3A : memref<!tpu.dma_semaphore, #tpu.memory_space<semaphore_mem>>)
      %dma_wait3A_137 = arith.constant 0 : i32
      %dma_wait3A_138 = arith.constant 0 : i32
      %dma_wait3A_139 = tpu.memref_slice %arg5[%add3A, %dma_wait3A_137, %dma_wait3A_138] : memref<32x4x128xi32, #tpu.memory_space<hbm>> -> memref<1x4x128xi32, #tpu.memory_space<hbm>>
      %dma_wait3A_140 = tpu.memref_squeeze %dma_wait3A_139 : memref<1x4x128xi32, #tpu.memory_space<hbm>> -> memref<4x128xi32, #tpu.memory_space<hbm>>
      %dma_wait3A_141 = arith.constant 0 : i32
      %dma_wait3A_142 = arith.constant 0 : i32
      %dma_wait3A_143 = tpu.memref_slice %arg5[%add3A, %dma_wait3A_141, %dma_wait3A_142] : memref<32x4x128xi32, #tpu.memory_space<hbm>> -> memref<1x4x128xi32, #tpu.memory_space<hbm>>
      %dma_wait3A_144 = tpu.memref_squeeze %dma_wait3A_143 : memref<1x4x128xi32, #tpu.memory_space<hbm>> -> memref<4x128xi32, #tpu.memory_space<hbm>>
      tpu.wait_dma2 semaphore(%run_scoped3A : memref<!tpu.dma_semaphore, #tpu.memory_space<semaphore_mem>>) src(%dma_wait3A_144 : memref<4x128xi32, #tpu.memory_space<hbm>>) dst(%arg8 : memref<4x128xi32, #tpu.memory_space<vmem>>)
      tpu.yield
    }) : () -> ()
    %dma_start3A_65 = arith.constant 0 : i32
    %dma_start3A_66 = arith.constant 0 : i32
    %dma_start3A_67 = tpu.memref_slice %arg8[%dma_start3A_65, %dma_start3A_66] : memref<4x128xi32, #tpu.memory_space<vmem>> -> memref<1x128xi32, #tpu.memory_space<vmem>>
    %dma_start3A_68 = tpu.memref_squeeze %dma_start3A_67 : memref<1x128xi32, #tpu.memory_space<vmem>> -> memref<128xi32, #tpu.memory_space<vmem>>
    %dma_start3A_69 = arith.constant 0 : i32
    %dma_start3A_70 = arith.constant 0 : i32
    %dma_start3A_71 = tpu.memref_slice %arg3[%dma_start3A_69, %dma_start3A_70] : memref<3833x128xf32, #tpu.memory_space<hbm>> -> memref<3833x128xf32, #tpu.memory_space<hbm>>
    tpu.enqueue_indirect_dma source(%dma_start3A_71 : memref<3833x128xf32, #tpu.memory_space<hbm>>) target(%arg9 : memref<128x128xf32, #tpu.memory_space<vmem>>) offsets(%dma_start3A_68 : memref<128xi32, #tpu.memory_space<vmem>>) semaphore(%arg11 : memref<!tpu.dma_semaphore, #tpu.memory_space<semaphore_mem>>)
    %dma_start3A_72 = arith.constant 1 : i32
    %dma_start3A_73 = arith.constant 0 : i32
    %dma_start3A_74 = tpu.memref_slice %arg8[%dma_start3A_72, %dma_start3A_73] : memref<4x128xi32, #tpu.memory_space<vmem>> -> memref<1x128xi32, #tpu.memory_space<vmem>>
    %dma_start3A_75 = tpu.memref_squeeze %dma_start3A_74 : memref<1x128xi32, #tpu.memory_space<vmem>> -> memref<128xi32, #tpu.memory_space<vmem>>
    %dma_start3A_76 = arith.constant 0 : i32
    %dma_start3A_77 = arith.constant 0 : i32
    %dma_start3A_78 = tpu.memref_slice %arg3[%dma_start3A_76, %dma_start3A_77] : memref<3833x128xf32, #tpu.memory_space<hbm>> -> memref<3833x128xf32, #tpu.memory_space<hbm>>
    tpu.enqueue_indirect_dma source(%dma_start3A_78 : memref<3833x128xf32, #tpu.memory_space<hbm>>) target(%arg10 : memref<128x128xf32, #tpu.memory_space<vmem>>) offsets(%dma_start3A_75 : memref<128xi32, #tpu.memory_space<vmem>>) semaphore(%arg12 : memref<!tpu.dma_semaphore, #tpu.memory_space<semaphore_mem>>)
    %dma_wait3A_79 = arith.constant 0 : i32
    %dma_wait3A_80 = arith.constant 0 : i32
    %dma_wait3A_81 = tpu.memref_slice %arg8[%dma_wait3A_79, %dma_wait3A_80] : memref<4x128xi32, #tpu.memory_space<vmem>> -> memref<1x128xi32, #tpu.memory_space<vmem>>
    %dma_wait3A_82 = tpu.memref_squeeze %dma_wait3A_81 : memref<1x128xi32, #tpu.memory_space<vmem>> -> memref<128xi32, #tpu.memory_space<vmem>>
    %dma_wait3A_83 = arith.constant 0 : i32
    %dma_wait3A_84 = arith.constant 0 : i32
    %dma_wait3A_85 = tpu.memref_slice %arg3[%dma_wait3A_83, %dma_wait3A_84] : memref<3833x128xf32, #tpu.memory_space<hbm>> -> memref<3833x128xf32, #tpu.memory_space<hbm>>
    tpu.wait_indirect_dma semaphore(%arg11 : memref<!tpu.dma_semaphore, #tpu.memory_space<semaphore_mem>>) src(%dma_wait3A_85 : memref<3833x128xf32, #tpu.memory_space<hbm>>) dst(%arg9 : memref<128x128xf32, #tpu.memory_space<vmem>>)
    %add3A_86 = arith.constant 0 : i32
    %add3A_87 = arith.addi %mul3A_2, %add3A_86 : i32
    "tpu.region"() ({
      %run_scoped3A = tpu.sem_alloc : memref<!tpu.dma_semaphore, #tpu.memory_space<semaphore_mem>>
      %dma_start3A_129 = arith.constant 0 : i32
      %dma_start3A_130 = tpu.memref_slice %arg7[%add3A_87, %dma_start3A_129] : memref<16384x128xf32, #tpu.memory_space<hbm>> -> memref<128x128xf32, #tpu.memory_space<hbm>>
      %dma_start3A_131 = arith.constant 0 : i32
      %dma_start3A_132 = tpu.memref_slice %arg7[%add3A_87, %dma_start3A_131] : memref<16384x128xf32, #tpu.memory_space<hbm>> -> memref<128x128xf32, #tpu.memory_space<hbm>>
      tpu.enqueue_dma source(%arg9 : memref<128x128xf32, #tpu.memory_space<vmem>>) target(%dma_start3A_132 : memref<128x128xf32, #tpu.memory_space<hbm>>) target_semaphore(%run_scoped3A : memref<!tpu.dma_semaphore, #tpu.memory_space<semaphore_mem>>)
      %dma_wait3A_133 = arith.constant 0 : i32
      %dma_wait3A_134 = tpu.memref_slice %arg7[%add3A_87, %dma_wait3A_133] : memref<16384x128xf32, #tpu.memory_space<hbm>> -> memref<128x128xf32, #tpu.memory_space<hbm>>
      %dma_wait3A_135 = arith.constant 0 : i32
      %dma_wait3A_136 = tpu.memref_slice %arg7[%add3A_87, %dma_wait3A_135] : memref<16384x128xf32, #tpu.memory_space<hbm>> -> memref<128x128xf32, #tpu.memory_space<hbm>>
      tpu.wait_dma2 semaphore(%run_scoped3A : memref<!tpu.dma_semaphore, #tpu.memory_space<semaphore_mem>>) src(%arg9 : memref<128x128xf32, #tpu.memory_space<vmem>>) dst(%dma_wait3A_136 : memref<128x128xf32, #tpu.memory_space<hbm>>)
      tpu.yield
    }) : () -> ()
    %dma_start3A_88 = arith.constant 2 : i32
    %dma_start3A_89 = arith.constant 0 : i32
    %dma_start3A_90 = tpu.memref_slice %arg8[%dma_start3A_88, %dma_start3A_89] : memref<4x128xi32, #tpu.memory_space<vmem>> -> memref<1x128xi32, #tpu.memory_space<vmem>>
    %dma_start3A_91 = tpu.memref_squeeze %dma_start3A_90 : memref<1x128xi32, #tpu.memory_space<vmem>> -> memref<128xi32, #tpu.memory_space<vmem>>
    %dma_start3A_92 = arith.constant 0 : i32
    %dma_start3A_93 = arith.constant 0 : i32
    %dma_start3A_94 = tpu.memref_slice %arg3[%dma_start3A_92, %dma_start3A_93] : memref<3833x128xf32, #tpu.memory_space<hbm>> -> memref<3833x128xf32, #tpu.memory_space<hbm>>
    tpu.enqueue_indirect_dma source(%dma_start3A_94 : memref<3833x128xf32, #tpu.memory_space<hbm>>) target(%arg9 : memref<128x128xf32, #tpu.memory_space<vmem>>) offsets(%dma_start3A_91 : memref<128xi32, #tpu.memory_space<vmem>>) semaphore(%arg11 : memref<!tpu.dma_semaphore, #tpu.memory_space<semaphore_mem>>)
    %dma_wait3A_95 = arith.constant 1 : i32
    %dma_wait3A_96 = arith.constant 0 : i32
    %dma_wait3A_97 = tpu.memref_slice %arg8[%dma_wait3A_95, %dma_wait3A_96] : memref<4x128xi32, #tpu.memory_space<vmem>> -> memref<1x128xi32, #tpu.memory_space<vmem>>
    %dma_wait3A_98 = tpu.memref_squeeze %dma_wait3A_97 : memref<1x128xi32, #tpu.memory_space<vmem>> -> memref<128xi32, #tpu.memory_space<vmem>>
    %dma_wait3A_99 = arith.constant 0 : i32
    %dma_wait3A_100 = arith.constant 0 : i32
    %dma_wait3A_101 = tpu.memref_slice %arg3[%dma_wait3A_99, %dma_wait3A_100] : memref<3833x128xf32, #tpu.memory_space<hbm>> -> memref<3833x128xf32, #tpu.memory_space<hbm>>
    tpu.wait_indirect_dma semaphore(%arg12 : memref<!tpu.dma_semaphore, #tpu.memory_space<semaphore_mem>>) src(%dma_wait3A_101 : memref<3833x128xf32, #tpu.memory_space<hbm>>) dst(%arg10 : memref<128x128xf32, #tpu.memory_space<vmem>>)
    %add3A_102 = arith.constant 128 : i32
    %add3A_103 = arith.addi %mul3A_2, %add3A_102 : i32
    "tpu.region"() ({
      %run_scoped3A = tpu.sem_alloc : memref<!tpu.dma_semaphore, #tpu.memory_space<semaphore_mem>>
      %dma_start3A_129 = arith.constant 0 : i32
      %dma_start3A_130 = tpu.memref_slice %arg7[%add3A_103, %dma_start3A_129] : memref<16384x128xf32, #tpu.memory_space<hbm>> -> memref<128x128xf32, #tpu.memory_space<hbm>>
      %dma_start3A_131 = arith.constant 0 : i32
      %dma_start3A_132 = tpu.memref_slice %arg7[%add3A_103, %dma_start3A_131] : memref<16384x128xf32, #tpu.memory_space<hbm>> -> memref<128x128xf32, #tpu.memory_space<hbm>>
      tpu.enqueue_dma source(%arg10 : memref<128x128xf32, #tpu.memory_space<vmem>>) target(%dma_start3A_132 : memref<128x128xf32, #tpu.memory_space<hbm>>) target_semaphore(%run_scoped3A : memref<!tpu.dma_semaphore, #tpu.memory_space<semaphore_mem>>)
      %dma_wait3A_133 = arith.constant 0 : i32
      %dma_wait3A_134 = tpu.memref_slice %arg7[%add3A_103, %dma_wait3A_133] : memref<16384x128xf32, #tpu.memory_space<hbm>> -> memref<128x128xf32, #tpu.memory_space<hbm>>
      %dma_wait3A_135 = arith.constant 0 : i32
      %dma_wait3A_136 = tpu.memref_slice %arg7[%add3A_103, %dma_wait3A_135] : memref<16384x128xf32, #tpu.memory_space<hbm>> -> memref<128x128xf32, #tpu.memory_space<hbm>>
      tpu.wait_dma2 semaphore(%run_scoped3A : memref<!tpu.dma_semaphore, #tpu.memory_space<semaphore_mem>>) src(%arg10 : memref<128x128xf32, #tpu.memory_space<vmem>>) dst(%dma_wait3A_136 : memref<128x128xf32, #tpu.memory_space<hbm>>)
      tpu.yield
    }) : () -> ()
    %dma_start3A_104 = arith.constant 3 : i32
    %dma_start3A_105 = arith.constant 0 : i32
    %dma_start3A_106 = tpu.memref_slice %arg8[%dma_start3A_104, %dma_start3A_105] : memref<4x128xi32, #tpu.memory_space<vmem>> -> memref<1x128xi32, #tpu.memory_space<vmem>>
    %dma_start3A_107 = tpu.memref_squeeze %dma_start3A_106 : memref<1x128xi32, #tpu.memory_space<vmem>> -> memref<128xi32, #tpu.memory_space<vmem>>
    %dma_start3A_108 = arith.constant 0 : i32
    %dma_start3A_109 = arith.constant 0 : i32
    %dma_start3A_110 = tpu.memref_slice %arg3[%dma_start3A_108, %dma_start3A_109] : memref<3833x128xf32, #tpu.memory_space<hbm>> -> memref<3833x128xf32, #tpu.memory_space<hbm>>
    tpu.enqueue_indirect_dma source(%dma_start3A_110 : memref<3833x128xf32, #tpu.memory_space<hbm>>) target(%arg10 : memref<128x128xf32, #tpu.memory_space<vmem>>) offsets(%dma_start3A_107 : memref<128xi32, #tpu.memory_space<vmem>>) semaphore(%arg12 : memref<!tpu.dma_semaphore, #tpu.memory_space<semaphore_mem>>)
    %dma_wait3A_111 = arith.constant 2 : i32
    %dma_wait3A_112 = arith.constant 0 : i32
    %dma_wait3A_113 = tpu.memref_slice %arg8[%dma_wait3A_111, %dma_wait3A_112] : memref<4x128xi32, #tpu.memory_space<vmem>> -> memref<1x128xi32, #tpu.memory_space<vmem>>
    %dma_wait3A_114 = tpu.memref_squeeze %dma_wait3A_113 : memref<1x128xi32, #tpu.memory_space<vmem>> -> memref<128xi32, #tpu.memory_space<vmem>>
    %dma_wait3A_115 = arith.constant 0 : i32
    %dma_wait3A_116 = arith.constant 0 : i32
    %dma_wait3A_117 = tpu.memref_slice %arg3[%dma_wait3A_115, %dma_wait3A_116] : memref<3833x128xf32, #tpu.memory_space<hbm>> -> memref<3833x128xf32, #tpu.memory_space<hbm>>
    tpu.wait_indirect_dma semaphore(%arg11 : memref<!tpu.dma_semaphore, #tpu.memory_space<semaphore_mem>>) src(%dma_wait3A_117 : memref<3833x128xf32, #tpu.memory_space<hbm>>) dst(%arg9 : memref<128x128xf32, #tpu.memory_space<vmem>>)
    %add3A_118 = arith.constant 256 : i32
    %add3A_119 = arith.addi %mul3A_2, %add3A_118 : i32
    "tpu.region"() ({
      %run_scoped3A = tpu.sem_alloc : memref<!tpu.dma_semaphore, #tpu.memory_space<semaphore_mem>>
      %dma_start3A_129 = arith.constant 0 : i32
      %dma_start3A_130 = tpu.memref_slice %arg7[%add3A_119, %dma_start3A_129] : memref<16384x128xf32, #tpu.memory_space<hbm>> -> memref<128x128xf32, #tpu.memory_space<hbm>>
      %dma_start3A_131 = arith.constant 0 : i32
      %dma_start3A_132 = tpu.memref_slice %arg7[%add3A_119, %dma_start3A_131] : memref<16384x128xf32, #tpu.memory_space<hbm>> -> memref<128x128xf32, #tpu.memory_space<hbm>>
      tpu.enqueue_dma source(%arg9 : memref<128x128xf32, #tpu.memory_space<vmem>>) target(%dma_start3A_132 : memref<128x128xf32, #tpu.memory_space<hbm>>) target_semaphore(%run_scoped3A : memref<!tpu.dma_semaphore, #tpu.memory_space<semaphore_mem>>)
      %dma_wait3A_133 = arith.constant 0 : i32
      %dma_wait3A_134 = tpu.memref_slice %arg7[%add3A_119, %dma_wait3A_133] : memref<16384x128xf32, #tpu.memory_space<hbm>> -> memref<128x128xf32, #tpu.memory_space<hbm>>
      %dma_wait3A_135 = arith.constant 0 : i32
      %dma_wait3A_136 = tpu.memref_slice %arg7[%add3A_119, %dma_wait3A_135] : memref<16384x128xf32, #tpu.memory_space<hbm>> -> memref<128x128xf32, #tpu.memory_space<hbm>>
      tpu.wait_dma2 semaphore(%run_scoped3A : memref<!tpu.dma_semaphore, #tpu.memory_space<semaphore_mem>>) src(%arg9 : memref<128x128xf32, #tpu.memory_space<vmem>>) dst(%dma_wait3A_136 : memref<128x128xf32, #tpu.memory_space<hbm>>)
      tpu.yield
    }) : () -> ()
    %dma_wait3A_120 = arith.constant 3 : i32
    %dma_wait3A_121 = arith.constant 0 : i32
    %dma_wait3A_122 = tpu.memref_slice %arg8[%dma_wait3A_120, %dma_wait3A_121] : memref<4x128xi32, #tpu.memory_space<vmem>> -> memref<1x128xi32, #tpu.memory_space<vmem>>
    %dma_wait3A_123 = tpu.memref_squeeze %dma_wait3A_122 : memref<1x128xi32, #tpu.memory_space<vmem>> -> memref<128xi32, #tpu.memory_space<vmem>>
    %dma_wait3A_124 = arith.constant 0 : i32
    %dma_wait3A_125 = arith.constant 0 : i32
    %dma_wait3A_126 = tpu.memref_slice %arg3[%dma_wait3A_124, %dma_wait3A_125] : memref<3833x128xf32, #tpu.memory_space<hbm>> -> memref<3833x128xf32, #tpu.memory_space<hbm>>
    tpu.wait_indirect_dma semaphore(%arg12 : memref<!tpu.dma_semaphore, #tpu.memory_space<semaphore_mem>>) src(%dma_wait3A_126 : memref<3833x128xf32, #tpu.memory_space<hbm>>) dst(%arg10 : memref<128x128xf32, #tpu.memory_space<vmem>>)
    %add3A_127 = arith.constant 384 : i32
    %add3A_128 = arith.addi %mul3A_2, %add3A_127 : i32
    "tpu.region"() ({
      %run_scoped3A = tpu.sem_alloc : memref<!tpu.dma_semaphore, #tpu.memory_space<semaphore_mem>>
      %dma_start3A_129 = arith.constant 0 : i32
      %dma_start3A_130 = tpu.memref_slice %arg7[%add3A_128, %dma_start3A_129] : memref<16384x128xf32, #tpu.memory_space<hbm>> -> memref<128x128xf32, #tpu.memory_space<hbm>>
      %dma_start3A_131 = arith.constant 0 : i32
      %dma_start3A_132 = tpu.memref_slice %arg7[%add3A_128, %dma_start3A_131] : memref<16384x128xf32, #tpu.memory_space<hbm>> -> memref<128x128xf32, #tpu.memory_space<hbm>>
      tpu.enqueue_dma source(%arg10 : memref<128x128xf32, #tpu.memory_space<vmem>>) target(%dma_start3A_132 : memref<128x128xf32, #tpu.memory_space<hbm>>) target_semaphore(%run_scoped3A : memref<!tpu.dma_semaphore, #tpu.memory_space<semaphore_mem>>)
      %dma_wait3A_133 = arith.constant 0 : i32
      %dma_wait3A_134 = tpu.memref_slice %arg7[%add3A_128, %dma_wait3A_133] : memref<16384x128xf32, #tpu.memory_space<hbm>> -> memref<128x128xf32, #tpu.memory_space<hbm>>
      %dma_wait3A_135 = arith.constant 0 : i32
      %dma_wait3A_136 = tpu.memref_slice %arg7[%add3A_128, %dma_wait3A_135] : memref<16384x128xf32, #tpu.memory_space<hbm>> -> memref<128x128xf32, #tpu.memory_space<hbm>>
      tpu.wait_dma2 semaphore(%run_scoped3A : memref<!tpu.dma_semaphore, #tpu.memory_space<semaphore_mem>>) src(%arg10 : memref<128x128xf32, #tpu.memory_space<vmem>>) dst(%dma_wait3A_136 : memref<128x128xf32, #tpu.memory_space<hbm>>)
      tpu.yield
    }) : () -> ()
    return
  }
}

#map = affine_map<(d0, d1) -> (0, 0)>
#map1 = affine_map<(d0, d1) -> (0, 0, 0)>
module attributes {stable_mosaic.version = 14 : i64} {
  func.func @k(%arg0: i32, %arg1: i32, %arg2: memref<15419x1024xf32, #tpu.memory_space<hbm>>, %arg3: memref<32x4x32xi32, #tpu.memory_space<hbm>>, %arg4: memref<4096x1024xf32, #tpu.memory_space<hbm>>, %arg5: memref<4x32xi32, #tpu.memory_space<vmem>>, %arg6: memref<32x1024xf32, #tpu.memory_space<vmem>>, %arg7: memref<32x1024xf32, #tpu.memory_space<vmem>>, %arg8: memref<!tpu.dma_semaphore, #tpu.memory_space<semaphore_mem>>, %arg9: memref<!tpu.dma_semaphore, #tpu.memory_space<semaphore_mem>>) attributes {dimension_semantics = [#tpu.dimension_semantics<core_parallel>, #tpu.dimension_semantics<subcore_parallel>], iteration_bounds = array<i64: 2, 16>, scalar_prefetch = 0 : i64, scratch_operands = 5 : i64, tpu.core_type = #tpu.core_type<sc_vector_subcore>, window_params = [{transform_indices = #map}, {transform_indices = #map1}, {transform_indices = #map}]} {
    %mul3A = arith.constant 2 : i32
    %mul3A_0 = arith.muli %arg1, %mul3A : i32
    %add3A = arith.addi %mul3A_0, %arg0 : i32
    %mul3A_1 = arith.constant 128 : i32
    %mul3A_2 = arith.muli %add3A, %mul3A_1 : i32
    "tpu.region"() ({
      %run_scoped3A = tpu.sem_alloc : memref<!tpu.dma_semaphore, #tpu.memory_space<semaphore_mem>>
      %dma_start3A_65 = arith.constant 0 : i32
      %dma_start3A_66 = arith.constant 0 : i32
      %dma_start3A_67 = tpu.memref_slice %arg3[%add3A, %dma_start3A_65, %dma_start3A_66] : memref<32x4x32xi32, #tpu.memory_space<hbm>> -> memref<1x4x32xi32, #tpu.memory_space<hbm>>
      %dma_start3A_68 = tpu.memref_squeeze %dma_start3A_67 : memref<1x4x32xi32, #tpu.memory_space<hbm>> -> memref<4x32xi32, #tpu.memory_space<hbm>>
      %dma_start3A_69 = arith.constant 0 : i32
      %dma_start3A_70 = arith.constant 0 : i32
      %dma_start3A_71 = tpu.memref_slice %arg3[%add3A, %dma_start3A_69, %dma_start3A_70] : memref<32x4x32xi32, #tpu.memory_space<hbm>> -> memref<1x4x32xi32, #tpu.memory_space<hbm>>
      %dma_start3A_72 = tpu.memref_squeeze %dma_start3A_71 : memref<1x4x32xi32, #tpu.memory_space<hbm>> -> memref<4x32xi32, #tpu.memory_space<hbm>>
      tpu.enqueue_dma source(%dma_start3A_72 : memref<4x32xi32, #tpu.memory_space<hbm>>) target(%arg5 : memref<4x32xi32, #tpu.memory_space<vmem>>) target_semaphore(%run_scoped3A : memref<!tpu.dma_semaphore, #tpu.memory_space<semaphore_mem>>)
      %dma_wait3A_73 = arith.constant 0 : i32
      %dma_wait3A_74 = arith.constant 0 : i32
      %dma_wait3A_75 = tpu.memref_slice %arg3[%add3A, %dma_wait3A_73, %dma_wait3A_74] : memref<32x4x32xi32, #tpu.memory_space<hbm>> -> memref<1x4x32xi32, #tpu.memory_space<hbm>>
      %dma_wait3A_76 = tpu.memref_squeeze %dma_wait3A_75 : memref<1x4x32xi32, #tpu.memory_space<hbm>> -> memref<4x32xi32, #tpu.memory_space<hbm>>
      %dma_wait3A_77 = arith.constant 0 : i32
      %dma_wait3A_78 = arith.constant 0 : i32
      %dma_wait3A_79 = tpu.memref_slice %arg3[%add3A, %dma_wait3A_77, %dma_wait3A_78] : memref<32x4x32xi32, #tpu.memory_space<hbm>> -> memref<1x4x32xi32, #tpu.memory_space<hbm>>
      %dma_wait3A_80 = tpu.memref_squeeze %dma_wait3A_79 : memref<1x4x32xi32, #tpu.memory_space<hbm>> -> memref<4x32xi32, #tpu.memory_space<hbm>>
      tpu.wait_dma2 semaphore(%run_scoped3A : memref<!tpu.dma_semaphore, #tpu.memory_space<semaphore_mem>>) src(%dma_wait3A_80 : memref<4x32xi32, #tpu.memory_space<hbm>>) dst(%arg5 : memref<4x32xi32, #tpu.memory_space<vmem>>)
      tpu.yield
    }) : () -> ()
    %dma_start3A = arith.constant 0 : i32
    %dma_start3A_3 = arith.constant 0 : i32
    %dma_start3A_4 = tpu.memref_slice %arg5[%dma_start3A, %dma_start3A_3] : memref<4x32xi32, #tpu.memory_space<vmem>> -> memref<1x32xi32, #tpu.memory_space<vmem>>
    %dma_start3A_5 = tpu.memref_squeeze %dma_start3A_4 : memref<1x32xi32, #tpu.memory_space<vmem>> -> memref<32xi32, #tpu.memory_space<vmem>>
    %dma_start3A_6 = arith.constant 0 : i32
    %dma_start3A_7 = arith.constant 0 : i32
    %dma_start3A_8 = tpu.memref_slice %arg2[%dma_start3A_6, %dma_start3A_7] : memref<15419x1024xf32, #tpu.memory_space<hbm>> -> memref<15419x1024xf32, #tpu.memory_space<hbm>>
    tpu.enqueue_indirect_dma source(%dma_start3A_8 : memref<15419x1024xf32, #tpu.memory_space<hbm>>) target(%arg6 : memref<32x1024xf32, #tpu.memory_space<vmem>>) offsets(%dma_start3A_5 : memref<32xi32, #tpu.memory_space<vmem>>) semaphore(%arg8 : memref<!tpu.dma_semaphore, #tpu.memory_space<semaphore_mem>>)
    %dma_start3A_9 = arith.constant 1 : i32
    %dma_start3A_10 = arith.constant 0 : i32
    %dma_start3A_11 = tpu.memref_slice %arg5[%dma_start3A_9, %dma_start3A_10] : memref<4x32xi32, #tpu.memory_space<vmem>> -> memref<1x32xi32, #tpu.memory_space<vmem>>
    %dma_start3A_12 = tpu.memref_squeeze %dma_start3A_11 : memref<1x32xi32, #tpu.memory_space<vmem>> -> memref<32xi32, #tpu.memory_space<vmem>>
    %dma_start3A_13 = arith.constant 0 : i32
    %dma_start3A_14 = arith.constant 0 : i32
    %dma_start3A_15 = tpu.memref_slice %arg2[%dma_start3A_13, %dma_start3A_14] : memref<15419x1024xf32, #tpu.memory_space<hbm>> -> memref<15419x1024xf32, #tpu.memory_space<hbm>>
    tpu.enqueue_indirect_dma source(%dma_start3A_15 : memref<15419x1024xf32, #tpu.memory_space<hbm>>) target(%arg7 : memref<32x1024xf32, #tpu.memory_space<vmem>>) offsets(%dma_start3A_12 : memref<32xi32, #tpu.memory_space<vmem>>) semaphore(%arg9 : memref<!tpu.dma_semaphore, #tpu.memory_space<semaphore_mem>>)
    %dma_wait3A = arith.constant 0 : i32
    %dma_wait3A_16 = arith.constant 0 : i32
    %dma_wait3A_17 = tpu.memref_slice %arg5[%dma_wait3A, %dma_wait3A_16] : memref<4x32xi32, #tpu.memory_space<vmem>> -> memref<1x32xi32, #tpu.memory_space<vmem>>
    %dma_wait3A_18 = tpu.memref_squeeze %dma_wait3A_17 : memref<1x32xi32, #tpu.memory_space<vmem>> -> memref<32xi32, #tpu.memory_space<vmem>>
    %dma_wait3A_19 = arith.constant 0 : i32
    %dma_wait3A_20 = arith.constant 0 : i32
    %dma_wait3A_21 = tpu.memref_slice %arg2[%dma_wait3A_19, %dma_wait3A_20] : memref<15419x1024xf32, #tpu.memory_space<hbm>> -> memref<15419x1024xf32, #tpu.memory_space<hbm>>
    tpu.wait_indirect_dma semaphore(%arg8 : memref<!tpu.dma_semaphore, #tpu.memory_space<semaphore_mem>>) src(%dma_wait3A_21 : memref<15419x1024xf32, #tpu.memory_space<hbm>>) dst(%arg6 : memref<32x1024xf32, #tpu.memory_space<vmem>>)
    %add3A_22 = arith.constant 0 : i32
    %add3A_23 = arith.addi %mul3A_2, %add3A_22 : i32
    "tpu.region"() ({
      %run_scoped3A = tpu.sem_alloc : memref<!tpu.dma_semaphore, #tpu.memory_space<semaphore_mem>>
      %dma_start3A_65 = arith.constant 0 : i32
      %dma_start3A_66 = tpu.memref_slice %arg4[%add3A_23, %dma_start3A_65] : memref<4096x1024xf32, #tpu.memory_space<hbm>> -> memref<32x1024xf32, #tpu.memory_space<hbm>>
      %dma_start3A_67 = arith.constant 0 : i32
      %dma_start3A_68 = tpu.memref_slice %arg4[%add3A_23, %dma_start3A_67] : memref<4096x1024xf32, #tpu.memory_space<hbm>> -> memref<32x1024xf32, #tpu.memory_space<hbm>>
      tpu.enqueue_dma source(%arg6 : memref<32x1024xf32, #tpu.memory_space<vmem>>) target(%dma_start3A_68 : memref<32x1024xf32, #tpu.memory_space<hbm>>) target_semaphore(%run_scoped3A : memref<!tpu.dma_semaphore, #tpu.memory_space<semaphore_mem>>)
      %dma_wait3A_69 = arith.constant 0 : i32
      %dma_wait3A_70 = tpu.memref_slice %arg4[%add3A_23, %dma_wait3A_69] : memref<4096x1024xf32, #tpu.memory_space<hbm>> -> memref<32x1024xf32, #tpu.memory_space<hbm>>
      %dma_wait3A_71 = arith.constant 0 : i32
      %dma_wait3A_72 = tpu.memref_slice %arg4[%add3A_23, %dma_wait3A_71] : memref<4096x1024xf32, #tpu.memory_space<hbm>> -> memref<32x1024xf32, #tpu.memory_space<hbm>>
      tpu.wait_dma2 semaphore(%run_scoped3A : memref<!tpu.dma_semaphore, #tpu.memory_space<semaphore_mem>>) src(%arg6 : memref<32x1024xf32, #tpu.memory_space<vmem>>) dst(%dma_wait3A_72 : memref<32x1024xf32, #tpu.memory_space<hbm>>)
      tpu.yield
    }) : () -> ()
    %dma_start3A_24 = arith.constant 2 : i32
    %dma_start3A_25 = arith.constant 0 : i32
    %dma_start3A_26 = tpu.memref_slice %arg5[%dma_start3A_24, %dma_start3A_25] : memref<4x32xi32, #tpu.memory_space<vmem>> -> memref<1x32xi32, #tpu.memory_space<vmem>>
    %dma_start3A_27 = tpu.memref_squeeze %dma_start3A_26 : memref<1x32xi32, #tpu.memory_space<vmem>> -> memref<32xi32, #tpu.memory_space<vmem>>
    %dma_start3A_28 = arith.constant 0 : i32
    %dma_start3A_29 = arith.constant 0 : i32
    %dma_start3A_30 = tpu.memref_slice %arg2[%dma_start3A_28, %dma_start3A_29] : memref<15419x1024xf32, #tpu.memory_space<hbm>> -> memref<15419x1024xf32, #tpu.memory_space<hbm>>
    tpu.enqueue_indirect_dma source(%dma_start3A_30 : memref<15419x1024xf32, #tpu.memory_space<hbm>>) target(%arg6 : memref<32x1024xf32, #tpu.memory_space<vmem>>) offsets(%dma_start3A_27 : memref<32xi32, #tpu.memory_space<vmem>>) semaphore(%arg8 : memref<!tpu.dma_semaphore, #tpu.memory_space<semaphore_mem>>)
    %dma_wait3A_31 = arith.constant 1 : i32
    %dma_wait3A_32 = arith.constant 0 : i32
    %dma_wait3A_33 = tpu.memref_slice %arg5[%dma_wait3A_31, %dma_wait3A_32] : memref<4x32xi32, #tpu.memory_space<vmem>> -> memref<1x32xi32, #tpu.memory_space<vmem>>
    %dma_wait3A_34 = tpu.memref_squeeze %dma_wait3A_33 : memref<1x32xi32, #tpu.memory_space<vmem>> -> memref<32xi32, #tpu.memory_space<vmem>>
    %dma_wait3A_35 = arith.constant 0 : i32
    %dma_wait3A_36 = arith.constant 0 : i32
    %dma_wait3A_37 = tpu.memref_slice %arg2[%dma_wait3A_35, %dma_wait3A_36] : memref<15419x1024xf32, #tpu.memory_space<hbm>> -> memref<15419x1024xf32, #tpu.memory_space<hbm>>
    tpu.wait_indirect_dma semaphore(%arg9 : memref<!tpu.dma_semaphore, #tpu.memory_space<semaphore_mem>>) src(%dma_wait3A_37 : memref<15419x1024xf32, #tpu.memory_space<hbm>>) dst(%arg7 : memref<32x1024xf32, #tpu.memory_space<vmem>>)
    %add3A_38 = arith.constant 32 : i32
    %add3A_39 = arith.addi %mul3A_2, %add3A_38 : i32
    "tpu.region"() ({
      %run_scoped3A = tpu.sem_alloc : memref<!tpu.dma_semaphore, #tpu.memory_space<semaphore_mem>>
      %dma_start3A_65 = arith.constant 0 : i32
      %dma_start3A_66 = tpu.memref_slice %arg4[%add3A_39, %dma_start3A_65] : memref<4096x1024xf32, #tpu.memory_space<hbm>> -> memref<32x1024xf32, #tpu.memory_space<hbm>>
      %dma_start3A_67 = arith.constant 0 : i32
      %dma_start3A_68 = tpu.memref_slice %arg4[%add3A_39, %dma_start3A_67] : memref<4096x1024xf32, #tpu.memory_space<hbm>> -> memref<32x1024xf32, #tpu.memory_space<hbm>>
      tpu.enqueue_dma source(%arg7 : memref<32x1024xf32, #tpu.memory_space<vmem>>) target(%dma_start3A_68 : memref<32x1024xf32, #tpu.memory_space<hbm>>) target_semaphore(%run_scoped3A : memref<!tpu.dma_semaphore, #tpu.memory_space<semaphore_mem>>)
      %dma_wait3A_69 = arith.constant 0 : i32
      %dma_wait3A_70 = tpu.memref_slice %arg4[%add3A_39, %dma_wait3A_69] : memref<4096x1024xf32, #tpu.memory_space<hbm>> -> memref<32x1024xf32, #tpu.memory_space<hbm>>
      %dma_wait3A_71 = arith.constant 0 : i32
      %dma_wait3A_72 = tpu.memref_slice %arg4[%add3A_39, %dma_wait3A_71] : memref<4096x1024xf32, #tpu.memory_space<hbm>> -> memref<32x1024xf32, #tpu.memory_space<hbm>>
      tpu.wait_dma2 semaphore(%run_scoped3A : memref<!tpu.dma_semaphore, #tpu.memory_space<semaphore_mem>>) src(%arg7 : memref<32x1024xf32, #tpu.memory_space<vmem>>) dst(%dma_wait3A_72 : memref<32x1024xf32, #tpu.memory_space<hbm>>)
      tpu.yield
    }) : () -> ()
    %dma_start3A_40 = arith.constant 3 : i32
    %dma_start3A_41 = arith.constant 0 : i32
    %dma_start3A_42 = tpu.memref_slice %arg5[%dma_start3A_40, %dma_start3A_41] : memref<4x32xi32, #tpu.memory_space<vmem>> -> memref<1x32xi32, #tpu.memory_space<vmem>>
    %dma_start3A_43 = tpu.memref_squeeze %dma_start3A_42 : memref<1x32xi32, #tpu.memory_space<vmem>> -> memref<32xi32, #tpu.memory_space<vmem>>
    %dma_start3A_44 = arith.constant 0 : i32
    %dma_start3A_45 = arith.constant 0 : i32
    %dma_start3A_46 = tpu.memref_slice %arg2[%dma_start3A_44, %dma_start3A_45] : memref<15419x1024xf32, #tpu.memory_space<hbm>> -> memref<15419x1024xf32, #tpu.memory_space<hbm>>
    tpu.enqueue_indirect_dma source(%dma_start3A_46 : memref<15419x1024xf32, #tpu.memory_space<hbm>>) target(%arg7 : memref<32x1024xf32, #tpu.memory_space<vmem>>) offsets(%dma_start3A_43 : memref<32xi32, #tpu.memory_space<vmem>>) semaphore(%arg9 : memref<!tpu.dma_semaphore, #tpu.memory_space<semaphore_mem>>)
    %dma_wait3A_47 = arith.constant 2 : i32
    %dma_wait3A_48 = arith.constant 0 : i32
    %dma_wait3A_49 = tpu.memref_slice %arg5[%dma_wait3A_47, %dma_wait3A_48] : memref<4x32xi32, #tpu.memory_space<vmem>> -> memref<1x32xi32, #tpu.memory_space<vmem>>
    %dma_wait3A_50 = tpu.memref_squeeze %dma_wait3A_49 : memref<1x32xi32, #tpu.memory_space<vmem>> -> memref<32xi32, #tpu.memory_space<vmem>>
    %dma_wait3A_51 = arith.constant 0 : i32
    %dma_wait3A_52 = arith.constant 0 : i32
    %dma_wait3A_53 = tpu.memref_slice %arg2[%dma_wait3A_51, %dma_wait3A_52] : memref<15419x1024xf32, #tpu.memory_space<hbm>> -> memref<15419x1024xf32, #tpu.memory_space<hbm>>
    tpu.wait_indirect_dma semaphore(%arg8 : memref<!tpu.dma_semaphore, #tpu.memory_space<semaphore_mem>>) src(%dma_wait3A_53 : memref<15419x1024xf32, #tpu.memory_space<hbm>>) dst(%arg6 : memref<32x1024xf32, #tpu.memory_space<vmem>>)
    %add3A_54 = arith.constant 64 : i32
    %add3A_55 = arith.addi %mul3A_2, %add3A_54 : i32
    "tpu.region"() ({
      %run_scoped3A = tpu.sem_alloc : memref<!tpu.dma_semaphore, #tpu.memory_space<semaphore_mem>>
      %dma_start3A_65 = arith.constant 0 : i32
      %dma_start3A_66 = tpu.memref_slice %arg4[%add3A_55, %dma_start3A_65] : memref<4096x1024xf32, #tpu.memory_space<hbm>> -> memref<32x1024xf32, #tpu.memory_space<hbm>>
      %dma_start3A_67 = arith.constant 0 : i32
      %dma_start3A_68 = tpu.memref_slice %arg4[%add3A_55, %dma_start3A_67] : memref<4096x1024xf32, #tpu.memory_space<hbm>> -> memref<32x1024xf32, #tpu.memory_space<hbm>>
      tpu.enqueue_dma source(%arg6 : memref<32x1024xf32, #tpu.memory_space<vmem>>) target(%dma_start3A_68 : memref<32x1024xf32, #tpu.memory_space<hbm>>) target_semaphore(%run_scoped3A : memref<!tpu.dma_semaphore, #tpu.memory_space<semaphore_mem>>)
      %dma_wait3A_69 = arith.constant 0 : i32
      %dma_wait3A_70 = tpu.memref_slice %arg4[%add3A_55, %dma_wait3A_69] : memref<4096x1024xf32, #tpu.memory_space<hbm>> -> memref<32x1024xf32, #tpu.memory_space<hbm>>
      %dma_wait3A_71 = arith.constant 0 : i32
      %dma_wait3A_72 = tpu.memref_slice %arg4[%add3A_55, %dma_wait3A_71] : memref<4096x1024xf32, #tpu.memory_space<hbm>> -> memref<32x1024xf32, #tpu.memory_space<hbm>>
      tpu.wait_dma2 semaphore(%run_scoped3A : memref<!tpu.dma_semaphore, #tpu.memory_space<semaphore_mem>>) src(%arg6 : memref<32x1024xf32, #tpu.memory_space<vmem>>) dst(%dma_wait3A_72 : memref<32x1024xf32, #tpu.memory_space<hbm>>)
      tpu.yield
    }) : () -> ()
    %dma_wait3A_56 = arith.constant 3 : i32
    %dma_wait3A_57 = arith.constant 0 : i32
    %dma_wait3A_58 = tpu.memref_slice %arg5[%dma_wait3A_56, %dma_wait3A_57] : memref<4x32xi32, #tpu.memory_space<vmem>> -> memref<1x32xi32, #tpu.memory_space<vmem>>
    %dma_wait3A_59 = tpu.memref_squeeze %dma_wait3A_58 : memref<1x32xi32, #tpu.memory_space<vmem>> -> memref<32xi32, #tpu.memory_space<vmem>>
    %dma_wait3A_60 = arith.constant 0 : i32
    %dma_wait3A_61 = arith.constant 0 : i32
    %dma_wait3A_62 = tpu.memref_slice %arg2[%dma_wait3A_60, %dma_wait3A_61] : memref<15419x1024xf32, #tpu.memory_space<hbm>> -> memref<15419x1024xf32, #tpu.memory_space<hbm>>
    tpu.wait_indirect_dma semaphore(%arg9 : memref<!tpu.dma_semaphore, #tpu.memory_space<semaphore_mem>>) src(%dma_wait3A_62 : memref<15419x1024xf32, #tpu.memory_space<hbm>>) dst(%arg7 : memref<32x1024xf32, #tpu.memory_space<vmem>>)
    %add3A_63 = arith.constant 96 : i32
    %add3A_64 = arith.addi %mul3A_2, %add3A_63 : i32
    "tpu.region"() ({
      %run_scoped3A = tpu.sem_alloc : memref<!tpu.dma_semaphore, #tpu.memory_space<semaphore_mem>>
      %dma_start3A_65 = arith.constant 0 : i32
      %dma_start3A_66 = tpu.memref_slice %arg4[%add3A_64, %dma_start3A_65] : memref<4096x1024xf32, #tpu.memory_space<hbm>> -> memref<32x1024xf32, #tpu.memory_space<hbm>>
      %dma_start3A_67 = arith.constant 0 : i32
      %dma_start3A_68 = tpu.memref_slice %arg4[%add3A_64, %dma_start3A_67] : memref<4096x1024xf32, #tpu.memory_space<hbm>> -> memref<32x1024xf32, #tpu.memory_space<hbm>>
      tpu.enqueue_dma source(%arg7 : memref<32x1024xf32, #tpu.memory_space<vmem>>) target(%dma_start3A_68 : memref<32x1024xf32, #tpu.memory_space<hbm>>) target_semaphore(%run_scoped3A : memref<!tpu.dma_semaphore, #tpu.memory_space<semaphore_mem>>)
      %dma_wait3A_69 = arith.constant 0 : i32
      %dma_wait3A_70 = tpu.memref_slice %arg4[%add3A_64, %dma_wait3A_69] : memref<4096x1024xf32, #tpu.memory_space<hbm>> -> memref<32x1024xf32, #tpu.memory_space<hbm>>
      %dma_wait3A_71 = arith.constant 0 : i32
      %dma_wait3A_72 = tpu.memref_slice %arg4[%add3A_64, %dma_wait3A_71] : memref<4096x1024xf32, #tpu.memory_space<hbm>> -> memref<32x1024xf32, #tpu.memory_space<hbm>>
      tpu.wait_dma2 semaphore(%run_scoped3A : memref<!tpu.dma_semaphore, #tpu.memory_space<semaphore_mem>>) src(%arg7 : memref<32x1024xf32, #tpu.memory_space<vmem>>) dst(%dma_wait3A_72 : memref<32x1024xf32, #tpu.memory_space<hbm>>)
      tpu.yield
    }) : () -> ()
    return
  }
}

module attributes {stable_mosaic.version = 14 : i64} {
  func.func @body(%arg0: i32, %arg1: memref<2048x100xf32, #tpu.memory_space<vmem>>, %arg2: memref<2048x128xf32, #tpu.memory_space<vmem>>) attributes {dimension_semantics = [#tpu.dimension_semantics<arbitrary>], iteration_bounds = array<i64: 2>, scalar_prefetch = 0 : i64, scratch_operands = 0 : i64, tpu.core_type = #tpu.core_type<tc>, window_params = [{transform_indices = @transform_0, window_bounds = array<i64: 2048, 100>}, {transform_indices = @transform_1, window_bounds = array<i64: 2048, 128>}]} {
    %get3A = arith.constant 0 : index
    %get3A_0 = arith.constant 0 : index
    %get3A_1 = vector.load %arg1[%get3A, %get3A_0] : memref<2048x100xf32, #tpu.memory_space<vmem>>, vector<2048x100xf32>
    %swap3A = arith.constant 0 : index
    %swap3A_2 = arith.constant 0 : index
    %swap3A_3 = vector.load %arg2[%swap3A, %swap3A_2] : memref<2048x128xf32, #tpu.memory_space<vmem>>, vector<2048x100xf32>
    tpu.vector_store %arg2[%swap3A, %swap3A_2], %get3A_1 {strides = array<i32>} : memref<2048x128xf32, #tpu.memory_space<vmem>>, vector<2048x100xf32>,
    %broadcast_in_dim3A = arith.constant 0.000000e+00 : f32
    %broadcast_in_dim3A_4 = vector.broadcast %broadcast_in_dim3A : f32 to vector<2048x28xf32>
    %swap3A_5 = arith.constant 0 : index
    %swap3A_6 = arith.constant 100 : index
    %swap3A_7 = vector.load %arg2[%swap3A_5, %swap3A_6] : memref<2048x128xf32, #tpu.memory_space<vmem>>, vector<2048x28xf32>
    tpu.vector_store %arg2[%swap3A_5, %swap3A_6], %broadcast_in_dim3A_4 {strides = array<i32>} : memref<2048x128xf32, #tpu.memory_space<vmem>>, vector<2048x28xf32>,
    return
  }
  func.func @transform_0(%arg0: i32) -> (i32, i32) {
    %c0_i32 = arith.constant 0 : i32
    %c0_i32_0 = arith.constant 0 : i32
    return %arg0, %c0_i32 : i32, i32
  }
  func.func @transform_1(%arg0: i32) -> (i32, i32) {
    %c0_i32 = arith.constant 0 : i32
    %c0_i32_0 = arith.constant 0 : i32
    return %arg0, %c0_i32 : i32, i32
  }
}

module attributes {stable_mosaic.version = 14 : i64} {
  func.func @body(%arg0: i32, %arg1: memref<619x100xf32, #tpu.memory_space<vmem>>, %arg2: memref<619x128xf32, #tpu.memory_space<vmem>>) attributes {dimension_semantics = [#tpu.dimension_semantics<arbitrary>], iteration_bounds = array<i64: 1>, scalar_prefetch = 0 : i64, scratch_operands = 0 : i64, tpu.core_type = #tpu.core_type<tc>, window_params = [{transform_indices = @transform_0, window_bounds = array<i64: 619, 100>}, {transform_indices = @transform_1, window_bounds = array<i64: 619, 128>}]} {
    %get3A = arith.constant 0 : index
    %get3A_0 = arith.constant 0 : index
    %get3A_1 = vector.load %arg1[%get3A, %get3A_0] : memref<619x100xf32, #tpu.memory_space<vmem>>, vector<619x100xf32>
    %swap3A = arith.constant 0 : index
    %swap3A_2 = arith.constant 0 : index
    %swap3A_3 = vector.load %arg2[%swap3A, %swap3A_2] : memref<619x128xf32, #tpu.memory_space<vmem>>, vector<619x100xf32>
    tpu.vector_store %arg2[%swap3A, %swap3A_2], %get3A_1 {strides = array<i32>} : memref<619x128xf32, #tpu.memory_space<vmem>>, vector<619x100xf32>,
    %broadcast_in_dim3A = arith.constant 0.000000e+00 : f32
    %broadcast_in_dim3A_4 = vector.broadcast %broadcast_in_dim3A : f32 to vector<619x28xf32>
    %swap3A_5 = arith.constant 0 : index
    %swap3A_6 = arith.constant 100 : index
    %swap3A_7 = vector.load %arg2[%swap3A_5, %swap3A_6] : memref<619x128xf32, #tpu.memory_space<vmem>>, vector<619x28xf32>
    tpu.vector_store %arg2[%swap3A_5, %swap3A_6], %broadcast_in_dim3A_4 {strides = array<i32>} : memref<619x128xf32, #tpu.memory_space<vmem>>, vector<619x28xf32>,
    return
  }
  func.func @transform_0(%arg0: i32) -> (i32, i32) {
    %c0_i32 = arith.constant 0 : i32
    %c0_i32_0 = arith.constant 0 : i32
    return %arg0, %c0_i32 : i32, i32
  }
  func.func @transform_1(%arg0: i32) -> (i32, i32) {
    %c0_i32 = arith.constant 0 : i32
    %c0_i32_0 = arith.constant 0 : i32
    return %arg0, %c0_i32 : i32, i32
  }
}

module attributes {stable_mosaic.version = 14 : i64} {
  func.func @body(%arg0: i32, %arg1: memref<1000x512xf32, #tpu.memory_space<vmem>>, %arg2: memref<512x1024xf32, #tpu.memory_space<vmem>>) attributes {dimension_semantics = [#tpu.dimension_semantics<arbitrary>], iteration_bounds = array<i64: 31>, scalar_prefetch = 0 : i64, scratch_operands = 0 : i64, tpu.core_type = #tpu.core_type<tc>, window_params = [{transform_indices = @transform_0, window_bounds = array<i64: 1000, 512>}, {transform_indices = @transform_1, window_bounds = array<i64: 512, 1024>}]} {
    %get3A = arith.constant 0 : index
    %get3A_0 = arith.constant 0 : index
    %get3A_1 = vector.load %arg1[%get3A, %get3A_0] : memref<1000x512xf32, #tpu.memory_space<vmem>>, vector<1000x512xf32>
    %transpose3A = tpu.transpose %get3A_1, [1, 0] : vector<1000x512xf32> -> vector<512x1000xf32>
    %swap3A = arith.constant 0 : index
    %swap3A_2 = arith.constant 0 : index
    %swap3A_3 = vector.load %arg2[%swap3A, %swap3A_2] : memref<512x1024xf32, #tpu.memory_space<vmem>>, vector<512x1000xf32>
    tpu.vector_store %arg2[%swap3A, %swap3A_2], %transpose3A {strides = array<i32>} : memref<512x1024xf32, #tpu.memory_space<vmem>>, vector<512x1000xf32>,
    %broadcast_in_dim3A = arith.constant 0.000000e+00 : f32
    %broadcast_in_dim3A_4 = vector.broadcast %broadcast_in_dim3A : f32 to vector<512x24xf32>
    %swap3A_5 = arith.constant 0 : index
    %swap3A_6 = arith.constant 1000 : index
    %swap3A_7 = vector.load %arg2[%swap3A_5, %swap3A_6] : memref<512x1024xf32, #tpu.memory_space<vmem>>, vector<512x24xf32>
    tpu.vector_store %arg2[%swap3A_5, %swap3A_6], %broadcast_in_dim3A_4 {strides = array<i32>} : memref<512x1024xf32, #tpu.memory_space<vmem>>, vector<512x24xf32>,
    return
  }
  func.func @transform_0(%arg0: i32) -> (i32, i32) {
    %c0_i32 = arith.constant 0 : i32
    %c0_i32_0 = arith.constant 0 : i32
    return %c0_i32, %arg0 : i32, i32
  }
  func.func @transform_1(%arg0: i32) -> (i32, i32) {
    %c0_i32 = arith.constant 0 : i32
    %c0_i32_0 = arith.constant 0 : i32
    return %arg0, %c0_i32 : i32, i32
  }
}

module attributes {stable_mosaic.version = 14 : i64} {
  func.func @body(%arg0: i32, %arg1: memref<1024x1024xf32, #tpu.memory_space<vmem>>, %arg2: memref<1024x128xf32, #tpu.memory_space<vmem>>, %arg3: memref<1024x128xf32, #tpu.memory_space<vmem>>, %arg4: memref<1x1x1024xi32, #tpu.memory_space<vmem>>, %arg5: memref<48x10xbf16, #tpu.memory_space<vmem>>, %arg6: memref<1024x1000xbf16, #tpu.memory_space<vmem>>, %arg7: memref<128x1000xbf16, #tpu.memory_space<vmem>>, %arg8: memref<128x1000xbf16, #tpu.memory_space<vmem>>, %arg9: memref<10x1000xbf16, #tpu.memory_space<vmem>>, %arg10: memref<1x1000xf32, #tpu.memory_space<vmem>>, %arg11: memref<1x1xf32, #tpu.memory_space<vmem>>, %arg12: memref<1024x1000xbf16, #tpu.memory_space<vmem>>, %arg13: memref<1x1000xf32, #tpu.memory_space<vmem>>, %arg14: memref<1x1000xf32, #tpu.memory_space<vmem>>) attributes {dimension_semantics = [#tpu.dimension_semantics<arbitrary>], iteration_bounds = array<i64: 4>, scalar_prefetch = 0 : i64, scratch_operands = 0 : i64, tpu.core_type = #tpu.core_type<tc>, window_params = [{transform_indices = @transform_0, window_bounds = array<i64: 1024, 1024>}, {transform_indices = @transform_1, window_bounds = array<i64: 1024, 128>}, {transform_indices = @transform_2, window_bounds = array<i64: 1024, 128>}, {transform_indices = @transform_3, window_bounds = array<i64: 1, 1, 1024>}, {pipeline_mode = #tpu.pipeline_mode<synchronous>, transform_indices = @transform_4, window_bounds = array<i64: 48, 10>}, {pipeline_mode = #tpu.pipeline_mode<synchronous>, transform_indices = @transform_5, window_bounds = array<i64: 1024, 1000>}, {pipeline_mode = #tpu.pipeline_mode<synchronous>, transform_indices = @transform_6, window_bounds = array<i64: 128, 1000>}, {pipeline_mode = #tpu.pipeline_mode<synchronous>, transform_indices = @transform_7, window_bounds = array<i64: 128, 1000>}, {pipeline_mode = #tpu.pipeline_mode<synchronous>, transform_indices = @transform_8, window_bounds = array<i64: 10, 1000>}, {pipeline_mode = #tpu.pipeline_mode<synchronous>, transform_indices = @transform_9, window_bounds = array<i64: 1, 1000>}, {pipeline_mode = #tpu.pipeline_mode<synchronous>, transform_indices = @transform_10, window_bounds = array<i64: 1, 1>}, {transform_indices = @transform_11, window_bounds = array<i64: 1024, 1000>}, {pipeline_mode = #tpu.pipeline_mode<synchronous>, transform_indices = @transform_12, window_bounds = array<i64: 1, 1000>}, {pipeline_mode = #tpu.pipeline_mode<synchronous>, transform_indices = @transform_13, window_bounds = array<i64: 1, 1000>}]} {
    %get3A = arith.constant 0 : index
    %get3A_0 = arith.constant 0 : index
    %get3A_1 = vector.load %arg1[%get3A, %get3A_0] : memref<1024x1024xf32, #tpu.memory_space<vmem>>, vector<1024x1024xf32>
    %convert_element_type3A = arith.truncf %get3A_1 : vector<1024x1024xf32> to vector<1024x1024xbf16>
    %get3A_2 = arith.constant 0 : index
    %get3A_3 = arith.constant 0 : index
    %get3A_4 = vector.load %arg6[%get3A_2, %get3A_3] : memref<1024x1000xbf16, #tpu.memory_space<vmem>>, vector<1024x1000xbf16>
    %dot_general3A = arith.constant dense<0.000000e+00> : vector<1024x1000xf32>
    %dot_general3A_5 = tpu.matmul %convert_element_type3A, %get3A_4, %dot_general3A {dimension_numbers = #tpu.dot_dimension_numbers<[1], [0], [0], [1], [0, 0, 1, 1], [], []>, transpose_lhs_hint = false} : vector<1024x1024xbf16>, vector<1024x1000xbf16>, vector<1024x1000xf32> -> vector<1024x1000xf32>
    %get3A_6 = arith.constant 0 : index
    %get3A_7 = arith.constant 0 : index
    %get3A_8 = vector.load %arg2[%get3A_6, %get3A_7] : memref<1024x128xf32, #tpu.memory_space<vmem>>, vector<1024x128xf32>
    %convert_element_type3A_9 = arith.truncf %get3A_8 : vector<1024x128xf32> to vector<1024x128xbf16>
    %get3A_10 = arith.constant 0 : index
    %get3A_11 = arith.constant 0 : index
    %get3A_12 = vector.load %arg7[%get3A_10, %get3A_11] : memref<128x1000xbf16, #tpu.memory_space<vmem>>, vector<128x1000xbf16>
    %dot_general3A_13 = arith.constant dense<0.000000e+00> : vector<1024x1000xf32>
    %dot_general3A_14 = tpu.matmul %convert_element_type3A_9, %get3A_12, %dot_general3A_13 {dimension_numbers = #tpu.dot_dimension_numbers<[1], [0], [0], [1], [0, 0, 1, 1], [], []>, transpose_lhs_hint = false} : vector<1024x128xbf16>, vector<128x1000xbf16>, vector<1024x1000xf32> -> vector<1024x1000xf32>
    %add3A = arith.addf %dot_general3A_5, %dot_general3A_14 : vector<1024x1000xf32>
    %get3A_15 = arith.constant 0 : index
    %get3A_16 = arith.constant 0 : index
    %get3A_17 = vector.load %arg3[%get3A_15, %get3A_16] : memref<1024x128xf32, #tpu.memory_space<vmem>>, vector<1024x128xf32>
    %convert_element_type3A_18 = arith.truncf %get3A_17 : vector<1024x128xf32> to vector<1024x128xbf16>
    %get3A_19 = arith.constant 0 : index
    %get3A_20 = arith.constant 0 : index
    %get3A_21 = vector.load %arg8[%get3A_19, %get3A_20] : memref<128x1000xbf16, #tpu.memory_space<vmem>>, vector<128x1000xbf16>
    %dot_general3A_22 = arith.constant dense<0.000000e+00> : vector<1024x1000xf32>
    %dot_general3A_23 = tpu.matmul %convert_element_type3A_18, %get3A_21, %dot_general3A_22 {dimension_numbers = #tpu.dot_dimension_numbers<[1], [0], [0], [1], [0, 0, 1, 1], [], []>, transpose_lhs_hint = false} : vector<1024x128xbf16>, vector<128x1000xbf16>, vector<1024x1000xf32> -> vector<1024x1000xf32>
    %add3A_24 = arith.addf %add3A, %dot_general3A_23 : vector<1024x1000xf32>
    %get3A_25 = arith.constant 0 : index
    %get3A_26 = arith.constant 0 : index
    %get3A_27 = arith.constant 0 : index
    %get3A_28 = vector.load %arg4[%get3A_25, %get3A_26, %get3A_27] : memref<1x1x1024xi32, #tpu.memory_space<vmem>>, vector<1x1x1024xi32>
    %get3A_29 = vector.shape_cast %get3A_28 : vector<1x1x1024xi32> to vector<1x1024xi32>
    %iota3A = tpu.iota {dimensions = array<i32: 0>} : vector<48x1024xi32>
    %eq3A = vector.broadcast %get3A_29 : vector<1x1024xi32> to vector<48x1024xi32>
    %eq3A_30 = arith.cmpi eq, %eq3A, %iota3A : vector<48x1024xi32>
    %convert_element_type3A_31 = arith.extui %eq3A_30 : vector<48x1024xi1> to vector<48x1024xi32>
    %convert_element_type3A_32 = arith.sitofp %convert_element_type3A_31 : vector<48x1024xi32> to vector<48x1024xf32>
    %convert_element_type3A_33 = arith.truncf %convert_element_type3A_32 : vector<48x1024xf32> to vector<48x1024xbf16>
    %get3A_34 = arith.constant 0 : index
    %get3A_35 = arith.constant 0 : index
    %get3A_36 = vector.load %arg5[%get3A_34, %get3A_35] : memref<48x10xbf16, #tpu.memory_space<vmem>>, vector<48x10xbf16>
    %dot_general3A_37 = arith.constant dense<0.000000e+00> : vector<1024x10xf32>
    %dot_general3A_38 = tpu.matmul %convert_element_type3A_33, %get3A_36, %dot_general3A_37 {dimension_numbers = #tpu.dot_dimension_numbers<[0], [0], [1], [1], [0, 1, 1, 1], [], []>, transpose_lhs_hint = false} : vector<48x1024xbf16>, vector<48x10xbf16>, vector<1024x10xf32> -> vector<1024x10xf32>
    %convert_element_type3A_39 = arith.truncf %dot_general3A_38 : vector<1024x10xf32> to vector<1024x10xbf16>
    %get3A_40 = arith.constant 0 : index
    %get3A_41 = arith.constant 0 : index
    %get3A_42 = vector.load %arg9[%get3A_40, %get3A_41] : memref<10x1000xbf16, #tpu.memory_space<vmem>>, vector<10x1000xbf16>
    %dot_general3A_43 = arith.constant dense<0.000000e+00> : vector<1024x1000xf32>
    %dot_general3A_44 = tpu.matmul %convert_element_type3A_39, %get3A_42, %dot_general3A_43 {dimension_numbers = #tpu.dot_dimension_numbers<[1], [0], [0], [1], [0, 0, 1, 1], [], []>, transpose_lhs_hint = false} : vector<1024x10xbf16>, vector<10x1000xbf16>, vector<1024x1000xf32> -> vector<1024x1000xf32>
    %add3A_45 = arith.addf %add3A_24, %dot_general3A_44 : vector<1024x1000xf32>
    %get3A_46 = arith.constant 0 : index
    %get3A_47 = arith.constant 0 : index
    %get3A_48 = vector.load %arg10[%get3A_46, %get3A_47] : memref<1x1000xf32, #tpu.memory_space<vmem>>, vector<1x1000xf32>
    %add3A_49 = vector.broadcast %get3A_48 : vector<1x1000xf32> to vector<1024x1000xf32>
    %add3A_50 = arith.addf %add3A_45, %add3A_49 : vector<1024x1000xf32>
    %get3A_51 = arith.constant 0 : index
    %get3A_52 = arith.constant 0 : index
    %get3A_53 = vector.load %arg11[%get3A_51, %get3A_52] : memref<1x1xf32, #tpu.memory_space<vmem>>, vector<1x1xf32>
    %get3A_54 = vector.extract %get3A_53[0, 0] : f32 from vector<1x1xf32>
    %ge3A = arith.constant 0.000000e+00 : f32
    %ge3A_55 = vector.broadcast %ge3A : f32 to vector<1024x1000xf32>
    %ge3A_56 = arith.cmpf oge, %add3A_50, %ge3A_55 : vector<1024x1000xf32>
    %mul3A = vector.broadcast %get3A_54 : f32 to vector<1024x1000xf32>
    %mul3A_57 = arith.mulf %mul3A, %add3A_50 : vector<1024x1000xf32>
    %select_n3A = arith.select %ge3A_56, %add3A_50, %mul3A_57 : vector<1024x1000xi1>, vector<1024x1000xf32>
    %convert_element_type3A_58 = arith.truncf %select_n3A : vector<1024x1000xf32> to vector<1024x1000xbf16>
    %swap3A = arith.constant 0 : index
    %swap3A_59 = arith.constant 0 : index
    %swap3A_60 = vector.load %arg12[%swap3A, %swap3A_59] : memref<1024x1000xbf16, #tpu.memory_space<vmem>>, vector<1024x1000xbf16>
    tpu.vector_store %arg12[%swap3A, %swap3A_59], %convert_element_type3A_58 {strides = array<i32>} : memref<1024x1000xbf16, #tpu.memory_space<vmem>>, vector<1024x1000xbf16>,
    %eq3A_61 = arith.constant 0 : i32
    %eq3A_62 = arith.cmpi eq, %arg0, %eq3A_61 : i32
    %convert_element_type3A_63 = arith.extui %eq3A_62 : i1 to i32
    %cond3A = arith.constant 0 : i32
    %cond3A_64 = arith.cmpi ne, %convert_element_type3A_63, %cond3A : i32
    scf.if %cond3A_64 {
      %broadcast_in_dim3A_84 = arith.constant 0.000000e+00 : f32
      %broadcast_in_dim3A_85 = vector.broadcast %broadcast_in_dim3A_84 : f32 to vector<1x1000xf32>
      %swap3A_86 = arith.constant 0 : index
      %swap3A_87 = arith.constant 0 : index
      %swap3A_88 = vector.load %arg13[%swap3A_86, %swap3A_87] : memref<1x1000xf32, #tpu.memory_space<vmem>>, vector<1x1000xf32>
      tpu.vector_store %arg13[%swap3A_86, %swap3A_87], %broadcast_in_dim3A_85 {strides = array<i32>} : memref<1x1000xf32, #tpu.memory_space<vmem>>, vector<1x1000xf32>,
      %broadcast_in_dim3A_89 = arith.constant 0.000000e+00 : f32
      %broadcast_in_dim3A_90 = vector.broadcast %broadcast_in_dim3A_89 : f32 to vector<1x1000xf32>
      %swap3A_91 = arith.constant 0 : index
      %swap3A_92 = arith.constant 0 : index
      %swap3A_93 = vector.load %arg14[%swap3A_91, %swap3A_92] : memref<1x1000xf32, #tpu.memory_space<vmem>>, vector<1x1000xf32>
      tpu.vector_store %arg14[%swap3A_91, %swap3A_92], %broadcast_in_dim3A_90 {strides = array<i32>} : memref<1x1000xf32, #tpu.memory_space<vmem>>, vector<1x1000xf32>,
    } else {
    }
    %get3A_65 = arith.constant 0 : index
    %get3A_66 = arith.constant 0 : index
    %get3A_67 = vector.load %arg13[%get3A_65, %get3A_66] : memref<1x1000xf32, #tpu.memory_space<vmem>>, vector<1x1000xf32>
    %reduce_sum3A = arith.constant dense<0.000000e+00> : vector<1000xf32>
    %reduce_sum3A_68 = vector.multi_reduction <add>, %select_n3A, %reduce_sum3A [0] : vector<1024x1000xf32> to vector<1000xf32>
    %broadcast_in_dim3A = vector.shape_cast %reduce_sum3A_68 : vector<1000xf32> to vector<1x1000xf32>
    %add3A_69 = arith.addf %get3A_67, %broadcast_in_dim3A : vector<1x1000xf32>
    %swap3A_70 = arith.constant 0 : index
    %swap3A_71 = arith.constant 0 : index
    %swap3A_72 = vector.load %arg13[%swap3A_70, %swap3A_71] : memref<1x1000xf32, #tpu.memory_space<vmem>>, vector<1x1000xf32>
    tpu.vector_store %arg13[%swap3A_70, %swap3A_71], %add3A_69 {strides = array<i32>} : memref<1x1000xf32, #tpu.memory_space<vmem>>, vector<1x1000xf32>,
    %get3A_73 = arith.constant 0 : index
    %get3A_74 = arith.constant 0 : index
    %get3A_75 = vector.load %arg14[%get3A_73, %get3A_74] : memref<1x1000xf32, #tpu.memory_space<vmem>>, vector<1x1000xf32>
    %mul3A_76 = arith.mulf %select_n3A, %select_n3A : vector<1024x1000xf32>
    %reduce_sum3A_77 = arith.constant dense<0.000000e+00> : vector<1000xf32>
    %reduce_sum3A_78 = vector.multi_reduction <add>, %mul3A_76, %reduce_sum3A_77 [0] : vector<1024x1000xf32> to vector<1000xf32>
    %broadcast_in_dim3A_79 = vector.shape_cast %reduce_sum3A_78 : vector<1000xf32> to vector<1x1000xf32>
    %add3A_80 = arith.addf %get3A_75, %broadcast_in_dim3A_79 : vector<1x1000xf32>
    %swap3A_81 = arith.constant 0 : index
    %swap3A_82 = arith.constant 0 : index
    %swap3A_83 = vector.load %arg14[%swap3A_81, %swap3A_82] : memref<1x1000xf32, #tpu.memory_space<vmem>>, vector<1x1000xf32>
    tpu.vector_store %arg14[%swap3A_81, %swap3A_82], %add3A_80 {strides = array<i32>} : memref<1x1000xf32, #tpu.memory_space<vmem>>, vector<1x1000xf32>,
    return
  }
  func.func @transform_0(%arg0: i32) -> (i32, i32) {
    %c0_i32 = arith.constant 0 : i32
    %c0_i32_0 = arith.constant 0 : i32
    return %arg0, %c0_i32 : i32, i32
  }
  func.func @transform_1(%arg0: i32) -> (i32, i32) {
    %add3A = arith.constant 0 : i32
    %add3A_0 = arith.addi %arg0, %add3A : i32
    %c0_i32 = arith.constant 0 : i32
    %c0_i32_1 = arith.constant 0 : i32
    return %add3A_0, %c0_i32 : i32, i32
  }
  func.func @transform_2(%arg0: i32) -> (i32, i32) {
    %add3A = arith.constant 0 : i32
    %add3A_0 = arith.addi %arg0, %add3A : i32
    %c0_i32 = arith.constant 0 : i32
    %c0_i32_1 = arith.constant 0 : i32
    return %add3A_0, %c0_i32 : i32, i32
  }
  func.func @transform_3(%arg0: i32) -> (i32, i32, i32) {
    %add3A = arith.constant 0 : i32
    %add3A_0 = arith.addi %arg0, %add3A : i32
    %c0_i32 = arith.constant 0 : i32
    %c0_i32_1 = arith.constant 0 : i32
    %c0_i32_2 = arith.constant 0 : i32
    return %add3A_0, %c0_i32, %c0_i32_1 : i32, i32, i32
  }
  func.func @transform_4(%arg0: i32) -> (i32, i32) {
    %c0_i32 = arith.constant 0 : i32
    %c0_i32_0 = arith.constant 0 : i32
    %c0_i32_1 = arith.constant 0 : i32
    return %c0_i32, %c0_i32_0 : i32, i32
  }
  func.func @transform_5(%arg0: i32) -> (i32, i32) {
    %c0_i32 = arith.constant 0 : i32
    %c0_i32_0 = arith.constant 0 : i32
    %c0_i32_1 = arith.constant 0 : i32
    return %c0_i32, %c0_i32_0 : i32, i32
  }
  func.func @transform_6(%arg0: i32) -> (i32, i32) {
    %c0_i32 = arith.constant 0 : i32
    %c0_i32_0 = arith.constant 0 : i32
    %c0_i32_1 = arith.constant 0 : i32
    return %c0_i32, %c0_i32_0 : i32, i32
  }
  func.func @transform_7(%arg0: i32) -> (i32, i32) {
    %c0_i32 = arith.constant 0 : i32
    %c0_i32_0 = arith.constant 0 : i32
    %c0_i32_1 = arith.constant 0 : i32
    return %c0_i32, %c0_i32_0 : i32, i32
  }
  func.func @transform_8(%arg0: i32) -> (i32, i32) {
    %c0_i32 = arith.constant 0 : i32
    %c0_i32_0 = arith.constant 0 : i32
    %c0_i32_1 = arith.constant 0 : i32
    return %c0_i32, %c0_i32_0 : i32, i32
  }
  func.func @transform_9(%arg0: i32) -> (i32, i32) {
    %c0_i32 = arith.constant 0 : i32
    %c0_i32_0 = arith.constant 0 : i32
    %c0_i32_1 = arith.constant 0 : i32
    return %c0_i32, %c0_i32_0 : i32, i32
  }
  func.func @transform_10(%arg0: i32) -> (i32, i32) {
    %c0_i32 = arith.constant 0 : i32
    %c0_i32_0 = arith.constant 0 : i32
    %c0_i32_1 = arith.constant 0 : i32
    return %c0_i32, %c0_i32_0 : i32, i32
  }
  func.func @transform_11(%arg0: i32) -> (i32, i32) {
    %add3A = arith.constant 0 : i32
    %add3A_0 = arith.addi %arg0, %add3A : i32
    %c0_i32 = arith.constant 0 : i32
    %c0_i32_1 = arith.constant 0 : i32
    return %add3A_0, %c0_i32 : i32, i32
  }
  func.func @transform_12(%arg0: i32) -> (i32, i32) {
    %c0_i32 = arith.constant 0 : i32
    %c0_i32_0 = arith.constant 0 : i32
    %c0_i32_1 = arith.constant 0 : i32
    return %c0_i32, %c0_i32_0 : i32, i32
  }
  func.func @transform_13(%arg0: i32) -> (i32, i32) {
    %c0_i32 = arith.constant 0 : i32
    %c0_i32_0 = arith.constant 0 : i32
    %c0_i32_1 = arith.constant 0 : i32
    return %c0_i32, %c0_i32_0 : i32, i32
  }
}

module attributes {stable_mosaic.version = 14 : i64} {
  func.func @body(%arg0: i32, %arg1: memref<1024x1024xf32, #tpu.memory_space<vmem>>, %arg2: memref<1024x128xf32, #tpu.memory_space<vmem>>, %arg3: memref<1024x128xf32, #tpu.memory_space<vmem>>, %arg4: memref<1x1x1024xi32, #tpu.memory_space<vmem>>, %arg5: memref<48x10xbf16, #tpu.memory_space<vmem>>, %arg6: memref<1024x1000xbf16, #tpu.memory_space<vmem>>, %arg7: memref<128x1000xbf16, #tpu.memory_space<vmem>>, %arg8: memref<128x1000xbf16, #tpu.memory_space<vmem>>, %arg9: memref<10x1000xbf16, #tpu.memory_space<vmem>>, %arg10: memref<1x1000xf32, #tpu.memory_space<vmem>>, %arg11: memref<1x1xf32, #tpu.memory_space<vmem>>, %arg12: memref<16384x1000xbf16, #tpu.memory_space<any>>, %arg13: memref<1024x1000xbf16, #tpu.memory_space<vmem>>, %arg14: memref<1x1000xf32, #tpu.memory_space<vmem>>, %arg15: memref<1x1000xf32, #tpu.memory_space<vmem>>) attributes {dimension_semantics = [#tpu.dimension_semantics<arbitrary>], iteration_bounds = array<i64: 4>, scalar_prefetch = 0 : i64, scratch_operands = 0 : i64, tpu.core_type = #tpu.core_type<tc>, window_params = [{transform_indices = @transform_0, window_bounds = array<i64: 1024, 1024>}, {transform_indices = @transform_1, window_bounds = array<i64: 1024, 128>}, {transform_indices = @transform_2, window_bounds = array<i64: 1024, 128>}, {transform_indices = @transform_3, window_bounds = array<i64: 1, 1, 1024>}, {pipeline_mode = #tpu.pipeline_mode<synchronous>, transform_indices = @transform_4, window_bounds = array<i64: 48, 10>}, {pipeline_mode = #tpu.pipeline_mode<synchronous>, transform_indices = @transform_5, window_bounds = array<i64: 1024, 1000>}, {pipeline_mode = #tpu.pipeline_mode<synchronous>, transform_indices = @transform_6, window_bounds = array<i64: 128, 1000>}, {pipeline_mode = #tpu.pipeline_mode<synchronous>, transform_indices = @transform_7, window_bounds = array<i64: 128, 1000>}, {pipeline_mode = #tpu.pipeline_mode<synchronous>, transform_indices = @transform_8, window_bounds = array<i64: 10, 1000>}, {pipeline_mode = #tpu.pipeline_mode<synchronous>, transform_indices = @transform_9, window_bounds = array<i64: 1, 1000>}, {pipeline_mode = #tpu.pipeline_mode<synchronous>, transform_indices = @transform_10, window_bounds = array<i64: 1, 1>}, {}, {transform_indices = @transform_12, window_bounds = array<i64: 1024, 1000>}, {pipeline_mode = #tpu.pipeline_mode<synchronous>, transform_indices = @transform_13, window_bounds = array<i64: 1, 1000>}, {pipeline_mode = #tpu.pipeline_mode<synchronous>, transform_indices = @transform_14, window_bounds = array<i64: 1, 1000>}]} {
    %get3A = arith.constant 0 : index
    %get3A_0 = arith.constant 0 : index
    %get3A_1 = vector.load %arg1[%get3A, %get3A_0] : memref<1024x1024xf32, #tpu.memory_space<vmem>>, vector<1024x1024xf32>
    %convert_element_type3A = arith.truncf %get3A_1 : vector<1024x1024xf32> to vector<1024x1024xbf16>
    %get3A_2 = arith.constant 0 : index
    %get3A_3 = arith.constant 0 : index
    %get3A_4 = vector.load %arg6[%get3A_2, %get3A_3] : memref<1024x1000xbf16, #tpu.memory_space<vmem>>, vector<1024x1000xbf16>
    %dot_general3A = arith.constant dense<0.000000e+00> : vector<1024x1000xf32>
    %dot_general3A_5 = tpu.matmul %convert_element_type3A, %get3A_4, %dot_general3A {dimension_numbers = #tpu.dot_dimension_numbers<[1], [0], [0], [1], [0, 0, 1, 1], [], []>, transpose_lhs_hint = false} : vector<1024x1024xbf16>, vector<1024x1000xbf16>, vector<1024x1000xf32> -> vector<1024x1000xf32>
    %get3A_6 = arith.constant 0 : index
    %get3A_7 = arith.constant 0 : index
    %get3A_8 = vector.load %arg2[%get3A_6, %get3A_7] : memref<1024x128xf32, #tpu.memory_space<vmem>>, vector<1024x128xf32>
    %convert_element_type3A_9 = arith.truncf %get3A_8 : vector<1024x128xf32> to vector<1024x128xbf16>
    %get3A_10 = arith.constant 0 : index
    %get3A_11 = arith.constant 0 : index
    %get3A_12 = vector.load %arg7[%get3A_10, %get3A_11] : memref<128x1000xbf16, #tpu.memory_space<vmem>>, vector<128x1000xbf16>
    %dot_general3A_13 = arith.constant dense<0.000000e+00> : vector<1024x1000xf32>
    %dot_general3A_14 = tpu.matmul %convert_element_type3A_9, %get3A_12, %dot_general3A_13 {dimension_numbers = #tpu.dot_dimension_numbers<[1], [0], [0], [1], [0, 0, 1, 1], [], []>, transpose_lhs_hint = false} : vector<1024x128xbf16>, vector<128x1000xbf16>, vector<1024x1000xf32> -> vector<1024x1000xf32>
    %add3A = arith.addf %dot_general3A_5, %dot_general3A_14 : vector<1024x1000xf32>
    %get3A_15 = arith.constant 0 : index
    %get3A_16 = arith.constant 0 : index
    %get3A_17 = vector.load %arg3[%get3A_15, %get3A_16] : memref<1024x128xf32, #tpu.memory_space<vmem>>, vector<1024x128xf32>
    %convert_element_type3A_18 = arith.truncf %get3A_17 : vector<1024x128xf32> to vector<1024x128xbf16>
    %get3A_19 = arith.constant 0 : index
    %get3A_20 = arith.constant 0 : index
    %get3A_21 = vector.load %arg8[%get3A_19, %get3A_20] : memref<128x1000xbf16, #tpu.memory_space<vmem>>, vector<128x1000xbf16>
    %dot_general3A_22 = arith.constant dense<0.000000e+00> : vector<1024x1000xf32>
    %dot_general3A_23 = tpu.matmul %convert_element_type3A_18, %get3A_21, %dot_general3A_22 {dimension_numbers = #tpu.dot_dimension_numbers<[1], [0], [0], [1], [0, 0, 1, 1], [], []>, transpose_lhs_hint = false} : vector<1024x128xbf16>, vector<128x1000xbf16>, vector<1024x1000xf32> -> vector<1024x1000xf32>
    %add3A_24 = arith.addf %add3A, %dot_general3A_23 : vector<1024x1000xf32>
    %get3A_25 = arith.constant 0 : index
    %get3A_26 = arith.constant 0 : index
    %get3A_27 = arith.constant 0 : index
    %get3A_28 = vector.load %arg4[%get3A_25, %get3A_26, %get3A_27] : memref<1x1x1024xi32, #tpu.memory_space<vmem>>, vector<1x1x1024xi32>
    %get3A_29 = vector.shape_cast %get3A_28 : vector<1x1x1024xi32> to vector<1x1024xi32>
    %iota3A = tpu.iota {dimensions = array<i32: 0>} : vector<48x1024xi32>
    %eq3A = vector.broadcast %get3A_29 : vector<1x1024xi32> to vector<48x1024xi32>
    %eq3A_30 = arith.cmpi eq, %eq3A, %iota3A : vector<48x1024xi32>
    %convert_element_type3A_31 = arith.extui %eq3A_30 : vector<48x1024xi1> to vector<48x1024xi32>
    %convert_element_type3A_32 = arith.sitofp %convert_element_type3A_31 : vector<48x1024xi32> to vector<48x1024xf32>
    %convert_element_type3A_33 = arith.truncf %convert_element_type3A_32 : vector<48x1024xf32> to vector<48x1024xbf16>
    %get3A_34 = arith.constant 0 : index
    %get3A_35 = arith.constant 0 : index
    %get3A_36 = vector.load %arg5[%get3A_34, %get3A_35] : memref<48x10xbf16, #tpu.memory_space<vmem>>, vector<48x10xbf16>
    %dot_general3A_37 = arith.constant dense<0.000000e+00> : vector<1024x10xf32>
    %dot_general3A_38 = tpu.matmul %convert_element_type3A_33, %get3A_36, %dot_general3A_37 {dimension_numbers = #tpu.dot_dimension_numbers<[0], [0], [1], [1], [0, 1, 1, 1], [], []>, transpose_lhs_hint = false} : vector<48x1024xbf16>, vector<48x10xbf16>, vector<1024x10xf32> -> vector<1024x10xf32>
    %convert_element_type3A_39 = arith.truncf %dot_general3A_38 : vector<1024x10xf32> to vector<1024x10xbf16>
    %get3A_40 = arith.constant 0 : index
    %get3A_41 = arith.constant 0 : index
    %get3A_42 = vector.load %arg9[%get3A_40, %get3A_41] : memref<10x1000xbf16, #tpu.memory_space<vmem>>, vector<10x1000xbf16>
    %dot_general3A_43 = arith.constant dense<0.000000e+00> : vector<1024x1000xf32>
    %dot_general3A_44 = tpu.matmul %convert_element_type3A_39, %get3A_42, %dot_general3A_43 {dimension_numbers = #tpu.dot_dimension_numbers<[1], [0], [0], [1], [0, 0, 1, 1], [], []>, transpose_lhs_hint = false} : vector<1024x10xbf16>, vector<10x1000xbf16>, vector<1024x1000xf32> -> vector<1024x1000xf32>
    %add3A_45 = arith.addf %add3A_24, %dot_general3A_44 : vector<1024x1000xf32>
    %get3A_46 = arith.constant 0 : index
    %get3A_47 = arith.constant 0 : index
    %get3A_48 = vector.load %arg10[%get3A_46, %get3A_47] : memref<1x1000xf32, #tpu.memory_space<vmem>>, vector<1x1000xf32>
    %add3A_49 = vector.broadcast %get3A_48 : vector<1x1000xf32> to vector<1024x1000xf32>
    %add3A_50 = arith.addf %add3A_45, %add3A_49 : vector<1024x1000xf32>
    %get3A_51 = arith.constant 0 : index
    %get3A_52 = arith.constant 0 : index
    %get3A_53 = vector.load %arg11[%get3A_51, %get3A_52] : memref<1x1xf32, #tpu.memory_space<vmem>>, vector<1x1xf32>
    %get3A_54 = vector.extract %get3A_53[0, 0] : f32 from vector<1x1xf32>
    %ge3A = arith.constant 0.000000e+00 : f32
    %ge3A_55 = vector.broadcast %ge3A : f32 to vector<1024x1000xf32>
    %ge3A_56 = arith.cmpf oge, %add3A_50, %ge3A_55 : vector<1024x1000xf32>
    %mul3A = vector.broadcast %get3A_54 : f32 to vector<1024x1000xf32>
    %mul3A_57 = arith.mulf %mul3A, %add3A_50 : vector<1024x1000xf32>
    %select_n3A = arith.select %ge3A_56, %add3A_50, %mul3A_57 : vector<1024x1000xi1>, vector<1024x1000xf32>
    %convert_element_type3A_58 = arith.truncf %select_n3A : vector<1024x1000xf32> to vector<1024x1000xbf16>
    %swap3A = arith.constant 0 : index
    %swap3A_59 = arith.constant 0 : index
    %swap3A_60 = vector.load %arg13[%swap3A, %swap3A_59] : memref<1024x1000xbf16, #tpu.memory_space<vmem>>, vector<1024x1000xbf16>
    tpu.vector_store %arg13[%swap3A, %swap3A_59], %convert_element_type3A_58 {strides = array<i32>} : memref<1024x1000xbf16, #tpu.memory_space<vmem>>, vector<1024x1000xbf16>,
    %eq3A_61 = arith.constant 0 : i32
    %eq3A_62 = arith.cmpi eq, %arg0, %eq3A_61 : i32
    %convert_element_type3A_63 = arith.extui %eq3A_62 : i1 to i32
    %cond3A = arith.constant 0 : i32
    %cond3A_64 = arith.cmpi ne, %convert_element_type3A_63, %cond3A : i32
    scf.if %cond3A_64 {
      %broadcast_in_dim3A_84 = arith.constant 0.000000e+00 : f32
      %broadcast_in_dim3A_85 = vector.broadcast %broadcast_in_dim3A_84 : f32 to vector<1x1000xf32>
      %swap3A_86 = arith.constant 0 : index
      %swap3A_87 = arith.constant 0 : index
      %swap3A_88 = vector.load %arg14[%swap3A_86, %swap3A_87] : memref<1x1000xf32, #tpu.memory_space<vmem>>, vector<1x1000xf32>
      tpu.vector_store %arg14[%swap3A_86, %swap3A_87], %broadcast_in_dim3A_85 {strides = array<i32>} : memref<1x1000xf32, #tpu.memory_space<vmem>>, vector<1x1000xf32>,
      %broadcast_in_dim3A_89 = arith.constant 0.000000e+00 : f32
      %broadcast_in_dim3A_90 = vector.broadcast %broadcast_in_dim3A_89 : f32 to vector<1x1000xf32>
      %swap3A_91 = arith.constant 0 : index
      %swap3A_92 = arith.constant 0 : index
      %swap3A_93 = vector.load %arg15[%swap3A_91, %swap3A_92] : memref<1x1000xf32, #tpu.memory_space<vmem>>, vector<1x1000xf32>
      tpu.vector_store %arg15[%swap3A_91, %swap3A_92], %broadcast_in_dim3A_90 {strides = array<i32>} : memref<1x1000xf32, #tpu.memory_space<vmem>>, vector<1x1000xf32>,
    } else {
    }
    %get3A_65 = arith.constant 0 : index
    %get3A_66 = arith.constant 0 : index
    %get3A_67 = vector.load %arg14[%get3A_65, %get3A_66] : memref<1x1000xf32, #tpu.memory_space<vmem>>, vector<1x1000xf32>
    %reduce_sum3A = arith.constant dense<0.000000e+00> : vector<1000xf32>
    %reduce_sum3A_68 = vector.multi_reduction <add>, %select_n3A, %reduce_sum3A [0] : vector<1024x1000xf32> to vector<1000xf32>
    %broadcast_in_dim3A = vector.shape_cast %reduce_sum3A_68 : vector<1000xf32> to vector<1x1000xf32>
    %add3A_69 = arith.addf %get3A_67, %broadcast_in_dim3A : vector<1x1000xf32>
    %swap3A_70 = arith.constant 0 : index
    %swap3A_71 = arith.constant 0 : index
    %swap3A_72 = vector.load %arg14[%swap3A_70, %swap3A_71] : memref<1x1000xf32, #tpu.memory_space<vmem>>, vector<1x1000xf32>
    tpu.vector_store %arg14[%swap3A_70, %swap3A_71], %add3A_69 {strides = array<i32>} : memref<1x1000xf32, #tpu.memory_space<vmem>>, vector<1x1000xf32>,
    %get3A_73 = arith.constant 0 : index
    %get3A_74 = arith.constant 0 : index
    %get3A_75 = vector.load %arg15[%get3A_73, %get3A_74] : memref<1x1000xf32, #tpu.memory_space<vmem>>, vector<1x1000xf32>
    %mul3A_76 = arith.mulf %select_n3A, %select_n3A : vector<1024x1000xf32>
    %reduce_sum3A_77 = arith.constant dense<0.000000e+00> : vector<1000xf32>
    %reduce_sum3A_78 = vector.multi_reduction <add>, %mul3A_76, %reduce_sum3A_77 [0] : vector<1024x1000xf32> to vector<1000xf32>
    %broadcast_in_dim3A_79 = vector.shape_cast %reduce_sum3A_78 : vector<1000xf32> to vector<1x1000xf32>
    %add3A_80 = arith.addf %get3A_75, %broadcast_in_dim3A_79 : vector<1x1000xf32>
    %swap3A_81 = arith.constant 0 : index
    %swap3A_82 = arith.constant 0 : index
    %swap3A_83 = vector.load %arg15[%swap3A_81, %swap3A_82] : memref<1x1000xf32, #tpu.memory_space<vmem>>, vector<1x1000xf32>
    tpu.vector_store %arg15[%swap3A_81, %swap3A_82], %add3A_80 {strides = array<i32>} : memref<1x1000xf32, #tpu.memory_space<vmem>>, vector<1x1000xf32>,
    return
  }
  func.func @transform_0(%arg0: i32) -> (i32, i32) {
    %c0_i32 = arith.constant 0 : i32
    %c0_i32_0 = arith.constant 0 : i32
    return %arg0, %c0_i32 : i32, i32
  }
  func.func @transform_1(%arg0: i32) -> (i32, i32) {
    %add3A = arith.constant 4 : i32
    %add3A_0 = arith.addi %arg0, %add3A : i32
    %c0_i32 = arith.constant 0 : i32
    %c0_i32_1 = arith.constant 0 : i32
    return %add3A_0, %c0_i32 : i32, i32
  }
  func.func @transform_2(%arg0: i32) -> (i32, i32) {
    %add3A = arith.constant 4 : i32
    %add3A_0 = arith.addi %arg0, %add3A : i32
    %c0_i32 = arith.constant 0 : i32
    %c0_i32_1 = arith.constant 0 : i32
    return %add3A_0, %c0_i32 : i32, i32
  }
  func.func @transform_3(%arg0: i32) -> (i32, i32, i32) {
    %add3A = arith.constant 4 : i32
    %add3A_0 = arith.addi %arg0, %add3A : i32
    %c0_i32 = arith.constant 0 : i32
    %c0_i32_1 = arith.constant 0 : i32
    %c0_i32_2 = arith.constant 0 : i32
    return %add3A_0, %c0_i32, %c0_i32_1 : i32, i32, i32
  }
  func.func @transform_4(%arg0: i32) -> (i32, i32) {
    %c0_i32 = arith.constant 0 : i32
    %c0_i32_0 = arith.constant 0 : i32
    %c0_i32_1 = arith.constant 0 : i32
    return %c0_i32, %c0_i32_0 : i32, i32
  }
  func.func @transform_5(%arg0: i32) -> (i32, i32) {
    %c0_i32 = arith.constant 0 : i32
    %c0_i32_0 = arith.constant 0 : i32
    %c0_i32_1 = arith.constant 0 : i32
    return %c0_i32, %c0_i32_0 : i32, i32
  }
  func.func @transform_6(%arg0: i32) -> (i32, i32) {
    %c0_i32 = arith.constant 0 : i32
    %c0_i32_0 = arith.constant 0 : i32
    %c0_i32_1 = arith.constant 0 : i32
    return %c0_i32, %c0_i32_0 : i32, i32
  }
  func.func @transform_7(%arg0: i32) -> (i32, i32) {
    %c0_i32 = arith.constant 0 : i32
    %c0_i32_0 = arith.constant 0 : i32
    %c0_i32_1 = arith.constant 0 : i32
    return %c0_i32, %c0_i32_0 : i32, i32
  }
  func.func @transform_8(%arg0: i32) -> (i32, i32) {
    %c0_i32 = arith.constant 0 : i32
    %c0_i32_0 = arith.constant 0 : i32
    %c0_i32_1 = arith.constant 0 : i32
    return %c0_i32, %c0_i32_0 : i32, i32
  }
  func.func @transform_9(%arg0: i32) -> (i32, i32) {
    %c0_i32 = arith.constant 0 : i32
    %c0_i32_0 = arith.constant 0 : i32
    %c0_i32_1 = arith.constant 0 : i32
    return %c0_i32, %c0_i32_0 : i32, i32
  }
  func.func @transform_10(%arg0: i32) -> (i32, i32) {
    %c0_i32 = arith.constant 0 : i32
    %c0_i32_0 = arith.constant 0 : i32
    %c0_i32_1 = arith.constant 0 : i32
    return %c0_i32, %c0_i32_0 : i32, i32
  }
  func.func @transform_12(%arg0: i32) -> (i32, i32) {
    %add3A = arith.constant 4 : i32
    %add3A_0 = arith.addi %arg0, %add3A : i32
    %c0_i32 = arith.constant 0 : i32
    %c0_i32_1 = arith.constant 0 : i32
    return %add3A_0, %c0_i32 : i32, i32
  }
  func.func @transform_13(%arg0: i32) -> (i32, i32) {
    %c0_i32 = arith.constant 0 : i32
    %c0_i32_0 = arith.constant 0 : i32
    %c0_i32_1 = arith.constant 0 : i32
    return %c0_i32, %c0_i32_0 : i32, i32
  }
  func.func @transform_14(%arg0: i32) -> (i32, i32) {
    %c0_i32 = arith.constant 0 : i32
    %c0_i32_0 = arith.constant 0 : i32
    %c0_i32_1 = arith.constant 0 : i32
    return %c0_i32, %c0_i32_0 : i32, i32
  }
}

module attributes {stable_mosaic.version = 14 : i64} {
  func.func @body(%arg0: i32, %arg1: memref<1024x1024xf32, #tpu.memory_space<vmem>>, %arg2: memref<1024x128xf32, #tpu.memory_space<vmem>>, %arg3: memref<1024x128xf32, #tpu.memory_space<vmem>>, %arg4: memref<1x1x1024xi32, #tpu.memory_space<vmem>>, %arg5: memref<48x10xbf16, #tpu.memory_space<vmem>>, %arg6: memref<1024x1000xbf16, #tpu.memory_space<vmem>>, %arg7: memref<128x1000xbf16, #tpu.memory_space<vmem>>, %arg8: memref<128x1000xbf16, #tpu.memory_space<vmem>>, %arg9: memref<10x1000xbf16, #tpu.memory_space<vmem>>, %arg10: memref<1x1000xf32, #tpu.memory_space<vmem>>, %arg11: memref<1x1xf32, #tpu.memory_space<vmem>>, %arg12: memref<16384x1000xbf16, #tpu.memory_space<any>>, %arg13: memref<1024x1000xbf16, #tpu.memory_space<vmem>>, %arg14: memref<1x1000xf32, #tpu.memory_space<vmem>>, %arg15: memref<1x1000xf32, #tpu.memory_space<vmem>>) attributes {dimension_semantics = [#tpu.dimension_semantics<arbitrary>], iteration_bounds = array<i64: 4>, scalar_prefetch = 0 : i64, scratch_operands = 0 : i64, tpu.core_type = #tpu.core_type<tc>, window_params = [{transform_indices = @transform_0, window_bounds = array<i64: 1024, 1024>}, {transform_indices = @transform_1, window_bounds = array<i64: 1024, 128>}, {transform_indices = @transform_2, window_bounds = array<i64: 1024, 128>}, {transform_indices = @transform_3, window_bounds = array<i64: 1, 1, 1024>}, {pipeline_mode = #tpu.pipeline_mode<synchronous>, transform_indices = @transform_4, window_bounds = array<i64: 48, 10>}, {pipeline_mode = #tpu.pipeline_mode<synchronous>, transform_indices = @transform_5, window_bounds = array<i64: 1024, 1000>}, {pipeline_mode = #tpu.pipeline_mode<synchronous>, transform_indices = @transform_6, window_bounds = array<i64: 128, 1000>}, {pipeline_mode = #tpu.pipeline_mode<synchronous>, transform_indices = @transform_7, window_bounds = array<i64: 128, 1000>}, {pipeline_mode = #tpu.pipeline_mode<synchronous>, transform_indices = @transform_8, window_bounds = array<i64: 10, 1000>}, {pipeline_mode = #tpu.pipeline_mode<synchronous>, transform_indices = @transform_9, window_bounds = array<i64: 1, 1000>}, {pipeline_mode = #tpu.pipeline_mode<synchronous>, transform_indices = @transform_10, window_bounds = array<i64: 1, 1>}, {}, {transform_indices = @transform_12, window_bounds = array<i64: 1024, 1000>}, {pipeline_mode = #tpu.pipeline_mode<synchronous>, transform_indices = @transform_13, window_bounds = array<i64: 1, 1000>}, {pipeline_mode = #tpu.pipeline_mode<synchronous>, transform_indices = @transform_14, window_bounds = array<i64: 1, 1000>}]} {
    %get3A = arith.constant 0 : index
    %get3A_0 = arith.constant 0 : index
    %get3A_1 = vector.load %arg1[%get3A, %get3A_0] : memref<1024x1024xf32, #tpu.memory_space<vmem>>, vector<1024x1024xf32>
    %convert_element_type3A = arith.truncf %get3A_1 : vector<1024x1024xf32> to vector<1024x1024xbf16>
    %get3A_2 = arith.constant 0 : index
    %get3A_3 = arith.constant 0 : index
    %get3A_4 = vector.load %arg6[%get3A_2, %get3A_3] : memref<1024x1000xbf16, #tpu.memory_space<vmem>>, vector<1024x1000xbf16>
    %dot_general3A = arith.constant dense<0.000000e+00> : vector<1024x1000xf32>
    %dot_general3A_5 = tpu.matmul %convert_element_type3A, %get3A_4, %dot_general3A {dimension_numbers = #tpu.dot_dimension_numbers<[1], [0], [0], [1], [0, 0, 1, 1], [], []>, transpose_lhs_hint = false} : vector<1024x1024xbf16>, vector<1024x1000xbf16>, vector<1024x1000xf32> -> vector<1024x1000xf32>
    %get3A_6 = arith.constant 0 : index
    %get3A_7 = arith.constant 0 : index
    %get3A_8 = vector.load %arg2[%get3A_6, %get3A_7] : memref<1024x128xf32, #tpu.memory_space<vmem>>, vector<1024x128xf32>
    %convert_element_type3A_9 = arith.truncf %get3A_8 : vector<1024x128xf32> to vector<1024x128xbf16>
    %get3A_10 = arith.constant 0 : index
    %get3A_11 = arith.constant 0 : index
    %get3A_12 = vector.load %arg7[%get3A_10, %get3A_11] : memref<128x1000xbf16, #tpu.memory_space<vmem>>, vector<128x1000xbf16>
    %dot_general3A_13 = arith.constant dense<0.000000e+00> : vector<1024x1000xf32>
    %dot_general3A_14 = tpu.matmul %convert_element_type3A_9, %get3A_12, %dot_general3A_13 {dimension_numbers = #tpu.dot_dimension_numbers<[1], [0], [0], [1], [0, 0, 1, 1], [], []>, transpose_lhs_hint = false} : vector<1024x128xbf16>, vector<128x1000xbf16>, vector<1024x1000xf32> -> vector<1024x1000xf32>
    %add3A = arith.addf %dot_general3A_5, %dot_general3A_14 : vector<1024x1000xf32>
    %get3A_15 = arith.constant 0 : index
    %get3A_16 = arith.constant 0 : index
    %get3A_17 = vector.load %arg3[%get3A_15, %get3A_16] : memref<1024x128xf32, #tpu.memory_space<vmem>>, vector<1024x128xf32>
    %convert_element_type3A_18 = arith.truncf %get3A_17 : vector<1024x128xf32> to vector<1024x128xbf16>
    %get3A_19 = arith.constant 0 : index
    %get3A_20 = arith.constant 0 : index
    %get3A_21 = vector.load %arg8[%get3A_19, %get3A_20] : memref<128x1000xbf16, #tpu.memory_space<vmem>>, vector<128x1000xbf16>
    %dot_general3A_22 = arith.constant dense<0.000000e+00> : vector<1024x1000xf32>
    %dot_general3A_23 = tpu.matmul %convert_element_type3A_18, %get3A_21, %dot_general3A_22 {dimension_numbers = #tpu.dot_dimension_numbers<[1], [0], [0], [1], [0, 0, 1, 1], [], []>, transpose_lhs_hint = false} : vector<1024x128xbf16>, vector<128x1000xbf16>, vector<1024x1000xf32> -> vector<1024x1000xf32>
    %add3A_24 = arith.addf %add3A, %dot_general3A_23 : vector<1024x1000xf32>
    %get3A_25 = arith.constant 0 : index
    %get3A_26 = arith.constant 0 : index
    %get3A_27 = arith.constant 0 : index
    %get3A_28 = vector.load %arg4[%get3A_25, %get3A_26, %get3A_27] : memref<1x1x1024xi32, #tpu.memory_space<vmem>>, vector<1x1x1024xi32>
    %get3A_29 = vector.shape_cast %get3A_28 : vector<1x1x1024xi32> to vector<1x1024xi32>
    %iota3A = tpu.iota {dimensions = array<i32: 0>} : vector<48x1024xi32>
    %eq3A = vector.broadcast %get3A_29 : vector<1x1024xi32> to vector<48x1024xi32>
    %eq3A_30 = arith.cmpi eq, %eq3A, %iota3A : vector<48x1024xi32>
    %convert_element_type3A_31 = arith.extui %eq3A_30 : vector<48x1024xi1> to vector<48x1024xi32>
    %convert_element_type3A_32 = arith.sitofp %convert_element_type3A_31 : vector<48x1024xi32> to vector<48x1024xf32>
    %convert_element_type3A_33 = arith.truncf %convert_element_type3A_32 : vector<48x1024xf32> to vector<48x1024xbf16>
    %get3A_34 = arith.constant 0 : index
    %get3A_35 = arith.constant 0 : index
    %get3A_36 = vector.load %arg5[%get3A_34, %get3A_35] : memref<48x10xbf16, #tpu.memory_space<vmem>>, vector<48x10xbf16>
    %dot_general3A_37 = arith.constant dense<0.000000e+00> : vector<1024x10xf32>
    %dot_general3A_38 = tpu.matmul %convert_element_type3A_33, %get3A_36, %dot_general3A_37 {dimension_numbers = #tpu.dot_dimension_numbers<[0], [0], [1], [1], [0, 1, 1, 1], [], []>, transpose_lhs_hint = false} : vector<48x1024xbf16>, vector<48x10xbf16>, vector<1024x10xf32> -> vector<1024x10xf32>
    %convert_element_type3A_39 = arith.truncf %dot_general3A_38 : vector<1024x10xf32> to vector<1024x10xbf16>
    %get3A_40 = arith.constant 0 : index
    %get3A_41 = arith.constant 0 : index
    %get3A_42 = vector.load %arg9[%get3A_40, %get3A_41] : memref<10x1000xbf16, #tpu.memory_space<vmem>>, vector<10x1000xbf16>
    %dot_general3A_43 = arith.constant dense<0.000000e+00> : vector<1024x1000xf32>
    %dot_general3A_44 = tpu.matmul %convert_element_type3A_39, %get3A_42, %dot_general3A_43 {dimension_numbers = #tpu.dot_dimension_numbers<[1], [0], [0], [1], [0, 0, 1, 1], [], []>, transpose_lhs_hint = false} : vector<1024x10xbf16>, vector<10x1000xbf16>, vector<1024x1000xf32> -> vector<1024x1000xf32>
    %add3A_45 = arith.addf %add3A_24, %dot_general3A_44 : vector<1024x1000xf32>
    %get3A_46 = arith.constant 0 : index
    %get3A_47 = arith.constant 0 : index
    %get3A_48 = vector.load %arg10[%get3A_46, %get3A_47] : memref<1x1000xf32, #tpu.memory_space<vmem>>, vector<1x1000xf32>
    %add3A_49 = vector.broadcast %get3A_48 : vector<1x1000xf32> to vector<1024x1000xf32>
    %add3A_50 = arith.addf %add3A_45, %add3A_49 : vector<1024x1000xf32>
    %get3A_51 = arith.constant 0 : index
    %get3A_52 = arith.constant 0 : index
    %get3A_53 = vector.load %arg11[%get3A_51, %get3A_52] : memref<1x1xf32, #tpu.memory_space<vmem>>, vector<1x1xf32>
    %get3A_54 = vector.extract %get3A_53[0, 0] : f32 from vector<1x1xf32>
    %ge3A = arith.constant 0.000000e+00 : f32
    %ge3A_55 = vector.broadcast %ge3A : f32 to vector<1024x1000xf32>
    %ge3A_56 = arith.cmpf oge, %add3A_50, %ge3A_55 : vector<1024x1000xf32>
    %mul3A = vector.broadcast %get3A_54 : f32 to vector<1024x1000xf32>
    %mul3A_57 = arith.mulf %mul3A, %add3A_50 : vector<1024x1000xf32>
    %select_n3A = arith.select %ge3A_56, %add3A_50, %mul3A_57 : vector<1024x1000xi1>, vector<1024x1000xf32>
    %convert_element_type3A_58 = arith.truncf %select_n3A : vector<1024x1000xf32> to vector<1024x1000xbf16>
    %swap3A = arith.constant 0 : index
    %swap3A_59 = arith.constant 0 : index
    %swap3A_60 = vector.load %arg13[%swap3A, %swap3A_59] : memref<1024x1000xbf16, #tpu.memory_space<vmem>>, vector<1024x1000xbf16>
    tpu.vector_store %arg13[%swap3A, %swap3A_59], %convert_element_type3A_58 {strides = array<i32>} : memref<1024x1000xbf16, #tpu.memory_space<vmem>>, vector<1024x1000xbf16>,
    %eq3A_61 = arith.constant 0 : i32
    %eq3A_62 = arith.cmpi eq, %arg0, %eq3A_61 : i32
    %convert_element_type3A_63 = arith.extui %eq3A_62 : i1 to i32
    %cond3A = arith.constant 0 : i32
    %cond3A_64 = arith.cmpi ne, %convert_element_type3A_63, %cond3A : i32
    scf.if %cond3A_64 {
      %broadcast_in_dim3A_84 = arith.constant 0.000000e+00 : f32
      %broadcast_in_dim3A_85 = vector.broadcast %broadcast_in_dim3A_84 : f32 to vector<1x1000xf32>
      %swap3A_86 = arith.constant 0 : index
      %swap3A_87 = arith.constant 0 : index
      %swap3A_88 = vector.load %arg14[%swap3A_86, %swap3A_87] : memref<1x1000xf32, #tpu.memory_space<vmem>>, vector<1x1000xf32>
      tpu.vector_store %arg14[%swap3A_86, %swap3A_87], %broadcast_in_dim3A_85 {strides = array<i32>} : memref<1x1000xf32, #tpu.memory_space<vmem>>, vector<1x1000xf32>,
      %broadcast_in_dim3A_89 = arith.constant 0.000000e+00 : f32
      %broadcast_in_dim3A_90 = vector.broadcast %broadcast_in_dim3A_89 : f32 to vector<1x1000xf32>
      %swap3A_91 = arith.constant 0 : index
      %swap3A_92 = arith.constant 0 : index
      %swap3A_93 = vector.load %arg15[%swap3A_91, %swap3A_92] : memref<1x1000xf32, #tpu.memory_space<vmem>>, vector<1x1000xf32>
      tpu.vector_store %arg15[%swap3A_91, %swap3A_92], %broadcast_in_dim3A_90 {strides = array<i32>} : memref<1x1000xf32, #tpu.memory_space<vmem>>, vector<1x1000xf32>,
    } else {
    }
    %get3A_65 = arith.constant 0 : index
    %get3A_66 = arith.constant 0 : index
    %get3A_67 = vector.load %arg14[%get3A_65, %get3A_66] : memref<1x1000xf32, #tpu.memory_space<vmem>>, vector<1x1000xf32>
    %reduce_sum3A = arith.constant dense<0.000000e+00> : vector<1000xf32>
    %reduce_sum3A_68 = vector.multi_reduction <add>, %select_n3A, %reduce_sum3A [0] : vector<1024x1000xf32> to vector<1000xf32>
    %broadcast_in_dim3A = vector.shape_cast %reduce_sum3A_68 : vector<1000xf32> to vector<1x1000xf32>
    %add3A_69 = arith.addf %get3A_67, %broadcast_in_dim3A : vector<1x1000xf32>
    %swap3A_70 = arith.constant 0 : index
    %swap3A_71 = arith.constant 0 : index
    %swap3A_72 = vector.load %arg14[%swap3A_70, %swap3A_71] : memref<1x1000xf32, #tpu.memory_space<vmem>>, vector<1x1000xf32>
    tpu.vector_store %arg14[%swap3A_70, %swap3A_71], %add3A_69 {strides = array<i32>} : memref<1x1000xf32, #tpu.memory_space<vmem>>, vector<1x1000xf32>,
    %get3A_73 = arith.constant 0 : index
    %get3A_74 = arith.constant 0 : index
    %get3A_75 = vector.load %arg15[%get3A_73, %get3A_74] : memref<1x1000xf32, #tpu.memory_space<vmem>>, vector<1x1000xf32>
    %mul3A_76 = arith.mulf %select_n3A, %select_n3A : vector<1024x1000xf32>
    %reduce_sum3A_77 = arith.constant dense<0.000000e+00> : vector<1000xf32>
    %reduce_sum3A_78 = vector.multi_reduction <add>, %mul3A_76, %reduce_sum3A_77 [0] : vector<1024x1000xf32> to vector<1000xf32>
    %broadcast_in_dim3A_79 = vector.shape_cast %reduce_sum3A_78 : vector<1000xf32> to vector<1x1000xf32>
    %add3A_80 = arith.addf %get3A_75, %broadcast_in_dim3A_79 : vector<1x1000xf32>
    %swap3A_81 = arith.constant 0 : index
    %swap3A_82 = arith.constant 0 : index
    %swap3A_83 = vector.load %arg15[%swap3A_81, %swap3A_82] : memref<1x1000xf32, #tpu.memory_space<vmem>>, vector<1x1000xf32>
    tpu.vector_store %arg15[%swap3A_81, %swap3A_82], %add3A_80 {strides = array<i32>} : memref<1x1000xf32, #tpu.memory_space<vmem>>, vector<1x1000xf32>,
    return
  }
  func.func @transform_0(%arg0: i32) -> (i32, i32) {
    %c0_i32 = arith.constant 0 : i32
    %c0_i32_0 = arith.constant 0 : i32
    return %arg0, %c0_i32 : i32, i32
  }
  func.func @transform_1(%arg0: i32) -> (i32, i32) {
    %add3A = arith.constant 8 : i32
    %add3A_0 = arith.addi %arg0, %add3A : i32
    %c0_i32 = arith.constant 0 : i32
    %c0_i32_1 = arith.constant 0 : i32
    return %add3A_0, %c0_i32 : i32, i32
  }
  func.func @transform_2(%arg0: i32) -> (i32, i32) {
    %add3A = arith.constant 8 : i32
    %add3A_0 = arith.addi %arg0, %add3A : i32
    %c0_i32 = arith.constant 0 : i32
    %c0_i32_1 = arith.constant 0 : i32
    return %add3A_0, %c0_i32 : i32, i32
  }
  func.func @transform_3(%arg0: i32) -> (i32, i32, i32) {
    %add3A = arith.constant 8 : i32
    %add3A_0 = arith.addi %arg0, %add3A : i32
    %c0_i32 = arith.constant 0 : i32
    %c0_i32_1 = arith.constant 0 : i32
    %c0_i32_2 = arith.constant 0 : i32
    return %add3A_0, %c0_i32, %c0_i32_1 : i32, i32, i32
  }
  func.func @transform_4(%arg0: i32) -> (i32, i32) {
    %c0_i32 = arith.constant 0 : i32
    %c0_i32_0 = arith.constant 0 : i32
    %c0_i32_1 = arith.constant 0 : i32
    return %c0_i32, %c0_i32_0 : i32, i32
  }
  func.func @transform_5(%arg0: i32) -> (i32, i32) {
    %c0_i32 = arith.constant 0 : i32
    %c0_i32_0 = arith.constant 0 : i32
    %c0_i32_1 = arith.constant 0 : i32
    return %c0_i32, %c0_i32_0 : i32, i32
  }
  func.func @transform_6(%arg0: i32) -> (i32, i32) {
    %c0_i32 = arith.constant 0 : i32
    %c0_i32_0 = arith.constant 0 : i32
    %c0_i32_1 = arith.constant 0 : i32
    return %c0_i32, %c0_i32_0 : i32, i32
  }
  func.func @transform_7(%arg0: i32) -> (i32, i32) {
    %c0_i32 = arith.constant 0 : i32
    %c0_i32_0 = arith.constant 0 : i32
    %c0_i32_1 = arith.constant 0 : i32
    return %c0_i32, %c0_i32_0 : i32, i32
  }
  func.func @transform_8(%arg0: i32) -> (i32, i32) {
    %c0_i32 = arith.constant 0 : i32
    %c0_i32_0 = arith.constant 0 : i32
    %c0_i32_1 = arith.constant 0 : i32
    return %c0_i32, %c0_i32_0 : i32, i32
  }
  func.func @transform_9(%arg0: i32) -> (i32, i32) {
    %c0_i32 = arith.constant 0 : i32
    %c0_i32_0 = arith.constant 0 : i32
    %c0_i32_1 = arith.constant 0 : i32
    return %c0_i32, %c0_i32_0 : i32, i32
  }
  func.func @transform_10(%arg0: i32) -> (i32, i32) {
    %c0_i32 = arith.constant 0 : i32
    %c0_i32_0 = arith.constant 0 : i32
    %c0_i32_1 = arith.constant 0 : i32
    return %c0_i32, %c0_i32_0 : i32, i32
  }
  func.func @transform_12(%arg0: i32) -> (i32, i32) {
    %add3A = arith.constant 8 : i32
    %add3A_0 = arith.addi %arg0, %add3A : i32
    %c0_i32 = arith.constant 0 : i32
    %c0_i32_1 = arith.constant 0 : i32
    return %add3A_0, %c0_i32 : i32, i32
  }
  func.func @transform_13(%arg0: i32) -> (i32, i32) {
    %c0_i32 = arith.constant 0 : i32
    %c0_i32_0 = arith.constant 0 : i32
    %c0_i32_1 = arith.constant 0 : i32
    return %c0_i32, %c0_i32_0 : i32, i32
  }
  func.func @transform_14(%arg0: i32) -> (i32, i32) {
    %c0_i32 = arith.constant 0 : i32
    %c0_i32_0 = arith.constant 0 : i32
    %c0_i32_1 = arith.constant 0 : i32
    return %c0_i32, %c0_i32_0 : i32, i32
  }
}

module attributes {stable_mosaic.version = 14 : i64} {
  func.func @body(%arg0: i32, %arg1: memref<1024x1024xf32, #tpu.memory_space<vmem>>, %arg2: memref<1024x128xf32, #tpu.memory_space<vmem>>, %arg3: memref<1024x128xf32, #tpu.memory_space<vmem>>, %arg4: memref<1x1x1024xi32, #tpu.memory_space<vmem>>, %arg5: memref<48x10xbf16, #tpu.memory_space<vmem>>, %arg6: memref<1024x1000xbf16, #tpu.memory_space<vmem>>, %arg7: memref<128x1000xbf16, #tpu.memory_space<vmem>>, %arg8: memref<128x1000xbf16, #tpu.memory_space<vmem>>, %arg9: memref<10x1000xbf16, #tpu.memory_space<vmem>>, %arg10: memref<1x1000xf32, #tpu.memory_space<vmem>>, %arg11: memref<1x1xf32, #tpu.memory_space<vmem>>, %arg12: memref<16384x1000xbf16, #tpu.memory_space<any>>, %arg13: memref<1024x1000xbf16, #tpu.memory_space<vmem>>, %arg14: memref<1x1000xf32, #tpu.memory_space<vmem>>, %arg15: memref<1x1000xf32, #tpu.memory_space<vmem>>) attributes {dimension_semantics = [#tpu.dimension_semantics<arbitrary>], iteration_bounds = array<i64: 4>, scalar_prefetch = 0 : i64, scratch_operands = 0 : i64, tpu.core_type = #tpu.core_type<tc>, window_params = [{transform_indices = @transform_0, window_bounds = array<i64: 1024, 1024>}, {transform_indices = @transform_1, window_bounds = array<i64: 1024, 128>}, {transform_indices = @transform_2, window_bounds = array<i64: 1024, 128>}, {transform_indices = @transform_3, window_bounds = array<i64: 1, 1, 1024>}, {pipeline_mode = #tpu.pipeline_mode<synchronous>, transform_indices = @transform_4, window_bounds = array<i64: 48, 10>}, {pipeline_mode = #tpu.pipeline_mode<synchronous>, transform_indices = @transform_5, window_bounds = array<i64: 1024, 1000>}, {pipeline_mode = #tpu.pipeline_mode<synchronous>, transform_indices = @transform_6, window_bounds = array<i64: 128, 1000>}, {pipeline_mode = #tpu.pipeline_mode<synchronous>, transform_indices = @transform_7, window_bounds = array<i64: 128, 1000>}, {pipeline_mode = #tpu.pipeline_mode<synchronous>, transform_indices = @transform_8, window_bounds = array<i64: 10, 1000>}, {pipeline_mode = #tpu.pipeline_mode<synchronous>, transform_indices = @transform_9, window_bounds = array<i64: 1, 1000>}, {pipeline_mode = #tpu.pipeline_mode<synchronous>, transform_indices = @transform_10, window_bounds = array<i64: 1, 1>}, {}, {transform_indices = @transform_12, window_bounds = array<i64: 1024, 1000>}, {pipeline_mode = #tpu.pipeline_mode<synchronous>, transform_indices = @transform_13, window_bounds = array<i64: 1, 1000>}, {pipeline_mode = #tpu.pipeline_mode<synchronous>, transform_indices = @transform_14, window_bounds = array<i64: 1, 1000>}]} {
    %get3A = arith.constant 0 : index
    %get3A_0 = arith.constant 0 : index
    %get3A_1 = vector.load %arg1[%get3A, %get3A_0] : memref<1024x1024xf32, #tpu.memory_space<vmem>>, vector<1024x1024xf32>
    %convert_element_type3A = arith.truncf %get3A_1 : vector<1024x1024xf32> to vector<1024x1024xbf16>
    %get3A_2 = arith.constant 0 : index
    %get3A_3 = arith.constant 0 : index
    %get3A_4 = vector.load %arg6[%get3A_2, %get3A_3] : memref<1024x1000xbf16, #tpu.memory_space<vmem>>, vector<1024x1000xbf16>
    %dot_general3A = arith.constant dense<0.000000e+00> : vector<1024x1000xf32>
    %dot_general3A_5 = tpu.matmul %convert_element_type3A, %get3A_4, %dot_general3A {dimension_numbers = #tpu.dot_dimension_numbers<[1], [0], [0], [1], [0, 0, 1, 1], [], []>, transpose_lhs_hint = false} : vector<1024x1024xbf16>, vector<1024x1000xbf16>, vector<1024x1000xf32> -> vector<1024x1000xf32>
    %get3A_6 = arith.constant 0 : index
    %get3A_7 = arith.constant 0 : index
    %get3A_8 = vector.load %arg2[%get3A_6, %get3A_7] : memref<1024x128xf32, #tpu.memory_space<vmem>>, vector<1024x128xf32>
    %convert_element_type3A_9 = arith.truncf %get3A_8 : vector<1024x128xf32> to vector<1024x128xbf16>
    %get3A_10 = arith.constant 0 : index
    %get3A_11 = arith.constant 0 : index
    %get3A_12 = vector.load %arg7[%get3A_10, %get3A_11] : memref<128x1000xbf16, #tpu.memory_space<vmem>>, vector<128x1000xbf16>
    %dot_general3A_13 = arith.constant dense<0.000000e+00> : vector<1024x1000xf32>
    %dot_general3A_14 = tpu.matmul %convert_element_type3A_9, %get3A_12, %dot_general3A_13 {dimension_numbers = #tpu.dot_dimension_numbers<[1], [0], [0], [1], [0, 0, 1, 1], [], []>, transpose_lhs_hint = false} : vector<1024x128xbf16>, vector<128x1000xbf16>, vector<1024x1000xf32> -> vector<1024x1000xf32>
    %add3A = arith.addf %dot_general3A_5, %dot_general3A_14 : vector<1024x1000xf32>
    %get3A_15 = arith.constant 0 : index
    %get3A_16 = arith.constant 0 : index
    %get3A_17 = vector.load %arg3[%get3A_15, %get3A_16] : memref<1024x128xf32, #tpu.memory_space<vmem>>, vector<1024x128xf32>
    %convert_element_type3A_18 = arith.truncf %get3A_17 : vector<1024x128xf32> to vector<1024x128xbf16>
    %get3A_19 = arith.constant 0 : index
    %get3A_20 = arith.constant 0 : index
    %get3A_21 = vector.load %arg8[%get3A_19, %get3A_20] : memref<128x1000xbf16, #tpu.memory_space<vmem>>, vector<128x1000xbf16>
    %dot_general3A_22 = arith.constant dense<0.000000e+00> : vector<1024x1000xf32>
    %dot_general3A_23 = tpu.matmul %convert_element_type3A_18, %get3A_21, %dot_general3A_22 {dimension_numbers = #tpu.dot_dimension_numbers<[1], [0], [0], [1], [0, 0, 1, 1], [], []>, transpose_lhs_hint = false} : vector<1024x128xbf16>, vector<128x1000xbf16>, vector<1024x1000xf32> -> vector<1024x1000xf32>
    %add3A_24 = arith.addf %add3A, %dot_general3A_23 : vector<1024x1000xf32>
    %get3A_25 = arith.constant 0 : index
    %get3A_26 = arith.constant 0 : index
    %get3A_27 = arith.constant 0 : index
    %get3A_28 = vector.load %arg4[%get3A_25, %get3A_26, %get3A_27] : memref<1x1x1024xi32, #tpu.memory_space<vmem>>, vector<1x1x1024xi32>
    %get3A_29 = vector.shape_cast %get3A_28 : vector<1x1x1024xi32> to vector<1x1024xi32>
    %iota3A = tpu.iota {dimensions = array<i32: 0>} : vector<48x1024xi32>
    %eq3A = vector.broadcast %get3A_29 : vector<1x1024xi32> to vector<48x1024xi32>
    %eq3A_30 = arith.cmpi eq, %eq3A, %iota3A : vector<48x1024xi32>
    %convert_element_type3A_31 = arith.extui %eq3A_30 : vector<48x1024xi1> to vector<48x1024xi32>
    %convert_element_type3A_32 = arith.sitofp %convert_element_type3A_31 : vector<48x1024xi32> to vector<48x1024xf32>
    %convert_element_type3A_33 = arith.truncf %convert_element_type3A_32 : vector<48x1024xf32> to vector<48x1024xbf16>
    %get3A_34 = arith.constant 0 : index
    %get3A_35 = arith.constant 0 : index
    %get3A_36 = vector.load %arg5[%get3A_34, %get3A_35] : memref<48x10xbf16, #tpu.memory_space<vmem>>, vector<48x10xbf16>
    %dot_general3A_37 = arith.constant dense<0.000000e+00> : vector<1024x10xf32>
    %dot_general3A_38 = tpu.matmul %convert_element_type3A_33, %get3A_36, %dot_general3A_37 {dimension_numbers = #tpu.dot_dimension_numbers<[0], [0], [1], [1], [0, 1, 1, 1], [], []>, transpose_lhs_hint = false} : vector<48x1024xbf16>, vector<48x10xbf16>, vector<1024x10xf32> -> vector<1024x10xf32>
    %convert_element_type3A_39 = arith.truncf %dot_general3A_38 : vector<1024x10xf32> to vector<1024x10xbf16>
    %get3A_40 = arith.constant 0 : index
    %get3A_41 = arith.constant 0 : index
    %get3A_42 = vector.load %arg9[%get3A_40, %get3A_41] : memref<10x1000xbf16, #tpu.memory_space<vmem>>, vector<10x1000xbf16>
    %dot_general3A_43 = arith.constant dense<0.000000e+00> : vector<1024x1000xf32>
    %dot_general3A_44 = tpu.matmul %convert_element_type3A_39, %get3A_42, %dot_general3A_43 {dimension_numbers = #tpu.dot_dimension_numbers<[1], [0], [0], [1], [0, 0, 1, 1], [], []>, transpose_lhs_hint = false} : vector<1024x10xbf16>, vector<10x1000xbf16>, vector<1024x1000xf32> -> vector<1024x1000xf32>
    %add3A_45 = arith.addf %add3A_24, %dot_general3A_44 : vector<1024x1000xf32>
    %get3A_46 = arith.constant 0 : index
    %get3A_47 = arith.constant 0 : index
    %get3A_48 = vector.load %arg10[%get3A_46, %get3A_47] : memref<1x1000xf32, #tpu.memory_space<vmem>>, vector<1x1000xf32>
    %add3A_49 = vector.broadcast %get3A_48 : vector<1x1000xf32> to vector<1024x1000xf32>
    %add3A_50 = arith.addf %add3A_45, %add3A_49 : vector<1024x1000xf32>
    %get3A_51 = arith.constant 0 : index
    %get3A_52 = arith.constant 0 : index
    %get3A_53 = vector.load %arg11[%get3A_51, %get3A_52] : memref<1x1xf32, #tpu.memory_space<vmem>>, vector<1x1xf32>
    %get3A_54 = vector.extract %get3A_53[0, 0] : f32 from vector<1x1xf32>
    %ge3A = arith.constant 0.000000e+00 : f32
    %ge3A_55 = vector.broadcast %ge3A : f32 to vector<1024x1000xf32>
    %ge3A_56 = arith.cmpf oge, %add3A_50, %ge3A_55 : vector<1024x1000xf32>
    %mul3A = vector.broadcast %get3A_54 : f32 to vector<1024x1000xf32>
    %mul3A_57 = arith.mulf %mul3A, %add3A_50 : vector<1024x1000xf32>
    %select_n3A = arith.select %ge3A_56, %add3A_50, %mul3A_57 : vector<1024x1000xi1>, vector<1024x1000xf32>
    %convert_element_type3A_58 = arith.truncf %select_n3A : vector<1024x1000xf32> to vector<1024x1000xbf16>
    %swap3A = arith.constant 0 : index
    %swap3A_59 = arith.constant 0 : index
    %swap3A_60 = vector.load %arg13[%swap3A, %swap3A_59] : memref<1024x1000xbf16, #tpu.memory_space<vmem>>, vector<1024x1000xbf16>
    tpu.vector_store %arg13[%swap3A, %swap3A_59], %convert_element_type3A_58 {strides = array<i32>} : memref<1024x1000xbf16, #tpu.memory_space<vmem>>, vector<1024x1000xbf16>,
    %eq3A_61 = arith.constant 0 : i32
    %eq3A_62 = arith.cmpi eq, %arg0, %eq3A_61 : i32
    %convert_element_type3A_63 = arith.extui %eq3A_62 : i1 to i32
    %cond3A = arith.constant 0 : i32
    %cond3A_64 = arith.cmpi ne, %convert_element_type3A_63, %cond3A : i32
    scf.if %cond3A_64 {
      %broadcast_in_dim3A_84 = arith.constant 0.000000e+00 : f32
      %broadcast_in_dim3A_85 = vector.broadcast %broadcast_in_dim3A_84 : f32 to vector<1x1000xf32>
      %swap3A_86 = arith.constant 0 : index
      %swap3A_87 = arith.constant 0 : index
      %swap3A_88 = vector.load %arg14[%swap3A_86, %swap3A_87] : memref<1x1000xf32, #tpu.memory_space<vmem>>, vector<1x1000xf32>
      tpu.vector_store %arg14[%swap3A_86, %swap3A_87], %broadcast_in_dim3A_85 {strides = array<i32>} : memref<1x1000xf32, #tpu.memory_space<vmem>>, vector<1x1000xf32>,
      %broadcast_in_dim3A_89 = arith.constant 0.000000e+00 : f32
      %broadcast_in_dim3A_90 = vector.broadcast %broadcast_in_dim3A_89 : f32 to vector<1x1000xf32>
      %swap3A_91 = arith.constant 0 : index
      %swap3A_92 = arith.constant 0 : index
      %swap3A_93 = vector.load %arg15[%swap3A_91, %swap3A_92] : memref<1x1000xf32, #tpu.memory_space<vmem>>, vector<1x1000xf32>
      tpu.vector_store %arg15[%swap3A_91, %swap3A_92], %broadcast_in_dim3A_90 {strides = array<i32>} : memref<1x1000xf32, #tpu.memory_space<vmem>>, vector<1x1000xf32>,
    } else {
    }
    %get3A_65 = arith.constant 0 : index
    %get3A_66 = arith.constant 0 : index
    %get3A_67 = vector.load %arg14[%get3A_65, %get3A_66] : memref<1x1000xf32, #tpu.memory_space<vmem>>, vector<1x1000xf32>
    %reduce_sum3A = arith.constant dense<0.000000e+00> : vector<1000xf32>
    %reduce_sum3A_68 = vector.multi_reduction <add>, %select_n3A, %reduce_sum3A [0] : vector<1024x1000xf32> to vector<1000xf32>
    %broadcast_in_dim3A = vector.shape_cast %reduce_sum3A_68 : vector<1000xf32> to vector<1x1000xf32>
    %add3A_69 = arith.addf %get3A_67, %broadcast_in_dim3A : vector<1x1000xf32>
    %swap3A_70 = arith.constant 0 : index
    %swap3A_71 = arith.constant 0 : index
    %swap3A_72 = vector.load %arg14[%swap3A_70, %swap3A_71] : memref<1x1000xf32, #tpu.memory_space<vmem>>, vector<1x1000xf32>
    tpu.vector_store %arg14[%swap3A_70, %swap3A_71], %add3A_69 {strides = array<i32>} : memref<1x1000xf32, #tpu.memory_space<vmem>>, vector<1x1000xf32>,
    %get3A_73 = arith.constant 0 : index
    %get3A_74 = arith.constant 0 : index
    %get3A_75 = vector.load %arg15[%get3A_73, %get3A_74] : memref<1x1000xf32, #tpu.memory_space<vmem>>, vector<1x1000xf32>
    %mul3A_76 = arith.mulf %select_n3A, %select_n3A : vector<1024x1000xf32>
    %reduce_sum3A_77 = arith.constant dense<0.000000e+00> : vector<1000xf32>
    %reduce_sum3A_78 = vector.multi_reduction <add>, %mul3A_76, %reduce_sum3A_77 [0] : vector<1024x1000xf32> to vector<1000xf32>
    %broadcast_in_dim3A_79 = vector.shape_cast %reduce_sum3A_78 : vector<1000xf32> to vector<1x1000xf32>
    %add3A_80 = arith.addf %get3A_75, %broadcast_in_dim3A_79 : vector<1x1000xf32>
    %swap3A_81 = arith.constant 0 : index
    %swap3A_82 = arith.constant 0 : index
    %swap3A_83 = vector.load %arg15[%swap3A_81, %swap3A_82] : memref<1x1000xf32, #tpu.memory_space<vmem>>, vector<1x1000xf32>
    tpu.vector_store %arg15[%swap3A_81, %swap3A_82], %add3A_80 {strides = array<i32>} : memref<1x1000xf32, #tpu.memory_space<vmem>>, vector<1x1000xf32>,
    return
  }
  func.func @transform_0(%arg0: i32) -> (i32, i32) {
    %c0_i32 = arith.constant 0 : i32
    %c0_i32_0 = arith.constant 0 : i32
    return %arg0, %c0_i32 : i32, i32
  }
  func.func @transform_1(%arg0: i32) -> (i32, i32) {
    %add3A = arith.constant 12 : i32
    %add3A_0 = arith.addi %arg0, %add3A : i32
    %c0_i32 = arith.constant 0 : i32
    %c0_i32_1 = arith.constant 0 : i32
    return %add3A_0, %c0_i32 : i32, i32
  }
  func.func @transform_2(%arg0: i32) -> (i32, i32) {
    %add3A = arith.constant 12 : i32
    %add3A_0 = arith.addi %arg0, %add3A : i32
    %c0_i32 = arith.constant 0 : i32
    %c0_i32_1 = arith.constant 0 : i32
    return %add3A_0, %c0_i32 : i32, i32
  }
  func.func @transform_3(%arg0: i32) -> (i32, i32, i32) {
    %add3A = arith.constant 12 : i32
    %add3A_0 = arith.addi %arg0, %add3A : i32
    %c0_i32 = arith.constant 0 : i32
    %c0_i32_1 = arith.constant 0 : i32
    %c0_i32_2 = arith.constant 0 : i32
    return %add3A_0, %c0_i32, %c0_i32_1 : i32, i32, i32
  }
  func.func @transform_4(%arg0: i32) -> (i32, i32) {
    %c0_i32 = arith.constant 0 : i32
    %c0_i32_0 = arith.constant 0 : i32
    %c0_i32_1 = arith.constant 0 : i32
    return %c0_i32, %c0_i32_0 : i32, i32
  }
  func.func @transform_5(%arg0: i32) -> (i32, i32) {
    %c0_i32 = arith.constant 0 : i32
    %c0_i32_0 = arith.constant 0 : i32
    %c0_i32_1 = arith.constant 0 : i32
    return %c0_i32, %c0_i32_0 : i32, i32
  }
  func.func @transform_6(%arg0: i32) -> (i32, i32) {
    %c0_i32 = arith.constant 0 : i32
    %c0_i32_0 = arith.constant 0 : i32
    %c0_i32_1 = arith.constant 0 : i32
    return %c0_i32, %c0_i32_0 : i32, i32
  }
  func.func @transform_7(%arg0: i32) -> (i32, i32) {
    %c0_i32 = arith.constant 0 : i32
    %c0_i32_0 = arith.constant 0 : i32
    %c0_i32_1 = arith.constant 0 : i32
    return %c0_i32, %c0_i32_0 : i32, i32
  }
  func.func @transform_8(%arg0: i32) -> (i32, i32) {
    %c0_i32 = arith.constant 0 : i32
    %c0_i32_0 = arith.constant 0 : i32
    %c0_i32_1 = arith.constant 0 : i32
    return %c0_i32, %c0_i32_0 : i32, i32
  }
  func.func @transform_9(%arg0: i32) -> (i32, i32) {
    %c0_i32 = arith.constant 0 : i32
    %c0_i32_0 = arith.constant 0 : i32
    %c0_i32_1 = arith.constant 0 : i32
    return %c0_i32, %c0_i32_0 : i32, i32
  }
  func.func @transform_10(%arg0: i32) -> (i32, i32) {
    %c0_i32 = arith.constant 0 : i32
    %c0_i32_0 = arith.constant 0 : i32
    %c0_i32_1 = arith.constant 0 : i32
    return %c0_i32, %c0_i32_0 : i32, i32
  }
  func.func @transform_12(%arg0: i32) -> (i32, i32) {
    %add3A = arith.constant 12 : i32
    %add3A_0 = arith.addi %arg0, %add3A : i32
    %c0_i32 = arith.constant 0 : i32
    %c0_i32_1 = arith.constant 0 : i32
    return %add3A_0, %c0_i32 : i32, i32
  }
  func.func @transform_13(%arg0: i32) -> (i32, i32) {
    %c0_i32 = arith.constant 0 : i32
    %c0_i32_0 = arith.constant 0 : i32
    %c0_i32_1 = arith.constant 0 : i32
    return %c0_i32, %c0_i32_0 : i32, i32
  }
  func.func @transform_14(%arg0: i32) -> (i32, i32) {
    %c0_i32 = arith.constant 0 : i32
    %c0_i32_0 = arith.constant 0 : i32
    %c0_i32_1 = arith.constant 0 : i32
    return %c0_i32, %c0_i32_0 : i32, i32
  }
}

module attributes {stable_mosaic.version = 14 : i64} {
  func.func @body(%arg0: i32, %arg1: memref<2048x1000xbf16, #tpu.memory_space<vmem>>, %arg2: memref<4x1000xf32, #tpu.memory_space<vmem>>, %arg3: memref<4x1000xf32, #tpu.memory_space<vmem>>, %arg4: memref<2048x128xf32, #tpu.memory_space<vmem>>, %arg5: memref<1x1000xf32, #tpu.memory_space<vmem>>, %arg6: memref<1x1000xf32, #tpu.memory_space<vmem>>, %arg7: memref<1000x100xbf16, #tpu.memory_space<vmem>>, %arg8: memref<1x100xf32, #tpu.memory_space<vmem>>, %arg9: memref<1x1xf32, #tpu.memory_space<vmem>>, %arg10: memref<2048x100xbf16, #tpu.memory_space<vmem>>, %arg11: memref<1x100xf32, #tpu.memory_space<vmem>>, %arg12: memref<1x100xf32, #tpu.memory_space<vmem>>, %arg13: memref<228x228xf32, #tpu.memory_space<vmem>>, %arg14: memref<1x228xf32, #tpu.memory_space<vmem>>) attributes {dimension_semantics = [#tpu.dimension_semantics<arbitrary>], iteration_bounds = array<i64: 8>, scalar_prefetch = 0 : i64, scratch_operands = 0 : i64, tpu.core_type = #tpu.core_type<tc>, window_params = [{transform_indices = @transform_0, window_bounds = array<i64: 2048, 1000>}, {pipeline_mode = #tpu.pipeline_mode<synchronous>, transform_indices = @transform_1, window_bounds = array<i64: 4, 1000>}, {pipeline_mode = #tpu.pipeline_mode<synchronous>, transform_indices = @transform_2, window_bounds = array<i64: 4, 1000>}, {transform_indices = @transform_3, window_bounds = array<i64: 2048, 128>}, {pipeline_mode = #tpu.pipeline_mode<synchronous>, transform_indices = @transform_4, window_bounds = array<i64: 1, 1000>}, {pipeline_mode = #tpu.pipeline_mode<synchronous>, transform_indices = @transform_5, window_bounds = array<i64: 1, 1000>}, {pipeline_mode = #tpu.pipeline_mode<synchronous>, transform_indices = @transform_6, window_bounds = array<i64: 1000, 100>}, {pipeline_mode = #tpu.pipeline_mode<synchronous>, transform_indices = @transform_7, window_bounds = array<i64: 1, 100>}, {pipeline_mode = #tpu.pipeline_mode<synchronous>, transform_indices = @transform_8, window_bounds = array<i64: 1, 1>}, {transform_indices = @transform_9, window_bounds = array<i64: 2048, 100>}, {pipeline_mode = #tpu.pipeline_mode<synchronous>, transform_indices = @transform_10, window_bounds = array<i64: 1, 100>}, {pipeline_mode = #tpu.pipeline_mode<synchronous>, transform_indices = @transform_11, window_bounds = array<i64: 1, 100>}, {pipeline_mode = #tpu.pipeline_mode<synchronous>, transform_indices = @transform_12, window_bounds = array<i64: 228, 228>}, {pipeline_mode = #tpu.pipeline_mode<synchronous>, transform_indices = @transform_13, window_bounds = array<i64: 1, 228>}]} {
    %get3A = arith.constant 0 : index
    %get3A_0 = arith.constant 0 : index
    %get3A_1 = vector.load %arg2[%get3A, %get3A_0] : memref<4x1000xf32, #tpu.memory_space<vmem>>, vector<4x1000xf32>
    %reduce_sum3A = arith.constant dense<0.000000e+00> : vector<1000xf32>
    %reduce_sum3A_2 = vector.multi_reduction <add>, %get3A_1, %reduce_sum3A [0] : vector<4x1000xf32> to vector<1000xf32>
    %broadcast_in_dim3A = vector.shape_cast %reduce_sum3A_2 : vector<1000xf32> to vector<1x1000xf32>
    %get3A_3 = arith.constant 0 : index
    %get3A_4 = arith.constant 0 : index
    %get3A_5 = vector.load %arg3[%get3A_3, %get3A_4] : memref<4x1000xf32, #tpu.memory_space<vmem>>, vector<4x1000xf32>
    %reduce_sum3A_6 = arith.constant dense<0.000000e+00> : vector<1000xf32>
    %reduce_sum3A_7 = vector.multi_reduction <add>, %get3A_5, %reduce_sum3A_6 [0] : vector<4x1000xf32> to vector<1000xf32>
    %broadcast_in_dim3A_8 = vector.shape_cast %reduce_sum3A_7 : vector<1000xf32> to vector<1x1000xf32>
    %get3A_9 = arith.constant 0 : index
    %get3A_10 = arith.constant 0 : index
    %get3A_11 = vector.load %arg5[%get3A_9, %get3A_10] : memref<1x1000xf32, #tpu.memory_space<vmem>>, vector<1x1000xf32>
    %get3A_12 = arith.constant 0 : index
    %get3A_13 = arith.constant 0 : index
    %get3A_14 = vector.load %arg6[%get3A_12, %get3A_13] : memref<1x1000xf32, #tpu.memory_space<vmem>>, vector<1x1000xf32>
    %mul3A = arith.constant 6.10351563E-5 : f32
    %mul3A_15 = vector.broadcast %mul3A : f32 to vector<1x1000xf32>
    %mul3A_16 = arith.mulf %broadcast_in_dim3A, %mul3A_15 : vector<1x1000xf32>
    %mul3A_17 = arith.constant 6.10351563E-5 : f32
    %mul3A_18 = vector.broadcast %mul3A_17 : f32 to vector<1x1000xf32>
    %mul3A_19 = arith.mulf %broadcast_in_dim3A_8, %mul3A_18 : vector<1x1000xf32>
    %mul3A_20 = arith.mulf %mul3A_16, %mul3A_16 : vector<1x1000xf32>
    %sub3A = arith.subf %mul3A_19, %mul3A_20 : vector<1x1000xf32>
    %add3A = arith.constant 9.99999974E-6 : f32
    %add3A_21 = vector.broadcast %add3A : f32 to vector<1x1000xf32>
    %add3A_22 = arith.addf %sub3A, %add3A_21 : vector<1x1000xf32>
    %rsqrt3A = math.rsqrt %add3A_22 : vector<1x1000xf32>
    %mul3A_23 = arith.mulf %get3A_11, %rsqrt3A : vector<1x1000xf32>
    %mul3A_24 = arith.mulf %mul3A_16, %mul3A_23 : vector<1x1000xf32>
    %sub3A_25 = arith.subf %get3A_14, %mul3A_24 : vector<1x1000xf32>
    %get3A_26 = arith.constant 0 : index
    %get3A_27 = arith.constant 0 : index
    %get3A_28 = vector.load %arg1[%get3A_26, %get3A_27] : memref<2048x1000xbf16, #tpu.memory_space<vmem>>, vector<2048x1000xbf16>
    %convert_element_type3A = arith.extf %get3A_28 : vector<2048x1000xbf16> to vector<2048x1000xf32>
    %mul3A_29 = vector.broadcast %mul3A_23 : vector<1x1000xf32> to vector<2048x1000xf32>
    %mul3A_30 = arith.mulf %convert_element_type3A, %mul3A_29 : vector<2048x1000xf32>
    %add3A_31 = vector.broadcast %sub3A_25 : vector<1x1000xf32> to vector<2048x1000xf32>
    %add3A_32 = arith.addf %mul3A_30, %add3A_31 : vector<2048x1000xf32>
    %convert_element_type3A_33 = arith.truncf %add3A_32 : vector<2048x1000xf32> to vector<2048x1000xbf16>
    %get3A_34 = arith.constant 0 : index
    %get3A_35 = arith.constant 0 : index
    %get3A_36 = vector.load %arg7[%get3A_34, %get3A_35] : memref<1000x100xbf16, #tpu.memory_space<vmem>>, vector<1000x100xbf16>
    %dot_general3A = arith.constant dense<0.000000e+00> : vector<2048x100xf32>
    %dot_general3A_37 = tpu.matmul %convert_element_type3A_33, %get3A_36, %dot_general3A {dimension_numbers = #tpu.dot_dimension_numbers<[1], [0], [0], [1], [0, 0, 1, 1], [], []>, transpose_lhs_hint = false} : vector<2048x1000xbf16>, vector<1000x100xbf16>, vector<2048x100xf32> -> vector<2048x100xf32>
    %get3A_38 = arith.constant 0 : index
    %get3A_39 = arith.constant 0 : index
    %get3A_40 = vector.load %arg8[%get3A_38, %get3A_39] : memref<1x100xf32, #tpu.memory_space<vmem>>, vector<1x100xf32>
    %add3A_41 = vector.broadcast %get3A_40 : vector<1x100xf32> to vector<2048x100xf32>
    %add3A_42 = arith.addf %dot_general3A_37, %add3A_41 : vector<2048x100xf32>
    %get3A_43 = arith.constant 0 : index
    %get3A_44 = arith.constant 0 : index
    %get3A_45 = vector.load %arg9[%get3A_43, %get3A_44] : memref<1x1xf32, #tpu.memory_space<vmem>>, vector<1x1xf32>
    %get3A_46 = vector.extract %get3A_45[0, 0] : f32 from vector<1x1xf32>
    %ge3A = arith.constant 0.000000e+00 : f32
    %ge3A_47 = vector.broadcast %ge3A : f32 to vector<2048x100xf32>
    %ge3A_48 = arith.cmpf oge, %add3A_42, %ge3A_47 : vector<2048x100xf32>
    %mul3A_49 = vector.broadcast %get3A_46 : f32 to vector<2048x100xf32>
    %mul3A_50 = arith.mulf %mul3A_49, %add3A_42 : vector<2048x100xf32>
    %select_n3A = arith.select %ge3A_48, %add3A_42, %mul3A_50 : vector<2048x100xi1>, vector<2048x100xf32>
    %convert_element_type3A_51 = arith.truncf %select_n3A : vector<2048x100xf32> to vector<2048x100xbf16>
    %swap3A = arith.constant 0 : index
    %swap3A_52 = arith.constant 0 : index
    %swap3A_53 = vector.load %arg10[%swap3A, %swap3A_52] : memref<2048x100xbf16, #tpu.memory_space<vmem>>, vector<2048x100xbf16>
    tpu.vector_store %arg10[%swap3A, %swap3A_52], %convert_element_type3A_51 {strides = array<i32>} : memref<2048x100xbf16, #tpu.memory_space<vmem>>, vector<2048x100xbf16>,
    %eq3A = arith.constant 0 : i32
    %eq3A_54 = arith.cmpi eq, %arg0, %eq3A : i32
    %convert_element_type3A_55 = arith.extui %eq3A_54 : i1 to i32
    %cond3A = arith.constant 0 : i32
    %cond3A_56 = arith.cmpi ne, %convert_element_type3A_55, %cond3A : i32
    scf.if %cond3A_56 {
      %broadcast_in_dim3A_100 = arith.constant 0.000000e+00 : f32
      %broadcast_in_dim3A_101 = vector.broadcast %broadcast_in_dim3A_100 : f32 to vector<1x100xf32>
      %swap3A_102 = arith.constant 0 : index
      %swap3A_103 = arith.constant 0 : index
      %swap3A_104 = vector.load %arg11[%swap3A_102, %swap3A_103] : memref<1x100xf32, #tpu.memory_space<vmem>>, vector<1x100xf32>
      tpu.vector_store %arg11[%swap3A_102, %swap3A_103], %broadcast_in_dim3A_101 {strides = array<i32>} : memref<1x100xf32, #tpu.memory_space<vmem>>, vector<1x100xf32>,
      %broadcast_in_dim3A_105 = arith.constant 0.000000e+00 : f32
      %broadcast_in_dim3A_106 = vector.broadcast %broadcast_in_dim3A_105 : f32 to vector<1x100xf32>
      %swap3A_107 = arith.constant 0 : index
      %swap3A_108 = arith.constant 0 : index
      %swap3A_109 = vector.load %arg12[%swap3A_107, %swap3A_108] : memref<1x100xf32, #tpu.memory_space<vmem>>, vector<1x100xf32>
      tpu.vector_store %arg12[%swap3A_107, %swap3A_108], %broadcast_in_dim3A_106 {strides = array<i32>} : memref<1x100xf32, #tpu.memory_space<vmem>>, vector<1x100xf32>,
      %broadcast_in_dim3A_110 = arith.constant 0.000000e+00 : f32
      %broadcast_in_dim3A_111 = vector.broadcast %broadcast_in_dim3A_110 : f32 to vector<228x228xf32>
      %swap3A_112 = arith.constant 0 : index
      %swap3A_113 = arith.constant 0 : index
      %swap3A_114 = vector.load %arg13[%swap3A_112, %swap3A_113] : memref<228x228xf32, #tpu.memory_space<vmem>>, vector<228x228xf32>
      tpu.vector_store %arg13[%swap3A_112, %swap3A_113], %broadcast_in_dim3A_111 {strides = array<i32>} : memref<228x228xf32, #tpu.memory_space<vmem>>, vector<228x228xf32>,
      %broadcast_in_dim3A_115 = arith.constant 0.000000e+00 : f32
      %broadcast_in_dim3A_116 = vector.broadcast %broadcast_in_dim3A_115 : f32 to vector<1x228xf32>
      %swap3A_117 = arith.constant 0 : index
      %swap3A_118 = arith.constant 0 : index
      %swap3A_119 = vector.load %arg14[%swap3A_117, %swap3A_118] : memref<1x228xf32, #tpu.memory_space<vmem>>, vector<1x228xf32>
      tpu.vector_store %arg14[%swap3A_117, %swap3A_118], %broadcast_in_dim3A_116 {strides = array<i32>} : memref<1x228xf32, #tpu.memory_space<vmem>>, vector<1x228xf32>,
    } else {
    }
    %get3A_57 = arith.constant 0 : index
    %get3A_58 = arith.constant 0 : index
    %get3A_59 = vector.load %arg11[%get3A_57, %get3A_58] : memref<1x100xf32, #tpu.memory_space<vmem>>, vector<1x100xf32>
    %reduce_sum3A_60 = arith.constant dense<0.000000e+00> : vector<100xf32>
    %reduce_sum3A_61 = vector.multi_reduction <add>, %select_n3A, %reduce_sum3A_60 [0] : vector<2048x100xf32> to vector<100xf32>
    %broadcast_in_dim3A_62 = vector.shape_cast %reduce_sum3A_61 : vector<100xf32> to vector<1x100xf32>
    %add3A_63 = arith.addf %get3A_59, %broadcast_in_dim3A_62 : vector<1x100xf32>
    %swap3A_64 = arith.constant 0 : index
    %swap3A_65 = arith.constant 0 : index
    %swap3A_66 = vector.load %arg11[%swap3A_64, %swap3A_65] : memref<1x100xf32, #tpu.memory_space<vmem>>, vector<1x100xf32>
    tpu.vector_store %arg11[%swap3A_64, %swap3A_65], %add3A_63 {strides = array<i32>} : memref<1x100xf32, #tpu.memory_space<vmem>>, vector<1x100xf32>,
    %get3A_67 = arith.constant 0 : index
    %get3A_68 = arith.constant 0 : index
    %get3A_69 = vector.load %arg12[%get3A_67, %get3A_68] : memref<1x100xf32, #tpu.memory_space<vmem>>, vector<1x100xf32>
    %mul3A_70 = arith.mulf %select_n3A, %select_n3A : vector<2048x100xf32>
    %reduce_sum3A_71 = arith.constant dense<0.000000e+00> : vector<100xf32>
    %reduce_sum3A_72 = vector.multi_reduction <add>, %mul3A_70, %reduce_sum3A_71 [0] : vector<2048x100xf32> to vector<100xf32>
    %broadcast_in_dim3A_73 = vector.shape_cast %reduce_sum3A_72 : vector<100xf32> to vector<1x100xf32>
    %add3A_74 = arith.addf %get3A_69, %broadcast_in_dim3A_73 : vector<1x100xf32>
    %swap3A_75 = arith.constant 0 : index
    %swap3A_76 = arith.constant 0 : index
    %swap3A_77 = vector.load %arg12[%swap3A_75, %swap3A_76] : memref<1x100xf32, #tpu.memory_space<vmem>>, vector<1x100xf32>
    tpu.vector_store %arg12[%swap3A_75, %swap3A_76], %add3A_74 {strides = array<i32>} : memref<1x100xf32, #tpu.memory_space<vmem>>, vector<1x100xf32>,
    %get3A_78 = arith.constant 0 : index
    %get3A_79 = arith.constant 0 : index
    %get3A_80 = vector.load %arg4[%get3A_78, %get3A_79] : memref<2048x128xf32, #tpu.memory_space<vmem>>, vector<2048x128xf32>
    %concatenate3A = tpu.concatenate %get3A_80, %select_n3A in 1 : vector<2048x128xf32>, vector<2048x100xf32> -> vector<2048x228xf32>
    %get3A_81 = arith.constant 0 : index
    %get3A_82 = arith.constant 0 : index
    %get3A_83 = vector.load %arg13[%get3A_81, %get3A_82] : memref<228x228xf32, #tpu.memory_space<vmem>>, vector<228x228xf32>
    %dot_general3A_84 = arith.constant dense<0.000000e+00> : vector<228x228xf32>
    %dot_general3A_85 = tpu.matmul %concatenate3A, %concatenate3A, %dot_general3A_84 {dimension_numbers = #tpu.dot_dimension_numbers<[0], [0], [1], [1], [0, 1, 1, 1], [], []>, transpose_lhs_hint = false} : vector<2048x228xf32>, vector<2048x228xf32>, vector<228x228xf32> -> vector<228x228xf32>
    %add3A_86 = arith.addf %get3A_83, %dot_general3A_85 : vector<228x228xf32>
    %swap3A_87 = arith.constant 0 : index
    %swap3A_88 = arith.constant 0 : index
    %swap3A_89 = vector.load %arg13[%swap3A_87, %swap3A_88] : memref<228x228xf32, #tpu.memory_space<vmem>>, vector<228x228xf32>
    tpu.vector_store %arg13[%swap3A_87, %swap3A_88], %add3A_86 {strides = array<i32>} : memref<228x228xf32, #tpu.memory_space<vmem>>, vector<228x228xf32>,
    %get3A_90 = arith.constant 0 : index
    %get3A_91 = arith.constant 0 : index
    %get3A_92 = vector.load %arg14[%get3A_90, %get3A_91] : memref<1x228xf32, #tpu.memory_space<vmem>>, vector<1x228xf32>
    %reduce_sum3A_93 = arith.constant dense<0.000000e+00> : vector<228xf32>
    %reduce_sum3A_94 = vector.multi_reduction <add>, %concatenate3A, %reduce_sum3A_93 [0] : vector<2048x228xf32> to vector<228xf32>
    %broadcast_in_dim3A_95 = vector.shape_cast %reduce_sum3A_94 : vector<228xf32> to vector<1x228xf32>
    %add3A_96 = arith.addf %get3A_92, %broadcast_in_dim3A_95 : vector<1x228xf32>
    %swap3A_97 = arith.constant 0 : index
    %swap3A_98 = arith.constant 0 : index
    %swap3A_99 = vector.load %arg14[%swap3A_97, %swap3A_98] : memref<1x228xf32, #tpu.memory_space<vmem>>, vector<1x228xf32>
    tpu.vector_store %arg14[%swap3A_97, %swap3A_98], %add3A_96 {strides = array<i32>} : memref<1x228xf32, #tpu.memory_space<vmem>>, vector<1x228xf32>,
    return
  }
  func.func @transform_0(%arg0: i32) -> (i32, i32) {
    %c0_i32 = arith.constant 0 : i32
    %c0_i32_0 = arith.constant 0 : i32
    return %arg0, %c0_i32 : i32, i32
  }
  func.func @transform_1(%arg0: i32) -> (i32, i32) {
    %c0_i32 = arith.constant 0 : i32
    %c0_i32_0 = arith.constant 0 : i32
    %c0_i32_1 = arith.constant 0 : i32
    return %c0_i32, %c0_i32_0 : i32, i32
  }
  func.func @transform_2(%arg0: i32) -> (i32, i32) {
    %c0_i32 = arith.constant 0 : i32
    %c0_i32_0 = arith.constant 0 : i32
    %c0_i32_1 = arith.constant 0 : i32
    return %c0_i32, %c0_i32_0 : i32, i32
  }
  func.func @transform_3(%arg0: i32) -> (i32, i32) {
    %c0_i32 = arith.constant 0 : i32
    %c0_i32_0 = arith.constant 0 : i32
    return %arg0, %c0_i32 : i32, i32
  }
  func.func @transform_4(%arg0: i32) -> (i32, i32) {
    %c0_i32 = arith.constant 0 : i32
    %c0_i32_0 = arith.constant 0 : i32
    %c0_i32_1 = arith.constant 0 : i32
    return %c0_i32, %c0_i32_0 : i32, i32
  }
  func.func @transform_5(%arg0: i32) -> (i32, i32) {
    %c0_i32 = arith.constant 0 : i32
    %c0_i32_0 = arith.constant 0 : i32
    %c0_i32_1 = arith.constant 0 : i32
    return %c0_i32, %c0_i32_0 : i32, i32
  }
  func.func @transform_6(%arg0: i32) -> (i32, i32) {
    %c0_i32 = arith.constant 0 : i32
    %c0_i32_0 = arith.constant 0 : i32
    %c0_i32_1 = arith.constant 0 : i32
    return %c0_i32, %c0_i32_0 : i32, i32
  }
  func.func @transform_7(%arg0: i32) -> (i32, i32) {
    %c0_i32 = arith.constant 0 : i32
    %c0_i32_0 = arith.constant 0 : i32
    %c0_i32_1 = arith.constant 0 : i32
    return %c0_i32, %c0_i32_0 : i32, i32
  }
  func.func @transform_8(%arg0: i32) -> (i32, i32) {
    %c0_i32 = arith.constant 0 : i32
    %c0_i32_0 = arith.constant 0 : i32
    %c0_i32_1 = arith.constant 0 : i32
    return %c0_i32, %c0_i32_0 : i32, i32
  }
  func.func @transform_9(%arg0: i32) -> (i32, i32) {
    %c0_i32 = arith.constant 0 : i32
    %c0_i32_0 = arith.constant 0 : i32
    return %arg0, %c0_i32 : i32, i32
  }
  func.func @transform_10(%arg0: i32) -> (i32, i32) {
    %c0_i32 = arith.constant 0 : i32
    %c0_i32_0 = arith.constant 0 : i32
    %c0_i32_1 = arith.constant 0 : i32
    return %c0_i32, %c0_i32_0 : i32, i32
  }
  func.func @transform_11(%arg0: i32) -> (i32, i32) {
    %c0_i32 = arith.constant 0 : i32
    %c0_i32_0 = arith.constant 0 : i32
    %c0_i32_1 = arith.constant 0 : i32
    return %c0_i32, %c0_i32_0 : i32, i32
  }
  func.func @transform_12(%arg0: i32) -> (i32, i32) {
    %c0_i32 = arith.constant 0 : i32
    %c0_i32_0 = arith.constant 0 : i32
    %c0_i32_1 = arith.constant 0 : i32
    return %c0_i32, %c0_i32_0 : i32, i32
  }
  func.func @transform_13(%arg0: i32) -> (i32, i32) {
    %c0_i32 = arith.constant 0 : i32
    %c0_i32_0 = arith.constant 0 : i32
    %c0_i32_1 = arith.constant 0 : i32
    return %c0_i32, %c0_i32_0 : i32, i32
  }
}

module attributes {stable_mosaic.version = 14 : i64} {
  func.func @body(%arg0: i32, %arg1: memref<2048x100xbf16, #tpu.memory_space<vmem>>, %arg2: memref<2048x128xf32, #tpu.memory_space<vmem>>, %arg3: memref<1x100xf32, #tpu.memory_space<vmem>>, %arg4: memref<1x100xf32, #tpu.memory_space<vmem>>, %arg5: memref<228x228xf32, #tpu.memory_space<vmem>>, %arg6: memref<1x228xf32, #tpu.memory_space<vmem>>, %arg7: memref<1x100xf32, #tpu.memory_space<vmem>>, %arg8: memref<1x100xf32, #tpu.memory_space<vmem>>, %arg9: memref<128x1024xbf16, #tpu.memory_space<vmem>>, %arg10: memref<100x1024xbf16, #tpu.memory_space<vmem>>, %arg11: memref<228x1024xf32, #tpu.memory_space<vmem>>, %arg12: memref<1x1024xf32, #tpu.memory_space<vmem>>, %arg13: memref<1x1024xf32, #tpu.memory_space<vmem>>, %arg14: memref<1x1024xf32, #tpu.memory_space<vmem>>, %arg15: memref<1024x512xbf16, #tpu.memory_space<vmem>>, %arg16: memref<1x512xf32, #tpu.memory_space<vmem>>, %arg17: memref<2048x512xbf16, #tpu.memory_space<vmem>>, %arg18: memref<1x512xf32, #tpu.memory_space<vmem>>, %arg19: memref<1x512xf32, #tpu.memory_space<vmem>>, %arg20: memref<1x1024xf32, #tpu.memory_space<vmem>>, %arg21: memref<1x1024xf32, #tpu.memory_space<vmem>>) attributes {dimension_semantics = [#tpu.dimension_semantics<arbitrary>], iteration_bounds = array<i64: 8>, scalar_prefetch = 0 : i64, scratch_operands = 0 : i64, tpu.core_type = #tpu.core_type<tc>, window_params = [{transform_indices = @transform_0, window_bounds = array<i64: 2048, 100>}, {transform_indices = @transform_1, window_bounds = array<i64: 2048, 128>}, {pipeline_mode = #tpu.pipeline_mode<synchronous>, transform_indices = @transform_2, window_bounds = array<i64: 1, 100>}, {pipeline_mode = #tpu.pipeline_mode<synchronous>, transform_indices = @transform_3, window_bounds = array<i64: 1, 100>}, {pipeline_mode = #tpu.pipeline_mode<synchronous>, transform_indices = @transform_4, window_bounds = array<i64: 228, 228>}, {pipeline_mode = #tpu.pipeline_mode<synchronous>, transform_indices = @transform_5, window_bounds = array<i64: 1, 228>}, {pipeline_mode = #tpu.pipeline_mode<synchronous>, transform_indices = @transform_6, window_bounds = array<i64: 1, 100>}, {pipeline_mode = #tpu.pipeline_mode<synchronous>, transform_indices = @transform_7, window_bounds = array<i64: 1, 100>}, {pipeline_mode = #tpu.pipeline_mode<synchronous>, transform_indices = @transform_8, window_bounds = array<i64: 128, 1024>}, {pipeline_mode = #tpu.pipeline_mode<synchronous>, transform_indices = @transform_9, window_bounds = array<i64: 100, 1024>}, {pipeline_mode = #tpu.pipeline_mode<synchronous>, transform_indices = @transform_10, window_bounds = array<i64: 228, 1024>}, {pipeline_mode = #tpu.pipeline_mode<synchronous>, transform_indices = @transform_11, window_bounds = array<i64: 1, 1024>}, {pipeline_mode = #tpu.pipeline_mode<synchronous>, transform_indices = @transform_12, window_bounds = array<i64: 1, 1024>}, {pipeline_mode = #tpu.pipeline_mode<synchronous>, transform_indices = @transform_13, window_bounds = array<i64: 1, 1024>}, {pipeline_mode = #tpu.pipeline_mode<synchronous>, transform_indices = @transform_14, window_bounds = array<i64: 1024, 512>}, {pipeline_mode = #tpu.pipeline_mode<synchronous>, transform_indices = @transform_15, window_bounds = array<i64: 1, 512>}, {transform_indices = @transform_16, window_bounds = array<i64: 2048, 512>}, {pipeline_mode = #tpu.pipeline_mode<synchronous>, transform_indices = @transform_17, window_bounds = array<i64: 1, 512>}, {pipeline_mode = #tpu.pipeline_mode<synchronous>, transform_indices = @transform_18, window_bounds = array<i64: 1, 512>}, {pipeline_mode = #tpu.pipeline_mode<synchronous>, transform_indices = @transform_19, window_bounds = array<i64: 1, 1024>}, {pipeline_mode = #tpu.pipeline_mode<synchronous>, transform_indices = @transform_20, window_bounds = array<i64: 1, 1024>}]} {
    %get3A = arith.constant 0 : index
    %get3A_0 = arith.constant 0 : index
    %get3A_1 = vector.load %arg3[%get3A, %get3A_0] : memref<1x100xf32, #tpu.memory_space<vmem>>, vector<1x100xf32>
    %get3A_2 = arith.constant 0 : index
    %get3A_3 = arith.constant 0 : index
    %get3A_4 = vector.load %arg4[%get3A_2, %get3A_3] : memref<1x100xf32, #tpu.memory_space<vmem>>, vector<1x100xf32>
    %get3A_5 = arith.constant 0 : index
    %get3A_6 = arith.constant 0 : index
    %get3A_7 = vector.load %arg7[%get3A_5, %get3A_6] : memref<1x100xf32, #tpu.memory_space<vmem>>, vector<1x100xf32>
    %get3A_8 = arith.constant 0 : index
    %get3A_9 = arith.constant 0 : index
    %get3A_10 = vector.load %arg8[%get3A_8, %get3A_9] : memref<1x100xf32, #tpu.memory_space<vmem>>, vector<1x100xf32>
    %mul3A = arith.constant 6.10351563E-5 : f32
    %mul3A_11 = vector.broadcast %mul3A : f32 to vector<1x100xf32>
    %mul3A_12 = arith.mulf %get3A_1, %mul3A_11 : vector<1x100xf32>
    %mul3A_13 = arith.constant 6.10351563E-5 : f32
    %mul3A_14 = vector.broadcast %mul3A_13 : f32 to vector<1x100xf32>
    %mul3A_15 = arith.mulf %get3A_4, %mul3A_14 : vector<1x100xf32>
    %mul3A_16 = arith.mulf %mul3A_12, %mul3A_12 : vector<1x100xf32>
    %sub3A = arith.subf %mul3A_15, %mul3A_16 : vector<1x100xf32>
    %add3A = arith.constant 9.99999974E-6 : f32
    %add3A_17 = vector.broadcast %add3A : f32 to vector<1x100xf32>
    %add3A_18 = arith.addf %sub3A, %add3A_17 : vector<1x100xf32>
    %rsqrt3A = math.rsqrt %add3A_18 : vector<1x100xf32>
    %mul3A_19 = arith.mulf %get3A_7, %rsqrt3A : vector<1x100xf32>
    %mul3A_20 = arith.mulf %mul3A_12, %mul3A_19 : vector<1x100xf32>
    %sub3A_21 = arith.subf %get3A_10, %mul3A_20 : vector<1x100xf32>
    %eq3A = arith.constant 0 : i32
    %eq3A_22 = arith.cmpi eq, %arg0, %eq3A : i32
    %convert_element_type3A = arith.extui %eq3A_22 : i1 to i32
    %cond3A = arith.constant 0 : i32
    %cond3A_23 = arith.cmpi ne, %convert_element_type3A, %cond3A : i32
    scf.if %cond3A_23 {
      %get3A_97 = arith.constant 0 : index
      %get3A_98 = arith.constant 0 : index
      %get3A_99 = vector.load %arg6[%get3A_97, %get3A_98] : memref<1x228xf32, #tpu.memory_space<vmem>>, vector<1x228xf32>
      %mul3A_100 = arith.constant 6.10351563E-5 : f32
      %mul3A_101 = vector.broadcast %mul3A_100 : f32 to vector<1x228xf32>
      %mul3A_102 = arith.mulf %get3A_99, %mul3A_101 : vector<1x228xf32>
      %get3A_103 = arith.constant 0 : index
      %get3A_104 = arith.constant 0 : index
      %get3A_105 = vector.load %arg5[%get3A_103, %get3A_104] : memref<228x228xf32, #tpu.memory_space<vmem>>, vector<228x228xf32>
      %mul3A_106 = arith.constant 6.10351563E-5 : f32
      %mul3A_107 = vector.broadcast %mul3A_106 : f32 to vector<228x228xf32>
      %mul3A_108 = arith.mulf %get3A_105, %mul3A_107 : vector<228x228xf32>
      %transpose3A = tpu.transpose %mul3A_102, [1, 0] : vector<1x228xf32> -> vector<228x1xf32>
      %mul3A_109 = vector.broadcast %transpose3A : vector<228x1xf32> to vector<228x228xf32>
      %mul3A_110 = vector.broadcast %mul3A_102 : vector<1x228xf32> to vector<228x228xf32>
      %mul3A_111 = arith.mulf %mul3A_109, %mul3A_110 : vector<228x228xf32>
      %sub3A_112 = arith.subf %mul3A_108, %mul3A_111 : vector<228x228xf32>
      %broadcast_in_dim3A_113 = arith.constant 1.000000e+00 : f32
      %broadcast_in_dim3A_114 = vector.broadcast %broadcast_in_dim3A_113 : f32 to vector<1x128xf32>
      %concatenate3A = tpu.concatenate %broadcast_in_dim3A_114, %mul3A_19 in 1 : vector<1x128xf32>, vector<1x100xf32> -> vector<1x228xf32>
      %mul3A_115 = vector.broadcast %concatenate3A : vector<1x228xf32> to vector<228x228xf32>
      %mul3A_116 = arith.mulf %sub3A_112, %mul3A_115 : vector<228x228xf32>
      %transpose3A_117 = tpu.transpose %concatenate3A, [1, 0] : vector<1x228xf32> -> vector<228x1xf32>
      %mul3A_118 = vector.broadcast %transpose3A_117 : vector<228x1xf32> to vector<228x228xf32>
      %mul3A_119 = arith.mulf %mul3A_116, %mul3A_118 : vector<228x228xf32>
      %get3A_120 = arith.constant 0 : index
      %get3A_121 = arith.constant 0 : index
      %get3A_122 = vector.load %arg11[%get3A_120, %get3A_121] : memref<228x1024xf32, #tpu.memory_space<vmem>>, vector<228x1024xf32>
      %dot_general3A_123 = arith.constant dense<0.000000e+00> : vector<228x1024xf32>
      %dot_general3A_124 = tpu.matmul %mul3A_119, %get3A_122, %dot_general3A_123 {dimension_numbers = #tpu.dot_dimension_numbers<[1], [0], [0], [1], [0, 0, 1, 1], [], []>, transpose_lhs_hint = false} : vector<228x228xf32>, vector<228x1024xf32>, vector<228x1024xf32> -> vector<228x1024xf32>
      %mul3A_125 = arith.mulf %get3A_122, %dot_general3A_124 : vector<228x1024xf32>
      %reduce_sum3A_126 = arith.constant dense<0.000000e+00> : vector<1024xf32>
      %reduce_sum3A_127 = vector.multi_reduction <add>, %mul3A_125, %reduce_sum3A_126 [0] : vector<228x1024xf32> to vector<1024xf32>
      %broadcast_in_dim3A_128 = vector.shape_cast %reduce_sum3A_127 : vector<1024xf32> to vector<1x1024xf32>
      %slice3A = vector.extract_strided_slice %mul3A_102 {offsets = [0, 0], sizes = [1, 128], strides = [1, 1]} : vector<1x228xf32> to vector<1x128xf32>
      %get3A_129 = arith.constant 0 : index
      %get3A_130 = arith.constant 0 : index
      %get3A_131 = vector.load %arg8[%get3A_129, %get3A_130] : memref<1x100xf32, #tpu.memory_space<vmem>>, vector<1x100xf32>
      %concatenate3A_132 = tpu.concatenate %slice3A, %get3A_131 in 1 : vector<1x128xf32>, vector<1x100xf32> -> vector<1x228xf32>
      %dot_general3A_133 = arith.constant dense<0.000000e+00> : vector<1x1024xf32>
      %dot_general3A_134 = tpu.matmul %concatenate3A_132, %get3A_122, %dot_general3A_133 {dimension_numbers = #tpu.dot_dimension_numbers<[1], [0], [0], [1], [0, 0, 1, 1], [], []>, transpose_lhs_hint = false} : vector<1x228xf32>, vector<228x1024xf32>, vector<1x1024xf32> -> vector<1x1024xf32>
      %get3A_135 = arith.constant 0 : index
      %get3A_136 = arith.constant 0 : index
      %get3A_137 = vector.load %arg12[%get3A_135, %get3A_136] : memref<1x1024xf32, #tpu.memory_space<vmem>>, vector<1x1024xf32>
      %add3A_138 = arith.addf %dot_general3A_134, %get3A_137 : vector<1x1024xf32>
      %get3A_139 = arith.constant 0 : index
      %get3A_140 = arith.constant 0 : index
      %get3A_141 = vector.load %arg13[%get3A_139, %get3A_140] : memref<1x1024xf32, #tpu.memory_space<vmem>>, vector<1x1024xf32>
      %add3A_142 = arith.constant 9.99999974E-6 : f32
      %add3A_143 = vector.broadcast %add3A_142 : f32 to vector<1x1024xf32>
      %add3A_144 = arith.addf %broadcast_in_dim3A_128, %add3A_143 : vector<1x1024xf32>
      %rsqrt3A_145 = math.rsqrt %add3A_144 : vector<1x1024xf32>
      %mul3A_146 = arith.mulf %get3A_141, %rsqrt3A_145 : vector<1x1024xf32>
      %swap3A_147 = arith.constant 0 : index
      %swap3A_148 = arith.constant 0 : index
      %swap3A_149 = vector.load %arg20[%swap3A_147, %swap3A_148] : memref<1x1024xf32, #tpu.memory_space<vmem>>, vector<1x1024xf32>
      tpu.vector_store %arg20[%swap3A_147, %swap3A_148], %mul3A_146 {strides = array<i32>} : memref<1x1024xf32, #tpu.memory_space<vmem>>, vector<1x1024xf32>,
      %get3A_150 = arith.constant 0 : index
      %get3A_151 = arith.constant 0 : index
      %get3A_152 = vector.load %arg14[%get3A_150, %get3A_151] : memref<1x1024xf32, #tpu.memory_space<vmem>>, vector<1x1024xf32>
      %mul3A_153 = arith.mulf %add3A_138, %mul3A_146 : vector<1x1024xf32>
      %sub3A_154 = arith.subf %get3A_152, %mul3A_153 : vector<1x1024xf32>
      %swap3A_155 = arith.constant 0 : index
      %swap3A_156 = arith.constant 0 : index
      %swap3A_157 = vector.load %arg21[%swap3A_155, %swap3A_156] : memref<1x1024xf32, #tpu.memory_space<vmem>>, vector<1x1024xf32>
      tpu.vector_store %arg21[%swap3A_155, %swap3A_156], %sub3A_154 {strides = array<i32>} : memref<1x1024xf32, #tpu.memory_space<vmem>>, vector<1x1024xf32>,
      %broadcast_in_dim3A_158 = arith.constant 0.000000e+00 : f32
      %broadcast_in_dim3A_159 = vector.broadcast %broadcast_in_dim3A_158 : f32 to vector<1x512xf32>
      %swap3A_160 = arith.constant 0 : index
      %swap3A_161 = arith.constant 0 : index
      %swap3A_162 = vector.load %arg18[%swap3A_160, %swap3A_161] : memref<1x512xf32, #tpu.memory_space<vmem>>, vector<1x512xf32>
      tpu.vector_store %arg18[%swap3A_160, %swap3A_161], %broadcast_in_dim3A_159 {strides = array<i32>} : memref<1x512xf32, #tpu.memory_space<vmem>>, vector<1x512xf32>,
      %broadcast_in_dim3A_163 = arith.constant 0.000000e+00 : f32
      %broadcast_in_dim3A_164 = vector.broadcast %broadcast_in_dim3A_163 : f32 to vector<1x512xf32>
      %swap3A_165 = arith.constant 0 : index
      %swap3A_166 = arith.constant 0 : index
      %swap3A_167 = vector.load %arg19[%swap3A_165, %swap3A_166] : memref<1x512xf32, #tpu.memory_space<vmem>>, vector<1x512xf32>
      tpu.vector_store %arg19[%swap3A_165, %swap3A_166], %broadcast_in_dim3A_164 {strides = array<i32>} : memref<1x512xf32, #tpu.memory_space<vmem>>, vector<1x512xf32>,
    } else {
    }
    %get3A_24 = arith.constant 0 : index
    %get3A_25 = arith.constant 0 : index
    %get3A_26 = vector.load %arg1[%get3A_24, %get3A_25] : memref<2048x100xbf16, #tpu.memory_space<vmem>>, vector<2048x100xbf16>
    %convert_element_type3A_27 = arith.extf %get3A_26 : vector<2048x100xbf16> to vector<2048x100xf32>
    %mul3A_28 = vector.broadcast %mul3A_19 : vector<1x100xf32> to vector<2048x100xf32>
    %mul3A_29 = arith.mulf %convert_element_type3A_27, %mul3A_28 : vector<2048x100xf32>
    %add3A_30 = vector.broadcast %sub3A_21 : vector<1x100xf32> to vector<2048x100xf32>
    %add3A_31 = arith.addf %mul3A_29, %add3A_30 : vector<2048x100xf32>
    %get3A_32 = arith.constant 0 : index
    %get3A_33 = arith.constant 0 : index
    %get3A_34 = vector.load %arg2[%get3A_32, %get3A_33] : memref<2048x128xf32, #tpu.memory_space<vmem>>, vector<2048x128xf32>
    %convert_element_type3A_35 = arith.truncf %get3A_34 : vector<2048x128xf32> to vector<2048x128xbf16>
    %get3A_36 = arith.constant 0 : index
    %get3A_37 = arith.constant 0 : index
    %get3A_38 = vector.load %arg9[%get3A_36, %get3A_37] : memref<128x1024xbf16, #tpu.memory_space<vmem>>, vector<128x1024xbf16>
    %dot_general3A = arith.constant dense<0.000000e+00> : vector<2048x1024xf32>
    %dot_general3A_39 = tpu.matmul %convert_element_type3A_35, %get3A_38, %dot_general3A {dimension_numbers = #tpu.dot_dimension_numbers<[1], [0], [0], [1], [0, 0, 1, 1], [], []>, transpose_lhs_hint = false} : vector<2048x128xbf16>, vector<128x1024xbf16>, vector<2048x1024xf32> -> vector<2048x1024xf32>
    %convert_element_type3A_40 = arith.truncf %add3A_31 : vector<2048x100xf32> to vector<2048x100xbf16>
    %get3A_41 = arith.constant 0 : index
    %get3A_42 = arith.constant 0 : index
    %get3A_43 = vector.load %arg10[%get3A_41, %get3A_42] : memref<100x1024xbf16, #tpu.memory_space<vmem>>, vector<100x1024xbf16>
    %dot_general3A_44 = arith.constant dense<0.000000e+00> : vector<2048x1024xf32>
    %dot_general3A_45 = tpu.matmul %convert_element_type3A_40, %get3A_43, %dot_general3A_44 {dimension_numbers = #tpu.dot_dimension_numbers<[1], [0], [0], [1], [0, 0, 1, 1], [], []>, transpose_lhs_hint = false} : vector<2048x100xbf16>, vector<100x1024xbf16>, vector<2048x1024xf32> -> vector<2048x1024xf32>
    %add3A_46 = arith.addf %dot_general3A_39, %dot_general3A_45 : vector<2048x1024xf32>
    %get3A_47 = arith.constant 0 : index
    %get3A_48 = arith.constant 0 : index
    %get3A_49 = vector.load %arg12[%get3A_47, %get3A_48] : memref<1x1024xf32, #tpu.memory_space<vmem>>, vector<1x1024xf32>
    %add3A_50 = vector.broadcast %get3A_49 : vector<1x1024xf32> to vector<2048x1024xf32>
    %add3A_51 = arith.addf %add3A_46, %add3A_50 : vector<2048x1024xf32>
    %get3A_52 = arith.constant 0 : index
    %get3A_53 = arith.constant 0 : index
    %get3A_54 = vector.load %arg20[%get3A_52, %get3A_53] : memref<1x1024xf32, #tpu.memory_space<vmem>>, vector<1x1024xf32>
    %mul3A_55 = vector.broadcast %get3A_54 : vector<1x1024xf32> to vector<2048x1024xf32>
    %mul3A_56 = arith.mulf %add3A_51, %mul3A_55 : vector<2048x1024xf32>
    %get3A_57 = arith.constant 0 : index
    %get3A_58 = arith.constant 0 : index
    %get3A_59 = vector.load %arg21[%get3A_57, %get3A_58] : memref<1x1024xf32, #tpu.memory_space<vmem>>, vector<1x1024xf32>
    %add3A_60 = vector.broadcast %get3A_59 : vector<1x1024xf32> to vector<2048x1024xf32>
    %add3A_61 = arith.addf %mul3A_56, %add3A_60 : vector<2048x1024xf32>
    %max3A = arith.constant 0.000000e+00 : f32
    %max3A_62 = vector.broadcast %max3A : f32 to vector<2048x1024xf32>
    %max3A_63 = arith.maximumf %add3A_61, %max3A_62 : vector<2048x1024xf32>
    %convert_element_type3A_64 = arith.truncf %max3A_63 : vector<2048x1024xf32> to vector<2048x1024xbf16>
    %get3A_65 = arith.constant 0 : index
    %get3A_66 = arith.constant 0 : index
    %get3A_67 = vector.load %arg15[%get3A_65, %get3A_66] : memref<1024x512xbf16, #tpu.memory_space<vmem>>, vector<1024x512xbf16>
    %dot_general3A_68 = arith.constant dense<0.000000e+00> : vector<2048x512xf32>
    %dot_general3A_69 = tpu.matmul %convert_element_type3A_64, %get3A_67, %dot_general3A_68 {dimension_numbers = #tpu.dot_dimension_numbers<[1], [0], [0], [1], [0, 0, 1, 1], [], []>, transpose_lhs_hint = false} : vector<2048x1024xbf16>, vector<1024x512xbf16>, vector<2048x512xf32> -> vector<2048x512xf32>
    %get3A_70 = arith.constant 0 : index
    %get3A_71 = arith.constant 0 : index
    %get3A_72 = vector.load %arg16[%get3A_70, %get3A_71] : memref<1x512xf32, #tpu.memory_space<vmem>>, vector<1x512xf32>
    %add3A_73 = vector.broadcast %get3A_72 : vector<1x512xf32> to vector<2048x512xf32>
    %add3A_74 = arith.addf %dot_general3A_69, %add3A_73 : vector<2048x512xf32>
    %convert_element_type3A_75 = arith.truncf %add3A_74 : vector<2048x512xf32> to vector<2048x512xbf16>
    %swap3A = arith.constant 0 : index
    %swap3A_76 = arith.constant 0 : index
    %swap3A_77 = vector.load %arg17[%swap3A, %swap3A_76] : memref<2048x512xbf16, #tpu.memory_space<vmem>>, vector<2048x512xbf16>
    tpu.vector_store %arg17[%swap3A, %swap3A_76], %convert_element_type3A_75 {strides = array<i32>} : memref<2048x512xbf16, #tpu.memory_space<vmem>>, vector<2048x512xbf16>,
    %get3A_78 = arith.constant 0 : index
    %get3A_79 = arith.constant 0 : index
    %get3A_80 = vector.load %arg18[%get3A_78, %get3A_79] : memref<1x512xf32, #tpu.memory_space<vmem>>, vector<1x512xf32>
    %reduce_sum3A = arith.constant dense<0.000000e+00> : vector<512xf32>
    %reduce_sum3A_81 = vector.multi_reduction <add>, %add3A_74, %reduce_sum3A [0] : vector<2048x512xf32> to vector<512xf32>
    %broadcast_in_dim3A = vector.shape_cast %reduce_sum3A_81 : vector<512xf32> to vector<1x512xf32>
    %add3A_82 = arith.addf %get3A_80, %broadcast_in_dim3A : vector<1x512xf32>
    %swap3A_83 = arith.constant 0 : index
    %swap3A_84 = arith.constant 0 : index
    %swap3A_85 = vector.load %arg18[%swap3A_83, %swap3A_84] : memref<1x512xf32, #tpu.memory_space<vmem>>, vector<1x512xf32>
    tpu.vector_store %arg18[%swap3A_83, %swap3A_84], %add3A_82 {strides = array<i32>} : memref<1x512xf32, #tpu.memory_space<vmem>>, vector<1x512xf32>,
    %get3A_86 = arith.constant 0 : index
    %get3A_87 = arith.constant 0 : index
    %get3A_88 = vector.load %arg19[%get3A_86, %get3A_87] : memref<1x512xf32, #tpu.memory_space<vmem>>, vector<1x512xf32>
    %mul3A_89 = arith.mulf %add3A_74, %add3A_74 : vector<2048x512xf32>
    %reduce_sum3A_90 = arith.constant dense<0.000000e+00> : vector<512xf32>
    %reduce_sum3A_91 = vector.multi_reduction <add>, %mul3A_89, %reduce_sum3A_90 [0] : vector<2048x512xf32> to vector<512xf32>
    %broadcast_in_dim3A_92 = vector.shape_cast %reduce_sum3A_91 : vector<512xf32> to vector<1x512xf32>
    %add3A_93 = arith.addf %get3A_88, %broadcast_in_dim3A_92 : vector<1x512xf32>
    %swap3A_94 = arith.constant 0 : index
    %swap3A_95 = arith.constant 0 : index
    %swap3A_96 = vector.load %arg19[%swap3A_94, %swap3A_95] : memref<1x512xf32, #tpu.memory_space<vmem>>, vector<1x512xf32>
    tpu.vector_store %arg19[%swap3A_94, %swap3A_95], %add3A_93 {strides = array<i32>} : memref<1x512xf32, #tpu.memory_space<vmem>>, vector<1x512xf32>,
    return
  }
  func.func @transform_0(%arg0: i32) -> (i32, i32) {
    %c0_i32 = arith.constant 0 : i32
    %c0_i32_0 = arith.constant 0 : i32
    return %arg0, %c0_i32 : i32, i32
  }
  func.func @transform_1(%arg0: i32) -> (i32, i32) {
    %c0_i32 = arith.constant 0 : i32
    %c0_i32_0 = arith.constant 0 : i32
    return %arg0, %c0_i32 : i32, i32
  }
  func.func @transform_2(%arg0: i32) -> (i32, i32) {
    %c0_i32 = arith.constant 0 : i32
    %c0_i32_0 = arith.constant 0 : i32
    %c0_i32_1 = arith.constant 0 : i32
    return %c0_i32, %c0_i32_0 : i32, i32
  }
  func.func @transform_3(%arg0: i32) -> (i32, i32) {
    %c0_i32 = arith.constant 0 : i32
    %c0_i32_0 = arith.constant 0 : i32
    %c0_i32_1 = arith.constant 0 : i32
    return %c0_i32, %c0_i32_0 : i32, i32
  }
  func.func @transform_4(%arg0: i32) -> (i32, i32) {
    %c0_i32 = arith.constant 0 : i32
    %c0_i32_0 = arith.constant 0 : i32
    %c0_i32_1 = arith.constant 0 : i32
    return %c0_i32, %c0_i32_0 : i32, i32
  }
  func.func @transform_5(%arg0: i32) -> (i32, i32) {
    %c0_i32 = arith.constant 0 : i32
    %c0_i32_0 = arith.constant 0 : i32
    %c0_i32_1 = arith.constant 0 : i32
    return %c0_i32, %c0_i32_0 : i32, i32
  }
  func.func @transform_6(%arg0: i32) -> (i32, i32) {
    %c0_i32 = arith.constant 0 : i32
    %c0_i32_0 = arith.constant 0 : i32
    %c0_i32_1 = arith.constant 0 : i32
    return %c0_i32, %c0_i32_0 : i32, i32
  }
  func.func @transform_7(%arg0: i32) -> (i32, i32) {
    %c0_i32 = arith.constant 0 : i32
    %c0_i32_0 = arith.constant 0 : i32
    %c0_i32_1 = arith.constant 0 : i32
    return %c0_i32, %c0_i32_0 : i32, i32
  }
  func.func @transform_8(%arg0: i32) -> (i32, i32) {
    %c0_i32 = arith.constant 0 : i32
    %c0_i32_0 = arith.constant 0 : i32
    %c0_i32_1 = arith.constant 0 : i32
    return %c0_i32, %c0_i32_0 : i32, i32
  }
  func.func @transform_9(%arg0: i32) -> (i32, i32) {
    %c0_i32 = arith.constant 0 : i32
    %c0_i32_0 = arith.constant 0 : i32
    %c0_i32_1 = arith.constant 0 : i32
    return %c0_i32, %c0_i32_0 : i32, i32
  }
  func.func @transform_10(%arg0: i32) -> (i32, i32) {
    %c0_i32 = arith.constant 0 : i32
    %c0_i32_0 = arith.constant 0 : i32
    %c0_i32_1 = arith.constant 0 : i32
    return %c0_i32, %c0_i32_0 : i32, i32
  }
  func.func @transform_11(%arg0: i32) -> (i32, i32) {
    %c0_i32 = arith.constant 0 : i32
    %c0_i32_0 = arith.constant 0 : i32
    %c0_i32_1 = arith.constant 0 : i32
    return %c0_i32, %c0_i32_0 : i32, i32
  }
  func.func @transform_12(%arg0: i32) -> (i32, i32) {
    %c0_i32 = arith.constant 0 : i32
    %c0_i32_0 = arith.constant 0 : i32
    %c0_i32_1 = arith.constant 0 : i32
    return %c0_i32, %c0_i32_0 : i32, i32
  }
  func.func @transform_13(%arg0: i32) -> (i32, i32) {
    %c0_i32 = arith.constant 0 : i32
    %c0_i32_0 = arith.constant 0 : i32
    %c0_i32_1 = arith.constant 0 : i32
    return %c0_i32, %c0_i32_0 : i32, i32
  }
  func.func @transform_14(%arg0: i32) -> (i32, i32) {
    %c0_i32 = arith.constant 0 : i32
    %c0_i32_0 = arith.constant 0 : i32
    %c0_i32_1 = arith.constant 0 : i32
    return %c0_i32, %c0_i32_0 : i32, i32
  }
  func.func @transform_15(%arg0: i32) -> (i32, i32) {
    %c0_i32 = arith.constant 0 : i32
    %c0_i32_0 = arith.constant 0 : i32
    %c0_i32_1 = arith.constant 0 : i32
    return %c0_i32, %c0_i32_0 : i32, i32
  }
  func.func @transform_16(%arg0: i32) -> (i32, i32) {
    %c0_i32 = arith.constant 0 : i32
    %c0_i32_0 = arith.constant 0 : i32
    return %arg0, %c0_i32 : i32, i32
  }
  func.func @transform_17(%arg0: i32) -> (i32, i32) {
    %c0_i32 = arith.constant 0 : i32
    %c0_i32_0 = arith.constant 0 : i32
    %c0_i32_1 = arith.constant 0 : i32
    return %c0_i32, %c0_i32_0 : i32, i32
  }
  func.func @transform_18(%arg0: i32) -> (i32, i32) {
    %c0_i32 = arith.constant 0 : i32
    %c0_i32_0 = arith.constant 0 : i32
    %c0_i32_1 = arith.constant 0 : i32
    return %c0_i32, %c0_i32_0 : i32, i32
  }
  func.func @transform_19(%arg0: i32) -> (i32, i32) {
    %c0_i32 = arith.constant 0 : i32
    %c0_i32_0 = arith.constant 0 : i32
    %c0_i32_1 = arith.constant 0 : i32
    return %c0_i32, %c0_i32_0 : i32, i32
  }
  func.func @transform_20(%arg0: i32) -> (i32, i32) {
    %c0_i32 = arith.constant 0 : i32
    %c0_i32_0 = arith.constant 0 : i32
    %c0_i32_1 = arith.constant 0 : i32
    return %c0_i32, %c0_i32_0 : i32, i32
  }
}

module attributes {stable_mosaic.version = 14 : i64} {
  func.func @body(%arg0: i32, %arg1: memref<2048x512xbf16, #tpu.memory_space<vmem>>, %arg2: memref<1x512xf32, #tpu.memory_space<vmem>>, %arg3: memref<1x512xf32, #tpu.memory_space<vmem>>, %arg4: memref<1x512xf32, #tpu.memory_space<vmem>>, %arg5: memref<1x512xf32, #tpu.memory_space<vmem>>, %arg6: memref<1x512xf32, #tpu.memory_space<vmem>>, %arg7: memref<1x1xf32, #tpu.memory_space<vmem>>, %arg8: memref<2048x1xf32, #tpu.memory_space<vmem>>) attributes {dimension_semantics = [#tpu.dimension_semantics<arbitrary>], iteration_bounds = array<i64: 8>, scalar_prefetch = 0 : i64, scratch_operands = 0 : i64, tpu.core_type = #tpu.core_type<tc>, window_params = [{transform_indices = @transform_0, window_bounds = array<i64: 2048, 512>}, {pipeline_mode = #tpu.pipeline_mode<synchronous>, transform_indices = @transform_1, window_bounds = array<i64: 1, 512>}, {pipeline_mode = #tpu.pipeline_mode<synchronous>, transform_indices = @transform_2, window_bounds = array<i64: 1, 512>}, {pipeline_mode = #tpu.pipeline_mode<synchronous>, transform_indices = @transform_3, window_bounds = array<i64: 1, 512>}, {pipeline_mode = #tpu.pipeline_mode<synchronous>, transform_indices = @transform_4, window_bounds = array<i64: 1, 512>}, {pipeline_mode = #tpu.pipeline_mode<synchronous>, transform_indices = @transform_5, window_bounds = array<i64: 1, 512>}, {pipeline_mode = #tpu.pipeline_mode<synchronous>, transform_indices = @transform_6, window_bounds = array<i64: 1, 1>}, {transform_indices = @transform_7, window_bounds = array<i64: 2048, 1>}]} {
    %get3A = arith.constant 0 : index
    %get3A_0 = arith.constant 0 : index
    %get3A_1 = vector.load %arg2[%get3A, %get3A_0] : memref<1x512xf32, #tpu.memory_space<vmem>>, vector<1x512xf32>
    %get3A_2 = arith.constant 0 : index
    %get3A_3 = arith.constant 0 : index
    %get3A_4 = vector.load %arg3[%get3A_2, %get3A_3] : memref<1x512xf32, #tpu.memory_space<vmem>>, vector<1x512xf32>
    %get3A_5 = arith.constant 0 : index
    %get3A_6 = arith.constant 0 : index
    %get3A_7 = vector.load %arg4[%get3A_5, %get3A_6] : memref<1x512xf32, #tpu.memory_space<vmem>>, vector<1x512xf32>
    %get3A_8 = arith.constant 0 : index
    %get3A_9 = arith.constant 0 : index
    %get3A_10 = vector.load %arg5[%get3A_8, %get3A_9] : memref<1x512xf32, #tpu.memory_space<vmem>>, vector<1x512xf32>
    %mul3A = arith.constant 6.10351563E-5 : f32
    %mul3A_11 = vector.broadcast %mul3A : f32 to vector<1x512xf32>
    %mul3A_12 = arith.mulf %get3A_1, %mul3A_11 : vector<1x512xf32>
    %mul3A_13 = arith.constant 6.10351563E-5 : f32
    %mul3A_14 = vector.broadcast %mul3A_13 : f32 to vector<1x512xf32>
    %mul3A_15 = arith.mulf %get3A_4, %mul3A_14 : vector<1x512xf32>
    %mul3A_16 = arith.mulf %mul3A_12, %mul3A_12 : vector<1x512xf32>
    %sub3A = arith.subf %mul3A_15, %mul3A_16 : vector<1x512xf32>
    %add3A = arith.constant 9.99999974E-6 : f32
    %add3A_17 = vector.broadcast %add3A : f32 to vector<1x512xf32>
    %add3A_18 = arith.addf %sub3A, %add3A_17 : vector<1x512xf32>
    %rsqrt3A = math.rsqrt %add3A_18 : vector<1x512xf32>
    %mul3A_19 = arith.mulf %get3A_7, %rsqrt3A : vector<1x512xf32>
    %mul3A_20 = arith.mulf %mul3A_12, %mul3A_19 : vector<1x512xf32>
    %sub3A_21 = arith.subf %get3A_10, %mul3A_20 : vector<1x512xf32>
    %get3A_22 = arith.constant 0 : index
    %get3A_23 = arith.constant 0 : index
    %get3A_24 = vector.load %arg1[%get3A_22, %get3A_23] : memref<2048x512xbf16, #tpu.memory_space<vmem>>, vector<2048x512xbf16>
    %convert_element_type3A = arith.extf %get3A_24 : vector<2048x512xbf16> to vector<2048x512xf32>
    %mul3A_25 = vector.broadcast %mul3A_19 : vector<1x512xf32> to vector<2048x512xf32>
    %mul3A_26 = arith.mulf %convert_element_type3A, %mul3A_25 : vector<2048x512xf32>
    %add3A_27 = vector.broadcast %sub3A_21 : vector<1x512xf32> to vector<2048x512xf32>
    %add3A_28 = arith.addf %mul3A_26, %add3A_27 : vector<2048x512xf32>
    %max3A = arith.constant 0.000000e+00 : f32
    %max3A_29 = vector.broadcast %max3A : f32 to vector<2048x512xf32>
    %max3A_30 = arith.maximumf %add3A_28, %max3A_29 : vector<2048x512xf32>
    %get3A_31 = arith.constant 0 : index
    %get3A_32 = arith.constant 0 : index
    %get3A_33 = vector.load %arg6[%get3A_31, %get3A_32] : memref<1x512xf32, #tpu.memory_space<vmem>>, vector<1x512xf32>
    %mul3A_34 = vector.broadcast %get3A_33 : vector<1x512xf32> to vector<2048x512xf32>
    %mul3A_35 = arith.mulf %max3A_30, %mul3A_34 : vector<2048x512xf32>
    %reduce_sum3A = arith.constant dense<0.000000e+00> : vector<2048xf32>
    %reduce_sum3A_36 = vector.multi_reduction <add>, %mul3A_35, %reduce_sum3A [1] : vector<2048x512xf32> to vector<2048xf32>
    %broadcast_in_dim3A = vector.shape_cast %reduce_sum3A_36 : vector<2048xf32> to vector<2048x1xf32>
    %get3A_37 = arith.constant 0 : index
    %get3A_38 = arith.constant 0 : index
    %get3A_39 = vector.load %arg7[%get3A_37, %get3A_38] : memref<1x1xf32, #tpu.memory_space<vmem>>, vector<1x1xf32>
    %get3A_40 = vector.extract %get3A_39[0, 0] : f32 from vector<1x1xf32>
    %add3A_41 = vector.broadcast %get3A_40 : f32 to vector<2048x1xf32>
    %add3A_42 = arith.addf %broadcast_in_dim3A, %add3A_41 : vector<2048x1xf32>
    %swap3A = arith.constant 0 : index
    %swap3A_43 = arith.constant 0 : index
    %swap3A_44 = vector.load %arg8[%swap3A, %swap3A_43] : memref<2048x1xf32, #tpu.memory_space<vmem>>, vector<2048x1xf32>
    tpu.vector_store %arg8[%swap3A, %swap3A_43], %add3A_42 {strides = array<i32>} : memref<2048x1xf32, #tpu.memory_space<vmem>>, vector<2048x1xf32>,
    return
  }
  func.func @transform_0(%arg0: i32) -> (i32, i32) {
    %c0_i32 = arith.constant 0 : i32
    %c0_i32_0 = arith.constant 0 : i32
    return %arg0, %c0_i32 : i32, i32
  }
  func.func @transform_1(%arg0: i32) -> (i32, i32) {
    %c0_i32 = arith.constant 0 : i32
    %c0_i32_0 = arith.constant 0 : i32
    %c0_i32_1 = arith.constant 0 : i32
    return %c0_i32, %c0_i32_0 : i32, i32
  }
  func.func @transform_2(%arg0: i32) -> (i32, i32) {
    %c0_i32 = arith.constant 0 : i32
    %c0_i32_0 = arith.constant 0 : i32
    %c0_i32_1 = arith.constant 0 : i32
    return %c0_i32, %c0_i32_0 : i32, i32
  }
  func.func @transform_3(%arg0: i32) -> (i32, i32) {
    %c0_i32 = arith.constant 0 : i32
    %c0_i32_0 = arith.constant 0 : i32
    %c0_i32_1 = arith.constant 0 : i32
    return %c0_i32, %c0_i32_0 : i32, i32
  }
  func.func @transform_4(%arg0: i32) -> (i32, i32) {
    %c0_i32 = arith.constant 0 : i32
    %c0_i32_0 = arith.constant 0 : i32
    %c0_i32_1 = arith.constant 0 : i32
    return %c0_i32, %c0_i32_0 : i32, i32
  }
  func.func @transform_5(%arg0: i32) -> (i32, i32) {
    %c0_i32 = arith.constant 0 : i32
    %c0_i32_0 = arith.constant 0 : i32
    %c0_i32_1 = arith.constant 0 : i32
    return %c0_i32, %c0_i32_0 : i32, i32
  }
  func.func @transform_6(%arg0: i32) -> (i32, i32) {
    %c0_i32 = arith.constant 0 : i32
    %c0_i32_0 = arith.constant 0 : i32
    %c0_i32_1 = arith.constant 0 : i32
    return %c0_i32, %c0_i32_0 : i32, i32
  }
  func.func @transform_7(%arg0: i32) -> (i32, i32) {
    %c0_i32 = arith.constant 0 : i32
    %c0_i32_0 = arith.constant 0 : i32
    return %arg0, %c0_i32 : i32, i32
  }
}

</mosaic_0001>

<sc_bundles>
// kernel: kernel.17.cloned.1.call-start
scs
__scs_entry_jumppad:
0x0: {  	(pc) =	sbr.rel $0x88, $3  }
0x1: {  	(tag) =	ssettag $0x0;
	lr =	simm.s32 $0x1  }
0x2: {  	[smem:$0x3F84] =	sst lr;
	_ =	strace $0xD0000000  }
0x3: {  	_ = 	snop  }
0x4: {  	_ = 	snop  }
0x5: {  	_ = 	snop  }
0x6: {  	_ = 	snop  }
0x7: {  	_ = 	snop  }
__scs_overlays_trampoline_lowered:
0x8: {  	[smem:$0x3F93] =	sst s0  }
0x9: {  	[smem:$0x3F94] =	sst s1  }
0xa: {  	[smem:$0x3F95] =	sst s2  }
0xb: {  	[smem:$0x3F96] =	sst s3  }
0xc: {  	[smem:$0x3F97] =	sst s4  }
0xd: {  	[smem:$0x3F98] =	sst s5  }
0xe: {  	[smem:$0x3F99] =	sst s6  }
0xf: {  	[smem:$0x3F9A] =	sst s7  }
0x10: {  	[smem:$0x3F9B] =	sst s8  }
0x11: {  	[smem:$0x3F9C] =	sst s9;
	s0 =	simm.s32 @!p0 $0x0  }
0x12: {  	s1 =	sld [smem:$0x3F82];
	s0 =	simm.s32 @p0 $0x1  }
0x13: {  	[smem:$0x3F9D] =	sst s0;
	s0 =	simm.s32 @!p1 $0x0  }
0x14: {  	s2 =	sld [smem:$0x3F81];
	s0 =	simm.s32 @p1 $0x1  }
0x15: {  	[smem:$0x3F9E] =	sst s0;
	s0 =	simm.s32 @!p2 $0x0  }
0x16: {  	s3 =	sld [smem:$0x3FDB];
	s0 =	simm.s32 @p2 $0x1  }
0x17: {  	s4 =	simm.s32 $0x1BF5;
	[smem:$0x3FA0] =	sst s0  }
0x18: {  	s0 =	sld [smem:$0x3F83];
	_ =	swait.ge [sflag:s4], $0x0  }
0x19: {  	s7 =	sld [smem:$0x3F84]  }
0x1a: {  	s8 =	sadd.s32 $0xFFFFE003, lr  }
0x1b: {  	s9 =	sadd.s32 $0xFFFFFEF7, lr;
	s5 =	simm.s32 $0xFFFFFFFF;
	p2 =	slt.u32 s8, $0xFFFFF086  }
0x1c: {  	p1 =	slt.u32 s9, $0xF7A;
	s5 =	simm.s32 @!p2 $0x0  }
0x1d: {  	s5 =	simm.s32 @p1 $0x1;
	p0 =	seq.s32 s7, s2  }
0x1e: {  	s7 =	smul.u32 @!p0 $0xF7A, s2;
	p2 =	seq.s32 @!p0 s5, $0x0  }
0x1f: {  	s9 =	smul.u32 $0xF7A, s1;
	s8 =	simm.s32 @!p0 $0x1BF5;
	p2 =	por !p2, p0  }
0x20: {  	[sflag:s8] =	ssyncset.s32 @!p0 $0xFFFFF086;
	s6 =	sadd.s32 @!p0 s3, s7;
	s7 =	simm.s32 @!p0 $0x108  }
0x21: {  	s3 =	sadd.s32 s3, s9;
	s6 =	sadd.s32 @!p0 $0x88, s6;
	s7 =	simm.s32 @p2 $0x1082  }
0x22: {  	[simem:s7], [sflag:s8] =	dma.local @!p0 [hbm:s6], $0xF7A  }
0x23: {  	s9 =	sor.u32 $0xD0000000, s2;
	s6 =	simm.s32 $0x108;
	_ =	swait.ge @!p0 [sflag:s8], $0x0  }
0x24: {  	s3 =	sadd.s32 $0x88, s3;
	s6 =	simm.s32 @!p1 $0x1082;
	[sflag:s4] =	ssyncset.s32 $0xFFFFF086  }
0x25: {  	[simem:s6], [sflag:s4] =	dma.local [hbm:s3], $0xF7A  }
0x26: {  	[smem:$0x3F84] =	sst s1;
	(tag) =	ssettag s2;
	_ =	strace s9  }
0x27: {  	s1 =	sld [smem:$0x3F94]  }
0x28: {  	s2 =	sld [smem:$0x3F95]  }
0x29: {  	s4 =	sld [smem:$0x3F97]  }
0x2a: {  	p0 =	seq.s32 s5, $0x0;
	s5 =	sld [smem:$0x3F98]  }
0x2b: {  	s6 =	sld [smem:$0x3F99]  }
0x2c: {  	s7 =	sld [smem:$0x3F9A]  }
0x2d: {  	s3 =	simm.s32 $0x108;
	s8 =	sld [smem:$0x3F9B]  }
0x2e: {  	s3 =	simm.s32 @!p0 $0x1082;
	s9 =	sld [smem:$0x3F9C]  }
0x2f: {  	lr =	sadd.s32 s0, s3;
	s0 =	sld [smem:$0x3F93]  }
0x30: {  	s3 =	sld [smem:$0x3F96]  }
0x31: {  	[smem:$0x3F9F] =	sst s10  }
0x32: {  	s10 =	sld [smem:$0x3F9D];
	_ =	sdelay $0x3  }
0x33: {  	p0 =	seq.s32 s10, $0x1;
	s10 =	sld [smem:$0x3F9F];
	_ =	sdelay $0x3  }
0x34: {  	[smem:$0x3F9F] =	sst s10  }
0x35: {  	s10 =	sld [smem:$0x3F9E];
	_ =	sdelay $0x3  }
0x36: {  	p1 =	seq.s32 s10, $0x1;
	s10 =	sld [smem:$0x3F9F];
	_ =	sdelay $0x3  }
0x37: {  	[smem:$0x3F9F] =	sst s10  }
0x38: {  	s10 =	sld [smem:$0x3FA0]  }
0x39: {  	_ = 	snop;
	(pc) =	sbr.ind lr, $3  }
0x3a: {  	_ = 	snop  }
0x3b: {  	_ = 	snop  }
0x3c: {  	p2 =	seq.s32 s10, $0x1;
	s10 =	sld [smem:$0x3F9F]  }
0x3d: {  	_ =	shalt  }
0x3e: {  	_ =	shalt  }
0x3f: {  	_ =	shalt  }
0x40: {  	_ =	shalt  }
0x41: {  	_ =	shalt  }
0x42: {  	_ =	shalt  }
0x43: {  	_ =	shalt  }
0x44: {  	_ =	shalt  }
0x45: {  	_ =	shalt  }
0x46: {  	_ =	shalt  }
0x47: {  	_ =	shalt  }
0x48: {  	_ =	shalt  }
0x49: {  	_ =	shalt  }
0x4a: {  	_ =	shalt  }
0x4b: {  	_ =	shalt  }
0x4c: {  	_ =	shalt  }
0x4d: {  	_ =	shalt  }
0x4e: {  	_ =	shalt  }
0x4f: {  	_ =	shalt  }
0x50: {  	_ =	shalt  }
0x51: {  	_ =	shalt  }
0x52: {  	_ =	shalt  }
0x53: {  	_ =	shalt  }
0x54: {  	_ =	shalt  }
0x55: {  	_ =	shalt  }
0x56: {  	_ =	shalt  }
0x57: {  	_ =	shalt  }
0x58: {  	_ =	shalt  }
0x59: {  	_ =	shalt  }
0x5a: {  	_ =	shalt  }
0x5b: {  	_ =	shalt  }
0x5c: {  	_ =	shalt  }
0x5d: {  	_ =	shalt  }
0x5e: {  	_ =	shalt  }
0x5f: {  	_ =	shalt  }
0x60: {  	_ =	shalt  }
0x61: {  	_ =	shalt  }
0x62: {  	_ =	shalt  }
0x63: {  	_ =	shalt  }
0x64: {  	_ =	shalt  }
0x65: {  	_ =	shalt  }
0x66: {  	_ =	shalt  }
0x67: {  	_ =	shalt  }
0x68: {  	_ =	shalt  }
0x69: {  	_ =	shalt  }
0x6a: {  	_ =	shalt  }
0x6b: {  	_ =	shalt  }
0x6c: {  	_ =	shalt  }
0x6d: {  	_ =	shalt  }
0x6e: {  	_ =	shalt  }
0x6f: {  	_ =	shalt  }
0x70: {  	_ =	shalt  }
0x71: {  	_ =	shalt  }
0x72: {  	_ =	shalt  }
0x73: {  	_ =	shalt  }
0x74: {  	_ =	shalt  }
0x75: {  	_ =	shalt  }
0x76: {  	_ =	shalt  }
0x77: {  	_ =	shalt  }
0x78: {  	_ =	shalt  }
0x79: {  	_ =	shalt  }
0x7a: {  	_ =	shalt  }
0x7b: {  	_ =	shalt  }
0x7c: {  	_ =	shalt  }
0x7d: {  	_ =	shalt  }
0x7e: {  	_ =	shalt  }
0x7f: {  	_ =	shalt  }
0x80: {  	_ =	shalt  }
0x81: {  	_ =	shalt  }
0x82: {  	_ =	shalt  }
0x83: {  	_ =	shalt  }
0x84: {  	_ =	shalt  }
0x85: {  	_ =	shalt  }
0x86: {  	_ =	shalt  }
0x87: {  	_ =	shalt  }
.Lfunc_end0:
.L_simem_size_0:
called_computation_lowered:
.L_overlay_start_0:
0x88: {  	s2 =	sld [smem:$0x3FD9]  }
0x89: {  	s3 =	sld [smem:$0x3FFE];
	_ =	sdelay $0x1  }
0x8a: {  	s1 =	srdreg.scid  }
0x8b: {  	s0 =	sand.u32 $0x1, s1  }
0x8c: {  	s17 =	sshll.u32 s0, $0xA;
	s2 =	sadd.s32 s3, s2  }
0x8d: {  	s2 =	sadd.s32 s2, s17  }
0x8e: {  	[smem:$0x3FAB] =	sst s2  }
0x8f: {  	_ = 	snop  }
0x90: {  	s2 =	sld [smem:$0x3FC7]  }
0x91: {  	s18 =	sld [smem:$0x3FC5];
	(tm) =	ssettm $0x1  }
0x92: {  	s4 =	sld [smem:$0x3FFB];
	_ =	sdelay $0x3  }
0x93: {  	_ =	strace s4  }
0x94: {  	s4 =	sld [smem:$0x3FFC];
	_ =	sdelay $0x3  }
0x95: {  	_ =	strace s4  }
0x96: {  	s4 =	sld [smem:$0x3FFD];
	_ =	sdelay $0x3  }
0x97: {  	_ =	strace s4  }
0x98: {  	_ =	strace $0x8FFFFFFF  }
0x99: {  	s19 =	sld [smem:$0x3FDB];
	_ =	sdelay $0x1  }
0x9a: {  	s5 =	simm.s32 $_scs_section_size  }
0x9b: {  	s6 =	simm.s32 $_size__tile_overlayer_lowered;
	s7 =	simm.s32 $_tile_overlayer_lowered  }
0x9c: {  	s22 =	simm.s32 $0x1BFF;
	s21 =	sshll.u32 s7, $0x1;
	s4 =	sadd.s32 s5, s19  }
0x9d: {  	s8 =	simm.s32 $0x0;
	s20 =	sshll.u32 s6, $0x1;
	s6 =	sadd.s32 s21, s4  }
0x9e: {  	[timem:s8], [sflag:s22] =	dma.local [hbm:s6], s20  }
0x9f: {  	_ =	swait.ge [sflag:s22], s20  }
0xa0: {  	s5 =	ssub.s32 $0x0, s20;
	[sflag:s22] =	ssyncset.done $0x0  }
0xa1: {  	[sflag:s22] =	ssyncadd.s32 s5;
	_ =	sdelay $0x1  }
0xa2: {  	s23 =	simm.s32 $0x1B8B  }
0xa3: {  	_ =	swait.ge [sflag:s23], $0x1  }
0xa4: {  	[sflag:s23] =	ssyncset.done $0x0  }
0xa5: {  	s25 =	simm.s32 $0x1B8E;
	s24 =	sld [smem:$0x3FFE];
	[sflag:s23] =	ssyncadd.s32 $0xFFFFFFFF  }
0xa6: {  	s26 =	simm.s32 $execute0_lowered;
	[smem:$0x3FD2] =	sst s25  }
0xa7: {  	s6 =	sshll.u32 s26, $0x1;
	_ =	strace $0x80000046;
	[dreg:$0x1] =	wrdreg $0xFFFFFFFF  }
0xa8: {  	s28 =	simm.s32 $_size_execute0_lowered;
	s4 =	sadd.s32 s4, s6;
	[dreg:$0x0] =	wrdreg $0x0  }
0xa9: {  	s6 =	sshll.u32 s28, $0x1;
	[dreg:$0x2] =	wrdreg s4  }
0xaa: {  	[dreg:$0x3] =	wrdreg s6  }
0xab: {  	[dreg:$0x4] =	wrdreg $0xC0  }
0xac: {  	_ =	task [dreg:s8], $0x5FFFF  }
0xad: {  	[dreg:$0x1] =	wrdreg $0xFFFFFFFF  }
0xae: {  	[dreg:$0x0] =	wrdreg $0x60  }
0xaf: {  	[dreg:$0x2] =	wrdreg s24  }
0xb0: {  	[dreg:$0x3] =	wrdreg s2  }
0xb1: {  	[dreg:$0x4] =	wrdreg s18  }
0xb2: {  	[dreg:$0x5] =	wrdreg $0x9  }
0xb3: {  	_ =	task.clear_ibuf [dreg:s8], $0x6FFFF;
	_ =	strace $0x90000046  }
0xb4: {  	s29 =	simm.s32 $0x9;
	_ =	strace $0x80000048  }
0xb5: {  	_ =	swait.ge [sflag:s29], $0x1  }
0xb6: {  	[sflag:s29] =	ssyncadd.s32 $0xFFFFFFFF  }
0xb7: {  	_ =	strace $0x90000048  }
0xb8: {  	_ =	sfence  }
0xb9: {  	s30 =	sld [smem:$0x0];
	_ =	sdelay $0x2  }
0xba: {  	s31 =	sshll.u32 s1, $0xD;
	s1 =	sshrl.u32 s1, $0x2  }
0xbb: {  	s3 =	sand.u32 $0x4000, s31;
	s1 =	sadd.s32 s1, s30  }
0xbc: {  	s0 =	sor.u32 s3, s0;
	s1 =	sshll.u32 s1, $0x11  }
0xbd: {  	s0 =	sor.u32 s1, s0  }
0xbe: {  	s0 =	sadd.s32 $0x8F2B, s0  }
0xbf: {  	[sflag:s0] =	ssyncadd.remote.s32 $0x1  }
0xc0: {  	_ =	sfence.sel $0xFFFF  }
0xc1: {  	[dreg:$0x0] =	wrdreg $0xFFFFFFFF;
	(pc) =	sbr.abs _section_cstart, $3  }
0xc2: {  	[dreg:$0x1] =	wrdreg $0xFFFFFFFF  }
0xc3: {  	_ =	task.clear_ibuf [dreg:s8], $0x2FFFF;
	_ =	strace $0x9FFFFFFF  }
0xc4: {  	(tm) =	ssettm $0x7FFFFFFF  }
0xc5: {  	_ =	shalt  }
tec
execute0_lowered:
.L_overlay_start_1:
0x0: {  	(tag) =	ssettag $0x1  }
0x1: {  	s19 =	rddreg [dreg:$0x0];
	s1 =	srdreg.scid  }
0x2: {  	s3 =	rddreg [dreg:$0x1];
	s0 =	stileid.u32;
	s22 =	sand.u32 $0x1, s1  }
0x3: {  	s17 =	rddreg [dreg:$0x2];
	s4 =	sshll.u32 s0, $0xA;
	s5 =	sshll.u32 s22, $0x9  }
0x4: {  	s2 =	simm.s32 $0x0;
	s1 =	rddreg [dreg:$0x3];
	s10 =	sor.u32 s5, s4  }
0x5: {  	[smem:$0x7FF] =	sst s2;
	s18 =	sshrl.u32 s10, $0x3  }
0x6: {  	_ =	strace $0x80000047;
	s4 =	sadd.s32 s3, s18;
	s3 =	simm.s32 $0x3  }
0x7: {  	[tilespmem:s2], [sflag:$0x3] =	stream.linear.gather [hbm4b:s4+s2], $0x200, $0x38;
	[tilespmem:$0x8200] =	vst v63  }
0x8: {  	_ =	swait.ge [sflag:s3], $0x200  }
0x9: {  	s6 =	simm.s32 $0x80;
	[sflag:s3] =	ssyncset.done $0x0  }
0xa: {  	s7 =	simm.s32 $0x200;
	s5 =	sadd.s32 $0x6C00, s19;
	[sflag:s3] =	ssyncadd.s32 $0xFFFFFE00  }
0xb: {  	[tilespmem:s7], [sflag:$0x1] =	stream.indirect.gather [hbm4b:s5+s6], $0x80, s2, s6, $0xb8;
	[tilespmem:$0x8200] =	vst v63  }
0xc: {  	s8 =	simm.s32 $0x4200;
	s9 =	simm.s32 $0x1  }
0xd: {  	[tilespmem:s8], [sflag:$0x2] =	stream.indirect.gather [hbm4b:s5+s6], $0x80, s6, s6, $0xb8;
	[tilespmem:$0x8200] =	vst v63  }
0xe: {  	_ =	swait.ge [sflag:s9], $0x4000  }
0xf: {  	s16 =	sadd.s32 $0x18400, s19;
	s20 =	sshll.u32 s10, $0x4;
	[sflag:s9] =	ssyncset.done $0x0  }
0x10: {  	s10 =	sadd.s32 s16, s20;
	[sflag:s9] =	ssyncadd.s32 $0xFFFFC000  }
0x11: {  	[hbm4b:s10+s2] =	stream.linear.scatter [tilespmem:s7], [sflag:$0x3], $0x4000, $0x38;
	[tilespmem:$0x8200] =	vst v63  }
0x12: {  	_ =	swait.ge [sflag:s3], $0x4000  }
0x13: {  	[sflag:s3] =	ssyncset.done $0x0  }
0x14: {  	s11 =	simm.s32 $0x100;
	s12 =	simm.s32 $0x2;
	[sflag:s3] =	ssyncadd.s32 $0xFFFFC000  }
0x15: {  	[tilespmem:s7], [sflag:$0x1] =	stream.indirect.gather [hbm4b:s5+s6], $0x80, s11, s6, $0xb8;
	[tilespmem:$0x8200] =	vst v63  }
0x16: {  	_ =	swait.ge [sflag:s12], $0x4000  }
0x17: {  	s21 =	sor.u32 $0x800, s20;
	[sflag:s12] =	ssyncset.done $0x0  }
0x18: {  	s13 =	sadd.s32 s16, s21;
	[sflag:s12] =	ssyncadd.s32 $0xFFFFC000  }
0x19: {  	[hbm4b:s13+s2] =	stream.linear.scatter [tilespmem:s8], [sflag:$0x3], $0x4000, $0x38;
	[tilespmem:$0x8200] =	vst v63  }
0x1a: {  	_ =	swait.ge [sflag:s3], $0x4000  }
0x1b: {  	[sflag:s3] =	ssyncset.done $0x0  }
0x1c: {  	s14 =	simm.s32 $0x180;
	[sflag:s3] =	ssyncadd.s32 $0xFFFFC000  }
0x1d: {  	[tilespmem:s8], [sflag:$0x2] =	stream.indirect.gather [hbm4b:s5+s6], $0x80, s14, s6, $0xb8;
	[tilespmem:$0x8200] =	vst v63  }
0x1e: {  	_ =	swait.ge [sflag:s9], $0x4000  }
0x1f: {  	s23 =	sor.u32 $0x1000, s20;
	[sflag:s9] =	ssyncset.done $0x0  }
0x20: {  	s15 =	sadd.s32 s16, s23;
	[sflag:s9] =	ssyncadd.s32 $0xFFFFC000  }
0x21: {  	[hbm4b:s15+s2] =	stream.linear.scatter [tilespmem:s7], [sflag:$0x3], $0x4000, $0x38;
	[tilespmem:$0x8200] =	vst v63  }
0x22: {  	_ =	swait.ge [sflag:s3], $0x4000  }
0x23: {  	[sflag:s3] =	ssyncset.done $0x0  }
0x24: {  	[sflag:s3] =	ssyncadd.s32 $0xFFFFC000  }
0x25: {  	_ =	swait.ge [sflag:s12], $0x4000  }
0x26: {  	s24 =	sor.u32 $0x1800, s20;
	[sflag:s12] =	ssyncset.done $0x0  }
0x27: {  	s16 =	sadd.s32 s16, s24;
	[sflag:s12] =	ssyncadd.s32 $0xFFFFC000  }
0x28: {  	[hbm4b:s16+s2] =	stream.linear.scatter [tilespmem:s8], [sflag:$0x3], $0x4000, $0x38;
	[tilespmem:$0x8200] =	vst v63  }
0x29: {  	_ =	swait.ge [sflag:s3], $0x4000  }
0x2a: {  	[sflag:s3] =	ssyncset.done $0x0  }
0x2b: {  	s17 =	sadd.s32 s17, s18;
	[sflag:s3] =	ssyncadd.s32 $0xFFFFC000  }
0x2c: {  	[tilespmem:s2], [sflag:$0x3] =	stream.linear.gather [hbm4b:s17+s2], $0x200, $0x38;
	[tilespmem:$0x8200] =	vst v63  }
0x2d: {  	_ =	swait.ge [sflag:s3], $0x200  }
0x2e: {  	[sflag:s3] =	ssyncset.done $0x0  }
0x2f: {  	s18 =	sadd.s32 $0x9400, s19;
	[sflag:s3] =	ssyncadd.s32 $0xFFFFFE00  }
0x30: {  	[tilespmem:s7], [sflag:$0x1] =	stream.indirect.gather [hbm4b:s18+s6], $0x80, s2, s6, $0xb8;
	[tilespmem:$0x8200] =	vst v63  }
0x31: {  	_ = 	snop  }
0x32: {  	[tilespmem:s8], [sflag:$0x2] =	stream.indirect.gather [hbm4b:s18+s6], $0x80, s6, s6, $0xb8;
	[tilespmem:$0x8200] =	vst v63  }
0x33: {  	_ =	swait.ge [sflag:s9], $0x4000  }
0x34: {  	s25 =	sadd.s32 $0x58400, s19;
	[sflag:s9] =	ssyncset.done $0x0  }
0x35: {  	s19 =	sadd.s32 s25, s20;
	[sflag:s9] =	ssyncadd.s32 $0xFFFFC000  }
0x36: {  	[hbm4b:s19+s2] =	stream.linear.scatter [tilespmem:s7], [sflag:$0x3], $0x4000, $0x38;
	[tilespmem:$0x8200] =	vst v63  }
0x37: {  	_ =	swait.ge [sflag:s3], $0x4000  }
0x38: {  	[sflag:s3] =	ssyncset.done $0x0  }
0x39: {  	[sflag:s3] =	ssyncadd.s32 $0xFFFFC000  }
0x3a: {  	[tilespmem:s7], [sflag:$0x1] =	stream.indirect.gather [hbm4b:s18+s6], $0x80, s11, s6, $0xb8;
	[tilespmem:$0x8200] =	vst v63  }
0x3b: {  	_ =	swait.ge [sflag:s12], $0x4000  }
0x3c: {  	[sflag:s12] =	ssyncset.done $0x0  }
0x3d: {  	s20 =	sadd.s32 s25, s21;
	[sflag:s12] =	ssyncadd.s32 $0xFFFFC000  }
0x3e: {  	[hbm4b:s20+s2] =	stream.linear.scatter [tilespmem:s8], [sflag:$0x3], $0x4000, $0x38;
	[tilespmem:$0x8200] =	vst v63  }
0x3f: {  	_ =	swait.ge [sflag:s3], $0x4000  }
0x40: {  	[sflag:s3] =	ssyncset.done $0x0  }
0x41: {  	[sflag:s3] =	ssyncadd.s32 $0xFFFFC000  }
0x42: {  	[tilespmem:s8], [sflag:$0x2] =	stream.indirect.gather [hbm4b:s18+s6], $0x80, s14, s6, $0xb8;
	[tilespmem:$0x8200] =	vst v63  }
0x43: {  	_ =	swait.ge [sflag:s9], $0x4000  }
0x44: {  	[sflag:s9] =	ssyncset.done $0x0  }
0x45: {  	s22 =	ssub.s32 $0x2, s22;
	s21 =	sadd.s32 s25, s23;
	[sflag:s9] =	ssyncadd.s32 $0xFFFFC000  }
0x46: {  	[hbm4b:s21+s2] =	stream.linear.scatter [tilespmem:s7], [sflag:$0x3], $0x4000, $0x38;
	[tilespmem:$0x8200] =	vst v63  }
0x47: {  	s31 =	sshrl.u32 s22, $0x1;
	_ =	swait.ge [sflag:s3], $0x4000  }
0x48: {  	s23 =	ssub.s32 s22, s31;
	[sflag:s3] =	ssyncset.done $0x0  }
0x49: {  	s23 =	smax.u32 s23, $0x1;
	[sflag:s3] =	ssyncadd.s32 $0xFFFFC000  }
0x4a: {  	p0 =	sne.s32 s23, $0x1;
	_ =	swait.ge [sflag:s12], $0x4000  }
.Ltmp0:
0x4b: {  	[sflag:s12] =	ssyncset.done $0x0;
	(pc) =	sbr.rel @!p0 .LBB2_2-.Ltmp0, $4  }
0x4c: {  	s22 =	sadd.s32 s25, s24;
	[sflag:s12] =	ssyncadd.s32 $0xFFFFC000  }
0x4d: {  	[hbm4b:s22+s2] =	stream.linear.scatter [tilespmem:s8], [sflag:$0x3], $0x4000, $0x38;
	[tilespmem:$0x8200] =	vst v63  }
0x4e: {  	_ =	swait.ge [sflag:s3], $0x4000  }
0x4f: {  	s23 =	sadd.s32 $0xFFFFFFFF, s23;
	[sflag:s3] =	ssyncset.done $0x0  }
.LBB2_1:
0x50: {  	p0 =	sne.s32 s23, $0x1;
	s23 =	sadd.s32 $0xFFFFFFFF, s23;
	[sflag:s3] =	ssyncadd.s32 $0xFFFFC000  }
0x51: {  	[tilespmem:s2], [sflag:$0x3] =	stream.linear.gather [hbm4b:s4+s2], $0x200, $0x38;
	[tilespmem:$0x8200] =	vst v63  }
0x52: {  	_ =	swait.ge [sflag:s3], $0x200  }
0x53: {  	[sflag:s3] =	ssyncset.done $0x0  }
0x54: {  	[sflag:s3] =	ssyncadd.s32 $0xFFFFFE00  }
0x55: {  	[tilespmem:s7], [sflag:$0x1] =	stream.indirect.gather [hbm4b:s5+s6], $0x80, s2, s6, $0xb8;
	[tilespmem:$0x8200] =	vst v63  }
0x56: {  	_ = 	snop  }
0x57: {  	[tilespmem:s8], [sflag:$0x2] =	stream.indirect.gather [hbm4b:s5+s6], $0x80, s6, s6, $0xb8;
	[tilespmem:$0x8200] =	vst v63  }
0x58: {  	_ =	swait.ge [sflag:s9], $0x4000  }
0x59: {  	[sflag:s9] =	ssyncset.done $0x0  }
0x5a: {  	[sflag:s9] =	ssyncadd.s32 $0xFFFFC000  }
0x5b: {  	[hbm4b:s10+s2] =	stream.linear.scatter [tilespmem:s7], [sflag:$0x3], $0x4000, $0x38;
	[tilespmem:$0x8200] =	vst v63  }
0x5c: {  	_ =	swait.ge [sflag:s3], $0x4000  }
0x5d: {  	[sflag:s3] =	ssyncset.done $0x0  }
0x5e: {  	[sflag:s3] =	ssyncadd.s32 $0xFFFFC000  }
0x5f: {  	[tilespmem:s7], [sflag:$0x1] =	stream.indirect.gather [hbm4b:s5+s6], $0x80, s11, s6, $0xb8;
	[tilespmem:$0x8200] =	vst v63  }
0x60: {  	_ =	swait.ge [sflag:s12], $0x4000  }
0x61: {  	[sflag:s12] =	ssyncset.done $0x0  }
0x62: {  	[sflag:s12] =	ssyncadd.s32 $0xFFFFC000  }
0x63: {  	[hbm4b:s13+s2] =	stream.linear.scatter [tilespmem:s8], [sflag:$0x3], $0x4000, $0x38;
	[tilespmem:$0x8200] =	vst v63  }
0x64: {  	_ =	swait.ge [sflag:s3], $0x4000  }
0x65: {  	[sflag:s3] =	ssyncset.done $0x0  }
0x66: {  	[sflag:s3] =	ssyncadd.s32 $0xFFFFC000  }
0x67: {  	[tilespmem:s8], [sflag:$0x2] =	stream.indirect.gather [hbm4b:s5+s6], $0x80, s14, s6, $0xb8;
	[tilespmem:$0x8200] =	vst v63  }
0x68: {  	_ =	swait.ge [sflag:s9], $0x4000  }
0x69: {  	[sflag:s9] =	ssyncset.done $0x0  }
0x6a: {  	[sflag:s9] =	ssyncadd.s32 $0xFFFFC000  }
0x6b: {  	[hbm4b:s15+s2] =	stream.linear.scatter [tilespmem:s7], [sflag:$0x3], $0x4000, $0x38;
	[tilespmem:$0x8200] =	vst v63  }
0x6c: {  	_ =	swait.ge [sflag:s3], $0x4000  }
0x6d: {  	[sflag:s3] =	ssyncset.done $0x0  }
0x6e: {  	[sflag:s3] =	ssyncadd.s32 $0xFFFFC000  }
0x6f: {  	_ =	swait.ge [sflag:s12], $0x4000  }
0x70: {  	[sflag:s12] =	ssyncset.done $0x0  }
0x71: {  	[sflag:s12] =	ssyncadd.s32 $0xFFFFC000  }
0x72: {  	[hbm4b:s16+s2] =	stream.linear.scatter [tilespmem:s8], [sflag:$0x3], $0x4000, $0x38;
	[tilespmem:$0x8200] =	vst v63  }
0x73: {  	_ =	swait.ge [sflag:s3], $0x4000  }
0x74: {  	[sflag:s3] =	ssyncset.done $0x0  }
0x75: {  	[sflag:s3] =	ssyncadd.s32 $0xFFFFC000  }
0x76: {  	[tilespmem:s2], [sflag:$0x3] =	stream.linear.gather [hbm4b:s17+s2], $0x200, $0x38;
	[tilespmem:$0x8200] =	vst v63  }
0x77: {  	_ =	swait.ge [sflag:s3], $0x200  }
0x78: {  	[sflag:s3] =	ssyncset.done $0x0  }
0x79: {  	[sflag:s3] =	ssyncadd.s32 $0xFFFFFE00  }
0x7a: {  	[tilespmem:s7], [sflag:$0x1] =	stream.indirect.gather [hbm4b:s18+s6], $0x80, s2, s6, $0xb8;
	[tilespmem:$0x8200] =	vst v63  }
0x7b: {  	_ = 	snop  }
0x7c: {  	[tilespmem:s8], [sflag:$0x2] =	stream.indirect.gather [hbm4b:s18+s6], $0x80, s6, s6, $0xb8;
	[tilespmem:$0x8200] =	vst v63  }
0x7d: {  	_ =	swait.ge [sflag:s9], $0x4000  }
0x7e: {  	[sflag:s9] =	ssyncset.done $0x0  }
0x7f: {  	[sflag:s9] =	ssyncadd.s32 $0xFFFFC000  }
0x80: {  	[hbm4b:s19+s2] =	stream.linear.scatter [tilespmem:s7], [sflag:$0x3], $0x4000, $0x38;
	[tilespmem:$0x8200] =	vst v63  }
0x81: {  	_ =	swait.ge [sflag:s3], $0x4000  }
0x82: {  	[sflag:s3] =	ssyncset.done $0x0  }
0x83: {  	[sflag:s3] =	ssyncadd.s32 $0xFFFFC000  }
0x84: {  	[tilespmem:s7], [sflag:$0x1] =	stream.indirect.gather [hbm4b:s18+s6], $0x80, s11, s6, $0xb8;
	[tilespmem:$0x8200] =	vst v63  }
0x85: {  	_ =	swait.ge [sflag:s12], $0x4000  }
0x86: {  	[sflag:s12] =	ssyncset.done $0x0  }
0x87: {  	[sflag:s12] =	ssyncadd.s32 $0xFFFFC000  }
0x88: {  	[hbm4b:s20+s2] =	stream.linear.scatter [tilespmem:s8], [sflag:$0x3], $0x4000, $0x38;
	[tilespmem:$0x8200] =	vst v63  }
0x89: {  	_ =	swait.ge [sflag:s3], $0x4000  }
0x8a: {  	[sflag:s3] =	ssyncset.done $0x0  }
0x8b: {  	[sflag:s3] =	ssyncadd.s32 $0xFFFFC000  }
0x8c: {  	[tilespmem:s8], [sflag:$0x2] =	stream.indirect.gather [hbm4b:s18+s6], $0x80, s14, s6, $0xb8;
	[tilespmem:$0x8200] =	vst v63  }
0x8d: {  	_ =	swait.ge [sflag:s9], $0x4000  }
0x8e: {  	[sflag:s9] =	ssyncset.done $0x0  }
0x8f: {  	[sflag:s9] =	ssyncadd.s32 $0xFFFFC000  }
0x90: {  	[hbm4b:s21+s2] =	stream.linear.scatter [tilespmem:s7], [sflag:$0x3], $0x4000, $0x38;
	[tilespmem:$0x8200] =	vst v63  }
0x91: {  	_ =	swait.ge [sflag:s3], $0x4000  }
0x92: {  	[sflag:s3] =	ssyncset.done $0x0  }
0x93: {  	[sflag:s3] =	ssyncadd.s32 $0xFFFFC000  }
0x94: {  	_ =	swait.ge [sflag:s12], $0x4000  }
.Ltmp1:
0x95: {  	[sflag:s12] =	ssyncset.done $0x0;
	(pc) =	sbr.rel @p0 .LBB2_1-.Ltmp1, $4  }
0x96: {  	[sflag:s12] =	ssyncadd.s32 $0xFFFFC000  }
0x97: {  	[hbm4b:s22+s2] =	stream.linear.scatter [tilespmem:s8], [sflag:$0x3], $0x4000, $0x38;
	[tilespmem:$0x8200] =	vst v63  }
0x98: {  	_ =	swait.ge [sflag:s3], $0x4000  }
0x99: {  	[sflag:s3] =	ssyncset.done $0x0  }
.LBB2_2:
0x9a: {  	[sflag:s3] =	ssyncadd.s32 $0xFFFFC000  }
0x9b: {  	_ =	sfence.sel $0x180000  }
0x9c: {  	[bflag:$0x0] =	sbarrier.arrive $0xFFFF  }
0x9d: {  	p0 =	sne.s32 s0, $0x0;
	_ =	strace $0x90000047  }
0x9e: {  	s0 =	sadd.s32 @!p0 $0x100000, s1;
	[bflag:$0x2] =	sbarrier.arrive $0xFFFF  }
0x9f: {  	[sflag:s0] =	ssyncadd.tile.s32 @!p0 $0x1;
	_ =	shalt  }
.Lfunc_end2:
_tile_overlayer_lowered:
.L_overlay_start_2:
0xa0: {  	(tag) =	ssettag $0x2  }
0xa1: {  	s0 =	rddreg [dreg:$0x0];
	s2 =	stileid.u32  }
0xa2: {  	s1 =	rddreg [dreg:$0x1];
	p0 =	sne.s32 s2, $0x0  }
0xa3: {  	s3 =	rddreg [dreg:$0x2];
	[bflag:$0x3] =	sbarrier.arrive $0xFFFF;
	s2 =	simm.s32 @!p0 $0x1C03  }
0xa4: {  	[timem:s3], [sflag:s2] =	dma.local @!p0 [hbm:s0], s1  }
0xa5: {  	s0 =	simm.s32 @!p0 $0x3  }
0xa6: {  	_ =	swait.ge @!p0 [sflag:s0], s1  }
0xa7: {  	s1 =	ssub.s32 @!p0 $0x0, s1;
	[sflag:s0] =	ssyncset.done @!p0 $0x0  }
0xa8: {  	[sflag:s0] =	ssyncadd.s32 @!p0 s1  }
0xa9: {  	[bflag:$0x3] =	sbarrier.arrive $0xFFFF  }
0xaa: {  	_ =	shalt  }

// kernel: kernel.20.cloned.1.call-start
scs
__scs_entry_jumppad:
0x0: {  	(pc) =	sbr.rel $0x88, $3  }
0x1: {  	(tag) =	ssettag $0x0;
	lr =	simm.s32 $0x1  }
0x2: {  	[smem:$0x3F84] =	sst lr;
	_ =	strace $0xD0000000  }
0x3: {  	_ = 	snop  }
0x4: {  	_ = 	snop  }
0x5: {  	_ = 	snop  }
0x6: {  	_ = 	snop  }
0x7: {  	_ = 	snop  }
__scs_overlays_trampoline_lowered:
0x8: {  	[smem:$0x3F93] =	sst s0  }
0x9: {  	[smem:$0x3F94] =	sst s1  }
0xa: {  	[smem:$0x3F95] =	sst s2  }
0xb: {  	[smem:$0x3F96] =	sst s3  }
0xc: {  	[smem:$0x3F97] =	sst s4  }
0xd: {  	[smem:$0x3F98] =	sst s5  }
0xe: {  	[smem:$0x3F99] =	sst s6  }
0xf: {  	[smem:$0x3F9A] =	sst s7  }
0x10: {  	[smem:$0x3F9B] =	sst s8  }
0x11: {  	[smem:$0x3F9C] =	sst s9;
	s0 =	simm.s32 @!p0 $0x0  }
0x12: {  	s1 =	sld [smem:$0x3F82];
	s0 =	simm.s32 @p0 $0x1  }
0x13: {  	[smem:$0x3F9D] =	sst s0;
	s0 =	simm.s32 @!p1 $0x0  }
0x14: {  	s2 =	sld [smem:$0x3F81];
	s0 =	simm.s32 @p1 $0x1  }
0x15: {  	[smem:$0x3F9E] =	sst s0;
	s0 =	simm.s32 @!p2 $0x0  }
0x16: {  	s3 =	sld [smem:$0x3FDB];
	s0 =	simm.s32 @p2 $0x1  }
0x17: {  	s4 =	simm.s32 $0x1BF5;
	[smem:$0x3FA0] =	sst s0  }
0x18: {  	s0 =	sld [smem:$0x3F83];
	_ =	swait.ge [sflag:s4], $0x0  }
0x19: {  	s7 =	sld [smem:$0x3F84]  }
0x1a: {  	s8 =	sadd.s32 $0xFFFFE003, lr  }
0x1b: {  	s9 =	sadd.s32 $0xFFFFFEF7, lr;
	s5 =	simm.s32 $0xFFFFFFFF;
	p2 =	slt.u32 s8, $0xFFFFF086  }
0x1c: {  	p1 =	slt.u32 s9, $0xF7A;
	s5 =	simm.s32 @!p2 $0x0  }
0x1d: {  	s5 =	simm.s32 @p1 $0x1;
	p0 =	seq.s32 s7, s2  }
0x1e: {  	s7 =	smul.u32 @!p0 $0xF7A, s2;
	p2 =	seq.s32 @!p0 s5, $0x0  }
0x1f: {  	s9 =	smul.u32 $0xF7A, s1;
	s8 =	simm.s32 @!p0 $0x1BF5;
	p2 =	por !p2, p0  }
0x20: {  	[sflag:s8] =	ssyncset.s32 @!p0 $0xFFFFF086;
	s6 =	sadd.s32 @!p0 s3, s7;
	s7 =	simm.s32 @!p0 $0x108  }
0x21: {  	s3 =	sadd.s32 s3, s9;
	s6 =	sadd.s32 @!p0 $0x88, s6;
	s7 =	simm.s32 @p2 $0x1082  }
0x22: {  	[simem:s7], [sflag:s8] =	dma.local @!p0 [hbm:s6], $0xF7A  }
0x23: {  	s9 =	sor.u32 $0xD0000000, s2;
	s6 =	simm.s32 $0x108;
	_ =	swait.ge @!p0 [sflag:s8], $0x0  }
0x24: {  	s3 =	sadd.s32 $0x88, s3;
	s6 =	simm.s32 @!p1 $0x1082;
	[sflag:s4] =	ssyncset.s32 $0xFFFFF086  }
0x25: {  	[simem:s6], [sflag:s4] =	dma.local [hbm:s3], $0xF7A  }
0x26: {  	[smem:$0x3F84] =	sst s1;
	(tag) =	ssettag s2;
	_ =	strace s9  }
0x27: {  	s1 =	sld [smem:$0x3F94]  }
0x28: {  	s2 =	sld [smem:$0x3F95]  }
0x29: {  	s4 =	sld [smem:$0x3F97]  }
0x2a: {  	p0 =	seq.s32 s5, $0x0;
	s5 =	sld [smem:$0x3F98]  }
0x2b: {  	s6 =	sld [smem:$0x3F99]  }
0x2c: {  	s7 =	sld [smem:$0x3F9A]  }
0x2d: {  	s3 =	simm.s32 $0x108;
	s8 =	sld [smem:$0x3F9B]  }
0x2e: {  	s3 =	simm.s32 @!p0 $0x1082;
	s9 =	sld [smem:$0x3F9C]  }
0x2f: {  	lr =	sadd.s32 s0, s3;
	s0 =	sld [smem:$0x3F93]  }
0x30: {  	s3 =	sld [smem:$0x3F96]  }
0x31: {  	[smem:$0x3F9F] =	sst s10  }
0x32: {  	s10 =	sld [smem:$0x3F9D];
	_ =	sdelay $0x3  }
0x33: {  	p0 =	seq.s32 s10, $0x1;
	s10 =	sld [smem:$0x3F9F];
	_ =	sdelay $0x3  }
0x34: {  	[smem:$0x3F9F] =	sst s10  }
0x35: {  	s10 =	sld [smem:$0x3F9E];
	_ =	sdelay $0x3  }
0x36: {  	p1 =	seq.s32 s10, $0x1;
	s10 =	sld [smem:$0x3F9F];
	_ =	sdelay $0x3  }
0x37: {  	[smem:$0x3F9F] =	sst s10  }
0x38: {  	s10 =	sld [smem:$0x3FA0]  }
0x39: {  	_ = 	snop;
	(pc) =	sbr.ind lr, $3  }
0x3a: {  	_ = 	snop  }
0x3b: {  	_ = 	snop  }
0x3c: {  	p2 =	seq.s32 s10, $0x1;
	s10 =	sld [smem:$0x3F9F]  }
0x3d: {  	_ =	shalt  }
0x3e: {  	_ =	shalt  }
0x3f: {  	_ =	shalt  }
0x40: {  	_ =	shalt  }
0x41: {  	_ =	shalt  }
0x42: {  	_ =	shalt  }
0x43: {  	_ =	shalt  }
0x44: {  	_ =	shalt  }
0x45: {  	_ =	shalt  }
0x46: {  	_ =	shalt  }
0x47: {  	_ =	shalt  }
0x48: {  	_ =	shalt  }
0x49: {  	_ =	shalt  }
0x4a: {  	_ =	shalt  }
0x4b: {  	_ =	shalt  }
0x4c: {  	_ =	shalt  }
0x4d: {  	_ =	shalt  }
0x4e: {  	_ =	shalt  }
0x4f: {  	_ =	shalt  }
0x50: {  	_ =	shalt  }
0x51: {  	_ =	shalt  }
0x52: {  	_ =	shalt  }
0x53: {  	_ =	shalt  }
0x54: {  	_ =	shalt  }
0x55: {  	_ =	shalt  }
0x56: {  	_ =	shalt  }
0x57: {  	_ =	shalt  }
0x58: {  	_ =	shalt  }
0x59: {  	_ =	shalt  }
0x5a: {  	_ =	shalt  }
0x5b: {  	_ =	shalt  }
0x5c: {  	_ =	shalt  }
0x5d: {  	_ =	shalt  }
0x5e: {  	_ =	shalt  }
0x5f: {  	_ =	shalt  }
0x60: {  	_ =	shalt  }
0x61: {  	_ =	shalt  }
0x62: {  	_ =	shalt  }
0x63: {  	_ =	shalt  }
0x64: {  	_ =	shalt  }
0x65: {  	_ =	shalt  }
0x66: {  	_ =	shalt  }
0x67: {  	_ =	shalt  }
0x68: {  	_ =	shalt  }
0x69: {  	_ =	shalt  }
0x6a: {  	_ =	shalt  }
0x6b: {  	_ =	shalt  }
0x6c: {  	_ =	shalt  }
0x6d: {  	_ =	shalt  }
0x6e: {  	_ =	shalt  }
0x6f: {  	_ =	shalt  }
0x70: {  	_ =	shalt  }
0x71: {  	_ =	shalt  }
0x72: {  	_ =	shalt  }
0x73: {  	_ =	shalt  }
0x74: {  	_ =	shalt  }
0x75: {  	_ =	shalt  }
0x76: {  	_ =	shalt  }
0x77: {  	_ =	shalt  }
0x78: {  	_ =	shalt  }
0x79: {  	_ =	shalt  }
0x7a: {  	_ =	shalt  }
0x7b: {  	_ =	shalt  }
0x7c: {  	_ =	shalt  }
0x7d: {  	_ =	shalt  }
0x7e: {  	_ =	shalt  }
0x7f: {  	_ =	shalt  }
0x80: {  	_ =	shalt  }
0x81: {  	_ =	shalt  }
0x82: {  	_ =	shalt  }
0x83: {  	_ =	shalt  }
0x84: {  	_ =	shalt  }
0x85: {  	_ =	shalt  }
0x86: {  	_ =	shalt  }
0x87: {  	_ =	shalt  }
.Lfunc_end0:
.L_simem_size_0:
called_computation.1_lowered:
.L_overlay_start_0:
0x88: {  	s2 =	sld [smem:$0x3FD9]  }
0x89: {  	s3 =	sld [smem:$0x3FFE];
	_ =	sdelay $0x1  }
0x8a: {  	s1 =	srdreg.scid  }
0x8b: {  	s0 =	sand.u32 $0x1, s1  }
0x8c: {  	s17 =	sshll.u32 s0, $0xA;
	s2 =	sadd.s32 s3, s2  }
0x8d: {  	s2 =	sadd.s32 s2, s17  }
0x8e: {  	[smem:$0x3FAB] =	sst s2  }
0x8f: {  	_ = 	snop  }
0x90: {  	(tm) =	ssettm $0x1  }
0x91: {  	s18 =	sld [smem:$0x3FFB];
	_ =	sdelay $0x3  }
0x92: {  	_ =	strace s18  }
0x93: {  	s2 =	sld [smem:$0x3FFC];
	_ =	sdelay $0x3  }
0x94: {  	_ =	strace s2  }
0x95: {  	s2 =	sld [smem:$0x3FFD];
	_ =	sdelay $0x3  }
0x96: {  	_ =	strace s2  }
0x97: {  	_ =	strace $0x8FFFFFFF  }
0x98: {  	s19 =	sld [smem:$0x3FDB];
	_ =	sdelay $0x1  }
0x99: {  	s20 =	simm.s32 $_scs_section_size  }
0x9a: {  	s4 =	simm.s32 $_size__tile_overlayer_lowered;
	s5 =	simm.s32 $_tile_overlayer_lowered  }
0x9b: {  	s6 =	simm.s32 $0x1BFF;
	s21 =	sshll.u32 s5, $0x1;
	s3 =	sadd.s32 s20, s19  }
0x9c: {  	s22 =	simm.s32 $0x0;
	s4 =	sshll.u32 s4, $0x1;
	s5 =	sadd.s32 s21, s3  }
0x9d: {  	[timem:s22], [sflag:s6] =	dma.local [hbm:s5], s4  }
0x9e: {  	_ =	swait.ge [sflag:s6], s4  }
0x9f: {  	s4 =	ssub.s32 $0x0, s4;
	[sflag:s6] =	ssyncset.done $0x0  }
0xa0: {  	[sflag:s6] =	ssyncadd.s32 s4;
	_ =	sdelay $0x1  }
0xa1: {  	s23 =	simm.s32 $0x1B8B  }
0xa2: {  	_ =	swait.ge [sflag:s23], $0x1  }
0xa3: {  	[sflag:s23] =	ssyncset.done $0x0  }
0xa4: {  	[sflag:s23] =	ssyncadd.s32 $0xFFFFFFFF  }
0xa5: {  	s4 =	sld [smem:$0x0]  }
0xa6: {  	s5 =	sand.u32 $0xFFFFFFFE, s1  }
0xa7: {  	p0 =	sne.s32 s1, s5  }
0xa8: {  	s5 =	sshll.u32 @p0 s5, $0xE  }
0xa9: {  	s5 =	sadd.s32 @p0 $0x11B8D, s5;
	s6 =	sshll.u32 @p0 s4, $0x11  }
0xaa: {  	s5 =	sor.u32 @p0 s6, s5  }
0xab: {  	[sflag:s5] =	ssyncadd.remote.s32 @p0 $0x1;
	_ =	sdelay $0x1  }
0xac: {  	s5 =	simm.s32 @p0 $0x1B8D  }
0xad: {  	_ =	swait.eq @p0 [sflag:s5], $0x1  }
0xae: {  	[sflag:s5] =	ssyncadd.s32 @p0 $0xFFFFFFFF  }
0xaf: {  	s6 =	sshll.u32 @!p0 s1, $0xE  }
0xb0: {  	s6 =	sor.u32 @!p0 $0x4000, s6;
	s5 =	simm.s32 @!p0 $0x1B8D  }
0xb1: {  	s4 =	sshll.u32 @!p0 s4, $0x11;
	s6 =	sadd.s32 @!p0 $0x11B8D, s6;
	_ =	swait.eq @!p0 [sflag:s5], $0x1  }
0xb2: {  	s4 =	sor.u32 @!p0 s4, s6;
	[sflag:s5] =	ssyncadd.s32 @!p0 $0xFFFFFFFF  }
0xb3: {  	s25 =	simm.s32 $0x1B8E;
	s24 =	sld [smem:$0x3FFE];
	[sflag:s4] =	ssyncadd.remote.s32 @!p0 $0x1  }
0xb4: {  	s26 =	simm.s32 $execute0_lowered;
	[smem:$0x3FD2] =	sst s25  }
0xb5: {  	s5 =	sshll.u32 s26, $0x1;
	_ =	strace $0x80000049;
	[dreg:$0x1] =	wrdreg $0xFFFFFFFF  }
0xb6: {  	s28 =	simm.s32 $_size_execute0_lowered;
	s3 =	sadd.s32 s3, s5;
	[dreg:$0x0] =	wrdreg $0x0  }
0xb7: {  	s5 =	sshll.u32 s28, $0x1;
	[dreg:$0x2] =	wrdreg s3  }
0xb8: {  	[dreg:$0x3] =	wrdreg s5  }
0xb9: {  	[dreg:$0x4] =	wrdreg $0xC0  }
0xba: {  	_ =	task [dreg:s22], $0x5FFFF  }
0xbb: {  	[dreg:$0x1] =	wrdreg $0xFFFFFFFF  }
0xbc: {  	[dreg:$0x0] =	wrdreg $0x60  }
0xbd: {  	[dreg:$0x2] =	wrdreg s24  }
0xbe: {  	[dreg:$0x3] =	wrdreg $0xA  }
0xbf: {  	_ =	task.clear_ibuf [dreg:s22], $0x4FFFF;
	_ =	strace $0x90000049  }
0xc0: {  	s29 =	simm.s32 $0xA;
	_ =	strace $0x8000004B  }
0xc1: {  	_ =	swait.ge [sflag:s29], $0x1  }
0xc2: {  	[sflag:s29] =	ssyncadd.s32 $0xFFFFFFFF  }
0xc3: {  	_ =	strace $0x9000004B  }
0xc4: {  	_ =	sfence  }
0xc5: {  	s30 =	sld [smem:$0x0];
	_ =	sdelay $0x2  }
0xc6: {  	s31 =	sshll.u32 s1, $0xD;
	s1 =	sshrl.u32 s1, $0x2  }
0xc7: {  	s4 =	sand.u32 $0x4000, s31;
	s1 =	sadd.s32 s1, s30  }
0xc8: {  	s0 =	sor.u32 s4, s0;
	s1 =	sshll.u32 s1, $0x11  }
0xc9: {  	s0 =	sor.u32 s1, s0  }
0xca: {  	s0 =	sadd.s32 $0x8F2B, s0  }
0xcb: {  	[sflag:s0] =	ssyncadd.remote.s32 $0x1  }
0xcc: {  	_ =	sfence.sel $0xFFFF  }
0xcd: {  	[dreg:$0x0] =	wrdreg $0xFFFFFFFF;
	(pc) =	sbr.abs _section_cstart, $3  }
0xce: {  	[dreg:$0x1] =	wrdreg $0xFFFFFFFF  }
0xcf: {  	_ =	task.clear_ibuf [dreg:s22], $0x2FFFF;
	_ =	strace $0x9FFFFFFF  }
0xd0: {  	(tm) =	ssettm $0x7FFFFFFF  }
0xd1: {  	_ =	shalt  }
tec
execute0_lowered:
.L_overlay_start_1:
0x0: {  	(tag) =	ssettag $0x1  }
0x1: {  	s0 =	srdreg.scid  }
0x2: {  	s2 =	stileid.u32;
	s1 =	rddreg [dreg:$0x0]  }
0x3: {  	s8 =	simm.s32 $0x3;
	s9 =	simm.s32 $0x1;
	s19 =	simm.s32 $0x2  }
0x4: {  	s21 =	simm.s32 $0xA00;
	s22 =	simm.s32 $0x1200;
	s23 =	simm.s32 $0x1A00  }
0x5: {  	s28 =	simm.s32 $0x3200;
	s29 =	simm.s32 $0x3A00;
	s30 =	simm.s32 $0x4200  }
0x6: {  	s31 =	simm.s32 $0x4A00;
	s10 =	simm.s32 $0x6200;
	s11 =	simm.s32 $0x6A00  }
0x7: {  	s12 =	simm.s32 $0x7200;
	s13 =	simm.s32 $0x7A00;
	s18 =	simm.s32 $0x8200  }
0x8: {  	s14 =	simm.s32 $0x8A00;
	s15 =	simm.s32 $0x9200;
	s16 =	simm.s32 $0x9A00  }
0x9: {  	s0 =	sand.u32 $0x1, s0;
	s3 =	sshll.u32 s2, $0x1;
	s2 =	simm.s32 $0x0  }
0xa: {  	s17 =	simm.s32 $0xA200;
	s3 =	sor.u32 s0, s3;
	[smem:$0x7FF] =	sst s2  }
0xb: {  	s0 =	ssub.s32 $0x2, s0;
	s4 =	sshll.u32 s3, $0x6;
	_ =	strace $0x8000004A  }
0xc: {  	s5 =	sshll.u32 s3, $0xE;
	s3 =	sadd.s32 $0x98400, s1;
	s4 =	sadd.s32 s4, s1  }
0xd: {  	s6 =	sshrl.u32 s0, $0x1;
	s5 =	sadd.s32 s5, s1;
	s4 =	sadd.s32 $0x27A400, s4  }
0xe: {  	s0 =	ssub.s32 s0, s6;
	s24 =	sadd.s32 $0x27AC00, s5;
	[dreg:$0x2] =	wrdreg s4  }
0xf: {  	s6 =	sadd.s32 $0x98700, s1;
	s25 =	sadd.s32 $0x27BC00, s5;
	[dreg:$0x3] =	wrdreg s24  }
0x10: {  	s26 =	sadd.s32 $0x27CC00, s5;
	s7 =	sadd.s32 $0x27DC00, s5;
	[dreg:$0x4] =	wrdreg s25  }
0x11: {  	v2 =	vlaneseq.u32;
	s5 =	sadd.s32 $0x98600, s1;
	s4 =	sadd.s32 $0x98500, s1;
	[dreg:$0x5] =	wrdreg s26  }
0x12: {  	vm0 =	vmmov $0xffff;
	v1 =	vshrl.u32 v2, $0x3;
	[dreg:$0x6] =	wrdreg s7;
	s7 =	smax.u32 s0, $0x1;
	s25 =	simm.s32 $0x200  }
0x13: {  	v0 =	vand.u32 $0x7, v2;
	v2 =	vor.u32 $0x8, v2;
	v1 =	vmul.u32 $0x8, v1;
	s24 =	simm.s32 $0x2200;
	s26 =	simm.s32 $0x2A00;
	s1 =	simm.s32 $0x5200  }
.LBB2_1:
0x14: {  	s20 =	rddreg [dreg:$0x2]  }
0x15: {  	[tilespmem:s2], [sflag:$0x3] =	stream.linear.gather [hbm4b:s20+s2], $0x200, $0x38;
	[tilespmem:$0x10200] =	vst v63  }
0x16: {  	_ =	swait.ge [sflag:s8], $0x200  }
0x17: {  	[sflag:s8] =	ssyncset.done $0x0  }
0x18: {  	[sflag:s8] =	ssyncadd.s32 $0xFFFFFE00  }
0x19: {  	v3 =	vld [tilespmem:$0x0];
	_ =	sdelay $0x4  }
0x1a: {  	v4 =	vshll.u32 v3, $0x3  }
0x1b: {  	v3 =	vand.u32 $0x7, v3;
	v4 =	vand.u32 $0xFFFFFFC0, v4  }
0x1c: {  	v3 =	vor.u32 v3, v4  }
0x1d: {  	v4 =	vperm.xlane v3, v0;
	_ =	sdelay $0x1  }
0x1e: {  	v4 =	vadd.s32 v1, v4;
	_ =	sdelay $0x4  }
0x1f: {  	[tilespmem:s25], [sflag:$0x1] =	stream.indirect_vreg.gather [hbm4b:s3+s2], $0x80, v4, vm0, $0xb8;
	[tilespmem:$0x10200] =	vst v63  }
0x20: {  	v3 =	vperm.xlane v3, v2  }
0x21: {  	[tilespmem:s21], [sflag:$0x1] =	stream.indirect_vreg.gather [hbm4b:s4+s2], $0x80, v4, vm0, $0xb8;
	[tilespmem:$0x10200] =	vst v63  }
0x22: {  	v3 =	vadd.s32 v1, v3  }
0x23: {  	[tilespmem:s22], [sflag:$0x1] =	stream.indirect_vreg.gather [hbm4b:s5+s2], $0x80, v4, vm0, $0xb8;
	[tilespmem:$0x10200] =	vst v63  }
0x24: {  	_ = 	snop  }
0x25: {  	[tilespmem:s23], [sflag:$0x1] =	stream.indirect_vreg.gather [hbm4b:s6+s2], $0x80, v4, vm0, $0xb8;
	[tilespmem:$0x10200] =	vst v63  }
0x26: {  	_ = 	snop  }
0x27: {  	[tilespmem:s24], [sflag:$0x1] =	stream.indirect_vreg.gather [hbm4b:s3+s2], $0x80, v3, vm0, $0xb8;
	[tilespmem:$0x10200] =	vst v63  }
0x28: {  	_ = 	snop  }
0x29: {  	[tilespmem:s26], [sflag:$0x1] =	stream.indirect_vreg.gather [hbm4b:s4+s2], $0x80, v3, vm0, $0xb8;
	[tilespmem:$0x10200] =	vst v63  }
0x2a: {  	_ = 	snop  }
0x2b: {  	[tilespmem:s28], [sflag:$0x1] =	stream.indirect_vreg.gather [hbm4b:s5+s2], $0x80, v3, vm0, $0xb8;
	[tilespmem:$0x10200] =	vst v63  }
0x2c: {  	_ = 	snop  }
0x2d: {  	[tilespmem:s29], [sflag:$0x1] =	stream.indirect_vreg.gather [hbm4b:s6+s2], $0x80, v3, vm0, $0xb8;
	[tilespmem:$0x10200] =	vst v63  }
0x2e: {  	v3 =	vld [tilespmem:$0x10];
	_ =	sdelay $0x4  }
0x2f: {  	v57 =	vshll.u32 v3, $0x3  }
0x30: {  	v3 =	vand.u32 $0x7, v3;
	v4 =	vand.u32 $0xFFFFFFC0, v57  }
0x31: {  	v3 =	vor.u32 v3, v4  }
0x32: {  	v4 =	vperm.xlane v3, v0;
	_ =	sdelay $0x1  }
0x33: {  	v4 =	vadd.s32 v1, v4;
	_ =	sdelay $0x4  }
0x34: {  	[tilespmem:s30], [sflag:$0x1] =	stream.indirect_vreg.gather [hbm4b:s3+s2], $0x80, v4, vm0, $0xb8;
	[tilespmem:$0x10200] =	vst v63  }
0x35: {  	v3 =	vperm.xlane v3, v2  }
0x36: {  	[tilespmem:s31], [sflag:$0x1] =	stream.indirect_vreg.gather [hbm4b:s4+s2], $0x80, v4, vm0, $0xb8;
	[tilespmem:$0x10200] =	vst v63  }
0x37: {  	v3 =	vadd.s32 v1, v3  }
0x38: {  	[tilespmem:s1], [sflag:$0x1] =	stream.indirect_vreg.gather [hbm4b:s5+s2], $0x80, v4, vm0, $0xb8;
	[tilespmem:$0x10200] =	vst v63  }
0x39: {  	s0 =	simm.s32 $0x5A00  }
0x3a: {  	[tilespmem:s0], [sflag:$0x1] =	stream.indirect_vreg.gather [hbm4b:s6+s2], $0x80, v4, vm0, $0xb8;
	[tilespmem:$0x10200] =	vst v63  }
0x3b: {  	_ = 	snop  }
0x3c: {  	[tilespmem:s10], [sflag:$0x1] =	stream.indirect_vreg.gather [hbm4b:s3+s2], $0x80, v3, vm0, $0xb8;
	[tilespmem:$0x10200] =	vst v63  }
0x3d: {  	_ = 	snop  }
0x3e: {  	[tilespmem:s11], [sflag:$0x1] =	stream.indirect_vreg.gather [hbm4b:s4+s2], $0x80, v3, vm0, $0xb8;
	[tilespmem:$0x10200] =	vst v63  }
0x3f: {  	_ = 	snop  }
0x40: {  	[tilespmem:s12], [sflag:$0x1] =	stream.indirect_vreg.gather [hbm4b:s5+s2], $0x80, v3, vm0, $0xb8;
	[tilespmem:$0x10200] =	vst v63  }
0x41: {  	_ = 	snop  }
0x42: {  	[tilespmem:s13], [sflag:$0x1] =	stream.indirect_vreg.gather [hbm4b:s6+s2], $0x80, v3, vm0, $0xb8;
	[tilespmem:$0x10200] =	vst v63  }
0x43: {  	v3 =	vld [tilespmem:$0x80];
	_ =	sdelay $0x4  }
0x44: {  	v58 =	vshll.u32 v3, $0x3  }
0x45: {  	v3 =	vand.u32 $0x7, v3;
	v4 =	vand.u32 $0xFFFFFFC0, v58  }
0x46: {  	v3 =	vor.u32 v3, v4  }
0x47: {  	v4 =	vperm.xlane v3, v0;
	_ =	sdelay $0x1  }
0x48: {  	v4 =	vadd.s32 v1, v4;
	_ =	sdelay $0x4  }
0x49: {  	[tilespmem:s18], [sflag:$0x2] =	stream.indirect_vreg.gather [hbm4b:s3+s2], $0x80, v4, vm0, $0xb8;
	[tilespmem:$0x10200] =	vst v63  }
0x4a: {  	v3 =	vperm.xlane v3, v2  }
0x4b: {  	[tilespmem:s14], [sflag:$0x2] =	stream.indirect_vreg.gather [hbm4b:s4+s2], $0x80, v4, vm0, $0xb8;
	[tilespmem:$0x10200] =	vst v63  }
0x4c: {  	v3 =	vadd.s32 v1, v3  }
0x4d: {  	[tilespmem:s15], [sflag:$0x2] =	stream.indirect_vreg.gather [hbm4b:s5+s2], $0x80, v4, vm0, $0xb8;
	[tilespmem:$0x10200] =	vst v63  }
0x4e: {  	_ = 	snop  }
0x4f: {  	[tilespmem:s16], [sflag:$0x2] =	stream.indirect_vreg.gather [hbm4b:s6+s2], $0x80, v4, vm0, $0xb8;
	[tilespmem:$0x10200] =	vst v63  }
0x50: {  	_ = 	snop  }
0x51: {  	[tilespmem:s17], [sflag:$0x2] =	stream.indirect_vreg.gather [hbm4b:s3+s2], $0x80, v3, vm0, $0xb8;
	[tilespmem:$0x10200] =	vst v63  }
0x52: {  	s20 =	simm.s32 $0xAA00  }
0x53: {  	[tilespmem:s20], [sflag:$0x2] =	stream.indirect_vreg.gather [hbm4b:s4+s2], $0x80, v3, vm0, $0xb8;
	[tilespmem:$0x10200] =	vst v63  }
0x54: {  	s20 =	simm.s32 $0xB200  }
0x55: {  	[tilespmem:s20], [sflag:$0x2] =	stream.indirect_vreg.gather [hbm4b:s5+s2], $0x80, v3, vm0, $0xb8;
	[tilespmem:$0x10200] =	vst v63  }
0x56: {  	s20 =	simm.s32 $0xBA00  }
0x57: {  	[tilespmem:s20], [sflag:$0x2] =	stream.indirect_vreg.gather [hbm4b:s6+s2], $0x80, v3, vm0, $0xb8;
	[tilespmem:$0x10200] =	vst v63  }
0x58: {  	v3 =	vld [tilespmem:$0x90];
	_ =	sdelay $0x4  }
0x59: {  	v59 =	vshll.u32 v3, $0x3  }
0x5a: {  	v3 =	vand.u32 $0x7, v3;
	v4 =	vand.u32 $0xFFFFFFC0, v59  }
0x5b: {  	v3 =	vor.u32 v3, v4  }
0x5c: {  	v4 =	vperm.xlane v3, v0;
	_ =	sdelay $0x1  }
0x5d: {  	v4 =	vadd.s32 v1, v4;
	_ =	sdelay $0x3  }
0x5e: {  	s20 =	simm.s32 $0xC200  }
0x5f: {  	[tilespmem:s20], [sflag:$0x2] =	stream.indirect_vreg.gather [hbm4b:s3+s2], $0x80, v4, vm0, $0xb8;
	[tilespmem:$0x10200] =	vst v63  }
0x60: {  	v3 =	vperm.xlane v3, v2;
	s20 =	simm.s32 $0xCA00  }
0x61: {  	[tilespmem:s20], [sflag:$0x2] =	stream.indirect_vreg.gather [hbm4b:s4+s2], $0x80, v4, vm0, $0xb8;
	[tilespmem:$0x10200] =	vst v63  }
0x62: {  	v3 =	vadd.s32 v1, v3;
	s20 =	simm.s32 $0xD200  }
0x63: {  	[tilespmem:s20], [sflag:$0x2] =	stream.indirect_vreg.gather [hbm4b:s5+s2], $0x80, v4, vm0, $0xb8;
	[tilespmem:$0x10200] =	vst v63  }
0x64: {  	s20 =	simm.s32 $0xDA00  }
0x65: {  	[tilespmem:s20], [sflag:$0x2] =	stream.indirect_vreg.gather [hbm4b:s6+s2], $0x80, v4, vm0, $0xb8;
	[tilespmem:$0x10200] =	vst v63  }
0x66: {  	s20 =	simm.s32 $0xE200  }
0x67: {  	[tilespmem:s20], [sflag:$0x2] =	stream.indirect_vreg.gather [hbm4b:s3+s2], $0x80, v3, vm0, $0xb8;
	[tilespmem:$0x10200] =	vst v63  }
0x68: {  	s20 =	simm.s32 $0xEA00  }
0x69: {  	[tilespmem:s20], [sflag:$0x2] =	stream.indirect_vreg.gather [hbm4b:s4+s2], $0x80, v3, vm0, $0xb8;
	[tilespmem:$0x10200] =	vst v63  }
0x6a: {  	s20 =	simm.s32 $0xF200  }
0x6b: {  	[tilespmem:s20], [sflag:$0x2] =	stream.indirect_vreg.gather [hbm4b:s5+s2], $0x80, v3, vm0, $0xb8;
	[tilespmem:$0x10200] =	vst v63  }
0x6c: {  	s20 =	simm.s32 $0xFA00  }
0x6d: {  	[tilespmem:s20], [sflag:$0x2] =	stream.indirect_vreg.gather [hbm4b:s6+s2], $0x80, v3, vm0, $0xb8;
	[tilespmem:$0x10200] =	vst v63  }
0x6e: {  	_ =	swait.ge [sflag:s9], $0x8000  }
0x6f: {  	[sflag:s9] =	ssyncset.done $0x0  }
0x70: {  	s20 =	rddreg [dreg:$0x3];
	[sflag:s9] =	ssyncadd.s32 $0xFFFF8000  }
0x71: {  	[hbm4b:s20+s2] =	stream.linear.scatter [tilespmem:s25], [sflag:$0x3], $0x8000, $0x38;
	[tilespmem:$0x10200] =	vst v63  }
0x72: {  	_ =	swait.ge [sflag:s8], $0x8000  }
0x73: {  	[sflag:s8] =	ssyncset.done $0x0  }
0x74: {  	[sflag:s8] =	ssyncadd.s32 $0xFFFF8000  }
0x75: {  	v3 =	vld [tilespmem:$0x100];
	_ =	sdelay $0x4  }
0x76: {  	v60 =	vshll.u32 v3, $0x3  }
0x77: {  	v3 =	vand.u32 $0x7, v3;
	v4 =	vand.u32 $0xFFFFFFC0, v60  }
0x78: {  	v3 =	vor.u32 v3, v4  }
0x79: {  	v4 =	vperm.xlane v3, v0;
	_ =	sdelay $0x1  }
0x7a: {  	v4 =	vadd.s32 v1, v4;
	_ =	sdelay $0x4  }
0x7b: {  	[tilespmem:s25], [sflag:$0x1] =	stream.indirect_vreg.gather [hbm4b:s3+s2], $0x80, v4, vm0, $0xb8;
	[tilespmem:$0x10200] =	vst v63  }
0x7c: {  	v3 =	vperm.xlane v3, v2  }
0x7d: {  	[tilespmem:s21], [sflag:$0x1] =	stream.indirect_vreg.gather [hbm4b:s4+s2], $0x80, v4, vm0, $0xb8;
	[tilespmem:$0x10200] =	vst v63  }
0x7e: {  	v3 =	vadd.s32 v1, v3  }
0x7f: {  	[tilespmem:s22], [sflag:$0x1] =	stream.indirect_vreg.gather [hbm4b:s5+s2], $0x80, v4, vm0, $0xb8;
	[tilespmem:$0x10200] =	vst v63  }
0x80: {  	_ = 	snop  }
0x81: {  	[tilespmem:s23], [sflag:$0x1] =	stream.indirect_vreg.gather [hbm4b:s6+s2], $0x80, v4, vm0, $0xb8;
	[tilespmem:$0x10200] =	vst v63  }
0x82: {  	_ = 	snop  }
0x83: {  	[tilespmem:s24], [sflag:$0x1] =	stream.indirect_vreg.gather [hbm4b:s3+s2], $0x80, v3, vm0, $0xb8;
	[tilespmem:$0x10200] =	vst v63  }
0x84: {  	_ = 	snop  }
0x85: {  	[tilespmem:s26], [sflag:$0x1] =	stream.indirect_vreg.gather [hbm4b:s4+s2], $0x80, v3, vm0, $0xb8;
	[tilespmem:$0x10200] =	vst v63  }
0x86: {  	_ = 	snop  }
0x87: {  	[tilespmem:s28], [sflag:$0x1] =	stream.indirect_vreg.gather [hbm4b:s5+s2], $0x80, v3, vm0, $0xb8;
	[tilespmem:$0x10200] =	vst v63  }
0x88: {  	_ = 	snop  }
0x89: {  	[tilespmem:s29], [sflag:$0x1] =	stream.indirect_vreg.gather [hbm4b:s6+s2], $0x80, v3, vm0, $0xb8;
	[tilespmem:$0x10200] =	vst v63  }
0x8a: {  	v3 =	vld [tilespmem:$0x110];
	_ =	sdelay $0x4  }
0x8b: {  	v61 =	vshll.u32 v3, $0x3  }
0x8c: {  	v3 =	vand.u32 $0x7, v3;
	v4 =	vand.u32 $0xFFFFFFC0, v61  }
0x8d: {  	v3 =	vor.u32 v3, v4  }
0x8e: {  	v4 =	vperm.xlane v3, v0;
	_ =	sdelay $0x1  }
0x8f: {  	v4 =	vadd.s32 v1, v4;
	_ =	sdelay $0x4  }
0x90: {  	[tilespmem:s30], [sflag:$0x1] =	stream.indirect_vreg.gather [hbm4b:s3+s2], $0x80, v4, vm0, $0xb8;
	[tilespmem:$0x10200] =	vst v63  }
0x91: {  	v3 =	vperm.xlane v3, v2  }
0x92: {  	[tilespmem:s31], [sflag:$0x1] =	stream.indirect_vreg.gather [hbm4b:s4+s2], $0x80, v4, vm0, $0xb8;
	[tilespmem:$0x10200] =	vst v63  }
0x93: {  	v3 =	vadd.s32 v1, v3  }
0x94: {  	[tilespmem:s1], [sflag:$0x1] =	stream.indirect_vreg.gather [hbm4b:s5+s2], $0x80, v4, vm0, $0xb8;
	[tilespmem:$0x10200] =	vst v63  }
0x95: {  	_ = 	snop  }
0x96: {  	[tilespmem:s0], [sflag:$0x1] =	stream.indirect_vreg.gather [hbm4b:s6+s2], $0x80, v4, vm0, $0xb8;
	[tilespmem:$0x10200] =	vst v63  }
0x97: {  	_ = 	snop  }
0x98: {  	[tilespmem:s10], [sflag:$0x1] =	stream.indirect_vreg.gather [hbm4b:s3+s2], $0x80, v3, vm0, $0xb8;
	[tilespmem:$0x10200] =	vst v63  }
0x99: {  	_ = 	snop  }
0x9a: {  	[tilespmem:s11], [sflag:$0x1] =	stream.indirect_vreg.gather [hbm4b:s4+s2], $0x80, v3, vm0, $0xb8;
	[tilespmem:$0x10200] =	vst v63  }
0x9b: {  	_ = 	snop  }
0x9c: {  	[tilespmem:s12], [sflag:$0x1] =	stream.indirect_vreg.gather [hbm4b:s5+s2], $0x80, v3, vm0, $0xb8;
	[tilespmem:$0x10200] =	vst v63  }
0x9d: {  	_ = 	snop  }
0x9e: {  	[tilespmem:s13], [sflag:$0x1] =	stream.indirect_vreg.gather [hbm4b:s6+s2], $0x80, v3, vm0, $0xb8;
	[tilespmem:$0x10200] =	vst v63  }
0x9f: {  	_ =	swait.ge [sflag:s19], $0x8000  }
0xa0: {  	[sflag:s19] =	ssyncset.done $0x0  }
0xa1: {  	s0 =	rddreg [dreg:$0x4];
	[sflag:s19] =	ssyncadd.s32 $0xFFFF8000  }
0xa2: {  	[hbm4b:s0+s2] =	stream.linear.scatter [tilespmem:s18], [sflag:$0x3], $0x8000, $0x38;
	[tilespmem:$0x10200] =	vst v63  }
0xa3: {  	_ =	swait.ge [sflag:s8], $0x8000  }
0xa4: {  	[sflag:s8] =	ssyncset.done $0x0  }
0xa5: {  	[sflag:s8] =	ssyncadd.s32 $0xFFFF8000  }
0xa6: {  	v3 =	vld [tilespmem:$0x180];
	_ =	sdelay $0x4  }
0xa7: {  	v62 =	vshll.u32 v3, $0x3  }
0xa8: {  	v3 =	vand.u32 $0x7, v3;
	v4 =	vand.u32 $0xFFFFFFC0, v62  }
0xa9: {  	v3 =	vor.u32 v3, v4  }
0xaa: {  	v4 =	vperm.xlane v3, v0;
	_ =	sdelay $0x1  }
0xab: {  	v4 =	vadd.s32 v1, v4;
	_ =	sdelay $0x4  }
0xac: {  	[tilespmem:s18], [sflag:$0x2] =	stream.indirect_vreg.gather [hbm4b:s3+s2], $0x80, v4, vm0, $0xb8;
	[tilespmem:$0x10200] =	vst v63  }
0xad: {  	v3 =	vperm.xlane v3, v2  }
0xae: {  	[tilespmem:s14], [sflag:$0x2] =	stream.indirect_vreg.gather [hbm4b:s4+s2], $0x80, v4, vm0, $0xb8;
	[tilespmem:$0x10200] =	vst v63  }
0xaf: {  	v3 =	vadd.s32 v1, v3  }
0xb0: {  	[tilespmem:s15], [sflag:$0x2] =	stream.indirect_vreg.gather [hbm4b:s5+s2], $0x80, v4, vm0, $0xb8;
	[tilespmem:$0x10200] =	vst v63  }
0xb1: {  	_ = 	snop  }
0xb2: {  	[tilespmem:s16], [sflag:$0x2] =	stream.indirect_vreg.gather [hbm4b:s6+s2], $0x80, v4, vm0, $0xb8;
	[tilespmem:$0x10200] =	vst v63  }
0xb3: {  	_ = 	snop  }
0xb4: {  	[tilespmem:s17], [sflag:$0x2] =	stream.indirect_vreg.gather [hbm4b:s3+s2], $0x80, v3, vm0, $0xb8;
	[tilespmem:$0x10200] =	vst v63  }
0xb5: {  	s20 =	simm.s32 $0xAA00  }
0xb6: {  	[tilespmem:s20], [sflag:$0x2] =	stream.indirect_vreg.gather [hbm4b:s4+s2], $0x80, v3, vm0, $0xb8;
	[tilespmem:$0x10200] =	vst v63  }
0xb7: {  	s20 =	simm.s32 $0xB200  }
0xb8: {  	[tilespmem:s20], [sflag:$0x2] =	stream.indirect_vreg.gather [hbm4b:s5+s2], $0x80, v3, vm0, $0xb8;
	[tilespmem:$0x10200] =	vst v63  }
0xb9: {  	s20 =	simm.s32 $0xBA00  }
0xba: {  	[tilespmem:s20], [sflag:$0x2] =	stream.indirect_vreg.gather [hbm4b:s6+s2], $0x80, v3, vm0, $0xb8;
	[tilespmem:$0x10200] =	vst v63  }
0xbb: {  	v3 =	vld [tilespmem:$0x190];
	_ =	sdelay $0x4  }
0xbc: {  	v63 =	vshll.u32 v3, $0x3  }
0xbd: {  	v3 =	vand.u32 $0x7, v3;
	v4 =	vand.u32 $0xFFFFFFC0, v63  }
0xbe: {  	v3 =	vor.u32 v3, v4  }
0xbf: {  	v4 =	vperm.xlane v3, v0;
	_ =	sdelay $0x1  }
0xc0: {  	v4 =	vadd.s32 v1, v4;
	_ =	sdelay $0x3  }
0xc1: {  	s20 =	simm.s32 $0xC200  }
0xc2: {  	[tilespmem:s20], [sflag:$0x2] =	stream.indirect_vreg.gather [hbm4b:s3+s2], $0x80, v4, vm0, $0xb8;
	[tilespmem:$0x10200] =	vst v63  }
0xc3: {  	v3 =	vperm.xlane v3, v2;
	s20 =	simm.s32 $0xCA00  }
0xc4: {  	[tilespmem:s20], [sflag:$0x2] =	stream.indirect_vreg.gather [hbm4b:s4+s2], $0x80, v4, vm0, $0xb8;
	[tilespmem:$0x10200] =	vst v63  }
0xc5: {  	v3 =	vadd.s32 v1, v3;
	s20 =	simm.s32 $0xD200  }
0xc6: {  	[tilespmem:s20], [sflag:$0x2] =	stream.indirect_vreg.gather [hbm4b:s5+s2], $0x80, v4, vm0, $0xb8;
	[tilespmem:$0x10200] =	vst v63  }
0xc7: {  	s20 =	simm.s32 $0xDA00  }
0xc8: {  	[tilespmem:s20], [sflag:$0x2] =	stream.indirect_vreg.gather [hbm4b:s6+s2], $0x80, v4, vm0, $0xb8;
	[tilespmem:$0x10200] =	vst v63  }
0xc9: {  	s20 =	simm.s32 $0xE200  }
0xca: {  	[tilespmem:s20], [sflag:$0x2] =	stream.indirect_vreg.gather [hbm4b:s3+s2], $0x80, v3, vm0, $0xb8;
	[tilespmem:$0x10200] =	vst v63  }
0xcb: {  	s20 =	simm.s32 $0xEA00  }
0xcc: {  	[tilespmem:s20], [sflag:$0x2] =	stream.indirect_vreg.gather [hbm4b:s4+s2], $0x80, v3, vm0, $0xb8;
	[tilespmem:$0x10200] =	vst v63  }
0xcd: {  	s20 =	simm.s32 $0xF200  }
0xce: {  	[tilespmem:s20], [sflag:$0x2] =	stream.indirect_vreg.gather [hbm4b:s5+s2], $0x80, v3, vm0, $0xb8;
	[tilespmem:$0x10200] =	vst v63  }
0xcf: {  	s20 =	simm.s32 $0xFA00  }
0xd0: {  	[tilespmem:s20], [sflag:$0x2] =	stream.indirect_vreg.gather [hbm4b:s6+s2], $0x80, v3, vm0, $0xb8;
	[tilespmem:$0x10200] =	vst v63  }
0xd1: {  	_ =	swait.ge [sflag:s9], $0x8000  }
0xd2: {  	[sflag:s9] =	ssyncset.done $0x0  }
0xd3: {  	s0 =	rddreg [dreg:$0x5];
	[sflag:s9] =	ssyncadd.s32 $0xFFFF8000  }
0xd4: {  	[hbm4b:s0+s2] =	stream.linear.scatter [tilespmem:s25], [sflag:$0x3], $0x8000, $0x38;
	[tilespmem:$0x10200] =	vst v63  }
0xd5: {  	_ =	swait.ge [sflag:s8], $0x8000  }
0xd6: {  	[sflag:s8] =	ssyncset.done $0x0  }
0xd7: {  	[sflag:s8] =	ssyncadd.s32 $0xFFFF8000  }
0xd8: {  	_ =	swait.ge [sflag:s19], $0x8000  }
0xd9: {  	p0 =	sne.s32 s7, $0x1;
	[sflag:s19] =	ssyncset.done $0x0  }
.Ltmp0:
0xda: {  	s0 =	rddreg [dreg:$0x6];
	[sflag:s19] =	ssyncadd.s32 $0xFFFF8000;
	(pc) =	sbr.rel @p0 .LBB2_1-.Ltmp0, $4  }
0xdb: {  	[hbm4b:s0+s2] =	stream.linear.scatter [tilespmem:s18], [sflag:$0x3], $0x8000, $0x38;
	[tilespmem:$0x10200] =	vst v63  }
0xdc: {  	_ =	swait.ge [sflag:s8], $0x8000  }
0xdd: {  	[sflag:s8] =	ssyncset.done $0x0  }
0xde: {  	s7 =	sadd.s32 $0xFFFFFFFF, s7;
	[sflag:s8] =	ssyncadd.s32 $0xFFFF8000  }
0xdf: {  	_ =	sfence.sel $0x180000  }
0xe0: {  	[bflag:$0x0] =	sbarrier.arrive $0xFFFF  }
0xe1: {  	_ =	strace $0x9000004A  }
0xe2: {  	s0 =	stileid.u32;
	[bflag:$0x2] =	sbarrier.arrive $0xFFFF  }
0xe3: {  	p0 =	sne.s32 s0, $0x0;
	s0 =	rddreg [dreg:$0x1]  }
0xe4: {  	s0 =	sadd.s32 @!p0 $0x100000, s0  }
0xe5: {  	[sflag:s0] =	ssyncadd.tile.s32 @!p0 $0x1;
	_ =	shalt  }
.Lfunc_end2:
_tile_overlayer_lowered:
.L_overlay_start_2:
0xe6: {  	(tag) =	ssettag $0x2  }
0xe7: {  	s0 =	rddreg [dreg:$0x0];
	s2 =	stileid.u32  }
0xe8: {  	s1 =	rddreg [dreg:$0x1];
	p0 =	sne.s32 s2, $0x0  }
0xe9: {  	s3 =	rddreg [dreg:$0x2];
	[bflag:$0x3] =	sbarrier.arrive $0xFFFF;
	s2 =	simm.s32 @!p0 $0x1C03  }
0xea: {  	[timem:s3], [sflag:s2] =	dma.local @!p0 [hbm:s0], s1  }
0xeb: {  	s0 =	simm.s32 @!p0 $0x3  }
0xec: {  	_ =	swait.ge @!p0 [sflag:s0], s1  }
0xed: {  	s1 =	ssub.s32 @!p0 $0x0, s1;
	[sflag:s0] =	ssyncset.done @!p0 $0x0  }
0xee: {  	[sflag:s0] =	ssyncadd.s32 @!p0 s1  }
0xef: {  	[bflag:$0x3] =	sbarrier.arrive $0xFFFF  }
0xf0: {  	_ =	shalt  }

// kernel: kernel.23.cloned.1.call-start
scs
__scs_entry_jumppad:
0x0: {  	(pc) =	sbr.rel $0x88, $3  }
0x1: {  	(tag) =	ssettag $0x0;
	lr =	simm.s32 $0x1  }
0x2: {  	[smem:$0x3F84] =	sst lr;
	_ =	strace $0xD0000000  }
0x3: {  	_ = 	snop  }
0x4: {  	_ = 	snop  }
0x5: {  	_ = 	snop  }
0x6: {  	_ = 	snop  }
0x7: {  	_ = 	snop  }
__scs_overlays_trampoline_lowered:
0x8: {  	[smem:$0x3F93] =	sst s0  }
0x9: {  	[smem:$0x3F94] =	sst s1  }
0xa: {  	[smem:$0x3F95] =	sst s2  }
0xb: {  	[smem:$0x3F96] =	sst s3  }
0xc: {  	[smem:$0x3F97] =	sst s4  }
0xd: {  	[smem:$0x3F98] =	sst s5  }
0xe: {  	[smem:$0x3F99] =	sst s6  }
0xf: {  	[smem:$0x3F9A] =	sst s7  }
0x10: {  	[smem:$0x3F9B] =	sst s8  }
0x11: {  	[smem:$0x3F9C] =	sst s9;
	s0 =	simm.s32 @!p0 $0x0  }
0x12: {  	s1 =	sld [smem:$0x3F82];
	s0 =	simm.s32 @p0 $0x1  }
0x13: {  	[smem:$0x3F9D] =	sst s0;
	s0 =	simm.s32 @!p1 $0x0  }
0x14: {  	s2 =	sld [smem:$0x3F81];
	s0 =	simm.s32 @p1 $0x1  }
0x15: {  	[smem:$0x3F9E] =	sst s0;
	s0 =	simm.s32 @!p2 $0x0  }
0x16: {  	s3 =	sld [smem:$0x3FDB];
	s0 =	simm.s32 @p2 $0x1  }
0x17: {  	s4 =	simm.s32 $0x1BF5;
	[smem:$0x3FA0] =	sst s0  }
0x18: {  	s0 =	sld [smem:$0x3F83];
	_ =	swait.ge [sflag:s4], $0x0  }
0x19: {  	s7 =	sld [smem:$0x3F84]  }
0x1a: {  	s8 =	sadd.s32 $0xFFFFE003, lr  }
0x1b: {  	s9 =	sadd.s32 $0xFFFFFEF7, lr;
	s5 =	simm.s32 $0xFFFFFFFF;
	p2 =	slt.u32 s8, $0xFFFFF086  }
0x1c: {  	p1 =	slt.u32 s9, $0xF7A;
	s5 =	simm.s32 @!p2 $0x0  }
0x1d: {  	s5 =	simm.s32 @p1 $0x1;
	p0 =	seq.s32 s7, s2  }
0x1e: {  	s7 =	smul.u32 @!p0 $0xF7A, s2;
	p2 =	seq.s32 @!p0 s5, $0x0  }
0x1f: {  	s9 =	smul.u32 $0xF7A, s1;
	s8 =	simm.s32 @!p0 $0x1BF5;
	p2 =	por !p2, p0  }
0x20: {  	[sflag:s8] =	ssyncset.s32 @!p0 $0xFFFFF086;
	s6 =	sadd.s32 @!p0 s3, s7;
	s7 =	simm.s32 @!p0 $0x108  }
0x21: {  	s3 =	sadd.s32 s3, s9;
	s6 =	sadd.s32 @!p0 $0x88, s6;
	s7 =	simm.s32 @p2 $0x1082  }
0x22: {  	[simem:s7], [sflag:s8] =	dma.local @!p0 [hbm:s6], $0xF7A  }
0x23: {  	s9 =	sor.u32 $0xD0000000, s2;
	s6 =	simm.s32 $0x108;
	_ =	swait.ge @!p0 [sflag:s8], $0x0  }
0x24: {  	s3 =	sadd.s32 $0x88, s3;
	s6 =	simm.s32 @!p1 $0x1082;
	[sflag:s4] =	ssyncset.s32 $0xFFFFF086  }
0x25: {  	[simem:s6], [sflag:s4] =	dma.local [hbm:s3], $0xF7A  }
0x26: {  	[smem:$0x3F84] =	sst s1;
	(tag) =	ssettag s2;
	_ =	strace s9  }
0x27: {  	s1 =	sld [smem:$0x3F94]  }
0x28: {  	s2 =	sld [smem:$0x3F95]  }
0x29: {  	s4 =	sld [smem:$0x3F97]  }
0x2a: {  	p0 =	seq.s32 s5, $0x0;
	s5 =	sld [smem:$0x3F98]  }
0x2b: {  	s6 =	sld [smem:$0x3F99]  }
0x2c: {  	s7 =	sld [smem:$0x3F9A]  }
0x2d: {  	s3 =	simm.s32 $0x108;
	s8 =	sld [smem:$0x3F9B]  }
0x2e: {  	s3 =	simm.s32 @!p0 $0x1082;
	s9 =	sld [smem:$0x3F9C]  }
0x2f: {  	lr =	sadd.s32 s0, s3;
	s0 =	sld [smem:$0x3F93]  }
0x30: {  	s3 =	sld [smem:$0x3F96]  }
0x31: {  	[smem:$0x3F9F] =	sst s10  }
0x32: {  	s10 =	sld [smem:$0x3F9D];
	_ =	sdelay $0x3  }
0x33: {  	p0 =	seq.s32 s10, $0x1;
	s10 =	sld [smem:$0x3F9F];
	_ =	sdelay $0x3  }
0x34: {  	[smem:$0x3F9F] =	sst s10  }
0x35: {  	s10 =	sld [smem:$0x3F9E];
	_ =	sdelay $0x3  }
0x36: {  	p1 =	seq.s32 s10, $0x1;
	s10 =	sld [smem:$0x3F9F];
	_ =	sdelay $0x3  }
0x37: {  	[smem:$0x3F9F] =	sst s10  }
0x38: {  	s10 =	sld [smem:$0x3FA0]  }
0x39: {  	_ = 	snop;
	(pc) =	sbr.ind lr, $3  }
0x3a: {  	_ = 	snop  }
0x3b: {  	_ = 	snop  }
0x3c: {  	p2 =	seq.s32 s10, $0x1;
	s10 =	sld [smem:$0x3F9F]  }
0x3d: {  	_ =	shalt  }
0x3e: {  	_ =	shalt  }
0x3f: {  	_ =	shalt  }
0x40: {  	_ =	shalt  }
0x41: {  	_ =	shalt  }
0x42: {  	_ =	shalt  }
0x43: {  	_ =	shalt  }
0x44: {  	_ =	shalt  }
0x45: {  	_ =	shalt  }
0x46: {  	_ =	shalt  }
0x47: {  	_ =	shalt  }
0x48: {  	_ =	shalt  }
0x49: {  	_ =	shalt  }
0x4a: {  	_ =	shalt  }
0x4b: {  	_ =	shalt  }
0x4c: {  	_ =	shalt  }
0x4d: {  	_ =	shalt  }
0x4e: {  	_ =	shalt  }
0x4f: {  	_ =	shalt  }
0x50: {  	_ =	shalt  }
0x51: {  	_ =	shalt  }
0x52: {  	_ =	shalt  }
0x53: {  	_ =	shalt  }
0x54: {  	_ =	shalt  }
0x55: {  	_ =	shalt  }
0x56: {  	_ =	shalt  }
0x57: {  	_ =	shalt  }
0x58: {  	_ =	shalt  }
0x59: {  	_ =	shalt  }
0x5a: {  	_ =	shalt  }
0x5b: {  	_ =	shalt  }
0x5c: {  	_ =	shalt  }
0x5d: {  	_ =	shalt  }
0x5e: {  	_ =	shalt  }
0x5f: {  	_ =	shalt  }
0x60: {  	_ =	shalt  }
0x61: {  	_ =	shalt  }
0x62: {  	_ =	shalt  }
0x63: {  	_ =	shalt  }
0x64: {  	_ =	shalt  }
0x65: {  	_ =	shalt  }
0x66: {  	_ =	shalt  }
0x67: {  	_ =	shalt  }
0x68: {  	_ =	shalt  }
0x69: {  	_ =	shalt  }
0x6a: {  	_ =	shalt  }
0x6b: {  	_ =	shalt  }
0x6c: {  	_ =	shalt  }
0x6d: {  	_ =	shalt  }
0x6e: {  	_ =	shalt  }
0x6f: {  	_ =	shalt  }
0x70: {  	_ =	shalt  }
0x71: {  	_ =	shalt  }
0x72: {  	_ =	shalt  }
0x73: {  	_ =	shalt  }
0x74: {  	_ =	shalt  }
0x75: {  	_ =	shalt  }
0x76: {  	_ =	shalt  }
0x77: {  	_ =	shalt  }
0x78: {  	_ =	shalt  }
0x79: {  	_ =	shalt  }
0x7a: {  	_ =	shalt  }
0x7b: {  	_ =	shalt  }
0x7c: {  	_ =	shalt  }
0x7d: {  	_ =	shalt  }
0x7e: {  	_ =	shalt  }
0x7f: {  	_ =	shalt  }
0x80: {  	_ =	shalt  }
0x81: {  	_ =	shalt  }
0x82: {  	_ =	shalt  }
0x83: {  	_ =	shalt  }
0x84: {  	_ =	shalt  }
0x85: {  	_ =	shalt  }
0x86: {  	_ =	shalt  }
0x87: {  	_ =	shalt  }
.Lfunc_end0:
.L_simem_size_0:
called_computation.2_lowered:
.L_overlay_start_0:
0x88: {  	s2 =	sld [smem:$0x3FD9]  }
0x89: {  	s3 =	sld [smem:$0x3FFE];
	_ =	sdelay $0x1  }
0x8a: {  	s1 =	srdreg.scid  }
0x8b: {  	s0 =	sand.u32 $0x1, s1  }
0x8c: {  	s17 =	sshll.u32 s0, $0xA;
	s2 =	sadd.s32 s3, s2  }
0x8d: {  	s2 =	sadd.s32 s2, s17  }
0x8e: {  	[smem:$0x3FAB] =	sst s2  }
0x8f: {  	_ = 	snop  }
0x90: {  	s18 =	sld [smem:$0x3FD0];
	(tm) =	ssettm $0x1  }
0x91: {  	s19 =	sld [smem:$0x3FFB];
	_ =	sdelay $0x3  }
0x92: {  	_ =	strace s19  }
0x93: {  	s2 =	sld [smem:$0x3FFC];
	_ =	sdelay $0x3  }
0x94: {  	_ =	strace s2  }
0x95: {  	s2 =	sld [smem:$0x3FFD];
	_ =	sdelay $0x3  }
0x96: {  	_ =	strace s2  }
0x97: {  	_ =	strace $0x8FFFFFFF  }
0x98: {  	s20 =	sld [smem:$0x3FDB];
	_ =	sdelay $0x1  }
0x99: {  	s4 =	simm.s32 $_scs_section_size  }
0x9a: {  	s5 =	simm.s32 $_size__tile_overlayer_lowered;
	s6 =	simm.s32 $_tile_overlayer_lowered  }
0x9b: {  	s7 =	simm.s32 $0x1BFF;
	s21 =	sshll.u32 s6, $0x1;
	s4 =	sadd.s32 s4, s20  }
0x9c: {  	s22 =	simm.s32 $0x0;
	s5 =	sshll.u32 s5, $0x1;
	s6 =	sadd.s32 s21, s4  }
0x9d: {  	[timem:s22], [sflag:s7] =	dma.local [hbm:s6], s5  }
0x9e: {  	_ =	swait.ge [sflag:s7], s5  }
0x9f: {  	s5 =	ssub.s32 $0x0, s5;
	[sflag:s7] =	ssyncset.done $0x0  }
0xa0: {  	[sflag:s7] =	ssyncadd.s32 s5;
	_ =	sdelay $0x1  }
0xa1: {  	s23 =	simm.s32 $0x1B8B  }
0xa2: {  	_ =	swait.ge [sflag:s23], $0x1  }
0xa3: {  	[sflag:s23] =	ssyncset.done $0x0  }
0xa4: {  	[sflag:s23] =	ssyncadd.s32 $0xFFFFFFFF  }
0xa5: {  	s5 =	sld [smem:$0x0]  }
0xa6: {  	s6 =	sand.u32 $0xFFFFFFFE, s1  }
0xa7: {  	p0 =	sne.s32 s1, s6  }
0xa8: {  	s6 =	sshll.u32 @p0 s6, $0xE  }
0xa9: {  	s6 =	sadd.s32 @p0 $0x11B8D, s6;
	s7 =	sshll.u32 @p0 s5, $0x11  }
0xaa: {  	s6 =	sor.u32 @p0 s7, s6  }
0xab: {  	[sflag:s6] =	ssyncadd.remote.s32 @p0 $0x1;
	_ =	sdelay $0x1  }
0xac: {  	s6 =	simm.s32 @p0 $0x1B8D  }
0xad: {  	_ =	swait.eq @p0 [sflag:s6], $0x1  }
0xae: {  	[sflag:s6] =	ssyncadd.s32 @p0 $0xFFFFFFFF  }
0xaf: {  	s7 =	sshll.u32 @!p0 s1, $0xE  }
0xb0: {  	s7 =	sor.u32 @!p0 $0x4000, s7;
	s6 =	simm.s32 @!p0 $0x1B8D  }
0xb1: {  	s5 =	sshll.u32 @!p0 s5, $0x11;
	s7 =	sadd.s32 @!p0 $0x11B8D, s7;
	_ =	swait.eq @!p0 [sflag:s6], $0x1  }
0xb2: {  	s5 =	sor.u32 @!p0 s5, s7;
	[sflag:s6] =	ssyncadd.s32 @!p0 $0xFFFFFFFF  }
0xb3: {  	s25 =	simm.s32 $0x1B8E;
	s24 =	sld [smem:$0x3FFE];
	[sflag:s5] =	ssyncadd.remote.s32 @!p0 $0x1  }
0xb4: {  	s26 =	simm.s32 $execute0_lowered;
	[smem:$0x3FD2] =	sst s25  }
0xb5: {  	s6 =	sshll.u32 s26, $0x1;
	_ =	strace $0x8000004C;
	[dreg:$0x1] =	wrdreg $0xFFFFFFFF  }
0xb6: {  	s28 =	simm.s32 $_size_execute0_lowered;
	s4 =	sadd.s32 s4, s6;
	[dreg:$0x0] =	wrdreg $0x0  }
0xb7: {  	s6 =	sshll.u32 s28, $0x1;
	[dreg:$0x2] =	wrdreg s4  }
0xb8: {  	[dreg:$0x3] =	wrdreg s6  }
0xb9: {  	[dreg:$0x4] =	wrdreg $0xC0  }
0xba: {  	_ =	task [dreg:s22], $0x5FFFF  }
0xbb: {  	[dreg:$0x1] =	wrdreg $0xFFFFFFFF  }
0xbc: {  	[dreg:$0x0] =	wrdreg $0x60  }
0xbd: {  	[dreg:$0x2] =	wrdreg s24  }
0xbe: {  	[dreg:$0x3] =	wrdreg s18  }
0xbf: {  	[dreg:$0x4] =	wrdreg $0xB  }
0xc0: {  	_ =	task.clear_ibuf [dreg:s22], $0x5FFFF;
	_ =	strace $0x9000004C  }
0xc1: {  	s29 =	simm.s32 $0xB;
	_ =	strace $0x8000004E  }
0xc2: {  	_ =	swait.ge [sflag:s29], $0x1  }
0xc3: {  	[sflag:s29] =	ssyncadd.s32 $0xFFFFFFFF  }
0xc4: {  	_ =	strace $0x9000004E  }
0xc5: {  	_ =	sfence  }
0xc6: {  	s30 =	sld [smem:$0x0];
	_ =	sdelay $0x2  }
0xc7: {  	s31 =	sshll.u32 s1, $0xD;
	s1 =	sshrl.u32 s1, $0x2  }
0xc8: {  	s4 =	sand.u32 $0x4000, s31;
	s1 =	sadd.s32 s1, s30  }
0xc9: {  	s0 =	sor.u32 s4, s0;
	s1 =	sshll.u32 s1, $0x11  }
0xca: {  	s0 =	sor.u32 s1, s0  }
0xcb: {  	s0 =	sadd.s32 $0x8F2B, s0  }
0xcc: {  	[sflag:s0] =	ssyncadd.remote.s32 $0x1  }
0xcd: {  	_ =	sfence.sel $0xFFFF  }
0xce: {  	[dreg:$0x0] =	wrdreg $0xFFFFFFFF;
	(pc) =	sbr.abs _section_cstart, $3  }
0xcf: {  	[dreg:$0x1] =	wrdreg $0xFFFFFFFF  }
0xd0: {  	_ =	task.clear_ibuf [dreg:s22], $0x2FFFF;
	_ =	strace $0x9FFFFFFF  }
0xd1: {  	(tm) =	ssettm $0x7FFFFFFF  }
tec
execute0_lowered:
.L_overlay_start_1:
0x0: {  	(tag) =	ssettag $0x1  }
0x1: {  	s0 =	rddreg [dreg:$0x0]  }
0x2: {  	s1 =	rddreg [dreg:$0x1];
	s3 =	srdreg.scid  }
0x3: {  	s5 =	stileid.u32;
	s2 =	simm.s32 $0x0;
	s8 =	simm.s32 $0x3  }
0x4: {  	s9 =	simm.s32 $0x1;
	s19 =	simm.s32 $0x2;
	s28 =	simm.s32 $0x3200  }
0x5: {  	s29 =	simm.s32 $0x3A00;
	s30 =	simm.s32 $0x4200;
	s31 =	simm.s32 $0x4A00  }
0x6: {  	s10 =	simm.s32 $0x6200;
	s11 =	simm.s32 $0x6A00;
	s12 =	simm.s32 $0x7200  }
0x7: {  	s13 =	simm.s32 $0x7A00;
	s18 =	simm.s32 $0x8200;
	s14 =	simm.s32 $0x8A00  }
0x8: {  	s15 =	simm.s32 $0x9200;
	s16 =	simm.s32 $0x9A00;
	s17 =	simm.s32 $0xA200  }
0x9: {  	s4 =	sand.u32 $0x1, s3;
	s20 =	sshll.u32 s5, $0x1;
	[smem:$0x7FF] =	sst s2  }
0xa: {  	s3 =	sor.u32 s4, s20;
	_ =	strace $0x8000004D;
	s4 =	ssub.s32 $0x2, s4  }
0xb: {  	s21 =	sshll.u32 s3, $0xE;
	s6 =	sshll.u32 s3, $0x6;
	s3 =	sadd.s32 $0x98400, s0  }
0xc: {  	s23 =	sshrl.u32 s4, $0x1;
	s5 =	sadd.s32 s21, s0;
	s1 =	sadd.s32 s1, s6  }
0xd: {  	s7 =	ssub.s32 s4, s23;
	s4 =	sadd.s32 $0x98500, s0;
	s6 =	sadd.s32 $0x98700, s0  }
0xe: {  	s21 =	simm.s32 $0xA00;
	[dreg:$0x3] =	wrdreg s1;
	s22 =	sadd.s32 $0x2FBC00, s5  }
0xf: {  	s23 =	simm.s32 $0x1A00;
	s24 =	sadd.s32 $0x2FCC00, s5;
	[dreg:$0x4] =	wrdreg s22  }
0x10: {  	s25 =	sadd.s32 $0x2FDC00, s5;
	s26 =	sadd.s32 $0x2FEC00, s5;
	[dreg:$0x5] =	wrdreg s24  }
0x11: {  	v2 =	vlaneseq.u32;
	s5 =	sadd.s32 $0x98600, s0;
	s7 =	smax.u32 s7, $0x1;
	[dreg:$0x6] =	wrdreg s25  }
0x12: {  	vm0 =	vmmov $0xffff;
	v1 =	vshrl.u32 v2, $0x3;
	s1 =	simm.s32 $0x5A00;
	[dreg:$0x7] =	wrdreg s26;
	s25 =	simm.s32 $0x200  }
0x13: {  	v0 =	vand.u32 $0x7, v2;
	v2 =	vor.u32 $0x8, v2;
	v1 =	vmul.u32 $0x8, v1;
	s22 =	simm.s32 $0x1200;
	s24 =	simm.s32 $0x2200;
	s26 =	simm.s32 $0x2A00  }
.LBB2_1:
0x14: {  	s20 =	rddreg [dreg:$0x3]  }
0x15: {  	[tilespmem:s2], [sflag:$0x3] =	stream.linear.gather [hbm4b:s20+s2], $0x200, $0x38;
	[tilespmem:$0x10200] =	vst v63  }
0x16: {  	_ =	swait.ge [sflag:s8], $0x200  }
0x17: {  	[sflag:s8] =	ssyncset.done $0x0  }
0x18: {  	[sflag:s8] =	ssyncadd.s32 $0xFFFFFE00  }
0x19: {  	v3 =	vld [tilespmem:$0x0];
	_ =	sdelay $0x4  }
0x1a: {  	v4 =	vshll.u32 v3, $0x3  }
0x1b: {  	v3 =	vand.u32 $0x7, v3;
	v4 =	vand.u32 $0xFFFFFFC0, v4  }
0x1c: {  	v3 =	vor.u32 v3, v4  }
0x1d: {  	v4 =	vperm.xlane v3, v0;
	_ =	sdelay $0x1  }
0x1e: {  	v4 =	vadd.s32 v1, v4;
	_ =	sdelay $0x4  }
0x1f: {  	[tilespmem:s25], [sflag:$0x1] =	stream.indirect_vreg.gather [hbm4b:s3+s2], $0x80, v4, vm0, $0xb8;
	[tilespmem:$0x10200] =	vst v63  }
0x20: {  	v3 =	vperm.xlane v3, v2  }
0x21: {  	[tilespmem:s21], [sflag:$0x1] =	stream.indirect_vreg.gather [hbm4b:s4+s2], $0x80, v4, vm0, $0xb8;
	[tilespmem:$0x10200] =	vst v63  }
0x22: {  	v3 =	vadd.s32 v1, v3  }
0x23: {  	[tilespmem:s22], [sflag:$0x1] =	stream.indirect_vreg.gather [hbm4b:s5+s2], $0x80, v4, vm0, $0xb8;
	[tilespmem:$0x10200] =	vst v63  }
0x24: {  	_ = 	snop  }
0x25: {  	[tilespmem:s23], [sflag:$0x1] =	stream.indirect_vreg.gather [hbm4b:s6+s2], $0x80, v4, vm0, $0xb8;
	[tilespmem:$0x10200] =	vst v63  }
0x26: {  	_ = 	snop  }
0x27: {  	[tilespmem:s24], [sflag:$0x1] =	stream.indirect_vreg.gather [hbm4b:s3+s2], $0x80, v3, vm0, $0xb8;
	[tilespmem:$0x10200] =	vst v63  }
0x28: {  	_ = 	snop  }
0x29: {  	[tilespmem:s26], [sflag:$0x1] =	stream.indirect_vreg.gather [hbm4b:s4+s2], $0x80, v3, vm0, $0xb8;
	[tilespmem:$0x10200] =	vst v63  }
0x2a: {  	_ = 	snop  }
0x2b: {  	[tilespmem:s28], [sflag:$0x1] =	stream.indirect_vreg.gather [hbm4b:s5+s2], $0x80, v3, vm0, $0xb8;
	[tilespmem:$0x10200] =	vst v63  }
0x2c: {  	_ = 	snop  }
0x2d: {  	[tilespmem:s29], [sflag:$0x1] =	stream.indirect_vreg.gather [hbm4b:s6+s2], $0x80, v3, vm0, $0xb8;
	[tilespmem:$0x10200] =	vst v63  }
0x2e: {  	v3 =	vld [tilespmem:$0x10];
	_ =	sdelay $0x4  }
0x2f: {  	v57 =	vshll.u32 v3, $0x3  }
0x30: {  	v3 =	vand.u32 $0x7, v3;
	v4 =	vand.u32 $0xFFFFFFC0, v57  }
0x31: {  	v3 =	vor.u32 v3, v4  }
0x32: {  	v4 =	vperm.xlane v3, v0;
	_ =	sdelay $0x1  }
0x33: {  	v4 =	vadd.s32 v1, v4;
	_ =	sdelay $0x4  }
0x34: {  	[tilespmem:s30], [sflag:$0x1] =	stream.indirect_vreg.gather [hbm4b:s3+s2], $0x80, v4, vm0, $0xb8;
	[tilespmem:$0x10200] =	vst v63  }
0x35: {  	v3 =	vperm.xlane v3, v2  }
0x36: {  	[tilespmem:s31], [sflag:$0x1] =	stream.indirect_vreg.gather [hbm4b:s4+s2], $0x80, v4, vm0, $0xb8;
	[tilespmem:$0x10200] =	vst v63  }
0x37: {  	s0 =	simm.s32 $0x5200;
	v3 =	vadd.s32 v1, v3  }
0x38: {  	[tilespmem:s0], [sflag:$0x1] =	stream.indirect_vreg.gather [hbm4b:s5+s2], $0x80, v4, vm0, $0xb8;
	[tilespmem:$0x10200] =	vst v63  }
0x39: {  	_ = 	snop  }
0x3a: {  	[tilespmem:s1], [sflag:$0x1] =	stream.indirect_vreg.gather [hbm4b:s6+s2], $0x80, v4, vm0, $0xb8;
	[tilespmem:$0x10200] =	vst v63  }
0x3b: {  	_ = 	snop  }
0x3c: {  	[tilespmem:s10], [sflag:$0x1] =	stream.indirect_vreg.gather [hbm4b:s3+s2], $0x80, v3, vm0, $0xb8;
	[tilespmem:$0x10200] =	vst v63  }
0x3d: {  	_ = 	snop  }
0x3e: {  	[tilespmem:s11], [sflag:$0x1] =	stream.indirect_vreg.gather [hbm4b:s4+s2], $0x80, v3, vm0, $0xb8;
	[tilespmem:$0x10200] =	vst v63  }
0x3f: {  	_ = 	snop  }
0x40: {  	[tilespmem:s12], [sflag:$0x1] =	stream.indirect_vreg.gather [hbm4b:s5+s2], $0x80, v3, vm0, $0xb8;
	[tilespmem:$0x10200] =	vst v63  }
0x41: {  	_ = 	snop  }
0x42: {  	[tilespmem:s13], [sflag:$0x1] =	stream.indirect_vreg.gather [hbm4b:s6+s2], $0x80, v3, vm0, $0xb8;
	[tilespmem:$0x10200] =	vst v63  }
0x43: {  	v3 =	vld [tilespmem:$0x80];
	_ =	sdelay $0x4  }
0x44: {  	v58 =	vshll.u32 v3, $0x3  }
0x45: {  	v3 =	vand.u32 $0x7, v3;
	v4 =	vand.u32 $0xFFFFFFC0, v58  }
0x46: {  	v3 =	vor.u32 v3, v4  }
0x47: {  	v4 =	vperm.xlane v3, v0;
	_ =	sdelay $0x1  }
0x48: {  	v4 =	vadd.s32 v1, v4;
	_ =	sdelay $0x4  }
0x49: {  	[tilespmem:s18], [sflag:$0x2] =	stream.indirect_vreg.gather [hbm4b:s3+s2], $0x80, v4, vm0, $0xb8;
	[tilespmem:$0x10200] =	vst v63  }
0x4a: {  	v3 =	vperm.xlane v3, v2  }
0x4b: {  	[tilespmem:s14], [sflag:$0x2] =	stream.indirect_vreg.gather [hbm4b:s4+s2], $0x80, v4, vm0, $0xb8;
	[tilespmem:$0x10200] =	vst v63  }
0x4c: {  	v3 =	vadd.s32 v1, v3  }
0x4d: {  	[tilespmem:s15], [sflag:$0x2] =	stream.indirect_vreg.gather [hbm4b:s5+s2], $0x80, v4, vm0, $0xb8;
	[tilespmem:$0x10200] =	vst v63  }
0x4e: {  	_ = 	snop  }
0x4f: {  	[tilespmem:s16], [sflag:$0x2] =	stream.indirect_vreg.gather [hbm4b:s6+s2], $0x80, v4, vm0, $0xb8;
	[tilespmem:$0x10200] =	vst v63  }
0x50: {  	_ = 	snop  }
0x51: {  	[tilespmem:s17], [sflag:$0x2] =	stream.indirect_vreg.gather [hbm4b:s3+s2], $0x80, v3, vm0, $0xb8;
	[tilespmem:$0x10200] =	vst v63  }
0x52: {  	s20 =	simm.s32 $0xAA00  }
0x53: {  	[tilespmem:s20], [sflag:$0x2] =	stream.indirect_vreg.gather [hbm4b:s4+s2], $0x80, v3, vm0, $0xb8;
	[tilespmem:$0x10200] =	vst v63  }
0x54: {  	s20 =	simm.s32 $0xB200  }
0x55: {  	[tilespmem:s20], [sflag:$0x2] =	stream.indirect_vreg.gather [hbm4b:s5+s2], $0x80, v3, vm0, $0xb8;
	[tilespmem:$0x10200] =	vst v63  }
0x56: {  	s20 =	simm.s32 $0xBA00  }
0x57: {  	[tilespmem:s20], [sflag:$0x2] =	stream.indirect_vreg.gather [hbm4b:s6+s2], $0x80, v3, vm0, $0xb8;
	[tilespmem:$0x10200] =	vst v63  }
0x58: {  	v3 =	vld [tilespmem:$0x90];
	_ =	sdelay $0x4  }
0x59: {  	v59 =	vshll.u32 v3, $0x3  }
0x5a: {  	v3 =	vand.u32 $0x7, v3;
	v4 =	vand.u32 $0xFFFFFFC0, v59  }
0x5b: {  	v3 =	vor.u32 v3, v4  }
0x5c: {  	v4 =	vperm.xlane v3, v0;
	_ =	sdelay $0x1  }
0x5d: {  	v4 =	vadd.s32 v1, v4;
	_ =	sdelay $0x3  }
0x5e: {  	s20 =	simm.s32 $0xC200  }
0x5f: {  	[tilespmem:s20], [sflag:$0x2] =	stream.indirect_vreg.gather [hbm4b:s3+s2], $0x80, v4, vm0, $0xb8;
	[tilespmem:$0x10200] =	vst v63  }
0x60: {  	v3 =	vperm.xlane v3, v2;
	s20 =	simm.s32 $0xCA00  }
0x61: {  	[tilespmem:s20], [sflag:$0x2] =	stream.indirect_vreg.gather [hbm4b:s4+s2], $0x80, v4, vm0, $0xb8;
	[tilespmem:$0x10200] =	vst v63  }
0x62: {  	v3 =	vadd.s32 v1, v3;
	s20 =	simm.s32 $0xD200  }
0x63: {  	[tilespmem:s20], [sflag:$0x2] =	stream.indirect_vreg.gather [hbm4b:s5+s2], $0x80, v4, vm0, $0xb8;
	[tilespmem:$0x10200] =	vst v63  }
0x64: {  	s20 =	simm.s32 $0xDA00  }
0x65: {  	[tilespmem:s20], [sflag:$0x2] =	stream.indirect_vreg.gather [hbm4b:s6+s2], $0x80, v4, vm0, $0xb8;
	[tilespmem:$0x10200] =	vst v63  }
0x66: {  	s20 =	simm.s32 $0xE200  }
0x67: {  	[tilespmem:s20], [sflag:$0x2] =	stream.indirect_vreg.gather [hbm4b:s3+s2], $0x80, v3, vm0, $0xb8;
	[tilespmem:$0x10200] =	vst v63  }
0x68: {  	s20 =	simm.s32 $0xEA00  }
0x69: {  	[tilespmem:s20], [sflag:$0x2] =	stream.indirect_vreg.gather [hbm4b:s4+s2], $0x80, v3, vm0, $0xb8;
	[tilespmem:$0x10200] =	vst v63  }
0x6a: {  	s20 =	simm.s32 $0xF200  }
0x6b: {  	[tilespmem:s20], [sflag:$0x2] =	stream.indirect_vreg.gather [hbm4b:s5+s2], $0x80, v3, vm0, $0xb8;
	[tilespmem:$0x10200] =	vst v63  }
0x6c: {  	s20 =	simm.s32 $0xFA00  }
0x6d: {  	[tilespmem:s20], [sflag:$0x2] =	stream.indirect_vreg.gather [hbm4b:s6+s2], $0x80, v3, vm0, $0xb8;
	[tilespmem:$0x10200] =	vst v63  }
0x6e: {  	_ =	swait.ge [sflag:s9], $0x8000  }
0x6f: {  	[sflag:s9] =	ssyncset.done $0x0  }
0x70: {  	s20 =	rddreg [dreg:$0x4];
	[sflag:s9] =	ssyncadd.s32 $0xFFFF8000  }
0x71: {  	[hbm4b:s20+s2] =	stream.linear.scatter [tilespmem:s25], [sflag:$0x3], $0x8000, $0x38;
	[tilespmem:$0x10200] =	vst v63  }
0x72: {  	_ =	swait.ge [sflag:s8], $0x8000  }
0x73: {  	[sflag:s8] =	ssyncset.done $0x0  }
0x74: {  	[sflag:s8] =	ssyncadd.s32 $0xFFFF8000  }
0x75: {  	v3 =	vld [tilespmem:$0x100];
	_ =	sdelay $0x4  }
0x76: {  	v60 =	vshll.u32 v3, $0x3  }
0x77: {  	v3 =	vand.u32 $0x7, v3;
	v4 =	vand.u32 $0xFFFFFFC0, v60  }
0x78: {  	v3 =	vor.u32 v3, v4  }
0x79: {  	v4 =	vperm.xlane v3, v0;
	_ =	sdelay $0x1  }
0x7a: {  	v4 =	vadd.s32 v1, v4;
	_ =	sdelay $0x4  }
0x7b: {  	[tilespmem:s25], [sflag:$0x1] =	stream.indirect_vreg.gather [hbm4b:s3+s2], $0x80, v4, vm0, $0xb8;
	[tilespmem:$0x10200] =	vst v63  }
0x7c: {  	v3 =	vperm.xlane v3, v2  }
0x7d: {  	[tilespmem:s21], [sflag:$0x1] =	stream.indirect_vreg.gather [hbm4b:s4+s2], $0x80, v4, vm0, $0xb8;
	[tilespmem:$0x10200] =	vst v63  }
0x7e: {  	v3 =	vadd.s32 v1, v3  }
0x7f: {  	[tilespmem:s22], [sflag:$0x1] =	stream.indirect_vreg.gather [hbm4b:s5+s2], $0x80, v4, vm0, $0xb8;
	[tilespmem:$0x10200] =	vst v63  }
0x80: {  	_ = 	snop  }
0x81: {  	[tilespmem:s23], [sflag:$0x1] =	stream.indirect_vreg.gather [hbm4b:s6+s2], $0x80, v4, vm0, $0xb8;
	[tilespmem:$0x10200] =	vst v63  }
0x82: {  	_ = 	snop  }
0x83: {  	[tilespmem:s24], [sflag:$0x1] =	stream.indirect_vreg.gather [hbm4b:s3+s2], $0x80, v3, vm0, $0xb8;
	[tilespmem:$0x10200] =	vst v63  }
0x84: {  	_ = 	snop  }
0x85: {  	[tilespmem:s26], [sflag:$0x1] =	stream.indirect_vreg.gather [hbm4b:s4+s2], $0x80, v3, vm0, $0xb8;
	[tilespmem:$0x10200] =	vst v63  }
0x86: {  	_ = 	snop  }
0x87: {  	[tilespmem:s28], [sflag:$0x1] =	stream.indirect_vreg.gather [hbm4b:s5+s2], $0x80, v3, vm0, $0xb8;
	[tilespmem:$0x10200] =	vst v63  }
0x88: {  	_ = 	snop  }
0x89: {  	[tilespmem:s29], [sflag:$0x1] =	stream.indirect_vreg.gather [hbm4b:s6+s2], $0x80, v3, vm0, $0xb8;
	[tilespmem:$0x10200] =	vst v63  }
0x8a: {  	v3 =	vld [tilespmem:$0x110];
	_ =	sdelay $0x4  }
0x8b: {  	v61 =	vshll.u32 v3, $0x3  }
0x8c: {  	v3 =	vand.u32 $0x7, v3;
	v4 =	vand.u32 $0xFFFFFFC0, v61  }
0x8d: {  	v3 =	vor.u32 v3, v4  }
0x8e: {  	v4 =	vperm.xlane v3, v0;
	_ =	sdelay $0x1  }
0x8f: {  	v4 =	vadd.s32 v1, v4;
	_ =	sdelay $0x4  }
0x90: {  	[tilespmem:s30], [sflag:$0x1] =	stream.indirect_vreg.gather [hbm4b:s3+s2], $0x80, v4, vm0, $0xb8;
	[tilespmem:$0x10200] =	vst v63  }
0x91: {  	v3 =	vperm.xlane v3, v2  }
0x92: {  	[tilespmem:s31], [sflag:$0x1] =	stream.indirect_vreg.gather [hbm4b:s4+s2], $0x80, v4, vm0, $0xb8;
	[tilespmem:$0x10200] =	vst v63  }
0x93: {  	v3 =	vadd.s32 v1, v3  }
0x94: {  	[tilespmem:s0], [sflag:$0x1] =	stream.indirect_vreg.gather [hbm4b:s5+s2], $0x80, v4, vm0, $0xb8;
	[tilespmem:$0x10200] =	vst v63  }
0x95: {  	_ = 	snop  }
0x96: {  	[tilespmem:s1], [sflag:$0x1] =	stream.indirect_vreg.gather [hbm4b:s6+s2], $0x80, v4, vm0, $0xb8;
	[tilespmem:$0x10200] =	vst v63  }
0x97: {  	_ = 	snop  }
0x98: {  	[tilespmem:s10], [sflag:$0x1] =	stream.indirect_vreg.gather [hbm4b:s3+s2], $0x80, v3, vm0, $0xb8;
	[tilespmem:$0x10200] =	vst v63  }
0x99: {  	_ = 	snop  }
0x9a: {  	[tilespmem:s11], [sflag:$0x1] =	stream.indirect_vreg.gather [hbm4b:s4+s2], $0x80, v3, vm0, $0xb8;
	[tilespmem:$0x10200] =	vst v63  }
0x9b: {  	_ = 	snop  }
0x9c: {  	[tilespmem:s12], [sflag:$0x1] =	stream.indirect_vreg.gather [hbm4b:s5+s2], $0x80, v3, vm0, $0xb8;
	[tilespmem:$0x10200] =	vst v63  }
0x9d: {  	_ = 	snop  }
0x9e: {  	[tilespmem:s13], [sflag:$0x1] =	stream.indirect_vreg.gather [hbm4b:s6+s2], $0x80, v3, vm0, $0xb8;
	[tilespmem:$0x10200] =	vst v63  }
0x9f: {  	_ =	swait.ge [sflag:s19], $0x8000  }
0xa0: {  	[sflag:s19] =	ssyncset.done $0x0  }
0xa1: {  	s0 =	rddreg [dreg:$0x5];
	[sflag:s19] =	ssyncadd.s32 $0xFFFF8000  }
0xa2: {  	[hbm4b:s0+s2] =	stream.linear.scatter [tilespmem:s18], [sflag:$0x3], $0x8000, $0x38;
	[tilespmem:$0x10200] =	vst v63  }
0xa3: {  	_ =	swait.ge [sflag:s8], $0x8000  }
0xa4: {  	[sflag:s8] =	ssyncset.done $0x0  }
0xa5: {  	[sflag:s8] =	ssyncadd.s32 $0xFFFF8000  }
0xa6: {  	v3 =	vld [tilespmem:$0x180];
	_ =	sdelay $0x4  }
0xa7: {  	v62 =	vshll.u32 v3, $0x3  }
0xa8: {  	v3 =	vand.u32 $0x7, v3;
	v4 =	vand.u32 $0xFFFFFFC0, v62  }
0xa9: {  	v3 =	vor.u32 v3, v4  }
0xaa: {  	v4 =	vperm.xlane v3, v0;
	_ =	sdelay $0x1  }
0xab: {  	v4 =	vadd.s32 v1, v4;
	_ =	sdelay $0x4  }
0xac: {  	[tilespmem:s18], [sflag:$0x2] =	stream.indirect_vreg.gather [hbm4b:s3+s2], $0x80, v4, vm0, $0xb8;
	[tilespmem:$0x10200] =	vst v63  }
0xad: {  	v3 =	vperm.xlane v3, v2  }
0xae: {  	[tilespmem:s14], [sflag:$0x2] =	stream.indirect_vreg.gather [hbm4b:s4+s2], $0x80, v4, vm0, $0xb8;
	[tilespmem:$0x10200] =	vst v63  }
0xaf: {  	v3 =	vadd.s32 v1, v3  }
0xb0: {  	[tilespmem:s15], [sflag:$0x2] =	stream.indirect_vreg.gather [hbm4b:s5+s2], $0x80, v4, vm0, $0xb8;
	[tilespmem:$0x10200] =	vst v63  }
0xb1: {  	_ = 	snop  }
0xb2: {  	[tilespmem:s16], [sflag:$0x2] =	stream.indirect_vreg.gather [hbm4b:s6+s2], $0x80, v4, vm0, $0xb8;
	[tilespmem:$0x10200] =	vst v63  }
0xb3: {  	_ = 	snop  }
0xb4: {  	[tilespmem:s17], [sflag:$0x2] =	stream.indirect_vreg.gather [hbm4b:s3+s2], $0x80, v3, vm0, $0xb8;
	[tilespmem:$0x10200] =	vst v63  }
0xb5: {  	s20 =	simm.s32 $0xAA00  }
0xb6: {  	[tilespmem:s20], [sflag:$0x2] =	stream.indirect_vreg.gather [hbm4b:s4+s2], $0x80, v3, vm0, $0xb8;
	[tilespmem:$0x10200] =	vst v63  }
0xb7: {  	s20 =	simm.s32 $0xB200  }
0xb8: {  	[tilespmem:s20], [sflag:$0x2] =	stream.indirect_vreg.gather [hbm4b:s5+s2], $0x80, v3, vm0, $0xb8;
	[tilespmem:$0x10200] =	vst v63  }
0xb9: {  	s20 =	simm.s32 $0xBA00  }
0xba: {  	[tilespmem:s20], [sflag:$0x2] =	stream.indirect_vreg.gather [hbm4b:s6+s2], $0x80, v3, vm0, $0xb8;
	[tilespmem:$0x10200] =	vst v63  }
0xbb: {  	v3 =	vld [tilespmem:$0x190];
	_ =	sdelay $0x4  }
0xbc: {  	v63 =	vshll.u32 v3, $0x3  }
0xbd: {  	v3 =	vand.u32 $0x7, v3;
	v4 =	vand.u32 $0xFFFFFFC0, v63  }
0xbe: {  	v3 =	vor.u32 v3, v4  }
0xbf: {  	v4 =	vperm.xlane v3, v0;
	_ =	sdelay $0x1  }
0xc0: {  	v4 =	vadd.s32 v1, v4;
	_ =	sdelay $0x3  }
0xc1: {  	s20 =	simm.s32 $0xC200  }
0xc2: {  	[tilespmem:s20], [sflag:$0x2] =	stream.indirect_vreg.gather [hbm4b:s3+s2], $0x80, v4, vm0, $0xb8;
	[tilespmem:$0x10200] =	vst v63  }
0xc3: {  	v3 =	vperm.xlane v3, v2;
	s20 =	simm.s32 $0xCA00  }
0xc4: {  	[tilespmem:s20], [sflag:$0x2] =	stream.indirect_vreg.gather [hbm4b:s4+s2], $0x80, v4, vm0, $0xb8;
	[tilespmem:$0x10200] =	vst v63  }
0xc5: {  	v3 =	vadd.s32 v1, v3;
	s20 =	simm.s32 $0xD200  }
0xc6: {  	[tilespmem:s20], [sflag:$0x2] =	stream.indirect_vreg.gather [hbm4b:s5+s2], $0x80, v4, vm0, $0xb8;
	[tilespmem:$0x10200] =	vst v63  }
0xc7: {  	s20 =	simm.s32 $0xDA00  }
0xc8: {  	[tilespmem:s20], [sflag:$0x2] =	stream.indirect_vreg.gather [hbm4b:s6+s2], $0x80, v4, vm0, $0xb8;
	[tilespmem:$0x10200] =	vst v63  }
0xc9: {  	s20 =	simm.s32 $0xE200  }
0xca: {  	[tilespmem:s20], [sflag:$0x2] =	stream.indirect_vreg.gather [hbm4b:s3+s2], $0x80, v3, vm0, $0xb8;
	[tilespmem:$0x10200] =	vst v63  }
0xcb: {  	s20 =	simm.s32 $0xEA00  }
0xcc: {  	[tilespmem:s20], [sflag:$0x2] =	stream.indirect_vreg.gather [hbm4b:s4+s2], $0x80, v3, vm0, $0xb8;
	[tilespmem:$0x10200] =	vst v63  }
0xcd: {  	s20 =	simm.s32 $0xF200  }
0xce: {  	[tilespmem:s20], [sflag:$0x2] =	stream.indirect_vreg.gather [hbm4b:s5+s2], $0x80, v3, vm0, $0xb8;
	[tilespmem:$0x10200] =	vst v63  }
0xcf: {  	s20 =	simm.s32 $0xFA00  }
0xd0: {  	[tilespmem:s20], [sflag:$0x2] =	stream.indirect_vreg.gather [hbm4b:s6+s2], $0x80, v3, vm0, $0xb8;
	[tilespmem:$0x10200] =	vst v63  }
0xd1: {  	_ =	swait.ge [sflag:s9], $0x8000  }
0xd2: {  	[sflag:s9] =	ssyncset.done $0x0  }
0xd3: {  	s0 =	rddreg [dreg:$0x6];
	[sflag:s9] =	ssyncadd.s32 $0xFFFF8000  }
0xd4: {  	[hbm4b:s0+s2] =	stream.linear.scatter [tilespmem:s25], [sflag:$0x3], $0x8000, $0x38;
	[tilespmem:$0x10200] =	vst v63  }
0xd5: {  	_ =	swait.ge [sflag:s8], $0x8000  }
0xd6: {  	[sflag:s8] =	ssyncset.done $0x0  }
0xd7: {  	[sflag:s8] =	ssyncadd.s32 $0xFFFF8000  }
0xd8: {  	_ =	swait.ge [sflag:s19], $0x8000  }
0xd9: {  	p0 =	sne.s32 s7, $0x1;
	[sflag:s19] =	ssyncset.done $0x0  }
.Ltmp0:
0xda: {  	s0 =	rddreg [dreg:$0x7];
	[sflag:s19] =	ssyncadd.s32 $0xFFFF8000;
	(pc) =	sbr.rel @p0 .LBB2_1-.Ltmp0, $4  }
0xdb: {  	[hbm4b:s0+s2] =	stream.linear.scatter [tilespmem:s18], [sflag:$0x3], $0x8000, $0x38;
	[tilespmem:$0x10200] =	vst v63  }
0xdc: {  	_ =	swait.ge [sflag:s8], $0x8000  }
0xdd: {  	[sflag:s8] =	ssyncset.done $0x0  }
0xde: {  	s7 =	sadd.s32 $0xFFFFFFFF, s7;
	[sflag:s8] =	ssyncadd.s32 $0xFFFF8000  }
0xdf: {  	_ =	sfence.sel $0x180000  }
0xe0: {  	[bflag:$0x0] =	sbarrier.arrive $0xFFFF  }
0xe1: {  	_ =	strace $0x9000004D  }
0xe2: {  	s0 =	stileid.u32;
	[bflag:$0x2] =	sbarrier.arrive $0xFFFF  }
0xe3: {  	p0 =	sne.s32 s0, $0x0;
	s0 =	rddreg [dreg:$0x2]  }
0xe4: {  	s0 =	sadd.s32 @!p0 $0x100000, s0  }
0xe5: {  	[sflag:s0] =	ssyncadd.tile.s32 @!p0 $0x1;
	_ =	shalt  }
.Lfunc_end2:
_tile_overlayer_lowered:
.L_overlay_start_2:
0xe6: {  	(tag) =	ssettag $0x2  }
0xe7: {  	s0 =	rddreg [dreg:$0x0];
	s2 =	stileid.u32  }
0xe8: {  	s1 =	rddreg [dreg:$0x1];
	p0 =	sne.s32 s2, $0x0  }
0xe9: {  	s3 =	rddreg [dreg:$0x2];
	[bflag:$0x3] =	sbarrier.arrive $0xFFFF;
	s2 =	simm.s32 @!p0 $0x1C03  }
0xea: {  	[timem:s3], [sflag:s2] =	dma.local @!p0 [hbm:s0], s1  }
0xeb: {  	s0 =	simm.s32 @!p0 $0x3  }
0xec: {  	_ =	swait.ge @!p0 [sflag:s0], s1  }
0xed: {  	s1 =	ssub.s32 @!p0 $0x0, s1;
	[sflag:s0] =	ssyncset.done @!p0 $0x0  }
0xee: {  	[sflag:s0] =	ssyncadd.s32 @!p0 s1  }
0xef: {  	[bflag:$0x3] =	sbarrier.arrive $0xFFFF  }
0xf0: {  	_ =	shalt  }

// kernel: kernel.26.cloned.1.call-start
scs
__scs_entry_jumppad:
0x0: {  	(pc) =	sbr.rel $0x88, $3  }
0x1: {  	(tag) =	ssettag $0x0;
	lr =	simm.s32 $0x1  }
0x2: {  	[smem:$0x3F84] =	sst lr;
	_ =	strace $0xD0000000  }
0x3: {  	_ = 	snop  }
0x4: {  	_ = 	snop  }
0x5: {  	_ = 	snop  }
0x6: {  	_ = 	snop  }
0x7: {  	_ = 	snop  }
__scs_overlays_trampoline_lowered:
0x8: {  	[smem:$0x3F93] =	sst s0  }
0x9: {  	[smem:$0x3F94] =	sst s1  }
0xa: {  	[smem:$0x3F95] =	sst s2  }
0xb: {  	[smem:$0x3F96] =	sst s3  }
0xc: {  	[smem:$0x3F97] =	sst s4  }
0xd: {  	[smem:$0x3F98] =	sst s5  }
0xe: {  	[smem:$0x3F99] =	sst s6  }
0xf: {  	[smem:$0x3F9A] =	sst s7  }
0x10: {  	[smem:$0x3F9B] =	sst s8  }
0x11: {  	[smem:$0x3F9C] =	sst s9;
	s0 =	simm.s32 @!p0 $0x0  }
0x12: {  	s1 =	sld [smem:$0x3F82];
	s0 =	simm.s32 @p0 $0x1  }
0x13: {  	[smem:$0x3F9D] =	sst s0;
	s0 =	simm.s32 @!p1 $0x0  }
0x14: {  	s2 =	sld [smem:$0x3F81];
	s0 =	simm.s32 @p1 $0x1  }
0x15: {  	[smem:$0x3F9E] =	sst s0;
	s0 =	simm.s32 @!p2 $0x0  }
0x16: {  	s3 =	sld [smem:$0x3FDB];
	s0 =	simm.s32 @p2 $0x1  }
0x17: {  	s4 =	simm.s32 $0x1BF5;
	[smem:$0x3FA0] =	sst s0  }
0x18: {  	s0 =	sld [smem:$0x3F83];
	_ =	swait.ge [sflag:s4], $0x0  }
0x19: {  	s7 =	sld [smem:$0x3F84]  }
0x1a: {  	s8 =	sadd.s32 $0xFFFFE003, lr  }
0x1b: {  	s9 =	sadd.s32 $0xFFFFFEF7, lr;
	s5 =	simm.s32 $0xFFFFFFFF;
	p2 =	slt.u32 s8, $0xFFFFF086  }
0x1c: {  	p1 =	slt.u32 s9, $0xF7A;
	s5 =	simm.s32 @!p2 $0x0  }
0x1d: {  	s5 =	simm.s32 @p1 $0x1;
	p0 =	seq.s32 s7, s2  }
0x1e: {  	s7 =	smul.u32 @!p0 $0xF7A, s2;
	p2 =	seq.s32 @!p0 s5, $0x0  }
0x1f: {  	s9 =	smul.u32 $0xF7A, s1;
	s8 =	simm.s32 @!p0 $0x1BF5;
	p2 =	por !p2, p0  }
0x20: {  	[sflag:s8] =	ssyncset.s32 @!p0 $0xFFFFF086;
	s6 =	sadd.s32 @!p0 s3, s7;
	s7 =	simm.s32 @!p0 $0x108  }
0x21: {  	s3 =	sadd.s32 s3, s9;
	s6 =	sadd.s32 @!p0 $0x88, s6;
	s7 =	simm.s32 @p2 $0x1082  }
0x22: {  	[simem:s7], [sflag:s8] =	dma.local @!p0 [hbm:s6], $0xF7A  }
0x23: {  	s9 =	sor.u32 $0xD0000000, s2;
	s6 =	simm.s32 $0x108;
	_ =	swait.ge @!p0 [sflag:s8], $0x0  }
0x24: {  	s3 =	sadd.s32 $0x88, s3;
	s6 =	simm.s32 @!p1 $0x1082;
	[sflag:s4] =	ssyncset.s32 $0xFFFFF086  }
0x25: {  	[simem:s6], [sflag:s4] =	dma.local [hbm:s3], $0xF7A  }
0x26: {  	[smem:$0x3F84] =	sst s1;
	(tag) =	ssettag s2;
	_ =	strace s9  }
0x27: {  	s1 =	sld [smem:$0x3F94]  }
0x28: {  	s2 =	sld [smem:$0x3F95]  }
0x29: {  	s4 =	sld [smem:$0x3F97]  }
0x2a: {  	p0 =	seq.s32 s5, $0x0;
	s5 =	sld [smem:$0x3F98]  }
0x2b: {  	s6 =	sld [smem:$0x3F99]  }
0x2c: {  	s7 =	sld [smem:$0x3F9A]  }
0x2d: {  	s3 =	simm.s32 $0x108;
	s8 =	sld [smem:$0x3F9B]  }
0x2e: {  	s3 =	simm.s32 @!p0 $0x1082;
	s9 =	sld [smem:$0x3F9C]  }
0x2f: {  	lr =	sadd.s32 s0, s3;
	s0 =	sld [smem:$0x3F93]  }
0x30: {  	s3 =	sld [smem:$0x3F96]  }
0x31: {  	[smem:$0x3F9F] =	sst s10  }
0x32: {  	s10 =	sld [smem:$0x3F9D];
	_ =	sdelay $0x3  }
0x33: {  	p0 =	seq.s32 s10, $0x1;
	s10 =	sld [smem:$0x3F9F];
	_ =	sdelay $0x3  }
0x34: {  	[smem:$0x3F9F] =	sst s10  }
0x35: {  	s10 =	sld [smem:$0x3F9E];
	_ =	sdelay $0x3  }
0x36: {  	p1 =	seq.s32 s10, $0x1;
	s10 =	sld [smem:$0x3F9F];
	_ =	sdelay $0x3  }
0x37: {  	[smem:$0x3F9F] =	sst s10  }
0x38: {  	s10 =	sld [smem:$0x3FA0]  }
0x39: {  	_ = 	snop;
	(pc) =	sbr.ind lr, $3  }
0x3a: {  	_ = 	snop  }
0x3b: {  	_ = 	snop  }
0x3c: {  	p2 =	seq.s32 s10, $0x1;
	s10 =	sld [smem:$0x3F9F]  }
0x3d: {  	_ =	shalt  }
0x3e: {  	_ =	shalt  }
0x3f: {  	_ =	shalt  }
0x40: {  	_ =	shalt  }
0x41: {  	_ =	shalt  }
0x42: {  	_ =	shalt  }
0x43: {  	_ =	shalt  }
0x44: {  	_ =	shalt  }
0x45: {  	_ =	shalt  }
0x46: {  	_ =	shalt  }
0x47: {  	_ =	shalt  }
0x48: {  	_ =	shalt  }
0x49: {  	_ =	shalt  }
0x4a: {  	_ =	shalt  }
0x4b: {  	_ =	shalt  }
0x4c: {  	_ =	shalt  }
0x4d: {  	_ =	shalt  }
0x4e: {  	_ =	shalt  }
0x4f: {  	_ =	shalt  }
0x50: {  	_ =	shalt  }
0x51: {  	_ =	shalt  }
0x52: {  	_ =	shalt  }
0x53: {  	_ =	shalt  }
0x54: {  	_ =	shalt  }
0x55: {  	_ =	shalt  }
0x56: {  	_ =	shalt  }
0x57: {  	_ =	shalt  }
0x58: {  	_ =	shalt  }
0x59: {  	_ =	shalt  }
0x5a: {  	_ =	shalt  }
0x5b: {  	_ =	shalt  }
0x5c: {  	_ =	shalt  }
0x5d: {  	_ =	shalt  }
0x5e: {  	_ =	shalt  }
0x5f: {  	_ =	shalt  }
0x60: {  	_ =	shalt  }
0x61: {  	_ =	shalt  }
0x62: {  	_ =	shalt  }
0x63: {  	_ =	shalt  }
0x64: {  	_ =	shalt  }
0x65: {  	_ =	shalt  }
0x66: {  	_ =	shalt  }
0x67: {  	_ =	shalt  }
0x68: {  	_ =	shalt  }
0x69: {  	_ =	shalt  }
0x6a: {  	_ =	shalt  }
0x6b: {  	_ =	shalt  }
0x6c: {  	_ =	shalt  }
0x6d: {  	_ =	shalt  }
0x6e: {  	_ =	shalt  }
0x6f: {  	_ =	shalt  }
0x70: {  	_ =	shalt  }
0x71: {  	_ =	shalt  }
0x72: {  	_ =	shalt  }
0x73: {  	_ =	shalt  }
0x74: {  	_ =	shalt  }
0x75: {  	_ =	shalt  }
0x76: {  	_ =	shalt  }
0x77: {  	_ =	shalt  }
0x78: {  	_ =	shalt  }
0x79: {  	_ =	shalt  }
0x7a: {  	_ =	shalt  }
0x7b: {  	_ =	shalt  }
0x7c: {  	_ =	shalt  }
0x7d: {  	_ =	shalt  }
0x7e: {  	_ =	shalt  }
0x7f: {  	_ =	shalt  }
0x80: {  	_ =	shalt  }
0x81: {  	_ =	shalt  }
0x82: {  	_ =	shalt  }
0x83: {  	_ =	shalt  }
0x84: {  	_ =	shalt  }
0x85: {  	_ =	shalt  }
0x86: {  	_ =	shalt  }
0x87: {  	_ =	shalt  }
.Lfunc_end0:
.L_simem_size_0:
called_computation.3_lowered:
.L_overlay_start_0:
0x88: {  	s2 =	sld [smem:$0x3FD9]  }
0x89: {  	s3 =	sld [smem:$0x3FFE];
	_ =	sdelay $0x1  }
0x8a: {  	s1 =	srdreg.scid  }
0x8b: {  	s0 =	sand.u32 $0x1, s1  }
0x8c: {  	s17 =	sshll.u32 s0, $0xA;
	s2 =	sadd.s32 s3, s2  }
0x8d: {  	s2 =	sadd.s32 s2, s17  }
0x8e: {  	[smem:$0x3FAB] =	sst s2  }
0x8f: {  	_ = 	snop  }
0x90: {  	(tm) =	ssettm $0x1  }
0x91: {  	s18 =	sld [smem:$0x3FFB];
	_ =	sdelay $0x3  }
0x92: {  	_ =	strace s18  }
0x93: {  	s2 =	sld [smem:$0x3FFC];
	_ =	sdelay $0x3  }
0x94: {  	_ =	strace s2  }
0x95: {  	s2 =	sld [smem:$0x3FFD];
	_ =	sdelay $0x3  }
0x96: {  	_ =	strace s2  }
0x97: {  	_ =	strace $0x8FFFFFFF  }
0x98: {  	s19 =	sld [smem:$0x3FDB];
	_ =	sdelay $0x1  }
0x99: {  	s20 =	simm.s32 $_scs_section_size  }
0x9a: {  	s4 =	simm.s32 $_size__tile_overlayer_lowered;
	s5 =	simm.s32 $_tile_overlayer_lowered  }
0x9b: {  	s6 =	simm.s32 $0x1BFF;
	s21 =	sshll.u32 s5, $0x1;
	s3 =	sadd.s32 s20, s19  }
0x9c: {  	s22 =	simm.s32 $0x0;
	s4 =	sshll.u32 s4, $0x1;
	s5 =	sadd.s32 s21, s3  }
0x9d: {  	[timem:s22], [sflag:s6] =	dma.local [hbm:s5], s4  }
0x9e: {  	_ =	swait.ge [sflag:s6], s4  }
0x9f: {  	s4 =	ssub.s32 $0x0, s4;
	[sflag:s6] =	ssyncset.done $0x0  }
0xa0: {  	[sflag:s6] =	ssyncadd.s32 s4;
	_ =	sdelay $0x1  }
0xa1: {  	s23 =	simm.s32 $0x1B8B  }
0xa2: {  	_ =	swait.ge [sflag:s23], $0x1  }
0xa3: {  	[sflag:s23] =	ssyncset.done $0x0  }
0xa4: {  	[sflag:s23] =	ssyncadd.s32 $0xFFFFFFFF  }
0xa5: {  	s4 =	sld [smem:$0x0]  }
0xa6: {  	s5 =	sand.u32 $0xFFFFFFFE, s1  }
0xa7: {  	p0 =	sne.s32 s1, s5  }
0xa8: {  	s5 =	sshll.u32 @p0 s5, $0xE  }
0xa9: {  	s5 =	sadd.s32 @p0 $0x11B8D, s5;
	s6 =	sshll.u32 @p0 s4, $0x11  }
0xaa: {  	s5 =	sor.u32 @p0 s6, s5  }
0xab: {  	[sflag:s5] =	ssyncadd.remote.s32 @p0 $0x1;
	_ =	sdelay $0x1  }
0xac: {  	s5 =	simm.s32 @p0 $0x1B8D  }
0xad: {  	_ =	swait.eq @p0 [sflag:s5], $0x1  }
0xae: {  	[sflag:s5] =	ssyncadd.s32 @p0 $0xFFFFFFFF  }
0xaf: {  	s6 =	sshll.u32 @!p0 s1, $0xE  }
0xb0: {  	s6 =	sor.u32 @!p0 $0x4000, s6;
	s5 =	simm.s32 @!p0 $0x1B8D  }
0xb1: {  	s4 =	sshll.u32 @!p0 s4, $0x11;
	s6 =	sadd.s32 @!p0 $0x11B8D, s6;
	_ =	swait.eq @!p0 [sflag:s5], $0x1  }
0xb2: {  	s4 =	sor.u32 @!p0 s4, s6;
	[sflag:s5] =	ssyncadd.s32 @!p0 $0xFFFFFFFF  }
0xb3: {  	s25 =	simm.s32 $0x1B8E;
	s24 =	sld [smem:$0x3FFE];
	[sflag:s4] =	ssyncadd.remote.s32 @!p0 $0x1  }
0xb4: {  	s26 =	simm.s32 $execute0_lowered;
	[smem:$0x3FD2] =	sst s25  }
0xb5: {  	s5 =	sshll.u32 s26, $0x1;
	_ =	strace $0x8000004F;
	[dreg:$0x1] =	wrdreg $0xFFFFFFFF  }
0xb6: {  	s28 =	simm.s32 $_size_execute0_lowered;
	s3 =	sadd.s32 s3, s5;
	[dreg:$0x0] =	wrdreg $0x0  }
0xb7: {  	s5 =	sshll.u32 s28, $0x1;
	[dreg:$0x2] =	wrdreg s3  }
0xb8: {  	[dreg:$0x3] =	wrdreg s5  }
0xb9: {  	[dreg:$0x4] =	wrdreg $0xC0  }
0xba: {  	_ =	task [dreg:s22], $0x5FFFF  }
0xbb: {  	[dreg:$0x1] =	wrdreg $0xFFFFFFFF  }
0xbc: {  	[dreg:$0x0] =	wrdreg $0x60  }
0xbd: {  	[dreg:$0x2] =	wrdreg s24  }
0xbe: {  	[dreg:$0x3] =	wrdreg $0xC  }
0xbf: {  	_ =	task.clear_ibuf [dreg:s22], $0x4FFFF;
	_ =	strace $0x9000004F  }
0xc0: {  	s29 =	simm.s32 $0xC;
	_ =	strace $0x80000051  }
0xc1: {  	_ =	swait.ge [sflag:s29], $0x1  }
0xc2: {  	[sflag:s29] =	ssyncadd.s32 $0xFFFFFFFF  }
0xc3: {  	_ =	strace $0x90000051  }
0xc4: {  	_ =	sfence  }
0xc5: {  	s30 =	sld [smem:$0x0];
	_ =	sdelay $0x2  }
0xc6: {  	s31 =	sshll.u32 s1, $0xD;
	s1 =	sshrl.u32 s1, $0x2  }
0xc7: {  	s4 =	sand.u32 $0x4000, s31;
	s1 =	sadd.s32 s1, s30  }
0xc8: {  	s0 =	sor.u32 s4, s0;
	s1 =	sshll.u32 s1, $0x11  }
0xc9: {  	s0 =	sor.u32 s1, s0  }
0xca: {  	s0 =	sadd.s32 $0x8F2B, s0  }
0xcb: {  	[sflag:s0] =	ssyncadd.remote.s32 $0x1  }
0xcc: {  	_ =	sfence.sel $0xFFFF  }
0xcd: {  	[dreg:$0x0] =	wrdreg $0xFFFFFFFF;
	(pc) =	sbr.abs _section_cstart, $3  }
0xce: {  	[dreg:$0x1] =	wrdreg $0xFFFFFFFF  }
0xcf: {  	_ =	task.clear_ibuf [dreg:s22], $0x2FFFF;
	_ =	strace $0x9FFFFFFF  }
0xd0: {  	(tm) =	ssettm $0x7FFFFFFF  }
0xd1: {  	_ =	shalt  }
tec
execute0_lowered:
.L_overlay_start_1:
0x0: {  	(tag) =	ssettag $0x1  }
0x1: {  	s0 =	srdreg.scid  }
0x2: {  	s2 =	stileid.u32;
	s1 =	rddreg [dreg:$0x0]  }
0x3: {  	s8 =	simm.s32 $0x3;
	s9 =	simm.s32 $0x1;
	s19 =	simm.s32 $0x2  }
0x4: {  	s21 =	simm.s32 $0xA00;
	s22 =	simm.s32 $0x1200;
	s23 =	simm.s32 $0x1A00  }
0x5: {  	s28 =	simm.s32 $0x3200;
	s29 =	simm.s32 $0x3A00;
	s30 =	simm.s32 $0x4200  }
0x6: {  	s31 =	simm.s32 $0x4A00;
	s10 =	simm.s32 $0x6200;
	s11 =	simm.s32 $0x6A00  }
0x7: {  	s12 =	simm.s32 $0x7200;
	s13 =	simm.s32 $0x7A00;
	s18 =	simm.s32 $0x8200  }
0x8: {  	s14 =	simm.s32 $0x8A00;
	s15 =	simm.s32 $0x9200;
	s16 =	simm.s32 $0x9A00  }
0x9: {  	s0 =	sand.u32 $0x1, s0;
	s3 =	sshll.u32 s2, $0x1;
	s2 =	simm.s32 $0x0  }
0xa: {  	s17 =	simm.s32 $0xA200;
	s3 =	sor.u32 s0, s3;
	[smem:$0x7FF] =	sst s2  }
0xb: {  	s0 =	ssub.s32 $0x2, s0;
	s4 =	sshll.u32 s3, $0x6;
	_ =	strace $0x80000050  }
0xc: {  	s5 =	sshll.u32 s3, $0xE;
	s3 =	sadd.s32 $0x98400, s1;
	s4 =	sadd.s32 s4, s1  }
0xd: {  	s6 =	sshrl.u32 s0, $0x1;
	s5 =	sadd.s32 s5, s1;
	s4 =	sadd.s32 $0x2FAC00, s4  }
0xe: {  	s0 =	ssub.s32 s0, s6;
	s24 =	sadd.s32 $0x37BC00, s5;
	[dreg:$0x2] =	wrdreg s4  }
0xf: {  	s6 =	sadd.s32 $0x98700, s1;
	s25 =	sadd.s32 $0x37CC00, s5;
	[dreg:$0x3] =	wrdreg s24  }
0x10: {  	s26 =	sadd.s32 $0x37DC00, s5;
	s7 =	sadd.s32 $0x37EC00, s5;
	[dreg:$0x4] =	wrdreg s25  }
0x11: {  	v2 =	vlaneseq.u32;
	s5 =	sadd.s32 $0x98600, s1;
	s4 =	sadd.s32 $0x98500, s1;
	[dreg:$0x5] =	wrdreg s26  }
0x12: {  	vm0 =	vmmov $0xffff;
	v1 =	vshrl.u32 v2, $0x3;
	[dreg:$0x6] =	wrdreg s7;
	s7 =	smax.u32 s0, $0x1;
	s25 =	simm.s32 $0x200  }
0x13: {  	v0 =	vand.u32 $0x7, v2;
	v2 =	vor.u32 $0x8, v2;
	v1 =	vmul.u32 $0x8, v1;
	s24 =	simm.s32 $0x2200;
	s26 =	simm.s32 $0x2A00;
	s1 =	simm.s32 $0x5200  }
.LBB2_1:
0x14: {  	s20 =	rddreg [dreg:$0x2]  }
0x15: {  	[tilespmem:s2], [sflag:$0x3] =	stream.linear.gather [hbm4b:s20+s2], $0x200, $0x38;
	[tilespmem:$0x10200] =	vst v63  }
0x16: {  	_ =	swait.ge [sflag:s8], $0x200  }
0x17: {  	[sflag:s8] =	ssyncset.done $0x0  }
0x18: {  	[sflag:s8] =	ssyncadd.s32 $0xFFFFFE00  }
0x19: {  	v3 =	vld [tilespmem:$0x0];
	_ =	sdelay $0x4  }
0x1a: {  	v4 =	vshll.u32 v3, $0x3  }
0x1b: {  	v3 =	vand.u32 $0x7, v3;
	v4 =	vand.u32 $0xFFFFFFC0, v4  }
0x1c: {  	v3 =	vor.u32 v3, v4  }
0x1d: {  	v4 =	vperm.xlane v3, v0;
	_ =	sdelay $0x1  }
0x1e: {  	v4 =	vadd.s32 v1, v4;
	_ =	sdelay $0x4  }
0x1f: {  	[tilespmem:s25], [sflag:$0x1] =	stream.indirect_vreg.gather [hbm4b:s3+s2], $0x80, v4, vm0, $0xb8;
	[tilespmem:$0x10200] =	vst v63  }
0x20: {  	v3 =	vperm.xlane v3, v2  }
0x21: {  	[tilespmem:s21], [sflag:$0x1] =	stream.indirect_vreg.gather [hbm4b:s4+s2], $0x80, v4, vm0, $0xb8;
	[tilespmem:$0x10200] =	vst v63  }
0x22: {  	v3 =	vadd.s32 v1, v3  }
0x23: {  	[tilespmem:s22], [sflag:$0x1] =	stream.indirect_vreg.gather [hbm4b:s5+s2], $0x80, v4, vm0, $0xb8;
	[tilespmem:$0x10200] =	vst v63  }
0x24: {  	_ = 	snop  }
0x25: {  	[tilespmem:s23], [sflag:$0x1] =	stream.indirect_vreg.gather [hbm4b:s6+s2], $0x80, v4, vm0, $0xb8;
	[tilespmem:$0x10200] =	vst v63  }
0x26: {  	_ = 	snop  }
0x27: {  	[tilespmem:s24], [sflag:$0x1] =	stream.indirect_vreg.gather [hbm4b:s3+s2], $0x80, v3, vm0, $0xb8;
	[tilespmem:$0x10200] =	vst v63  }
0x28: {  	_ = 	snop  }
0x29: {  	[tilespmem:s26], [sflag:$0x1] =	stream.indirect_vreg.gather [hbm4b:s4+s2], $0x80, v3, vm0, $0xb8;
	[tilespmem:$0x10200] =	vst v63  }
0x2a: {  	_ = 	snop  }
0x2b: {  	[tilespmem:s28], [sflag:$0x1] =	stream.indirect_vreg.gather [hbm4b:s5+s2], $0x80, v3, vm0, $0xb8;
	[tilespmem:$0x10200] =	vst v63  }
0x2c: {  	_ = 	snop  }
0x2d: {  	[tilespmem:s29], [sflag:$0x1] =	stream.indirect_vreg.gather [hbm4b:s6+s2], $0x80, v3, vm0, $0xb8;
	[tilespmem:$0x10200] =	vst v63  }
0x2e: {  	v3 =	vld [tilespmem:$0x10];
	_ =	sdelay $0x4  }
0x2f: {  	v57 =	vshll.u32 v3, $0x3  }
0x30: {  	v3 =	vand.u32 $0x7, v3;
	v4 =	vand.u32 $0xFFFFFFC0, v57  }
0x31: {  	v3 =	vor.u32 v3, v4  }
0x32: {  	v4 =	vperm.xlane v3, v0;
	_ =	sdelay $0x1  }
0x33: {  	v4 =	vadd.s32 v1, v4;
	_ =	sdelay $0x4  }
0x34: {  	[tilespmem:s30], [sflag:$0x1] =	stream.indirect_vreg.gather [hbm4b:s3+s2], $0x80, v4, vm0, $0xb8;
	[tilespmem:$0x10200] =	vst v63  }
0x35: {  	v3 =	vperm.xlane v3, v2  }
0x36: {  	[tilespmem:s31], [sflag:$0x1] =	stream.indirect_vreg.gather [hbm4b:s4+s2], $0x80, v4, vm0, $0xb8;
	[tilespmem:$0x10200] =	vst v63  }
0x37: {  	v3 =	vadd.s32 v1, v3  }
0x38: {  	[tilespmem:s1], [sflag:$0x1] =	stream.indirect_vreg.gather [hbm4b:s5+s2], $0x80, v4, vm0, $0xb8;
	[tilespmem:$0x10200] =	vst v63  }
0x39: {  	s0 =	simm.s32 $0x5A00  }
0x3a: {  	[tilespmem:s0], [sflag:$0x1] =	stream.indirect_vreg.gather [hbm4b:s6+s2], $0x80, v4, vm0, $0xb8;
	[tilespmem:$0x10200] =	vst v63  }
0x3b: {  	_ = 	snop  }
0x3c: {  	[tilespmem:s10], [sflag:$0x1] =	stream.indirect_vreg.gather [hbm4b:s3+s2], $0x80, v3, vm0, $0xb8;
	[tilespmem:$0x10200] =	vst v63  }
0x3d: {  	_ = 	snop  }
0x3e: {  	[tilespmem:s11], [sflag:$0x1] =	stream.indirect_vreg.gather [hbm4b:s4+s2], $0x80, v3, vm0, $0xb8;
	[tilespmem:$0x10200] =	vst v63  }
0x3f: {  	_ = 	snop  }
0x40: {  	[tilespmem:s12], [sflag:$0x1] =	stream.indirect_vreg.gather [hbm4b:s5+s2], $0x80, v3, vm0, $0xb8;
	[tilespmem:$0x10200] =	vst v63  }
0x41: {  	_ = 	snop  }
0x42: {  	[tilespmem:s13], [sflag:$0x1] =	stream.indirect_vreg.gather [hbm4b:s6+s2], $0x80, v3, vm0, $0xb8;
	[tilespmem:$0x10200] =	vst v63  }
0x43: {  	v3 =	vld [tilespmem:$0x80];
	_ =	sdelay $0x4  }
0x44: {  	v58 =	vshll.u32 v3, $0x3  }
0x45: {  	v3 =	vand.u32 $0x7, v3;
	v4 =	vand.u32 $0xFFFFFFC0, v58  }
0x46: {  	v3 =	vor.u32 v3, v4  }
0x47: {  	v4 =	vperm.xlane v3, v0;
	_ =	sdelay $0x1  }
0x48: {  	v4 =	vadd.s32 v1, v4;
	_ =	sdelay $0x4  }
0x49: {  	[tilespmem:s18], [sflag:$0x2] =	stream.indirect_vreg.gather [hbm4b:s3+s2], $0x80, v4, vm0, $0xb8;
	[tilespmem:$0x10200] =	vst v63  }
0x4a: {  	v3 =	vperm.xlane v3, v2  }
0x4b: {  	[tilespmem:s14], [sflag:$0x2] =	stream.indirect_vreg.gather [hbm4b:s4+s2], $0x80, v4, vm0, $0xb8;
	[tilespmem:$0x10200] =	vst v63  }
0x4c: {  	v3 =	vadd.s32 v1, v3  }
0x4d: {  	[tilespmem:s15], [sflag:$0x2] =	stream.indirect_vreg.gather [hbm4b:s5+s2], $0x80, v4, vm0, $0xb8;
	[tilespmem:$0x10200] =	vst v63  }
0x4e: {  	_ = 	snop  }
0x4f: {  	[tilespmem:s16], [sflag:$0x2] =	stream.indirect_vreg.gather [hbm4b:s6+s2], $0x80, v4, vm0, $0xb8;
	[tilespmem:$0x10200] =	vst v63  }
0x50: {  	_ = 	snop  }
0x51: {  	[tilespmem:s17], [sflag:$0x2] =	stream.indirect_vreg.gather [hbm4b:s3+s2], $0x80, v3, vm0, $0xb8;
	[tilespmem:$0x10200] =	vst v63  }
0x52: {  	s20 =	simm.s32 $0xAA00  }
0x53: {  	[tilespmem:s20], [sflag:$0x2] =	stream.indirect_vreg.gather [hbm4b:s4+s2], $0x80, v3, vm0, $0xb8;
	[tilespmem:$0x10200] =	vst v63  }
0x54: {  	s20 =	simm.s32 $0xB200  }
0x55: {  	[tilespmem:s20], [sflag:$0x2] =	stream.indirect_vreg.gather [hbm4b:s5+s2], $0x80, v3, vm0, $0xb8;
	[tilespmem:$0x10200] =	vst v63  }
0x56: {  	s20 =	simm.s32 $0xBA00  }
0x57: {  	[tilespmem:s20], [sflag:$0x2] =	stream.indirect_vreg.gather [hbm4b:s6+s2], $0x80, v3, vm0, $0xb8;
	[tilespmem:$0x10200] =	vst v63  }
0x58: {  	v3 =	vld [tilespmem:$0x90];
	_ =	sdelay $0x4  }
0x59: {  	v59 =	vshll.u32 v3, $0x3  }
0x5a: {  	v3 =	vand.u32 $0x7, v3;
	v4 =	vand.u32 $0xFFFFFFC0, v59  }
0x5b: {  	v3 =	vor.u32 v3, v4  }
0x5c: {  	v4 =	vperm.xlane v3, v0;
	_ =	sdelay $0x1  }
0x5d: {  	v4 =	vadd.s32 v1, v4;
	_ =	sdelay $0x3  }
0x5e: {  	s20 =	simm.s32 $0xC200  }
0x5f: {  	[tilespmem:s20], [sflag:$0x2] =	stream.indirect_vreg.gather [hbm4b:s3+s2], $0x80, v4, vm0, $0xb8;
	[tilespmem:$0x10200] =	vst v63  }
0x60: {  	v3 =	vperm.xlane v3, v2;
	s20 =	simm.s32 $0xCA00  }
0x61: {  	[tilespmem:s20], [sflag:$0x2] =	stream.indirect_vreg.gather [hbm4b:s4+s2], $0x80, v4, vm0, $0xb8;
	[tilespmem:$0x10200] =	vst v63  }
0x62: {  	v3 =	vadd.s32 v1, v3;
	s20 =	simm.s32 $0xD200  }
0x63: {  	[tilespmem:s20], [sflag:$0x2] =	stream.indirect_vreg.gather [hbm4b:s5+s2], $0x80, v4, vm0, $0xb8;
	[tilespmem:$0x10200] =	vst v63  }
0x64: {  	s20 =	simm.s32 $0xDA00  }
0x65: {  	[tilespmem:s20], [sflag:$0x2] =	stream.indirect_vreg.gather [hbm4b:s6+s2], $0x80, v4, vm0, $0xb8;
	[tilespmem:$0x10200] =	vst v63  }
0x66: {  	s20 =	simm.s32 $0xE200  }
0x67: {  	[tilespmem:s20], [sflag:$0x2] =	stream.indirect_vreg.gather [hbm4b:s3+s2], $0x80, v3, vm0, $0xb8;
	[tilespmem:$0x10200] =	vst v63  }
0x68: {  	s20 =	simm.s32 $0xEA00  }
0x69: {  	[tilespmem:s20], [sflag:$0x2] =	stream.indirect_vreg.gather [hbm4b:s4+s2], $0x80, v3, vm0, $0xb8;
	[tilespmem:$0x10200] =	vst v63  }
0x6a: {  	s20 =	simm.s32 $0xF200  }
0x6b: {  	[tilespmem:s20], [sflag:$0x2] =	stream.indirect_vreg.gather [hbm4b:s5+s2], $0x80, v3, vm0, $0xb8;
	[tilespmem:$0x10200] =	vst v63  }
0x6c: {  	s20 =	simm.s32 $0xFA00  }
0x6d: {  	[tilespmem:s20], [sflag:$0x2] =	stream.indirect_vreg.gather [hbm4b:s6+s2], $0x80, v3, vm0, $0xb8;
	[tilespmem:$0x10200] =	vst v63  }
0x6e: {  	_ =	swait.ge [sflag:s9], $0x8000  }
0x6f: {  	[sflag:s9] =	ssyncset.done $0x0  }
0x70: {  	s20 =	rddreg [dreg:$0x3];
	[sflag:s9] =	ssyncadd.s32 $0xFFFF8000  }
0x71: {  	[hbm4b:s20+s2] =	stream.linear.scatter [tilespmem:s25], [sflag:$0x3], $0x8000, $0x38;
	[tilespmem:$0x10200] =	vst v63  }
0x72: {  	_ =	swait.ge [sflag:s8], $0x8000  }
0x73: {  	[sflag:s8] =	ssyncset.done $0x0  }
0x74: {  	[sflag:s8] =	ssyncadd.s32 $0xFFFF8000  }
0x75: {  	v3 =	vld [tilespmem:$0x100];
	_ =	sdelay $0x4  }
0x76: {  	v60 =	vshll.u32 v3, $0x3  }
0x77: {  	v3 =	vand.u32 $0x7, v3;
	v4 =	vand.u32 $0xFFFFFFC0, v60  }
0x78: {  	v3 =	vor.u32 v3, v4  }
0x79: {  	v4 =	vperm.xlane v3, v0;
	_ =	sdelay $0x1  }
0x7a: {  	v4 =	vadd.s32 v1, v4;
	_ =	sdelay $0x4  }
0x7b: {  	[tilespmem:s25], [sflag:$0x1] =	stream.indirect_vreg.gather [hbm4b:s3+s2], $0x80, v4, vm0, $0xb8;
	[tilespmem:$0x10200] =	vst v63  }
0x7c: {  	v3 =	vperm.xlane v3, v2  }
0x7d: {  	[tilespmem:s21], [sflag:$0x1] =	stream.indirect_vreg.gather [hbm4b:s4+s2], $0x80, v4, vm0, $0xb8;
	[tilespmem:$0x10200] =	vst v63  }
0x7e: {  	v3 =	vadd.s32 v1, v3  }
0x7f: {  	[tilespmem:s22], [sflag:$0x1] =	stream.indirect_vreg.gather [hbm4b:s5+s2], $0x80, v4, vm0, $0xb8;
	[tilespmem:$0x10200] =	vst v63  }
0x80: {  	_ = 	snop  }
0x81: {  	[tilespmem:s23], [sflag:$0x1] =	stream.indirect_vreg.gather [hbm4b:s6+s2], $0x80, v4, vm0, $0xb8;
	[tilespmem:$0x10200] =	vst v63  }
0x82: {  	_ = 	snop  }
0x83: {  	[tilespmem:s24], [sflag:$0x1] =	stream.indirect_vreg.gather [hbm4b:s3+s2], $0x80, v3, vm0, $0xb8;
	[tilespmem:$0x10200] =	vst v63  }
0x84: {  	_ = 	snop  }
0x85: {  	[tilespmem:s26], [sflag:$0x1] =	stream.indirect_vreg.gather [hbm4b:s4+s2], $0x80, v3, vm0, $0xb8;
	[tilespmem:$0x10200] =	vst v63  }
0x86: {  	_ = 	snop  }
0x87: {  	[tilespmem:s28], [sflag:$0x1] =	stream.indirect_vreg.gather [hbm4b:s5+s2], $0x80, v3, vm0, $0xb8;
	[tilespmem:$0x10200] =	vst v63  }
0x88: {  	_ = 	snop  }
0x89: {  	[tilespmem:s29], [sflag:$0x1] =	stream.indirect_vreg.gather [hbm4b:s6+s2], $0x80, v3, vm0, $0xb8;
	[tilespmem:$0x10200] =	vst v63  }
0x8a: {  	v3 =	vld [tilespmem:$0x110];
	_ =	sdelay $0x4  }
0x8b: {  	v61 =	vshll.u32 v3, $0x3  }
0x8c: {  	v3 =	vand.u32 $0x7, v3;
	v4 =	vand.u32 $0xFFFFFFC0, v61  }
0x8d: {  	v3 =	vor.u32 v3, v4  }
0x8e: {  	v4 =	vperm.xlane v3, v0;
	_ =	sdelay $0x1  }
0x8f: {  	v4 =	vadd.s32 v1, v4;
	_ =	sdelay $0x4  }
0x90: {  	[tilespmem:s30], [sflag:$0x1] =	stream.indirect_vreg.gather [hbm4b:s3+s2], $0x80, v4, vm0, $0xb8;
	[tilespmem:$0x10200] =	vst v63  }
0x91: {  	v3 =	vperm.xlane v3, v2  }
0x92: {  	[tilespmem:s31], [sflag:$0x1] =	stream.indirect_vreg.gather [hbm4b:s4+s2], $0x80, v4, vm0, $0xb8;
	[tilespmem:$0x10200] =	vst v63  }
0x93: {  	v3 =	vadd.s32 v1, v3  }
0x94: {  	[tilespmem:s1], [sflag:$0x1] =	stream.indirect_vreg.gather [hbm4b:s5+s2], $0x80, v4, vm0, $0xb8;
	[tilespmem:$0x10200] =	vst v63  }
0x95: {  	_ = 	snop  }
0x96: {  	[tilespmem:s0], [sflag:$0x1] =	stream.indirect_vreg.gather [hbm4b:s6+s2], $0x80, v4, vm0, $0xb8;
	[tilespmem:$0x10200] =	vst v63  }
0x97: {  	_ = 	snop  }
0x98: {  	[tilespmem:s10], [sflag:$0x1] =	stream.indirect_vreg.gather [hbm4b:s3+s2], $0x80, v3, vm0, $0xb8;
	[tilespmem:$0x10200] =	vst v63  }
0x99: {  	_ = 	snop  }
0x9a: {  	[tilespmem:s11], [sflag:$0x1] =	stream.indirect_vreg.gather [hbm4b:s4+s2], $0x80, v3, vm0, $0xb8;
	[tilespmem:$0x10200] =	vst v63  }
0x9b: {  	_ = 	snop  }
0x9c: {  	[tilespmem:s12], [sflag:$0x1] =	stream.indirect_vreg.gather [hbm4b:s5+s2], $0x80, v3, vm0, $0xb8;
	[tilespmem:$0x10200] =	vst v63  }
0x9d: {  	_ = 	snop  }
0x9e: {  	[tilespmem:s13], [sflag:$0x1] =	stream.indirect_vreg.gather [hbm4b:s6+s2], $0x80, v3, vm0, $0xb8;
	[tilespmem:$0x10200] =	vst v63  }
0x9f: {  	_ =	swait.ge [sflag:s19], $0x8000  }
0xa0: {  	[sflag:s19] =	ssyncset.done $0x0  }
0xa1: {  	s0 =	rddreg [dreg:$0x4];
	[sflag:s19] =	ssyncadd.s32 $0xFFFF8000  }
0xa2: {  	[hbm4b:s0+s2] =	stream.linear.scatter [tilespmem:s18], [sflag:$0x3], $0x8000, $0x38;
	[tilespmem:$0x10200] =	vst v63  }
0xa3: {  	_ =	swait.ge [sflag:s8], $0x8000  }
0xa4: {  	[sflag:s8] =	ssyncset.done $0x0  }
0xa5: {  	[sflag:s8] =	ssyncadd.s32 $0xFFFF8000  }
0xa6: {  	v3 =	vld [tilespmem:$0x180];
	_ =	sdelay $0x4  }
0xa7: {  	v62 =	vshll.u32 v3, $0x3  }
0xa8: {  	v3 =	vand.u32 $0x7, v3;
	v4 =	vand.u32 $0xFFFFFFC0, v62  }
0xa9: {  	v3 =	vor.u32 v3, v4  }
0xaa: {  	v4 =	vperm.xlane v3, v0;
	_ =	sdelay $0x1  }
0xab: {  	v4 =	vadd.s32 v1, v4;
	_ =	sdelay $0x4  }
0xac: {  	[tilespmem:s18], [sflag:$0x2] =	stream.indirect_vreg.gather [hbm4b:s3+s2], $0x80, v4, vm0, $0xb8;
	[tilespmem:$0x10200] =	vst v63  }
0xad: {  	v3 =	vperm.xlane v3, v2  }
0xae: {  	[tilespmem:s14], [sflag:$0x2] =	stream.indirect_vreg.gather [hbm4b:s4+s2], $0x80, v4, vm0, $0xb8;
	[tilespmem:$0x10200] =	vst v63  }
0xaf: {  	v3 =	vadd.s32 v1, v3  }
0xb0: {  	[tilespmem:s15], [sflag:$0x2] =	stream.indirect_vreg.gather [hbm4b:s5+s2], $0x80, v4, vm0, $0xb8;
	[tilespmem:$0x10200] =	vst v63  }
0xb1: {  	_ = 	snop  }
0xb2: {  	[tilespmem:s16], [sflag:$0x2] =	stream.indirect_vreg.gather [hbm4b:s6+s2], $0x80, v4, vm0, $0xb8;
	[tilespmem:$0x10200] =	vst v63  }
0xb3: {  	_ = 	snop  }
0xb4: {  	[tilespmem:s17], [sflag:$0x2] =	stream.indirect_vreg.gather [hbm4b:s3+s2], $0x80, v3, vm0, $0xb8;
	[tilespmem:$0x10200] =	vst v63  }
0xb5: {  	s20 =	simm.s32 $0xAA00  }
0xb6: {  	[tilespmem:s20], [sflag:$0x2] =	stream.indirect_vreg.gather [hbm4b:s4+s2], $0x80, v3, vm0, $0xb8;
	[tilespmem:$0x10200] =	vst v63  }
0xb7: {  	s20 =	simm.s32 $0xB200  }
0xb8: {  	[tilespmem:s20], [sflag:$0x2] =	stream.indirect_vreg.gather [hbm4b:s5+s2], $0x80, v3, vm0, $0xb8;
	[tilespmem:$0x10200] =	vst v63  }
0xb9: {  	s20 =	simm.s32 $0xBA00  }
0xba: {  	[tilespmem:s20], [sflag:$0x2] =	stream.indirect_vreg.gather [hbm4b:s6+s2], $0x80, v3, vm0, $0xb8;
	[tilespmem:$0x10200] =	vst v63  }
0xbb: {  	v3 =	vld [tilespmem:$0x190];
	_ =	sdelay $0x4  }
0xbc: {  	v63 =	vshll.u32 v3, $0x3  }
0xbd: {  	v3 =	vand.u32 $0x7, v3;
	v4 =	vand.u32 $0xFFFFFFC0, v63  }
0xbe: {  	v3 =	vor.u32 v3, v4  }
0xbf: {  	v4 =	vperm.xlane v3, v0;
	_ =	sdelay $0x1  }
0xc0: {  	v4 =	vadd.s32 v1, v4;
	_ =	sdelay $0x3  }
0xc1: {  	s20 =	simm.s32 $0xC200  }
0xc2: {  	[tilespmem:s20], [sflag:$0x2] =	stream.indirect_vreg.gather [hbm4b:s3+s2], $0x80, v4, vm0, $0xb8;
	[tilespmem:$0x10200] =	vst v63  }
0xc3: {  	v3 =	vperm.xlane v3, v2;
	s20 =	simm.s32 $0xCA00  }
0xc4: {  	[tilespmem:s20], [sflag:$0x2] =	stream.indirect_vreg.gather [hbm4b:s4+s2], $0x80, v4, vm0, $0xb8;
	[tilespmem:$0x10200] =	vst v63  }
0xc5: {  	v3 =	vadd.s32 v1, v3;
	s20 =	simm.s32 $0xD200  }
0xc6: {  	[tilespmem:s20], [sflag:$0x2] =	stream.indirect_vreg.gather [hbm4b:s5+s2], $0x80, v4, vm0, $0xb8;
	[tilespmem:$0x10200] =	vst v63  }
0xc7: {  	s20 =	simm.s32 $0xDA00  }
0xc8: {  	[tilespmem:s20], [sflag:$0x2] =	stream.indirect_vreg.gather [hbm4b:s6+s2], $0x80, v4, vm0, $0xb8;
	[tilespmem:$0x10200] =	vst v63  }
0xc9: {  	s20 =	simm.s32 $0xE200  }
0xca: {  	[tilespmem:s20], [sflag:$0x2] =	stream.indirect_vreg.gather [hbm4b:s3+s2], $0x80, v3, vm0, $0xb8;
	[tilespmem:$0x10200] =	vst v63  }
0xcb: {  	s20 =	simm.s32 $0xEA00  }
0xcc: {  	[tilespmem:s20], [sflag:$0x2] =	stream.indirect_vreg.gather [hbm4b:s4+s2], $0x80, v3, vm0, $0xb8;
	[tilespmem:$0x10200] =	vst v63  }
0xcd: {  	s20 =	simm.s32 $0xF200  }
0xce: {  	[tilespmem:s20], [sflag:$0x2] =	stream.indirect_vreg.gather [hbm4b:s5+s2], $0x80, v3, vm0, $0xb8;
	[tilespmem:$0x10200] =	vst v63  }
0xcf: {  	s20 =	simm.s32 $0xFA00  }
0xd0: {  	[tilespmem:s20], [sflag:$0x2] =	stream.indirect_vreg.gather [hbm4b:s6+s2], $0x80, v3, vm0, $0xb8;
	[tilespmem:$0x10200] =	vst v63  }
0xd1: {  	_ =	swait.ge [sflag:s9], $0x8000  }
0xd2: {  	[sflag:s9] =	ssyncset.done $0x0  }
0xd3: {  	s0 =	rddreg [dreg:$0x5];
	[sflag:s9] =	ssyncadd.s32 $0xFFFF8000  }
0xd4: {  	[hbm4b:s0+s2] =	stream.linear.scatter [tilespmem:s25], [sflag:$0x3], $0x8000, $0x38;
	[tilespmem:$0x10200] =	vst v63  }
0xd5: {  	_ =	swait.ge [sflag:s8], $0x8000  }
0xd6: {  	[sflag:s8] =	ssyncset.done $0x0  }
0xd7: {  	[sflag:s8] =	ssyncadd.s32 $0xFFFF8000  }
0xd8: {  	_ =	swait.ge [sflag:s19], $0x8000  }
0xd9: {  	p0 =	sne.s32 s7, $0x1;
	[sflag:s19] =	ssyncset.done $0x0  }
.Ltmp0:
0xda: {  	s0 =	rddreg [dreg:$0x6];
	[sflag:s19] =	ssyncadd.s32 $0xFFFF8000;
	(pc) =	sbr.rel @p0 .LBB2_1-.Ltmp0, $4  }
0xdb: {  	[hbm4b:s0+s2] =	stream.linear.scatter [tilespmem:s18], [sflag:$0x3], $0x8000, $0x38;
	[tilespmem:$0x10200] =	vst v63  }
0xdc: {  	_ =	swait.ge [sflag:s8], $0x8000  }
0xdd: {  	[sflag:s8] =	ssyncset.done $0x0  }
0xde: {  	s7 =	sadd.s32 $0xFFFFFFFF, s7;
	[sflag:s8] =	ssyncadd.s32 $0xFFFF8000  }
0xdf: {  	_ =	sfence.sel $0x180000  }
0xe0: {  	[bflag:$0x0] =	sbarrier.arrive $0xFFFF  }
0xe1: {  	_ =	strace $0x90000050  }
0xe2: {  	s0 =	stileid.u32;
	[bflag:$0x2] =	sbarrier.arrive $0xFFFF  }
0xe3: {  	p0 =	sne.s32 s0, $0x0;
	s0 =	rddreg [dreg:$0x1]  }
0xe4: {  	s0 =	sadd.s32 @!p0 $0x100000, s0  }
0xe5: {  	[sflag:s0] =	ssyncadd.tile.s32 @!p0 $0x1;
	_ =	shalt  }
.Lfunc_end2:
_tile_overlayer_lowered:
.L_overlay_start_2:
0xe6: {  	(tag) =	ssettag $0x2  }
0xe7: {  	s0 =	rddreg [dreg:$0x0];
	s2 =	stileid.u32  }
0xe8: {  	s1 =	rddreg [dreg:$0x1];
	p0 =	sne.s32 s2, $0x0  }
0xe9: {  	s3 =	rddreg [dreg:$0x2];
	[bflag:$0x3] =	sbarrier.arrive $0xFFFF;
	s2 =	simm.s32 @!p0 $0x1C03  }
0xea: {  	[timem:s3], [sflag:s2] =	dma.local @!p0 [hbm:s0], s1  }
0xeb: {  	s0 =	simm.s32 @!p0 $0x3  }
0xec: {  	_ =	swait.ge @!p0 [sflag:s0], s1  }
0xed: {  	s1 =	ssub.s32 @!p0 $0x0, s1;
	[sflag:s0] =	ssyncset.done @!p0 $0x0  }
0xee: {  	[sflag:s0] =	ssyncadd.s32 @!p0 s1  }
0xef: {  	[bflag:$0x3] =	sbarrier.arrive $0xFFFF  }
0xf0: {  	_ =	shalt  }

// kernel: kernel.29.cloned.1.call-start
scs
__scs_entry_jumppad:
0x0: {  	(pc) =	sbr.rel $0x88, $3  }
0x1: {  	(tag) =	ssettag $0x0;
	lr =	simm.s32 $0x1  }
0x2: {  	[smem:$0x3F84] =	sst lr;
	_ =	strace $0xD0000000  }
0x3: {  	_ = 	snop  }
0x4: {  	_ = 	snop  }
0x5: {  	_ = 	snop  }
0x6: {  	_ = 	snop  }
0x7: {  	_ = 	snop  }
__scs_overlays_trampoline_lowered:
0x8: {  	[smem:$0x3F93] =	sst s0  }
0x9: {  	[smem:$0x3F94] =	sst s1  }
0xa: {  	[smem:$0x3F95] =	sst s2  }
0xb: {  	[smem:$0x3F96] =	sst s3  }
0xc: {  	[smem:$0x3F97] =	sst s4  }
0xd: {  	[smem:$0x3F98] =	sst s5  }
0xe: {  	[smem:$0x3F99] =	sst s6  }
0xf: {  	[smem:$0x3F9A] =	sst s7  }
0x10: {  	[smem:$0x3F9B] =	sst s8  }
0x11: {  	[smem:$0x3F9C] =	sst s9;
	s0 =	simm.s32 @!p0 $0x0  }
0x12: {  	s1 =	sld [smem:$0x3F82];
	s0 =	simm.s32 @p0 $0x1  }
0x13: {  	[smem:$0x3F9D] =	sst s0;
	s0 =	simm.s32 @!p1 $0x0  }
0x14: {  	s2 =	sld [smem:$0x3F81];
	s0 =	simm.s32 @p1 $0x1  }
0x15: {  	[smem:$0x3F9E] =	sst s0;
	s0 =	simm.s32 @!p2 $0x0  }
0x16: {  	s3 =	sld [smem:$0x3FDB];
	s0 =	simm.s32 @p2 $0x1  }
0x17: {  	s4 =	simm.s32 $0x1BF5;
	[smem:$0x3FA0] =	sst s0  }
0x18: {  	s0 =	sld [smem:$0x3F83];
	_ =	swait.ge [sflag:s4], $0x0  }
0x19: {  	s7 =	sld [smem:$0x3F84]  }
0x1a: {  	s8 =	sadd.s32 $0xFFFFE003, lr  }
0x1b: {  	s9 =	sadd.s32 $0xFFFFFEF7, lr;
	s5 =	simm.s32 $0xFFFFFFFF;
	p2 =	slt.u32 s8, $0xFFFFF086  }
0x1c: {  	p1 =	slt.u32 s9, $0xF7A;
	s5 =	simm.s32 @!p2 $0x0  }
0x1d: {  	s5 =	simm.s32 @p1 $0x1;
	p0 =	seq.s32 s7, s2  }
0x1e: {  	s7 =	smul.u32 @!p0 $0xF7A, s2;
	p2 =	seq.s32 @!p0 s5, $0x0  }
0x1f: {  	s9 =	smul.u32 $0xF7A, s1;
	s8 =	simm.s32 @!p0 $0x1BF5;
	p2 =	por !p2, p0  }
0x20: {  	[sflag:s8] =	ssyncset.s32 @!p0 $0xFFFFF086;
	s6 =	sadd.s32 @!p0 s3, s7;
	s7 =	simm.s32 @!p0 $0x108  }
0x21: {  	s3 =	sadd.s32 s3, s9;
	s6 =	sadd.s32 @!p0 $0x88, s6;
	s7 =	simm.s32 @p2 $0x1082  }
0x22: {  	[simem:s7], [sflag:s8] =	dma.local @!p0 [hbm:s6], $0xF7A  }
0x23: {  	s9 =	sor.u32 $0xD0000000, s2;
	s6 =	simm.s32 $0x108;
	_ =	swait.ge @!p0 [sflag:s8], $0x0  }
0x24: {  	s3 =	sadd.s32 $0x88, s3;
	s6 =	simm.s32 @!p1 $0x1082;
	[sflag:s4] =	ssyncset.s32 $0xFFFFF086  }
0x25: {  	[simem:s6], [sflag:s4] =	dma.local [hbm:s3], $0xF7A  }
0x26: {  	[smem:$0x3F84] =	sst s1;
	(tag) =	ssettag s2;
	_ =	strace s9  }
0x27: {  	s1 =	sld [smem:$0x3F94]  }
0x28: {  	s2 =	sld [smem:$0x3F95]  }
0x29: {  	s4 =	sld [smem:$0x3F97]  }
0x2a: {  	p0 =	seq.s32 s5, $0x0;
	s5 =	sld [smem:$0x3F98]  }
0x2b: {  	s6 =	sld [smem:$0x3F99]  }
0x2c: {  	s7 =	sld [smem:$0x3F9A]  }
0x2d: {  	s3 =	simm.s32 $0x108;
	s8 =	sld [smem:$0x3F9B]  }
0x2e: {  	s3 =	simm.s32 @!p0 $0x1082;
	s9 =	sld [smem:$0x3F9C]  }
0x2f: {  	lr =	sadd.s32 s0, s3;
	s0 =	sld [smem:$0x3F93]  }
0x30: {  	s3 =	sld [smem:$0x3F96]  }
0x31: {  	[smem:$0x3F9F] =	sst s10  }
0x32: {  	s10 =	sld [smem:$0x3F9D];
	_ =	sdelay $0x3  }
0x33: {  	p0 =	seq.s32 s10, $0x1;
	s10 =	sld [smem:$0x3F9F];
	_ =	sdelay $0x3  }
0x34: {  	[smem:$0x3F9F] =	sst s10  }
0x35: {  	s10 =	sld [smem:$0x3F9E];
	_ =	sdelay $0x3  }
0x36: {  	p1 =	seq.s32 s10, $0x1;
	s10 =	sld [smem:$0x3F9F];
	_ =	sdelay $0x3  }
0x37: {  	[smem:$0x3F9F] =	sst s10  }
0x38: {  	s10 =	sld [smem:$0x3FA0]  }
0x39: {  	_ = 	snop;
	(pc) =	sbr.ind lr, $3  }
0x3a: {  	_ = 	snop  }
0x3b: {  	_ = 	snop  }
0x3c: {  	p2 =	seq.s32 s10, $0x1;
	s10 =	sld [smem:$0x3F9F]  }
0x3d: {  	_ =	shalt  }
0x3e: {  	_ =	shalt  }
0x3f: {  	_ =	shalt  }
0x40: {  	_ =	shalt  }
0x41: {  	_ =	shalt  }
0x42: {  	_ =	shalt  }
0x43: {  	_ =	shalt  }
0x44: {  	_ =	shalt  }
0x45: {  	_ =	shalt  }
0x46: {  	_ =	shalt  }
0x47: {  	_ =	shalt  }
0x48: {  	_ =	shalt  }
0x49: {  	_ =	shalt  }
0x4a: {  	_ =	shalt  }
0x4b: {  	_ =	shalt  }
0x4c: {  	_ =	shalt  }
0x4d: {  	_ =	shalt  }
0x4e: {  	_ =	shalt  }
0x4f: {  	_ =	shalt  }
0x50: {  	_ =	shalt  }
0x51: {  	_ =	shalt  }
0x52: {  	_ =	shalt  }
0x53: {  	_ =	shalt  }
0x54: {  	_ =	shalt  }
0x55: {  	_ =	shalt  }
0x56: {  	_ =	shalt  }
0x57: {  	_ =	shalt  }
0x58: {  	_ =	shalt  }
0x59: {  	_ =	shalt  }
0x5a: {  	_ =	shalt  }
0x5b: {  	_ =	shalt  }
0x5c: {  	_ =	shalt  }
0x5d: {  	_ =	shalt  }
0x5e: {  	_ =	shalt  }
0x5f: {  	_ =	shalt  }
0x60: {  	_ =	shalt  }
0x61: {  	_ =	shalt  }
0x62: {  	_ =	shalt  }
0x63: {  	_ =	shalt  }
0x64: {  	_ =	shalt  }
0x65: {  	_ =	shalt  }
0x66: {  	_ =	shalt  }
0x67: {  	_ =	shalt  }
0x68: {  	_ =	shalt  }
0x69: {  	_ =	shalt  }
0x6a: {  	_ =	shalt  }
0x6b: {  	_ =	shalt  }
0x6c: {  	_ =	shalt  }
0x6d: {  	_ =	shalt  }
0x6e: {  	_ =	shalt  }
0x6f: {  	_ =	shalt  }
0x70: {  	_ =	shalt  }
0x71: {  	_ =	shalt  }
0x72: {  	_ =	shalt  }
0x73: {  	_ =	shalt  }
0x74: {  	_ =	shalt  }
0x75: {  	_ =	shalt  }
0x76: {  	_ =	shalt  }
0x77: {  	_ =	shalt  }
0x78: {  	_ =	shalt  }
0x79: {  	_ =	shalt  }
0x7a: {  	_ =	shalt  }
0x7b: {  	_ =	shalt  }
0x7c: {  	_ =	shalt  }
0x7d: {  	_ =	shalt  }
0x7e: {  	_ =	shalt  }
0x7f: {  	_ =	shalt  }
0x80: {  	_ =	shalt  }
0x81: {  	_ =	shalt  }
0x82: {  	_ =	shalt  }
0x83: {  	_ =	shalt  }
0x84: {  	_ =	shalt  }
0x85: {  	_ =	shalt  }
0x86: {  	_ =	shalt  }
0x87: {  	_ =	shalt  }
.Lfunc_end0:
.L_simem_size_0:
called_computation.4_lowered:
.L_overlay_start_0:
0x88: {  	s2 =	sld [smem:$0x3FD9]  }
0x89: {  	s3 =	sld [smem:$0x3FFE];
	_ =	sdelay $0x1  }
0x8a: {  	s1 =	srdreg.scid  }
0x8b: {  	s0 =	sand.u32 $0x1, s1  }
0x8c: {  	s17 =	sshll.u32 s0, $0xA;
	s2 =	sadd.s32 s3, s2  }
0x8d: {  	s2 =	sadd.s32 s2, s17  }
0x8e: {  	[smem:$0x3FAB] =	sst s2  }
0x8f: {  	_ = 	snop  }
0x90: {  	(tm) =	ssettm $0x1  }
0x91: {  	s18 =	sld [smem:$0x3FFB];
	_ =	sdelay $0x3  }
0x92: {  	_ =	strace s18  }
0x93: {  	s2 =	sld [smem:$0x3FFC];
	_ =	sdelay $0x3  }
0x94: {  	_ =	strace s2  }
0x95: {  	s2 =	sld [smem:$0x3FFD];
	_ =	sdelay $0x3  }
0x96: {  	_ =	strace s2  }
0x97: {  	_ =	strace $0x8FFFFFFF  }
0x98: {  	s19 =	sld [smem:$0x3FDB];
	_ =	sdelay $0x1  }
0x99: {  	s20 =	simm.s32 $_scs_section_size  }
0x9a: {  	s4 =	simm.s32 $_size__tile_overlayer_lowered;
	s5 =	simm.s32 $_tile_overlayer_lowered  }
0x9b: {  	s6 =	simm.s32 $0x1BFF;
	s21 =	sshll.u32 s5, $0x1;
	s3 =	sadd.s32 s20, s19  }
0x9c: {  	s22 =	simm.s32 $0x0;
	s4 =	sshll.u32 s4, $0x1;
	s5 =	sadd.s32 s21, s3  }
0x9d: {  	[timem:s22], [sflag:s6] =	dma.local [hbm:s5], s4  }
0x9e: {  	_ =	swait.ge [sflag:s6], s4  }
0x9f: {  	s4 =	ssub.s32 $0x0, s4;
	[sflag:s6] =	ssyncset.done $0x0  }
0xa0: {  	[sflag:s6] =	ssyncadd.s32 s4;
	_ =	sdelay $0x1  }
0xa1: {  	s23 =	simm.s32 $0x1B8B  }
0xa2: {  	_ =	swait.ge [sflag:s23], $0x1  }
0xa3: {  	[sflag:s23] =	ssyncset.done $0x0  }
0xa4: {  	[sflag:s23] =	ssyncadd.s32 $0xFFFFFFFF  }
0xa5: {  	s4 =	sld [smem:$0x0]  }
0xa6: {  	s5 =	sand.u32 $0xFFFFFFFE, s1  }
0xa7: {  	p0 =	sne.s32 s1, s5  }
0xa8: {  	s5 =	sshll.u32 @p0 s5, $0xE  }
0xa9: {  	s5 =	sadd.s32 @p0 $0x11B8D, s5;
	s6 =	sshll.u32 @p0 s4, $0x11  }
0xaa: {  	s5 =	sor.u32 @p0 s6, s5  }
0xab: {  	[sflag:s5] =	ssyncadd.remote.s32 @p0 $0x1;
	_ =	sdelay $0x1  }
0xac: {  	s5 =	simm.s32 @p0 $0x1B8D  }
0xad: {  	_ =	swait.eq @p0 [sflag:s5], $0x1  }
0xae: {  	[sflag:s5] =	ssyncadd.s32 @p0 $0xFFFFFFFF  }
0xaf: {  	s6 =	sshll.u32 @!p0 s1, $0xE  }
0xb0: {  	s6 =	sor.u32 @!p0 $0x4000, s6;
	s5 =	simm.s32 @!p0 $0x1B8D  }
0xb1: {  	s4 =	sshll.u32 @!p0 s4, $0x11;
	s6 =	sadd.s32 @!p0 $0x11B8D, s6;
	_ =	swait.eq @!p0 [sflag:s5], $0x1  }
0xb2: {  	s4 =	sor.u32 @!p0 s4, s6;
	[sflag:s5] =	ssyncadd.s32 @!p0 $0xFFFFFFFF  }
0xb3: {  	s25 =	simm.s32 $0x1B8E;
	s24 =	sld [smem:$0x3FFE];
	[sflag:s4] =	ssyncadd.remote.s32 @!p0 $0x1  }
0xb4: {  	s26 =	simm.s32 $execute0_lowered;
	[smem:$0x3FD2] =	sst s25  }
0xb5: {  	s5 =	sshll.u32 s26, $0x1;
	_ =	strace $0x80000052;
	[dreg:$0x1] =	wrdreg $0xFFFFFFFF  }
0xb6: {  	s28 =	simm.s32 $_size_execute0_lowered;
	s3 =	sadd.s32 s3, s5;
	[dreg:$0x0] =	wrdreg $0x0  }
0xb7: {  	s5 =	sshll.u32 s28, $0x1;
	[dreg:$0x2] =	wrdreg s3  }
0xb8: {  	[dreg:$0x3] =	wrdreg s5  }
0xb9: {  	[dreg:$0x4] =	wrdreg $0xC0  }
0xba: {  	_ =	task [dreg:s22], $0x5FFFF  }
0xbb: {  	[dreg:$0x1] =	wrdreg $0xFFFFFFFF  }
0xbc: {  	[dreg:$0x0] =	wrdreg $0x60  }
0xbd: {  	[dreg:$0x2] =	wrdreg s24  }
0xbe: {  	[dreg:$0x3] =	wrdreg $0xD  }
0xbf: {  	_ =	task.clear_ibuf [dreg:s22], $0x4FFFF;
	_ =	strace $0x90000052  }
0xc0: {  	s29 =	simm.s32 $0xD;
	_ =	strace $0x80000054  }
0xc1: {  	_ =	swait.ge [sflag:s29], $0x1  }
0xc2: {  	[sflag:s29] =	ssyncadd.s32 $0xFFFFFFFF  }
0xc3: {  	_ =	strace $0x90000054  }
0xc4: {  	_ =	sfence  }
0xc5: {  	s30 =	sld [smem:$0x0];
	_ =	sdelay $0x2  }
0xc6: {  	s31 =	sshll.u32 s1, $0xD;
	s1 =	sshrl.u32 s1, $0x2  }
0xc7: {  	s4 =	sand.u32 $0x4000, s31;
	s1 =	sadd.s32 s1, s30  }
0xc8: {  	s0 =	sor.u32 s4, s0;
	s1 =	sshll.u32 s1, $0x11  }
0xc9: {  	s0 =	sor.u32 s1, s0  }
0xca: {  	s0 =	sadd.s32 $0x8F2B, s0  }
0xcb: {  	[sflag:s0] =	ssyncadd.remote.s32 $0x1  }
0xcc: {  	_ =	sfence.sel $0xFFFF  }
0xcd: {  	[dreg:$0x0] =	wrdreg $0xFFFFFFFF;
	(pc) =	sbr.abs _section_cstart, $3  }
0xce: {  	[dreg:$0x1] =	wrdreg $0xFFFFFFFF  }
0xcf: {  	_ =	task.clear_ibuf [dreg:s22], $0x2FFFF;
	_ =	strace $0x9FFFFFFF  }
0xd0: {  	(tm) =	ssettm $0x7FFFFFFF  }
0xd1: {  	_ =	shalt  }
tec
execute0_lowered:
.L_overlay_start_1:
0x0: {  	(tag) =	ssettag $0x1  }
0x1: {  	s0 =	srdreg.scid  }
0x2: {  	s2 =	stileid.u32;
	s1 =	rddreg [dreg:$0x0]  }
0x3: {  	s8 =	simm.s32 $0x3;
	s9 =	simm.s32 $0x1;
	s19 =	simm.s32 $0x2  }
0x4: {  	s21 =	simm.s32 $0xA00;
	s22 =	simm.s32 $0x1200;
	s23 =	simm.s32 $0x1A00  }
0x5: {  	s28 =	simm.s32 $0x3200;
	s29 =	simm.s32 $0x3A00;
	s30 =	simm.s32 $0x4200  }
0x6: {  	s31 =	simm.s32 $0x4A00;
	s10 =	simm.s32 $0x6200;
	s11 =	simm.s32 $0x6A00  }
0x7: {  	s12 =	simm.s32 $0x7200;
	s13 =	simm.s32 $0x7A00;
	s18 =	simm.s32 $0x8200  }
0x8: {  	s14 =	simm.s32 $0x8A00;
	s15 =	simm.s32 $0x9200;
	s16 =	simm.s32 $0x9A00  }
0x9: {  	s0 =	sand.u32 $0x1, s0;
	s3 =	sshll.u32 s2, $0x1;
	s2 =	simm.s32 $0x0  }
0xa: {  	s17 =	simm.s32 $0xA200;
	s3 =	sor.u32 s0, s3;
	[smem:$0x7FF] =	sst s2  }
0xb: {  	s0 =	ssub.s32 $0x2, s0;
	s4 =	sshll.u32 s3, $0x6;
	_ =	strace $0x80000053  }
0xc: {  	s5 =	sshll.u32 s3, $0xE;
	s3 =	sadd.s32 $0x98400, s1;
	s4 =	sadd.s32 s4, s1  }
0xd: {  	s6 =	sshrl.u32 s0, $0x1;
	s5 =	sadd.s32 s5, s1;
	s4 =	sadd.s32 $0x2FB400, s4  }
0xe: {  	s0 =	ssub.s32 s0, s6;
	s24 =	sadd.s32 $0x3FBC00, s5;
	[dreg:$0x2] =	wrdreg s4  }
0xf: {  	s6 =	sadd.s32 $0x98700, s1;
	s25 =	sadd.s32 $0x3FCC00, s5;
	[dreg:$0x3] =	wrdreg s24  }
0x10: {  	s26 =	sadd.s32 $0x3FDC00, s5;
	s7 =	sadd.s32 $0x3FEC00, s5;
	[dreg:$0x4] =	wrdreg s25  }
0x11: {  	v2 =	vlaneseq.u32;
	s5 =	sadd.s32 $0x98600, s1;
	s4 =	sadd.s32 $0x98500, s1;
	[dreg:$0x5] =	wrdreg s26  }
0x12: {  	vm0 =	vmmov $0xffff;
	v1 =	vshrl.u32 v2, $0x3;
	[dreg:$0x6] =	wrdreg s7;
	s7 =	smax.u32 s0, $0x1;
	s25 =	simm.s32 $0x200  }
0x13: {  	v0 =	vand.u32 $0x7, v2;
	v2 =	vor.u32 $0x8, v2;
	v1 =	vmul.u32 $0x8, v1;
	s24 =	simm.s32 $0x2200;
	s26 =	simm.s32 $0x2A00;
	s1 =	simm.s32 $0x5200  }
.LBB2_1:
0x14: {  	s20 =	rddreg [dreg:$0x2]  }
0x15: {  	[tilespmem:s2], [sflag:$0x3] =	stream.linear.gather [hbm4b:s20+s2], $0x200, $0x38;
	[tilespmem:$0x10200] =	vst v63  }
0x16: {  	_ =	swait.ge [sflag:s8], $0x200  }
0x17: {  	[sflag:s8] =	ssyncset.done $0x0  }
0x18: {  	[sflag:s8] =	ssyncadd.s32 $0xFFFFFE00  }
0x19: {  	v3 =	vld [tilespmem:$0x0];
	_ =	sdelay $0x4  }
0x1a: {  	v4 =	vshll.u32 v3, $0x3  }
0x1b: {  	v3 =	vand.u32 $0x7, v3;
	v4 =	vand.u32 $0xFFFFFFC0, v4  }
0x1c: {  	v3 =	vor.u32 v3, v4  }
0x1d: {  	v4 =	vperm.xlane v3, v0;
	_ =	sdelay $0x1  }
0x1e: {  	v4 =	vadd.s32 v1, v4;
	_ =	sdelay $0x4  }
0x1f: {  	[tilespmem:s25], [sflag:$0x1] =	stream.indirect_vreg.gather [hbm4b:s3+s2], $0x80, v4, vm0, $0xb8;
	[tilespmem:$0x10200] =	vst v63  }
0x20: {  	v3 =	vperm.xlane v3, v2  }
0x21: {  	[tilespmem:s21], [sflag:$0x1] =	stream.indirect_vreg.gather [hbm4b:s4+s2], $0x80, v4, vm0, $0xb8;
	[tilespmem:$0x10200] =	vst v63  }
0x22: {  	v3 =	vadd.s32 v1, v3  }
0x23: {  	[tilespmem:s22], [sflag:$0x1] =	stream.indirect_vreg.gather [hbm4b:s5+s2], $0x80, v4, vm0, $0xb8;
	[tilespmem:$0x10200] =	vst v63  }
0x24: {  	_ = 	snop  }
0x25: {  	[tilespmem:s23], [sflag:$0x1] =	stream.indirect_vreg.gather [hbm4b:s6+s2], $0x80, v4, vm0, $0xb8;
	[tilespmem:$0x10200] =	vst v63  }
0x26: {  	_ = 	snop  }
0x27: {  	[tilespmem:s24], [sflag:$0x1] =	stream.indirect_vreg.gather [hbm4b:s3+s2], $0x80, v3, vm0, $0xb8;
	[tilespmem:$0x10200] =	vst v63  }
0x28: {  	_ = 	snop  }
0x29: {  	[tilespmem:s26], [sflag:$0x1] =	stream.indirect_vreg.gather [hbm4b:s4+s2], $0x80, v3, vm0, $0xb8;
	[tilespmem:$0x10200] =	vst v63  }
0x2a: {  	_ = 	snop  }
0x2b: {  	[tilespmem:s28], [sflag:$0x1] =	stream.indirect_vreg.gather [hbm4b:s5+s2], $0x80, v3, vm0, $0xb8;
	[tilespmem:$0x10200] =	vst v63  }
0x2c: {  	_ = 	snop  }
0x2d: {  	[tilespmem:s29], [sflag:$0x1] =	stream.indirect_vreg.gather [hbm4b:s6+s2], $0x80, v3, vm0, $0xb8;
	[tilespmem:$0x10200] =	vst v63  }
0x2e: {  	v3 =	vld [tilespmem:$0x10];
	_ =	sdelay $0x4  }
0x2f: {  	v57 =	vshll.u32 v3, $0x3  }
0x30: {  	v3 =	vand.u32 $0x7, v3;
	v4 =	vand.u32 $0xFFFFFFC0, v57  }
0x31: {  	v3 =	vor.u32 v3, v4  }
0x32: {  	v4 =	vperm.xlane v3, v0;
	_ =	sdelay $0x1  }
0x33: {  	v4 =	vadd.s32 v1, v4;
	_ =	sdelay $0x4  }
0x34: {  	[tilespmem:s30], [sflag:$0x1] =	stream.indirect_vreg.gather [hbm4b:s3+s2], $0x80, v4, vm0, $0xb8;
	[tilespmem:$0x10200] =	vst v63  }
0x35: {  	v3 =	vperm.xlane v3, v2  }
0x36: {  	[tilespmem:s31], [sflag:$0x1] =	stream.indirect_vreg.gather [hbm4b:s4+s2], $0x80, v4, vm0, $0xb8;
	[tilespmem:$0x10200] =	vst v63  }
0x37: {  	v3 =	vadd.s32 v1, v3  }
0x38: {  	[tilespmem:s1], [sflag:$0x1] =	stream.indirect_vreg.gather [hbm4b:s5+s2], $0x80, v4, vm0, $0xb8;
	[tilespmem:$0x10200] =	vst v63  }
0x39: {  	s0 =	simm.s32 $0x5A00  }
0x3a: {  	[tilespmem:s0], [sflag:$0x1] =	stream.indirect_vreg.gather [hbm4b:s6+s2], $0x80, v4, vm0, $0xb8;
	[tilespmem:$0x10200] =	vst v63  }
0x3b: {  	_ = 	snop  }
0x3c: {  	[tilespmem:s10], [sflag:$0x1] =	stream.indirect_vreg.gather [hbm4b:s3+s2], $0x80, v3, vm0, $0xb8;
	[tilespmem:$0x10200] =	vst v63  }
0x3d: {  	_ = 	snop  }
0x3e: {  	[tilespmem:s11], [sflag:$0x1] =	stream.indirect_vreg.gather [hbm4b:s4+s2], $0x80, v3, vm0, $0xb8;
	[tilespmem:$0x10200] =	vst v63  }
0x3f: {  	_ = 	snop  }
0x40: {  	[tilespmem:s12], [sflag:$0x1] =	stream.indirect_vreg.gather [hbm4b:s5+s2], $0x80, v3, vm0, $0xb8;
	[tilespmem:$0x10200] =	vst v63  }
0x41: {  	_ = 	snop  }
0x42: {  	[tilespmem:s13], [sflag:$0x1] =	stream.indirect_vreg.gather [hbm4b:s6+s2], $0x80, v3, vm0, $0xb8;
	[tilespmem:$0x10200] =	vst v63  }
0x43: {  	v3 =	vld [tilespmem:$0x80];
	_ =	sdelay $0x4  }
0x44: {  	v58 =	vshll.u32 v3, $0x3  }
0x45: {  	v3 =	vand.u32 $0x7, v3;
	v4 =	vand.u32 $0xFFFFFFC0, v58  }
0x46: {  	v3 =	vor.u32 v3, v4  }
0x47: {  	v4 =	vperm.xlane v3, v0;
	_ =	sdelay $0x1  }
0x48: {  	v4 =	vadd.s32 v1, v4;
	_ =	sdelay $0x4  }
0x49: {  	[tilespmem:s18], [sflag:$0x2] =	stream.indirect_vreg.gather [hbm4b:s3+s2], $0x80, v4, vm0, $0xb8;
	[tilespmem:$0x10200] =	vst v63  }
0x4a: {  	v3 =	vperm.xlane v3, v2  }
0x4b: {  	[tilespmem:s14], [sflag:$0x2] =	stream.indirect_vreg.gather [hbm4b:s4+s2], $0x80, v4, vm0, $0xb8;
	[tilespmem:$0x10200] =	vst v63  }
0x4c: {  	v3 =	vadd.s32 v1, v3  }
0x4d: {  	[tilespmem:s15], [sflag:$0x2] =	stream.indirect_vreg.gather [hbm4b:s5+s2], $0x80, v4, vm0, $0xb8;
	[tilespmem:$0x10200] =	vst v63  }
0x4e: {  	_ = 	snop  }
0x4f: {  	[tilespmem:s16], [sflag:$0x2] =	stream.indirect_vreg.gather [hbm4b:s6+s2], $0x80, v4, vm0, $0xb8;
	[tilespmem:$0x10200] =	vst v63  }
0x50: {  	_ = 	snop  }
0x51: {  	[tilespmem:s17], [sflag:$0x2] =	stream.indirect_vreg.gather [hbm4b:s3+s2], $0x80, v3, vm0, $0xb8;
	[tilespmem:$0x10200] =	vst v63  }
0x52: {  	s20 =	simm.s32 $0xAA00  }
0x53: {  	[tilespmem:s20], [sflag:$0x2] =	stream.indirect_vreg.gather [hbm4b:s4+s2], $0x80, v3, vm0, $0xb8;
	[tilespmem:$0x10200] =	vst v63  }
0x54: {  	s20 =	simm.s32 $0xB200  }
0x55: {  	[tilespmem:s20], [sflag:$0x2] =	stream.indirect_vreg.gather [hbm4b:s5+s2], $0x80, v3, vm0, $0xb8;
	[tilespmem:$0x10200] =	vst v63  }
0x56: {  	s20 =	simm.s32 $0xBA00  }
0x57: {  	[tilespmem:s20], [sflag:$0x2] =	stream.indirect_vreg.gather [hbm4b:s6+s2], $0x80, v3, vm0, $0xb8;
	[tilespmem:$0x10200] =	vst v63  }
0x58: {  	v3 =	vld [tilespmem:$0x90];
	_ =	sdelay $0x4  }
0x59: {  	v59 =	vshll.u32 v3, $0x3  }
0x5a: {  	v3 =	vand.u32 $0x7, v3;
	v4 =	vand.u32 $0xFFFFFFC0, v59  }
0x5b: {  	v3 =	vor.u32 v3, v4  }
0x5c: {  	v4 =	vperm.xlane v3, v0;
	_ =	sdelay $0x1  }
0x5d: {  	v4 =	vadd.s32 v1, v4;
	_ =	sdelay $0x3  }
0x5e: {  	s20 =	simm.s32 $0xC200  }
0x5f: {  	[tilespmem:s20], [sflag:$0x2] =	stream.indirect_vreg.gather [hbm4b:s3+s2], $0x80, v4, vm0, $0xb8;
	[tilespmem:$0x10200] =	vst v63  }
0x60: {  	v3 =	vperm.xlane v3, v2;
	s20 =	simm.s32 $0xCA00  }
0x61: {  	[tilespmem:s20], [sflag:$0x2] =	stream.indirect_vreg.gather [hbm4b:s4+s2], $0x80, v4, vm0, $0xb8;
	[tilespmem:$0x10200] =	vst v63  }
0x62: {  	v3 =	vadd.s32 v1, v3;
	s20 =	simm.s32 $0xD200  }
0x63: {  	[tilespmem:s20], [sflag:$0x2] =	stream.indirect_vreg.gather [hbm4b:s5+s2], $0x80, v4, vm0, $0xb8;
	[tilespmem:$0x10200] =	vst v63  }
0x64: {  	s20 =	simm.s32 $0xDA00  }
0x65: {  	[tilespmem:s20], [sflag:$0x2] =	stream.indirect_vreg.gather [hbm4b:s6+s2], $0x80, v4, vm0, $0xb8;
	[tilespmem:$0x10200] =	vst v63  }
0x66: {  	s20 =	simm.s32 $0xE200  }
0x67: {  	[tilespmem:s20], [sflag:$0x2] =	stream.indirect_vreg.gather [hbm4b:s3+s2], $0x80, v3, vm0, $0xb8;
	[tilespmem:$0x10200] =	vst v63  }
0x68: {  	s20 =	simm.s32 $0xEA00  }
0x69: {  	[tilespmem:s20], [sflag:$0x2] =	stream.indirect_vreg.gather [hbm4b:s4+s2], $0x80, v3, vm0, $0xb8;
	[tilespmem:$0x10200] =	vst v63  }
0x6a: {  	s20 =	simm.s32 $0xF200  }
0x6b: {  	[tilespmem:s20], [sflag:$0x2] =	stream.indirect_vreg.gather [hbm4b:s5+s2], $0x80, v3, vm0, $0xb8;
	[tilespmem:$0x10200] =	vst v63  }
0x6c: {  	s20 =	simm.s32 $0xFA00  }
0x6d: {  	[tilespmem:s20], [sflag:$0x2] =	stream.indirect_vreg.gather [hbm4b:s6+s2], $0x80, v3, vm0, $0xb8;
	[tilespmem:$0x10200] =	vst v63  }
0x6e: {  	_ =	swait.ge [sflag:s9], $0x8000  }
0x6f: {  	[sflag:s9] =	ssyncset.done $0x0  }
0x70: {  	s20 =	rddreg [dreg:$0x3];
	[sflag:s9] =	ssyncadd.s32 $0xFFFF8000  }
0x71: {  	[hbm4b:s20+s2] =	stream.linear.scatter [tilespmem:s25], [sflag:$0x3], $0x8000, $0x38;
	[tilespmem:$0x10200] =	vst v63  }
0x72: {  	_ =	swait.ge [sflag:s8], $0x8000  }
0x73: {  	[sflag:s8] =	ssyncset.done $0x0  }
0x74: {  	[sflag:s8] =	ssyncadd.s32 $0xFFFF8000  }
0x75: {  	v3 =	vld [tilespmem:$0x100];
	_ =	sdelay $0x4  }
0x76: {  	v60 =	vshll.u32 v3, $0x3  }
0x77: {  	v3 =	vand.u32 $0x7, v3;
	v4 =	vand.u32 $0xFFFFFFC0, v60  }
0x78: {  	v3 =	vor.u32 v3, v4  }
0x79: {  	v4 =	vperm.xlane v3, v0;
	_ =	sdelay $0x1  }
0x7a: {  	v4 =	vadd.s32 v1, v4;
	_ =	sdelay $0x4  }
0x7b: {  	[tilespmem:s25], [sflag:$0x1] =	stream.indirect_vreg.gather [hbm4b:s3+s2], $0x80, v4, vm0, $0xb8;
	[tilespmem:$0x10200] =	vst v63  }
0x7c: {  	v3 =	vperm.xlane v3, v2  }
0x7d: {  	[tilespmem:s21], [sflag:$0x1] =	stream.indirect_vreg.gather [hbm4b:s4+s2], $0x80, v4, vm0, $0xb8;
	[tilespmem:$0x10200] =	vst v63  }
0x7e: {  	v3 =	vadd.s32 v1, v3  }
0x7f: {  	[tilespmem:s22], [sflag:$0x1] =	stream.indirect_vreg.gather [hbm4b:s5+s2], $0x80, v4, vm0, $0xb8;
	[tilespmem:$0x10200] =	vst v63  }
0x80: {  	_ = 	snop  }
0x81: {  	[tilespmem:s23], [sflag:$0x1] =	stream.indirect_vreg.gather [hbm4b:s6+s2], $0x80, v4, vm0, $0xb8;
	[tilespmem:$0x10200] =	vst v63  }
0x82: {  	_ = 	snop  }
0x83: {  	[tilespmem:s24], [sflag:$0x1] =	stream.indirect_vreg.gather [hbm4b:s3+s2], $0x80, v3, vm0, $0xb8;
	[tilespmem:$0x10200] =	vst v63  }
0x84: {  	_ = 	snop  }
0x85: {  	[tilespmem:s26], [sflag:$0x1] =	stream.indirect_vreg.gather [hbm4b:s4+s2], $0x80, v3, vm0, $0xb8;
	[tilespmem:$0x10200] =	vst v63  }
0x86: {  	_ = 	snop  }
0x87: {  	[tilespmem:s28], [sflag:$0x1] =	stream.indirect_vreg.gather [hbm4b:s5+s2], $0x80, v3, vm0, $0xb8;
	[tilespmem:$0x10200] =	vst v63  }
0x88: {  	_ = 	snop  }
0x89: {  	[tilespmem:s29], [sflag:$0x1] =	stream.indirect_vreg.gather [hbm4b:s6+s2], $0x80, v3, vm0, $0xb8;
	[tilespmem:$0x10200] =	vst v63  }
0x8a: {  	v3 =	vld [tilespmem:$0x110];
	_ =	sdelay $0x4  }
0x8b: {  	v61 =	vshll.u32 v3, $0x3  }
0x8c: {  	v3 =	vand.u32 $0x7, v3;
	v4 =	vand.u32 $0xFFFFFFC0, v61  }
0x8d: {  	v3 =	vor.u32 v3, v4  }
0x8e: {  	v4 =	vperm.xlane v3, v0;
	_ =	sdelay $0x1  }
0x8f: {  	v4 =	vadd.s32 v1, v4;
	_ =	sdelay $0x4  }
0x90: {  	[tilespmem:s30], [sflag:$0x1] =	stream.indirect_vreg.gather [hbm4b:s3+s2], $0x80, v4, vm0, $0xb8;
	[tilespmem:$0x10200] =	vst v63  }
0x91: {  	v3 =	vperm.xlane v3, v2  }
0x92: {  	[tilespmem:s31], [sflag:$0x1] =	stream.indirect_vreg.gather [hbm4b:s4+s2], $0x80, v4, vm0, $0xb8;
	[tilespmem:$0x10200] =	vst v63  }
0x93: {  	v3 =	vadd.s32 v1, v3  }
0x94: {  	[tilespmem:s1], [sflag:$0x1] =	stream.indirect_vreg.gather [hbm4b:s5+s2], $0x80, v4, vm0, $0xb8;
	[tilespmem:$0x10200] =	vst v63  }
0x95: {  	_ = 	snop  }
0x96: {  	[tilespmem:s0], [sflag:$0x1] =	stream.indirect_vreg.gather [hbm4b:s6+s2], $0x80, v4, vm0, $0xb8;
	[tilespmem:$0x10200] =	vst v63  }
0x97: {  	_ = 	snop  }
0x98: {  	[tilespmem:s10], [sflag:$0x1] =	stream.indirect_vreg.gather [hbm4b:s3+s2], $0x80, v3, vm0, $0xb8;
	[tilespmem:$0x10200] =	vst v63  }
0x99: {  	_ = 	snop  }
0x9a: {  	[tilespmem:s11], [sflag:$0x1] =	stream.indirect_vreg.gather [hbm4b:s4+s2], $0x80, v3, vm0, $0xb8;
	[tilespmem:$0x10200] =	vst v63  }
0x9b: {  	_ = 	snop  }
0x9c: {  	[tilespmem:s12], [sflag:$0x1] =	stream.indirect_vreg.gather [hbm4b:s5+s2], $0x80, v3, vm0, $0xb8;
	[tilespmem:$0x10200] =	vst v63  }
0x9d: {  	_ = 	snop  }
0x9e: {  	[tilespmem:s13], [sflag:$0x1] =	stream.indirect_vreg.gather [hbm4b:s6+s2], $0x80, v3, vm0, $0xb8;
	[tilespmem:$0x10200] =	vst v63  }
0x9f: {  	_ =	swait.ge [sflag:s19], $0x8000  }
0xa0: {  	[sflag:s19] =	ssyncset.done $0x0  }
0xa1: {  	s0 =	rddreg [dreg:$0x4];
	[sflag:s19] =	ssyncadd.s32 $0xFFFF8000  }
0xa2: {  	[hbm4b:s0+s2] =	stream.linear.scatter [tilespmem:s18], [sflag:$0x3], $0x8000, $0x38;
	[tilespmem:$0x10200] =	vst v63  }
0xa3: {  	_ =	swait.ge [sflag:s8], $0x8000  }
0xa4: {  	[sflag:s8] =	ssyncset.done $0x0  }
0xa5: {  	[sflag:s8] =	ssyncadd.s32 $0xFFFF8000  }
0xa6: {  	v3 =	vld [tilespmem:$0x180];
	_ =	sdelay $0x4  }
0xa7: {  	v62 =	vshll.u32 v3, $0x3  }
0xa8: {  	v3 =	vand.u32 $0x7, v3;
	v4 =	vand.u32 $0xFFFFFFC0, v62  }
0xa9: {  	v3 =	vor.u32 v3, v4  }
0xaa: {  	v4 =	vperm.xlane v3, v0;
	_ =	sdelay $0x1  }
0xab: {  	v4 =	vadd.s32 v1, v4;
	_ =	sdelay $0x4  }
0xac: {  	[tilespmem:s18], [sflag:$0x2] =	stream.indirect_vreg.gather [hbm4b:s3+s2], $0x80, v4, vm0, $0xb8;
	[tilespmem:$0x10200] =	vst v63  }
0xad: {  	v3 =	vperm.xlane v3, v2  }
0xae: {  	[tilespmem:s14], [sflag:$0x2] =	stream.indirect_vreg.gather [hbm4b:s4+s2], $0x80, v4, vm0, $0xb8;
	[tilespmem:$0x10200] =	vst v63  }
0xaf: {  	v3 =	vadd.s32 v1, v3  }
0xb0: {  	[tilespmem:s15], [sflag:$0x2] =	stream.indirect_vreg.gather [hbm4b:s5+s2], $0x80, v4, vm0, $0xb8;
	[tilespmem:$0x10200] =	vst v63  }
0xb1: {  	_ = 	snop  }
0xb2: {  	[tilespmem:s16], [sflag:$0x2] =	stream.indirect_vreg.gather [hbm4b:s6+s2], $0x80, v4, vm0, $0xb8;
	[tilespmem:$0x10200] =	vst v63  }
0xb3: {  	_ = 	snop  }
0xb4: {  	[tilespmem:s17], [sflag:$0x2] =	stream.indirect_vreg.gather [hbm4b:s3+s2], $0x80, v3, vm0, $0xb8;
	[tilespmem:$0x10200] =	vst v63  }
0xb5: {  	s20 =	simm.s32 $0xAA00  }
0xb6: {  	[tilespmem:s20], [sflag:$0x2] =	stream.indirect_vreg.gather [hbm4b:s4+s2], $0x80, v3, vm0, $0xb8;
	[tilespmem:$0x10200] =	vst v63  }
0xb7: {  	s20 =	simm.s32 $0xB200  }
0xb8: {  	[tilespmem:s20], [sflag:$0x2] =	stream.indirect_vreg.gather [hbm4b:s5+s2], $0x80, v3, vm0, $0xb8;
	[tilespmem:$0x10200] =	vst v63  }
0xb9: {  	s20 =	simm.s32 $0xBA00  }
0xba: {  	[tilespmem:s20], [sflag:$0x2] =	stream.indirect_vreg.gather [hbm4b:s6+s2], $0x80, v3, vm0, $0xb8;
	[tilespmem:$0x10200] =	vst v63  }
0xbb: {  	v3 =	vld [tilespmem:$0x190];
	_ =	sdelay $0x4  }
0xbc: {  	v63 =	vshll.u32 v3, $0x3  }
0xbd: {  	v3 =	vand.u32 $0x7, v3;
	v4 =	vand.u32 $0xFFFFFFC0, v63  }
0xbe: {  	v3 =	vor.u32 v3, v4  }
0xbf: {  	v4 =	vperm.xlane v3, v0;
	_ =	sdelay $0x1  }
0xc0: {  	v4 =	vadd.s32 v1, v4;
	_ =	sdelay $0x3  }
0xc1: {  	s20 =	simm.s32 $0xC200  }
0xc2: {  	[tilespmem:s20], [sflag:$0x2] =	stream.indirect_vreg.gather [hbm4b:s3+s2], $0x80, v4, vm0, $0xb8;
	[tilespmem:$0x10200] =	vst v63  }
0xc3: {  	v3 =	vperm.xlane v3, v2;
	s20 =	simm.s32 $0xCA00  }
0xc4: {  	[tilespmem:s20], [sflag:$0x2] =	stream.indirect_vreg.gather [hbm4b:s4+s2], $0x80, v4, vm0, $0xb8;
	[tilespmem:$0x10200] =	vst v63  }
0xc5: {  	v3 =	vadd.s32 v1, v3;
	s20 =	simm.s32 $0xD200  }
0xc6: {  	[tilespmem:s20], [sflag:$0x2] =	stream.indirect_vreg.gather [hbm4b:s5+s2], $0x80, v4, vm0, $0xb8;
	[tilespmem:$0x10200] =	vst v63  }
0xc7: {  	s20 =	simm.s32 $0xDA00  }
0xc8: {  	[tilespmem:s20], [sflag:$0x2] =	stream.indirect_vreg.gather [hbm4b:s6+s2], $0x80, v4, vm0, $0xb8;
	[tilespmem:$0x10200] =	vst v63  }
0xc9: {  	s20 =	simm.s32 $0xE200  }
0xca: {  	[tilespmem:s20], [sflag:$0x2] =	stream.indirect_vreg.gather [hbm4b:s3+s2], $0x80, v3, vm0, $0xb8;
	[tilespmem:$0x10200] =	vst v63  }
0xcb: {  	s20 =	simm.s32 $0xEA00  }
0xcc: {  	[tilespmem:s20], [sflag:$0x2] =	stream.indirect_vreg.gather [hbm4b:s4+s2], $0x80, v3, vm0, $0xb8;
	[tilespmem:$0x10200] =	vst v63  }
0xcd: {  	s20 =	simm.s32 $0xF200  }
0xce: {  	[tilespmem:s20], [sflag:$0x2] =	stream.indirect_vreg.gather [hbm4b:s5+s2], $0x80, v3, vm0, $0xb8;
	[tilespmem:$0x10200] =	vst v63  }
0xcf: {  	s20 =	simm.s32 $0xFA00  }
0xd0: {  	[tilespmem:s20], [sflag:$0x2] =	stream.indirect_vreg.gather [hbm4b:s6+s2], $0x80, v3, vm0, $0xb8;
	[tilespmem:$0x10200] =	vst v63  }
0xd1: {  	_ =	swait.ge [sflag:s9], $0x8000  }
0xd2: {  	[sflag:s9] =	ssyncset.done $0x0  }
0xd3: {  	s0 =	rddreg [dreg:$0x5];
	[sflag:s9] =	ssyncadd.s32 $0xFFFF8000  }
0xd4: {  	[hbm4b:s0+s2] =	stream.linear.scatter [tilespmem:s25], [sflag:$0x3], $0x8000, $0x38;
	[tilespmem:$0x10200] =	vst v63  }
0xd5: {  	_ =	swait.ge [sflag:s8], $0x8000  }
0xd6: {  	[sflag:s8] =	ssyncset.done $0x0  }
0xd7: {  	[sflag:s8] =	ssyncadd.s32 $0xFFFF8000  }
0xd8: {  	_ =	swait.ge [sflag:s19], $0x8000  }
0xd9: {  	p0 =	sne.s32 s7, $0x1;
	[sflag:s19] =	ssyncset.done $0x0  }
.Ltmp0:
0xda: {  	s0 =	rddreg [dreg:$0x6];
	[sflag:s19] =	ssyncadd.s32 $0xFFFF8000;
	(pc) =	sbr.rel @p0 .LBB2_1-.Ltmp0, $4  }
0xdb: {  	[hbm4b:s0+s2] =	stream.linear.scatter [tilespmem:s18], [sflag:$0x3], $0x8000, $0x38;
	[tilespmem:$0x10200] =	vst v63  }
0xdc: {  	_ =	swait.ge [sflag:s8], $0x8000  }
0xdd: {  	[sflag:s8] =	ssyncset.done $0x0  }
0xde: {  	s7 =	sadd.s32 $0xFFFFFFFF, s7;
	[sflag:s8] =	ssyncadd.s32 $0xFFFF8000  }
0xdf: {  	_ =	sfence.sel $0x180000  }
0xe0: {  	[bflag:$0x0] =	sbarrier.arrive $0xFFFF  }
0xe1: {  	_ =	strace $0x90000053  }
0xe2: {  	s0 =	stileid.u32;
	[bflag:$0x2] =	sbarrier.arrive $0xFFFF  }
0xe3: {  	p0 =	sne.s32 s0, $0x0;
	s0 =	rddreg [dreg:$0x1]  }
0xe4: {  	s0 =	sadd.s32 @!p0 $0x100000, s0  }
0xe5: {  	[sflag:s0] =	ssyncadd.tile.s32 @!p0 $0x1;
	_ =	shalt  }
.Lfunc_end2:
_tile_overlayer_lowered:
.L_overlay_start_2:
0xe6: {  	(tag) =	ssettag $0x2  }
0xe7: {  	s0 =	rddreg [dreg:$0x0];
	s2 =	stileid.u32  }
0xe8: {  	s1 =	rddreg [dreg:$0x1];
	p0 =	sne.s32 s2, $0x0  }
0xe9: {  	s3 =	rddreg [dreg:$0x2];
	[bflag:$0x3] =	sbarrier.arrive $0xFFFF;
	s2 =	simm.s32 @!p0 $0x1C03  }
0xea: {  	[timem:s3], [sflag:s2] =	dma.local @!p0 [hbm:s0], s1  }
0xeb: {  	s0 =	simm.s32 @!p0 $0x3  }
0xec: {  	_ =	swait.ge @!p0 [sflag:s0], s1  }
0xed: {  	s1 =	ssub.s32 @!p0 $0x0, s1;
	[sflag:s0] =	ssyncset.done @!p0 $0x0  }
0xee: {  	[sflag:s0] =	ssyncadd.s32 @!p0 s1  }
0xef: {  	[bflag:$0x3] =	sbarrier.arrive $0xFFFF  }
0xf0: {  	_ =	shalt  }

</sc_bundles>
